<compile_context>
chip_gen: v7x
topology: tpu7x:2x2x1
jax: 0.10.2.dev20260603
libtpu: 0.0.44.dev20260713+nightly
codegen_flags: <defaults>
</compile_context>

<pallas_src>
import functools

import jax
import jax.numpy as jnp
from jax import lax
from jax.experimental import pallas as pl
from jax.experimental.pallas import tpu as pltpu
from jax.experimental.pallas import tpu_sc as plsc

EMBED_DIM = 64
SCALE = float(EMBED_DIM) ** 0.5

NUM_CORES = 2
NUM_SUBCORES = 16
NUM_WORKERS = NUM_CORES * NUM_SUBCORES
CHUNK = 100
GSIZE = 2
NSETS = 3


def _make_lookup(batch: int, hist: int):
    n_total = batch * hist
    per_worker = n_total // NUM_WORKERS
    n_chunks = per_worker // CHUNK
    n_groups = n_chunks // GSIZE
    assert n_chunks == n_groups * GSIZE
    n_main = (n_groups - 5) // NSETS
    assert 2 + NSETS * n_main == n_groups - 3

    mesh = plsc.VectorSubcoreMesh(
        core_axis_name="c", subcore_axis_name="s",
        num_cores=NUM_CORES, num_subcores=NUM_SUBCORES)

    @functools.partial(
        pl.kernel,
        out_type=jax.ShapeDtypeStruct((batch, hist, EMBED_DIM), jnp.float32),
        mesh=mesh,
        scratch_types=[
            pltpu.VMEM((n_chunks, CHUNK), jnp.int32),
            [pltpu.VMEM((GSIZE, CHUNK, EMBED_DIM), jnp.float32)
             for _ in range(NSETS)],
            [pltpu.SemaphoreType.DMA for _ in range(NSETS)],
            [pltpu.SemaphoreType.DMA for _ in range(NSETS)],
        ],
        compiler_params=pltpu.CompilerParams(use_tc_tiling_on_sc=False),
    )
    def lookup(x_hbm, table_hbm, out_hbm, idx_v, bufs, gsems, ssems):
        wid = lax.axis_index("s") * NUM_CORES + lax.axis_index("c")
        kbase = wid * n_chunks
        pltpu.sync_copy(x_hbm.at[pl.ds(kbase, n_chunks)], idx_v)

        def out_slice(g, b):
            k = kbase + g * GSIZE + b
            row = lax.shift_right_logical(k, 1)
            h0 = lax.mul(lax.bitwise_and(k, 1), CHUNK)
            return out_hbm.at[row, pl.ds(h0, CHUNK), :]

        def start_gathers(s, g):
            for b in range(GSIZE):
                pltpu.async_copy(
                    table_hbm.at[idx_v.at[g * GSIZE + b]], bufs[s].at[b],
                    gsems[s])

        def wait_gathers(s):
            for b in range(GSIZE):
                pltpu.make_async_copy(
                    table_hbm.at[idx_v.at[b]], bufs[s].at[b],
                    gsems[s]).wait()

        def scale_and_store(s, g):
            buf = bufs[s]
            for b in range(GSIZE):
                @plsc.parallel_loop(0, CHUNK, unroll=4)
                def _(r):
                    for k in range(EMBED_DIM // 16):
                        sl = pl.ds(k * 16, 16)
                        buf[b, r, sl] = buf[b, r, sl] * SCALE
                pltpu.async_copy(buf.at[b], out_slice(g, b), ssems[s])

        def wait_stores(s):
            for b in range(GSIZE):
                pltpu.make_async_copy(
                    bufs[s].at[b], out_slice(0, b), ssems[s]).wait()

        start_gathers(0, 0)
        start_gathers(1, 1)
        wait_gathers(0)
        scale_and_store(0, 0)
        start_gathers(2, 2)
        wait_gathers(1)
        scale_and_store(1, 1)

        def main_body(t, _):
            g0 = NSETS * t + 2
            for i, s in enumerate((2, 0, 1)):
                g = g0 + i
                wait_stores((s + 1) % NSETS)
                start_gathers((s + 1) % NSETS, g + 1)
                wait_gathers(s)
                scale_and_store(s, g)
            return ()

        lax.fori_loop(0, n_main, main_body, ())

        gT = n_groups - 3
        wait_stores(0)
        start_gathers(0, gT + 1)
        wait_gathers(2)
        scale_and_store(2, gT)

        wait_stores(1)
        start_gathers(1, gT + 2)
        wait_gathers(0)
        scale_and_store(0, gT + 1)

        wait_stores(2)
        wait_gathers(1)
        scale_and_store(1, gT + 2)

        wait_stores(0)
        wait_stores(1)

    return lookup


def kernel(x, table):
    batch, hist = x.shape
    x_flat = x.reshape(batch * hist // CHUNK, CHUNK).astype(jnp.int32)
    return _make_lookup(batch, hist)(x_flat, table)

# --- scband reference (transcript-rebuilt; emitter-appended) ---
"""Pipeline reference for scband-token-embedding-850403525332 (READ-ONLY COPY).

The authoritative reference and input builder live on the scoring server;
editing this copy changes nothing except your own understanding.
"""

import jax, jax.numpy as jnp
import numpy as np

VOCAB = 1000000
EMBED_DIM = 64
BATCH = 4096
HIST = 200

def setup_inputs(seed: int = 0) -> dict:
    key = jax.random.key(seed)
    k1, k2 = jax.random.split(key)
    x = jax.random.randint(k1, (BATCH, HIST), 0, VOCAB, dtype=jnp.int64 if jax.config.jax_enable_x64 else jnp.int32)
    table = jax.random.normal(k2, (VOCAB, EMBED_DIM), dtype=jnp.float32)
    return {"x": x, "table": table}

def reference(x, table):
    # TokenEmbedding.forward: embedding lookup scaled by sqrt(embed_dim)
    emb = jnp.take(table, x, axis=0)
    return emb * (EMBED_DIM ** 0.5)

if __name__ == "__main__":
    import jax
    _d = setup_inputs()
    print(jax.jit(kernel)(*tuple(_d.values())))

</pallas_src>

<mosaic_0001>
#map = affine_map<(d0, d1) -> (0, 0)>
#map1 = affine_map<(d0, d1) -> (0, 0, 0)>
module attributes {stable_mosaic.version = 14 : i64} {
  func.func @lookup(%arg0: i32, %arg1: i32, %arg2: memref<8192x100xi32, #tpu.memory_space<hbm>>, %arg3: memref<1000000x64xf32, #tpu.memory_space<hbm>>, %arg4: memref<4096x200x64xf32, #tpu.memory_space<hbm>>, %arg5: memref<256x100xi32, #tpu.memory_space<vmem>>, %arg6: memref<2x100x64xf32, #tpu.memory_space<vmem>>, %arg7: memref<2x100x64xf32, #tpu.memory_space<vmem>>, %arg8: memref<2x100x64xf32, #tpu.memory_space<vmem>>, %arg9: memref<!tpu.dma_semaphore, #tpu.memory_space<semaphore_mem>>, %arg10: memref<!tpu.dma_semaphore, #tpu.memory_space<semaphore_mem>>, %arg11: memref<!tpu.dma_semaphore, #tpu.memory_space<semaphore_mem>>, %arg12: memref<!tpu.dma_semaphore, #tpu.memory_space<semaphore_mem>>, %arg13: memref<!tpu.dma_semaphore, #tpu.memory_space<semaphore_mem>>, %arg14: memref<!tpu.dma_semaphore, #tpu.memory_space<semaphore_mem>>) attributes {dimension_semantics = [#tpu.dimension_semantics<core_parallel>, #tpu.dimension_semantics<subcore_parallel>], iteration_bounds = array<i64: 2, 16>, scalar_prefetch = 0 : i64, scratch_operands = 10 : i64, tpu.core_type = #tpu.core_type<sc_vector_subcore>, window_params = [{transform_indices = #map}, {transform_indices = #map}, {transform_indices = #map1}]} {
    %mul3A = arith.constant 2 : i32
    %mul3A_0 = arith.muli %arg1, %mul3A : i32
    %add3A = arith.addi %mul3A_0, %arg0 : i32
    %mul3A_1 = arith.constant 256 : i32
    %mul3A_2 = arith.muli %add3A, %mul3A_1 : i32
    "tpu.region"() ({
      %run_scoped3A = tpu.sem_alloc : memref<!tpu.dma_semaphore, #tpu.memory_space<semaphore_mem>>
      %dma_start3A_772 = arith.constant 0 : i32
      %dma_start3A_773 = tpu.memref_slice %arg2[%mul3A_2, %dma_start3A_772] : memref<8192x100xi32, #tpu.memory_space<hbm>> -> memref<256x100xi32, #tpu.memory_space<hbm>>
      %dma_start3A_774 = arith.constant 0 : i32
      %dma_start3A_775 = tpu.memref_slice %arg2[%mul3A_2, %dma_start3A_774] : memref<8192x100xi32, #tpu.memory_space<hbm>> -> memref<256x100xi32, #tpu.memory_space<hbm>>
      tpu.enqueue_dma source(%dma_start3A_775 : memref<256x100xi32, #tpu.memory_space<hbm>>) target(%arg5 : memref<256x100xi32, #tpu.memory_space<vmem>>) target_semaphore(%run_scoped3A : memref<!tpu.dma_semaphore, #tpu.memory_space<semaphore_mem>>)
      %dma_wait3A_776 = arith.constant 0 : i32
      %dma_wait3A_777 = tpu.memref_slice %arg2[%mul3A_2, %dma_wait3A_776] : memref<8192x100xi32, #tpu.memory_space<hbm>> -> memref<256x100xi32, #tpu.memory_space<hbm>>
      %dma_wait3A_778 = arith.constant 0 : i32
      %dma_wait3A_779 = tpu.memref_slice %arg2[%mul3A_2, %dma_wait3A_778] : memref<8192x100xi32, #tpu.memory_space<hbm>> -> memref<256x100xi32, #tpu.memory_space<hbm>>
      tpu.wait_dma2 semaphore(%run_scoped3A : memref<!tpu.dma_semaphore, #tpu.memory_space<semaphore_mem>>) src(%dma_wait3A_779 : memref<256x100xi32, #tpu.memory_space<hbm>>) dst(%arg5 : memref<256x100xi32, #tpu.memory_space<vmem>>)
      tpu.yield
    }) : () -> ()
    %dma_start3A = arith.constant 0 : i32
    %dma_start3A_3 = arith.constant 0 : i32
    %dma_start3A_4 = arith.constant 0 : i32
    %dma_start3A_5 = arith.constant 0 : i32
    %dma_start3A_6 = tpu.memref_slice %arg6[%dma_start3A_3, %dma_start3A_4, %dma_start3A_5] : memref<2x100x64xf32, #tpu.memory_space<vmem>> -> memref<1x100x64xf32, #tpu.memory_space<vmem>>
    %dma_start3A_7 = tpu.memref_squeeze %dma_start3A_6 : memref<1x100x64xf32, #tpu.memory_space<vmem>> -> memref<100x64xf32, #tpu.memory_space<vmem>>
    %dma_start3A_8 = arith.constant 0 : i32
    %dma_start3A_9 = tpu.memref_slice %arg5[%dma_start3A, %dma_start3A_8] : memref<256x100xi32, #tpu.memory_space<vmem>> -> memref<1x100xi32, #tpu.memory_space<vmem>>
    %dma_start3A_10 = tpu.memref_squeeze %dma_start3A_9 : memref<1x100xi32, #tpu.memory_space<vmem>> -> memref<100xi32, #tpu.memory_space<vmem>>
    %dma_start3A_11 = arith.constant 0 : i32
    %dma_start3A_12 = arith.constant 0 : i32
    %dma_start3A_13 = tpu.memref_slice %arg3[%dma_start3A_11, %dma_start3A_12] : memref<1000000x64xf32, #tpu.memory_space<hbm>> -> memref<1000000x64xf32, #tpu.memory_space<hbm>>
    tpu.enqueue_indirect_dma source(%dma_start3A_13 : memref<1000000x64xf32, #tpu.memory_space<hbm>>) target(%dma_start3A_7 : memref<100x64xf32, #tpu.memory_space<vmem>>) offsets(%dma_start3A_10 : memref<100xi32, #tpu.memory_space<vmem>>) semaphore(%arg9 : memref<!tpu.dma_semaphore, #tpu.memory_space<semaphore_mem>>)
    %dma_start3A_14 = arith.constant 1 : i32
    %dma_start3A_15 = arith.constant 1 : i32
    %dma_start3A_16 = arith.constant 0 : i32
    %dma_start3A_17 = arith.constant 0 : i32
    %dma_start3A_18 = tpu.memref_slice %arg6[%dma_start3A_15, %dma_start3A_16, %dma_start3A_17] : memref<2x100x64xf32, #tpu.memory_space<vmem>> -> memref<1x100x64xf32, #tpu.memory_space<vmem>>
    %dma_start3A_19 = tpu.memref_squeeze %dma_start3A_18 : memref<1x100x64xf32, #tpu.memory_space<vmem>> -> memref<100x64xf32, #tpu.memory_space<vmem>>
    %dma_start3A_20 = arith.constant 0 : i32
    %dma_start3A_21 = tpu.memref_slice %arg5[%dma_start3A_14, %dma_start3A_20] : memref<256x100xi32, #tpu.memory_space<vmem>> -> memref<1x100xi32, #tpu.memory_space<vmem>>
    %dma_start3A_22 = tpu.memref_squeeze %dma_start3A_21 : memref<1x100xi32, #tpu.memory_space<vmem>> -> memref<100xi32, #tpu.memory_space<vmem>>
    %dma_start3A_23 = arith.constant 0 : i32
    %dma_start3A_24 = arith.constant 0 : i32
    %dma_start3A_25 = tpu.memref_slice %arg3[%dma_start3A_23, %dma_start3A_24] : memref<1000000x64xf32, #tpu.memory_space<hbm>> -> memref<1000000x64xf32, #tpu.memory_space<hbm>>
    tpu.enqueue_indirect_dma source(%dma_start3A_25 : memref<1000000x64xf32, #tpu.memory_space<hbm>>) target(%dma_start3A_19 : memref<100x64xf32, #tpu.memory_space<vmem>>) offsets(%dma_start3A_22 : memref<100xi32, #tpu.memory_space<vmem>>) semaphore(%arg9 : memref<!tpu.dma_semaphore, #tpu.memory_space<semaphore_mem>>)
    %dma_start3A_26 = arith.constant 2 : i32
    %dma_start3A_27 = arith.constant 0 : i32
    %dma_start3A_28 = arith.constant 0 : i32
    %dma_start3A_29 = arith.constant 0 : i32
    %dma_start3A_30 = tpu.memref_slice %arg7[%dma_start3A_27, %dma_start3A_28, %dma_start3A_29] : memref<2x100x64xf32, #tpu.memory_space<vmem>> -> memref<1x100x64xf32, #tpu.memory_space<vmem>>
    %dma_start3A_31 = tpu.memref_squeeze %dma_start3A_30 : memref<1x100x64xf32, #tpu.memory_space<vmem>> -> memref<100x64xf32, #tpu.memory_space<vmem>>
    %dma_start3A_32 = arith.constant 0 : i32
    %dma_start3A_33 = tpu.memref_slice %arg5[%dma_start3A_26, %dma_start3A_32] : memref<256x100xi32, #tpu.memory_space<vmem>> -> memref<1x100xi32, #tpu.memory_space<vmem>>
    %dma_start3A_34 = tpu.memref_squeeze %dma_start3A_33 : memref<1x100xi32, #tpu.memory_space<vmem>> -> memref<100xi32, #tpu.memory_space<vmem>>
    %dma_start3A_35 = arith.constant 0 : i32
    %dma_start3A_36 = arith.constant 0 : i32
    %dma_start3A_37 = tpu.memref_slice %arg3[%dma_start3A_35, %dma_start3A_36] : memref<1000000x64xf32, #tpu.memory_space<hbm>> -> memref<1000000x64xf32, #tpu.memory_space<hbm>>
    tpu.enqueue_indirect_dma source(%dma_start3A_37 : memref<1000000x64xf32, #tpu.memory_space<hbm>>) target(%dma_start3A_31 : memref<100x64xf32, #tpu.memory_space<vmem>>) offsets(%dma_start3A_34 : memref<100xi32, #tpu.memory_space<vmem>>) semaphore(%arg10 : memref<!tpu.dma_semaphore, #tpu.memory_space<semaphore_mem>>)
    %dma_start3A_38 = arith.constant 3 : i32
    %dma_start3A_39 = arith.constant 1 : i32
    %dma_start3A_40 = arith.constant 0 : i32
    %dma_start3A_41 = arith.constant 0 : i32
    %dma_start3A_42 = tpu.memref_slice %arg7[%dma_start3A_39, %dma_start3A_40, %dma_start3A_41] : memref<2x100x64xf32, #tpu.memory_space<vmem>> -> memref<1x100x64xf32, #tpu.memory_space<vmem>>
    %dma_start3A_43 = tpu.memref_squeeze %dma_start3A_42 : memref<1x100x64xf32, #tpu.memory_space<vmem>> -> memref<100x64xf32, #tpu.memory_space<vmem>>
    %dma_start3A_44 = arith.constant 0 : i32
    %dma_start3A_45 = tpu.memref_slice %arg5[%dma_start3A_38, %dma_start3A_44] : memref<256x100xi32, #tpu.memory_space<vmem>> -> memref<1x100xi32, #tpu.memory_space<vmem>>
    %dma_start3A_46 = tpu.memref_squeeze %dma_start3A_45 : memref<1x100xi32, #tpu.memory_space<vmem>> -> memref<100xi32, #tpu.memory_space<vmem>>
    %dma_start3A_47 = arith.constant 0 : i32
    %dma_start3A_48 = arith.constant 0 : i32
    %dma_start3A_49 = tpu.memref_slice %arg3[%dma_start3A_47, %dma_start3A_48] : memref<1000000x64xf32, #tpu.memory_space<hbm>> -> memref<1000000x64xf32, #tpu.memory_space<hbm>>
    tpu.enqueue_indirect_dma source(%dma_start3A_49 : memref<1000000x64xf32, #tpu.memory_space<hbm>>) target(%dma_start3A_43 : memref<100x64xf32, #tpu.memory_space<vmem>>) offsets(%dma_start3A_46 : memref<100xi32, #tpu.memory_space<vmem>>) semaphore(%arg10 : memref<!tpu.dma_semaphore, #tpu.memory_space<semaphore_mem>>)
    %dma_wait3A = arith.constant 0 : i32
    %dma_wait3A_50 = arith.constant 0 : i32
    %dma_wait3A_51 = arith.constant 0 : i32
    %dma_wait3A_52 = arith.constant 0 : i32
    %dma_wait3A_53 = tpu.memref_slice %arg6[%dma_wait3A_50, %dma_wait3A_51, %dma_wait3A_52] : memref<2x100x64xf32, #tpu.memory_space<vmem>> -> memref<1x100x64xf32, #tpu.memory_space<vmem>>
    %dma_wait3A_54 = tpu.memref_squeeze %dma_wait3A_53 : memref<1x100x64xf32, #tpu.memory_space<vmem>> -> memref<100x64xf32, #tpu.memory_space<vmem>>
    %dma_wait3A_55 = arith.constant 0 : i32
    %dma_wait3A_56 = tpu.memref_slice %arg5[%dma_wait3A, %dma_wait3A_55] : memref<256x100xi32, #tpu.memory_space<vmem>> -> memref<1x100xi32, #tpu.memory_space<vmem>>
    %dma_wait3A_57 = tpu.memref_squeeze %dma_wait3A_56 : memref<1x100xi32, #tpu.memory_space<vmem>> -> memref<100xi32, #tpu.memory_space<vmem>>
    %dma_wait3A_58 = arith.constant 0 : i32
    %dma_wait3A_59 = arith.constant 0 : i32
    %dma_wait3A_60 = tpu.memref_slice %arg3[%dma_wait3A_58, %dma_wait3A_59] : memref<1000000x64xf32, #tpu.memory_space<hbm>> -> memref<1000000x64xf32, #tpu.memory_space<hbm>>
    tpu.wait_indirect_dma semaphore(%arg9 : memref<!tpu.dma_semaphore, #tpu.memory_space<semaphore_mem>>) src(%dma_wait3A_60 : memref<1000000x64xf32, #tpu.memory_space<hbm>>) dst(%dma_wait3A_54 : memref<100x64xf32, #tpu.memory_space<vmem>>)
    %dma_wait3A_61 = arith.constant 1 : i32
    %dma_wait3A_62 = arith.constant 1 : i32
    %dma_wait3A_63 = arith.constant 0 : i32
    %dma_wait3A_64 = arith.constant 0 : i32
    %dma_wait3A_65 = tpu.memref_slice %arg6[%dma_wait3A_62, %dma_wait3A_63, %dma_wait3A_64] : memref<2x100x64xf32, #tpu.memory_space<vmem>> -> memref<1x100x64xf32, #tpu.memory_space<vmem>>
    %dma_wait3A_66 = tpu.memref_squeeze %dma_wait3A_65 : memref<1x100x64xf32, #tpu.memory_space<vmem>> -> memref<100x64xf32, #tpu.memory_space<vmem>>
    %dma_wait3A_67 = arith.constant 0 : i32
    %dma_wait3A_68 = tpu.memref_slice %arg5[%dma_wait3A_61, %dma_wait3A_67] : memref<256x100xi32, #tpu.memory_space<vmem>> -> memref<1x100xi32, #tpu.memory_space<vmem>>
    %dma_wait3A_69 = tpu.memref_squeeze %dma_wait3A_68 : memref<1x100xi32, #tpu.memory_space<vmem>> -> memref<100xi32, #tpu.memory_space<vmem>>
    %dma_wait3A_70 = arith.constant 0 : i32
    %dma_wait3A_71 = arith.constant 0 : i32
    %dma_wait3A_72 = tpu.memref_slice %arg3[%dma_wait3A_70, %dma_wait3A_71] : memref<1000000x64xf32, #tpu.memory_space<hbm>> -> memref<1000000x64xf32, #tpu.memory_space<hbm>>
    tpu.wait_indirect_dma semaphore(%arg9 : memref<!tpu.dma_semaphore, #tpu.memory_space<semaphore_mem>>) src(%dma_wait3A_72 : memref<1000000x64xf32, #tpu.memory_space<hbm>>) dst(%dma_wait3A_66 : memref<100x64xf32, #tpu.memory_space<vmem>>)
    %parallel_loop3A = arith.constant 0 : i32
    %parallel_loop3A_73 = arith.constant 100 : i32
    %parallel_loop3A_74 = arith.constant 1 : i32
    scf.for %parallel_loop3A_772 = %parallel_loop3A to %parallel_loop3A_73 step %parallel_loop3A_74  : i32 {
      %parallel_loop3A_773 = arith.constant 0 : i32
      %parallel_loop3A_774 = arith.index_cast %parallel_loop3A_773 : i32 to index
      %parallel_loop3A_775 = arith.index_cast %parallel_loop3A_772 : i32 to index
      %parallel_loop3A_776 = arith.constant 0 : index
      %parallel_loop3A_777 = tpu.vector_load %arg6[%parallel_loop3A_774, %parallel_loop3A_775, %parallel_loop3A_776] {strides = array<i32>} : memref<2x100x64xf32, #tpu.memory_space<vmem>>, vector<1x1x16xf32>,
      %parallel_loop3A_778 = vector.shape_cast %parallel_loop3A_777 : vector<1x1x16xf32> to vector<16xf32>
      %parallel_loop3A_779 = arith.constant 8.000000e+00 : f32
      %parallel_loop3A_780 = vector.broadcast %parallel_loop3A_779 : f32 to vector<16xf32>
      %parallel_loop3A_781 = arith.mulf %parallel_loop3A_778, %parallel_loop3A_780 : vector<16xf32>
      %parallel_loop3A_782 = arith.constant 0 : i32
      %parallel_loop3A_783 = arith.index_cast %parallel_loop3A_782 : i32 to index
      %parallel_loop3A_784 = arith.index_cast %parallel_loop3A_772 : i32 to index
      %parallel_loop3A_785 = arith.constant 0 : index
      %parallel_loop3A_786 = tpu.vector_load %arg6[%parallel_loop3A_783, %parallel_loop3A_784, %parallel_loop3A_785] {strides = array<i32>} : memref<2x100x64xf32, #tpu.memory_space<vmem>>, vector<1x1x16xf32>,
      %parallel_loop3A_787 = vector.shape_cast %parallel_loop3A_786 : vector<1x1x16xf32> to vector<16xf32>
      %parallel_loop3A_788 = vector.shape_cast %parallel_loop3A_781 : vector<16xf32> to vector<1x1x16xf32>
      tpu.vector_store %arg6[%parallel_loop3A_783, %parallel_loop3A_784, %parallel_loop3A_785], %parallel_loop3A_788 {strides = array<i32>} : memref<2x100x64xf32, #tpu.memory_space<vmem>>, vector<1x1x16xf32>,
      %parallel_loop3A_789 = arith.constant 0 : i32
      %parallel_loop3A_790 = arith.index_cast %parallel_loop3A_789 : i32 to index
      %parallel_loop3A_791 = arith.index_cast %parallel_loop3A_772 : i32 to index
      %parallel_loop3A_792 = arith.constant 16 : index
      %parallel_loop3A_793 = tpu.vector_load %arg6[%parallel_loop3A_790, %parallel_loop3A_791, %parallel_loop3A_792] {strides = array<i32>} : memref<2x100x64xf32, #tpu.memory_space<vmem>>, vector<1x1x16xf32>,
      %parallel_loop3A_794 = vector.shape_cast %parallel_loop3A_793 : vector<1x1x16xf32> to vector<16xf32>
      %parallel_loop3A_795 = arith.constant 8.000000e+00 : f32
      %parallel_loop3A_796 = vector.broadcast %parallel_loop3A_795 : f32 to vector<16xf32>
      %parallel_loop3A_797 = arith.mulf %parallel_loop3A_794, %parallel_loop3A_796 : vector<16xf32>
      %parallel_loop3A_798 = arith.constant 0 : i32
      %parallel_loop3A_799 = arith.index_cast %parallel_loop3A_798 : i32 to index
      %parallel_loop3A_800 = arith.index_cast %parallel_loop3A_772 : i32 to index
      %parallel_loop3A_801 = arith.constant 16 : index
      %parallel_loop3A_802 = tpu.vector_load %arg6[%parallel_loop3A_799, %parallel_loop3A_800, %parallel_loop3A_801] {strides = array<i32>} : memref<2x100x64xf32, #tpu.memory_space<vmem>>, vector<1x1x16xf32>,
      %parallel_loop3A_803 = vector.shape_cast %parallel_loop3A_802 : vector<1x1x16xf32> to vector<16xf32>
      %parallel_loop3A_804 = vector.shape_cast %parallel_loop3A_797 : vector<16xf32> to vector<1x1x16xf32>
      tpu.vector_store %arg6[%parallel_loop3A_799, %parallel_loop3A_800, %parallel_loop3A_801], %parallel_loop3A_804 {strides = array<i32>} : memref<2x100x64xf32, #tpu.memory_space<vmem>>, vector<1x1x16xf32>,
      %parallel_loop3A_805 = arith.constant 0 : i32
      %parallel_loop3A_806 = arith.index_cast %parallel_loop3A_805 : i32 to index
      %parallel_loop3A_807 = arith.index_cast %parallel_loop3A_772 : i32 to index
      %parallel_loop3A_808 = arith.constant 32 : index
      %parallel_loop3A_809 = tpu.vector_load %arg6[%parallel_loop3A_806, %parallel_loop3A_807, %parallel_loop3A_808] {strides = array<i32>} : memref<2x100x64xf32, #tpu.memory_space<vmem>>, vector<1x1x16xf32>,
      %parallel_loop3A_810 = vector.shape_cast %parallel_loop3A_809 : vector<1x1x16xf32> to vector<16xf32>
      %parallel_loop3A_811 = arith.constant 8.000000e+00 : f32
      %parallel_loop3A_812 = vector.broadcast %parallel_loop3A_811 : f32 to vector<16xf32>
      %parallel_loop3A_813 = arith.mulf %parallel_loop3A_810, %parallel_loop3A_812 : vector<16xf32>
      %parallel_loop3A_814 = arith.constant 0 : i32
      %parallel_loop3A_815 = arith.index_cast %parallel_loop3A_814 : i32 to index
      %parallel_loop3A_816 = arith.index_cast %parallel_loop3A_772 : i32 to index
      %parallel_loop3A_817 = arith.constant 32 : index
      %parallel_loop3A_818 = tpu.vector_load %arg6[%parallel_loop3A_815, %parallel_loop3A_816, %parallel_loop3A_817] {strides = array<i32>} : memref<2x100x64xf32, #tpu.memory_space<vmem>>, vector<1x1x16xf32>,
      %parallel_loop3A_819 = vector.shape_cast %parallel_loop3A_818 : vector<1x1x16xf32> to vector<16xf32>
      %parallel_loop3A_820 = vector.shape_cast %parallel_loop3A_813 : vector<16xf32> to vector<1x1x16xf32>
      tpu.vector_store %arg6[%parallel_loop3A_815, %parallel_loop3A_816, %parallel_loop3A_817], %parallel_loop3A_820 {strides = array<i32>} : memref<2x100x64xf32, #tpu.memory_space<vmem>>, vector<1x1x16xf32>,
      %parallel_loop3A_821 = arith.constant 0 : i32
      %parallel_loop3A_822 = arith.index_cast %parallel_loop3A_821 : i32 to index
      %parallel_loop3A_823 = arith.index_cast %parallel_loop3A_772 : i32 to index
      %parallel_loop3A_824 = arith.constant 48 : index
      %parallel_loop3A_825 = tpu.vector_load %arg6[%parallel_loop3A_822, %parallel_loop3A_823, %parallel_loop3A_824] {strides = array<i32>} : memref<2x100x64xf32, #tpu.memory_space<vmem>>, vector<1x1x16xf32>,
      %parallel_loop3A_826 = vector.shape_cast %parallel_loop3A_825 : vector<1x1x16xf32> to vector<16xf32>
      %parallel_loop3A_827 = arith.constant 8.000000e+00 : f32
      %parallel_loop3A_828 = vector.broadcast %parallel_loop3A_827 : f32 to vector<16xf32>
      %parallel_loop3A_829 = arith.mulf %parallel_loop3A_826, %parallel_loop3A_828 : vector<16xf32>
      %parallel_loop3A_830 = arith.constant 0 : i32
      %parallel_loop3A_831 = arith.index_cast %parallel_loop3A_830 : i32 to index
      %parallel_loop3A_832 = arith.index_cast %parallel_loop3A_772 : i32 to index
      %parallel_loop3A_833 = arith.constant 48 : index
      %parallel_loop3A_834 = tpu.vector_load %arg6[%parallel_loop3A_831, %parallel_loop3A_832, %parallel_loop3A_833] {strides = array<i32>} : memref<2x100x64xf32, #tpu.memory_space<vmem>>, vector<1x1x16xf32>,
      %parallel_loop3A_835 = vector.shape_cast %parallel_loop3A_834 : vector<1x1x16xf32> to vector<16xf32>
      %parallel_loop3A_836 = vector.shape_cast %parallel_loop3A_829 : vector<16xf32> to vector<1x1x16xf32>
      tpu.vector_store %arg6[%parallel_loop3A_831, %parallel_loop3A_832, %parallel_loop3A_833], %parallel_loop3A_836 {strides = array<i32>} : memref<2x100x64xf32, #tpu.memory_space<vmem>>, vector<1x1x16xf32>,
    } {sc.loop_unroll_factor = 4 : i64, sc.parallel_access}
    %add3A_75 = arith.constant 0 : i32
    %add3A_76 = arith.addi %mul3A_2, %add3A_75 : i32
    %add3A_77 = arith.constant 0 : i32
    %add3A_78 = arith.addi %add3A_76, %add3A_77 : i32
    %shift_right_logical3A = arith.constant 1 : i32
    %shift_right_logical3A_79 = arith.shrui %add3A_78, %shift_right_logical3A : i32
    %and3A = arith.constant 1 : i32
    %and3A_80 = arith.andi %add3A_78, %and3A : i32
    %mul3A_81 = arith.constant 100 : i32
    %mul3A_82 = arith.muli %and3A_80, %mul3A_81 : i32
    %dma_start3A_83 = arith.constant 0 : i32
    %dma_start3A_84 = arith.constant 0 : i32
    %dma_start3A_85 = arith.constant 0 : i32
    %dma_start3A_86 = tpu.memref_slice %arg6[%dma_start3A_83, %dma_start3A_84, %dma_start3A_85] : memref<2x100x64xf32, #tpu.memory_space<vmem>> -> memref<1x100x64xf32, #tpu.memory_space<vmem>>
    %dma_start3A_87 = tpu.memref_squeeze %dma_start3A_86 : memref<1x100x64xf32, #tpu.memory_space<vmem>> -> memref<100x64xf32, #tpu.memory_space<vmem>>
    %dma_start3A_88 = arith.constant 0 : i32
    %dma_start3A_89 = tpu.memref_slice %arg4[%shift_right_logical3A_79, %mul3A_82, %dma_start3A_88] : memref<4096x200x64xf32, #tpu.memory_space<hbm>> -> memref<1x100x64xf32, #tpu.memory_space<hbm>>
    %dma_start3A_90 = tpu.memref_squeeze %dma_start3A_89 : memref<1x100x64xf32, #tpu.memory_space<hbm>> -> memref<100x64xf32, #tpu.memory_space<hbm>>
    %dma_start3A_91 = arith.constant 0 : i32
    %dma_start3A_92 = tpu.memref_slice %arg4[%shift_right_logical3A_79, %mul3A_82, %dma_start3A_91] : memref<4096x200x64xf32, #tpu.memory_space<hbm>> -> memref<1x100x64xf32, #tpu.memory_space<hbm>>
    %dma_start3A_93 = tpu.memref_squeeze %dma_start3A_92 : memref<1x100x64xf32, #tpu.memory_space<hbm>> -> memref<100x64xf32, #tpu.memory_space<hbm>>
    %dma_start3A_94 = arith.constant 0 : i32
    %dma_start3A_95 = arith.constant 0 : i32
    %dma_start3A_96 = tpu.memref_slice %arg6[%dma_start3A_83, %dma_start3A_94, %dma_start3A_95] : memref<2x100x64xf32, #tpu.memory_space<vmem>> -> memref<1x100x64xf32, #tpu.memory_space<vmem>>
    %dma_start3A_97 = tpu.memref_squeeze %dma_start3A_96 : memref<1x100x64xf32, #tpu.memory_space<vmem>> -> memref<100x64xf32, #tpu.memory_space<vmem>>
    tpu.enqueue_dma source(%dma_start3A_97 : memref<100x64xf32, #tpu.memory_space<vmem>>) target(%dma_start3A_93 : memref<100x64xf32, #tpu.memory_space<hbm>>) target_semaphore(%arg12 : memref<!tpu.dma_semaphore, #tpu.memory_space<semaphore_mem>>)
    %parallel_loop3A_98 = arith.constant 0 : i32
    %parallel_loop3A_99 = arith.constant 100 : i32
    %parallel_loop3A_100 = arith.constant 1 : i32
    scf.for %parallel_loop3A_772 = %parallel_loop3A_98 to %parallel_loop3A_99 step %parallel_loop3A_100  : i32 {
      %parallel_loop3A_773 = arith.constant 1 : i32
      %parallel_loop3A_774 = arith.index_cast %parallel_loop3A_773 : i32 to index
      %parallel_loop3A_775 = arith.index_cast %parallel_loop3A_772 : i32 to index
      %parallel_loop3A_776 = arith.constant 0 : index
      %parallel_loop3A_777 = tpu.vector_load %arg6[%parallel_loop3A_774, %parallel_loop3A_775, %parallel_loop3A_776] {strides = array<i32>} : memref<2x100x64xf32, #tpu.memory_space<vmem>>, vector<1x1x16xf32>,
      %parallel_loop3A_778 = vector.shape_cast %parallel_loop3A_777 : vector<1x1x16xf32> to vector<16xf32>
      %parallel_loop3A_779 = arith.constant 8.000000e+00 : f32
      %parallel_loop3A_780 = vector.broadcast %parallel_loop3A_779 : f32 to vector<16xf32>
      %parallel_loop3A_781 = arith.mulf %parallel_loop3A_778, %parallel_loop3A_780 : vector<16xf32>
      %parallel_loop3A_782 = arith.constant 1 : i32
      %parallel_loop3A_783 = arith.index_cast %parallel_loop3A_782 : i32 to index
      %parallel_loop3A_784 = arith.index_cast %parallel_loop3A_772 : i32 to index
      %parallel_loop3A_785 = arith.constant 0 : index
      %parallel_loop3A_786 = tpu.vector_load %arg6[%parallel_loop3A_783, %parallel_loop3A_784, %parallel_loop3A_785] {strides = array<i32>} : memref<2x100x64xf32, #tpu.memory_space<vmem>>, vector<1x1x16xf32>,
      %parallel_loop3A_787 = vector.shape_cast %parallel_loop3A_786 : vector<1x1x16xf32> to vector<16xf32>
      %parallel_loop3A_788 = vector.shape_cast %parallel_loop3A_781 : vector<16xf32> to vector<1x1x16xf32>
      tpu.vector_store %arg6[%parallel_loop3A_783, %parallel_loop3A_784, %parallel_loop3A_785], %parallel_loop3A_788 {strides = array<i32>} : memref<2x100x64xf32, #tpu.memory_space<vmem>>, vector<1x1x16xf32>,
      %parallel_loop3A_789 = arith.constant 1 : i32
      %parallel_loop3A_790 = arith.index_cast %parallel_loop3A_789 : i32 to index
      %parallel_loop3A_791 = arith.index_cast %parallel_loop3A_772 : i32 to index
      %parallel_loop3A_792 = arith.constant 16 : index
      %parallel_loop3A_793 = tpu.vector_load %arg6[%parallel_loop3A_790, %parallel_loop3A_791, %parallel_loop3A_792] {strides = array<i32>} : memref<2x100x64xf32, #tpu.memory_space<vmem>>, vector<1x1x16xf32>,
      %parallel_loop3A_794 = vector.shape_cast %parallel_loop3A_793 : vector<1x1x16xf32> to vector<16xf32>
      %parallel_loop3A_795 = arith.constant 8.000000e+00 : f32
      %parallel_loop3A_796 = vector.broadcast %parallel_loop3A_795 : f32 to vector<16xf32>
      %parallel_loop3A_797 = arith.mulf %parallel_loop3A_794, %parallel_loop3A_796 : vector<16xf32>
      %parallel_loop3A_798 = arith.constant 1 : i32
      %parallel_loop3A_799 = arith.index_cast %parallel_loop3A_798 : i32 to index
      %parallel_loop3A_800 = arith.index_cast %parallel_loop3A_772 : i32 to index
      %parallel_loop3A_801 = arith.constant 16 : index
      %parallel_loop3A_802 = tpu.vector_load %arg6[%parallel_loop3A_799, %parallel_loop3A_800, %parallel_loop3A_801] {strides = array<i32>} : memref<2x100x64xf32, #tpu.memory_space<vmem>>, vector<1x1x16xf32>,
      %parallel_loop3A_803 = vector.shape_cast %parallel_loop3A_802 : vector<1x1x16xf32> to vector<16xf32>
      %parallel_loop3A_804 = vector.shape_cast %parallel_loop3A_797 : vector<16xf32> to vector<1x1x16xf32>
      tpu.vector_store %arg6[%parallel_loop3A_799, %parallel_loop3A_800, %parallel_loop3A_801], %parallel_loop3A_804 {strides = array<i32>} : memref<2x100x64xf32, #tpu.memory_space<vmem>>, vector<1x1x16xf32>,
      %parallel_loop3A_805 = arith.constant 1 : i32
      %parallel_loop3A_806 = arith.index_cast %parallel_loop3A_805 : i32 to index
      %parallel_loop3A_807 = arith.index_cast %parallel_loop3A_772 : i32 to index
      %parallel_loop3A_808 = arith.constant 32 : index
      %parallel_loop3A_809 = tpu.vector_load %arg6[%parallel_loop3A_806, %parallel_loop3A_807, %parallel_loop3A_808] {strides = array<i32>} : memref<2x100x64xf32, #tpu.memory_space<vmem>>, vector<1x1x16xf32>,
      %parallel_loop3A_810 = vector.shape_cast %parallel_loop3A_809 : vector<1x1x16xf32> to vector<16xf32>
      %parallel_loop3A_811 = arith.constant 8.000000e+00 : f32
      %parallel_loop3A_812 = vector.broadcast %parallel_loop3A_811 : f32 to vector<16xf32>
      %parallel_loop3A_813 = arith.mulf %parallel_loop3A_810, %parallel_loop3A_812 : vector<16xf32>
      %parallel_loop3A_814 = arith.constant 1 : i32
      %parallel_loop3A_815 = arith.index_cast %parallel_loop3A_814 : i32 to index
      %parallel_loop3A_816 = arith.index_cast %parallel_loop3A_772 : i32 to index
      %parallel_loop3A_817 = arith.constant 32 : index
      %parallel_loop3A_818 = tpu.vector_load %arg6[%parallel_loop3A_815, %parallel_loop3A_816, %parallel_loop3A_817] {strides = array<i32>} : memref<2x100x64xf32, #tpu.memory_space<vmem>>, vector<1x1x16xf32>,
      %parallel_loop3A_819 = vector.shape_cast %parallel_loop3A_818 : vector<1x1x16xf32> to vector<16xf32>
      %parallel_loop3A_820 = vector.shape_cast %parallel_loop3A_813 : vector<16xf32> to vector<1x1x16xf32>
      tpu.vector_store %arg6[%parallel_loop3A_815, %parallel_loop3A_816, %parallel_loop3A_817], %parallel_loop3A_820 {strides = array<i32>} : memref<2x100x64xf32, #tpu.memory_space<vmem>>, vector<1x1x16xf32>,
      %parallel_loop3A_821 = arith.constant 1 : i32
      %parallel_loop3A_822 = arith.index_cast %parallel_loop3A_821 : i32 to index
      %parallel_loop3A_823 = arith.index_cast %parallel_loop3A_772 : i32 to index
      %parallel_loop3A_824 = arith.constant 48 : index
      %parallel_loop3A_825 = tpu.vector_load %arg6[%parallel_loop3A_822, %parallel_loop3A_823, %parallel_loop3A_824] {strides = array<i32>} : memref<2x100x64xf32, #tpu.memory_space<vmem>>, vector<1x1x16xf32>,
      %parallel_loop3A_826 = vector.shape_cast %parallel_loop3A_825 : vector<1x1x16xf32> to vector<16xf32>
      %parallel_loop3A_827 = arith.constant 8.000000e+00 : f32
      %parallel_loop3A_828 = vector.broadcast %parallel_loop3A_827 : f32 to vector<16xf32>
      %parallel_loop3A_829 = arith.mulf %parallel_loop3A_826, %parallel_loop3A_828 : vector<16xf32>
      %parallel_loop3A_830 = arith.constant 1 : i32
      %parallel_loop3A_831 = arith.index_cast %parallel_loop3A_830 : i32 to index
      %parallel_loop3A_832 = arith.index_cast %parallel_loop3A_772 : i32 to index
      %parallel_loop3A_833 = arith.constant 48 : index
      %parallel_loop3A_834 = tpu.vector_load %arg6[%parallel_loop3A_831, %parallel_loop3A_832, %parallel_loop3A_833] {strides = array<i32>} : memref<2x100x64xf32, #tpu.memory_space<vmem>>, vector<1x1x16xf32>,
      %parallel_loop3A_835 = vector.shape_cast %parallel_loop3A_834 : vector<1x1x16xf32> to vector<16xf32>
      %parallel_loop3A_836 = vector.shape_cast %parallel_loop3A_829 : vector<16xf32> to vector<1x1x16xf32>
      tpu.vector_store %arg6[%parallel_loop3A_831, %parallel_loop3A_832, %parallel_loop3A_833], %parallel_loop3A_836 {strides = array<i32>} : memref<2x100x64xf32, #tpu.memory_space<vmem>>, vector<1x1x16xf32>,
    } {sc.loop_unroll_factor = 4 : i64, sc.parallel_access}
    %add3A_101 = arith.constant 0 : i32
    %add3A_102 = arith.addi %mul3A_2, %add3A_101 : i32
    %add3A_103 = arith.constant 1 : i32
    %add3A_104 = arith.addi %add3A_102, %add3A_103 : i32
    %shift_right_logical3A_105 = arith.constant 1 : i32
    %shift_right_logical3A_106 = arith.shrui %add3A_104, %shift_right_logical3A_105 : i32
    %and3A_107 = arith.constant 1 : i32
    %and3A_108 = arith.andi %add3A_104, %and3A_107 : i32
    %mul3A_109 = arith.constant 100 : i32
    %mul3A_110 = arith.muli %and3A_108, %mul3A_109 : i32
    %dma_start3A_111 = arith.constant 1 : i32
    %dma_start3A_112 = arith.constant 0 : i32
    %dma_start3A_113 = arith.constant 0 : i32
    %dma_start3A_114 = tpu.memref_slice %arg6[%dma_start3A_111, %dma_start3A_112, %dma_start3A_113] : memref<2x100x64xf32, #tpu.memory_space<vmem>> -> memref<1x100x64xf32, #tpu.memory_space<vmem>>
    %dma_start3A_115 = tpu.memref_squeeze %dma_start3A_114 : memref<1x100x64xf32, #tpu.memory_space<vmem>> -> memref<100x64xf32, #tpu.memory_space<vmem>>
    %dma_start3A_116 = arith.constant 0 : i32
    %dma_start3A_117 = tpu.memref_slice %arg4[%shift_right_logical3A_106, %mul3A_110, %dma_start3A_116] : memref<4096x200x64xf32, #tpu.memory_space<hbm>> -> memref<1x100x64xf32, #tpu.memory_space<hbm>>
    %dma_start3A_118 = tpu.memref_squeeze %dma_start3A_117 : memref<1x100x64xf32, #tpu.memory_space<hbm>> -> memref<100x64xf32, #tpu.memory_space<hbm>>
    %dma_start3A_119 = arith.constant 0 : i32
    %dma_start3A_120 = tpu.memref_slice %arg4[%shift_right_logical3A_106, %mul3A_110, %dma_start3A_119] : memref<4096x200x64xf32, #tpu.memory_space<hbm>> -> memref<1x100x64xf32, #tpu.memory_space<hbm>>
    %dma_start3A_121 = tpu.memref_squeeze %dma_start3A_120 : memref<1x100x64xf32, #tpu.memory_space<hbm>> -> memref<100x64xf32, #tpu.memory_space<hbm>>
    %dma_start3A_122 = arith.constant 0 : i32
    %dma_start3A_123 = arith.constant 0 : i32
    %dma_start3A_124 = tpu.memref_slice %arg6[%dma_start3A_111, %dma_start3A_122, %dma_start3A_123] : memref<2x100x64xf32, #tpu.memory_space<vmem>> -> memref<1x100x64xf32, #tpu.memory_space<vmem>>
    %dma_start3A_125 = tpu.memref_squeeze %dma_start3A_124 : memref<1x100x64xf32, #tpu.memory_space<vmem>> -> memref<100x64xf32, #tpu.memory_space<vmem>>
    tpu.enqueue_dma source(%dma_start3A_125 : memref<100x64xf32, #tpu.memory_space<vmem>>) target(%dma_start3A_121 : memref<100x64xf32, #tpu.memory_space<hbm>>) target_semaphore(%arg12 : memref<!tpu.dma_semaphore, #tpu.memory_space<semaphore_mem>>)
    %dma_start3A_126 = arith.constant 4 : i32
    %dma_start3A_127 = arith.constant 0 : i32
    %dma_start3A_128 = arith.constant 0 : i32
    %dma_start3A_129 = arith.constant 0 : i32
    %dma_start3A_130 = tpu.memref_slice %arg8[%dma_start3A_127, %dma_start3A_128, %dma_start3A_129] : memref<2x100x64xf32, #tpu.memory_space<vmem>> -> memref<1x100x64xf32, #tpu.memory_space<vmem>>
    %dma_start3A_131 = tpu.memref_squeeze %dma_start3A_130 : memref<1x100x64xf32, #tpu.memory_space<vmem>> -> memref<100x64xf32, #tpu.memory_space<vmem>>
    %dma_start3A_132 = arith.constant 0 : i32
    %dma_start3A_133 = tpu.memref_slice %arg5[%dma_start3A_126, %dma_start3A_132] : memref<256x100xi32, #tpu.memory_space<vmem>> -> memref<1x100xi32, #tpu.memory_space<vmem>>
    %dma_start3A_134 = tpu.memref_squeeze %dma_start3A_133 : memref<1x100xi32, #tpu.memory_space<vmem>> -> memref<100xi32, #tpu.memory_space<vmem>>
    %dma_start3A_135 = arith.constant 0 : i32
    %dma_start3A_136 = arith.constant 0 : i32
    %dma_start3A_137 = tpu.memref_slice %arg3[%dma_start3A_135, %dma_start3A_136] : memref<1000000x64xf32, #tpu.memory_space<hbm>> -> memref<1000000x64xf32, #tpu.memory_space<hbm>>
    tpu.enqueue_indirect_dma source(%dma_start3A_137 : memref<1000000x64xf32, #tpu.memory_space<hbm>>) target(%dma_start3A_131 : memref<100x64xf32, #tpu.memory_space<vmem>>) offsets(%dma_start3A_134 : memref<100xi32, #tpu.memory_space<vmem>>) semaphore(%arg11 : memref<!tpu.dma_semaphore, #tpu.memory_space<semaphore_mem>>)
    %dma_start3A_138 = arith.constant 5 : i32
    %dma_start3A_139 = arith.constant 1 : i32
    %dma_start3A_140 = arith.constant 0 : i32
    %dma_start3A_141 = arith.constant 0 : i32
    %dma_start3A_142 = tpu.memref_slice %arg8[%dma_start3A_139, %dma_start3A_140, %dma_start3A_141] : memref<2x100x64xf32, #tpu.memory_space<vmem>> -> memref<1x100x64xf32, #tpu.memory_space<vmem>>
    %dma_start3A_143 = tpu.memref_squeeze %dma_start3A_142 : memref<1x100x64xf32, #tpu.memory_space<vmem>> -> memref<100x64xf32, #tpu.memory_space<vmem>>
    %dma_start3A_144 = arith.constant 0 : i32
    %dma_start3A_145 = tpu.memref_slice %arg5[%dma_start3A_138, %dma_start3A_144] : memref<256x100xi32, #tpu.memory_space<vmem>> -> memref<1x100xi32, #tpu.memory_space<vmem>>
    %dma_start3A_146 = tpu.memref_squeeze %dma_start3A_145 : memref<1x100xi32, #tpu.memory_space<vmem>> -> memref<100xi32, #tpu.memory_space<vmem>>
    %dma_start3A_147 = arith.constant 0 : i32
    %dma_start3A_148 = arith.constant 0 : i32
    %dma_start3A_149 = tpu.memref_slice %arg3[%dma_start3A_147, %dma_start3A_148] : memref<1000000x64xf32, #tpu.memory_space<hbm>> -> memref<1000000x64xf32, #tpu.memory_space<hbm>>
    tpu.enqueue_indirect_dma source(%dma_start3A_149 : memref<1000000x64xf32, #tpu.memory_space<hbm>>) target(%dma_start3A_143 : memref<100x64xf32, #tpu.memory_space<vmem>>) offsets(%dma_start3A_146 : memref<100xi32, #tpu.memory_space<vmem>>) semaphore(%arg11 : memref<!tpu.dma_semaphore, #tpu.memory_space<semaphore_mem>>)
    %dma_wait3A_150 = arith.constant 0 : i32
    %dma_wait3A_151 = arith.constant 0 : i32
    %dma_wait3A_152 = arith.constant 0 : i32
    %dma_wait3A_153 = arith.constant 0 : i32
    %dma_wait3A_154 = tpu.memref_slice %arg7[%dma_wait3A_151, %dma_wait3A_152, %dma_wait3A_153] : memref<2x100x64xf32, #tpu.memory_space<vmem>> -> memref<1x100x64xf32, #tpu.memory_space<vmem>>
    %dma_wait3A_155 = tpu.memref_squeeze %dma_wait3A_154 : memref<1x100x64xf32, #tpu.memory_space<vmem>> -> memref<100x64xf32, #tpu.memory_space<vmem>>
    %dma_wait3A_156 = arith.constant 0 : i32
    %dma_wait3A_157 = tpu.memref_slice %arg5[%dma_wait3A_150, %dma_wait3A_156] : memref<256x100xi32, #tpu.memory_space<vmem>> -> memref<1x100xi32, #tpu.memory_space<vmem>>
    %dma_wait3A_158 = tpu.memref_squeeze %dma_wait3A_157 : memref<1x100xi32, #tpu.memory_space<vmem>> -> memref<100xi32, #tpu.memory_space<vmem>>
    %dma_wait3A_159 = arith.constant 0 : i32
    %dma_wait3A_160 = arith.constant 0 : i32
    %dma_wait3A_161 = tpu.memref_slice %arg3[%dma_wait3A_159, %dma_wait3A_160] : memref<1000000x64xf32, #tpu.memory_space<hbm>> -> memref<1000000x64xf32, #tpu.memory_space<hbm>>
    tpu.wait_indirect_dma semaphore(%arg10 : memref<!tpu.dma_semaphore, #tpu.memory_space<semaphore_mem>>) src(%dma_wait3A_161 : memref<1000000x64xf32, #tpu.memory_space<hbm>>) dst(%dma_wait3A_155 : memref<100x64xf32, #tpu.memory_space<vmem>>)
    %dma_wait3A_162 = arith.constant 1 : i32
    %dma_wait3A_163 = arith.constant 1 : i32
    %dma_wait3A_164 = arith.constant 0 : i32
    %dma_wait3A_165 = arith.constant 0 : i32
    %dma_wait3A_166 = tpu.memref_slice %arg7[%dma_wait3A_163, %dma_wait3A_164, %dma_wait3A_165] : memref<2x100x64xf32, #tpu.memory_space<vmem>> -> memref<1x100x64xf32, #tpu.memory_space<vmem>>
    %dma_wait3A_167 = tpu.memref_squeeze %dma_wait3A_166 : memref<1x100x64xf32, #tpu.memory_space<vmem>> -> memref<100x64xf32, #tpu.memory_space<vmem>>
    %dma_wait3A_168 = arith.constant 0 : i32
    %dma_wait3A_169 = tpu.memref_slice %arg5[%dma_wait3A_162, %dma_wait3A_168] : memref<256x100xi32, #tpu.memory_space<vmem>> -> memref<1x100xi32, #tpu.memory_space<vmem>>
    %dma_wait3A_170 = tpu.memref_squeeze %dma_wait3A_169 : memref<1x100xi32, #tpu.memory_space<vmem>> -> memref<100xi32, #tpu.memory_space<vmem>>
    %dma_wait3A_171 = arith.constant 0 : i32
    %dma_wait3A_172 = arith.constant 0 : i32
    %dma_wait3A_173 = tpu.memref_slice %arg3[%dma_wait3A_171, %dma_wait3A_172] : memref<1000000x64xf32, #tpu.memory_space<hbm>> -> memref<1000000x64xf32, #tpu.memory_space<hbm>>
    tpu.wait_indirect_dma semaphore(%arg10 : memref<!tpu.dma_semaphore, #tpu.memory_space<semaphore_mem>>) src(%dma_wait3A_173 : memref<1000000x64xf32, #tpu.memory_space<hbm>>) dst(%dma_wait3A_167 : memref<100x64xf32, #tpu.memory_space<vmem>>)
    %parallel_loop3A_174 = arith.constant 0 : i32
    %parallel_loop3A_175 = arith.constant 100 : i32
    %parallel_loop3A_176 = arith.constant 1 : i32
    scf.for %parallel_loop3A_772 = %parallel_loop3A_174 to %parallel_loop3A_175 step %parallel_loop3A_176  : i32 {
      %parallel_loop3A_773 = arith.constant 0 : i32
      %parallel_loop3A_774 = arith.index_cast %parallel_loop3A_773 : i32 to index
      %parallel_loop3A_775 = arith.index_cast %parallel_loop3A_772 : i32 to index
      %parallel_loop3A_776 = arith.constant 0 : index
      %parallel_loop3A_777 = tpu.vector_load %arg7[%parallel_loop3A_774, %parallel_loop3A_775, %parallel_loop3A_776] {strides = array<i32>} : memref<2x100x64xf32, #tpu.memory_space<vmem>>, vector<1x1x16xf32>,
      %parallel_loop3A_778 = vector.shape_cast %parallel_loop3A_777 : vector<1x1x16xf32> to vector<16xf32>
      %parallel_loop3A_779 = arith.constant 8.000000e+00 : f32
      %parallel_loop3A_780 = vector.broadcast %parallel_loop3A_779 : f32 to vector<16xf32>
      %parallel_loop3A_781 = arith.mulf %parallel_loop3A_778, %parallel_loop3A_780 : vector<16xf32>
      %parallel_loop3A_782 = arith.constant 0 : i32
      %parallel_loop3A_783 = arith.index_cast %parallel_loop3A_782 : i32 to index
      %parallel_loop3A_784 = arith.index_cast %parallel_loop3A_772 : i32 to index
      %parallel_loop3A_785 = arith.constant 0 : index
      %parallel_loop3A_786 = tpu.vector_load %arg7[%parallel_loop3A_783, %parallel_loop3A_784, %parallel_loop3A_785] {strides = array<i32>} : memref<2x100x64xf32, #tpu.memory_space<vmem>>, vector<1x1x16xf32>,
      %parallel_loop3A_787 = vector.shape_cast %parallel_loop3A_786 : vector<1x1x16xf32> to vector<16xf32>
      %parallel_loop3A_788 = vector.shape_cast %parallel_loop3A_781 : vector<16xf32> to vector<1x1x16xf32>
      tpu.vector_store %arg7[%parallel_loop3A_783, %parallel_loop3A_784, %parallel_loop3A_785], %parallel_loop3A_788 {strides = array<i32>} : memref<2x100x64xf32, #tpu.memory_space<vmem>>, vector<1x1x16xf32>,
      %parallel_loop3A_789 = arith.constant 0 : i32
      %parallel_loop3A_790 = arith.index_cast %parallel_loop3A_789 : i32 to index
      %parallel_loop3A_791 = arith.index_cast %parallel_loop3A_772 : i32 to index
      %parallel_loop3A_792 = arith.constant 16 : index
      %parallel_loop3A_793 = tpu.vector_load %arg7[%parallel_loop3A_790, %parallel_loop3A_791, %parallel_loop3A_792] {strides = array<i32>} : memref<2x100x64xf32, #tpu.memory_space<vmem>>, vector<1x1x16xf32>,
      %parallel_loop3A_794 = vector.shape_cast %parallel_loop3A_793 : vector<1x1x16xf32> to vector<16xf32>
      %parallel_loop3A_795 = arith.constant 8.000000e+00 : f32
      %parallel_loop3A_796 = vector.broadcast %parallel_loop3A_795 : f32 to vector<16xf32>
      %parallel_loop3A_797 = arith.mulf %parallel_loop3A_794, %parallel_loop3A_796 : vector<16xf32>
      %parallel_loop3A_798 = arith.constant 0 : i32
      %parallel_loop3A_799 = arith.index_cast %parallel_loop3A_798 : i32 to index
      %parallel_loop3A_800 = arith.index_cast %parallel_loop3A_772 : i32 to index
      %parallel_loop3A_801 = arith.constant 16 : index
      %parallel_loop3A_802 = tpu.vector_load %arg7[%parallel_loop3A_799, %parallel_loop3A_800, %parallel_loop3A_801] {strides = array<i32>} : memref<2x100x64xf32, #tpu.memory_space<vmem>>, vector<1x1x16xf32>,
      %parallel_loop3A_803 = vector.shape_cast %parallel_loop3A_802 : vector<1x1x16xf32> to vector<16xf32>
      %parallel_loop3A_804 = vector.shape_cast %parallel_loop3A_797 : vector<16xf32> to vector<1x1x16xf32>
      tpu.vector_store %arg7[%parallel_loop3A_799, %parallel_loop3A_800, %parallel_loop3A_801], %parallel_loop3A_804 {strides = array<i32>} : memref<2x100x64xf32, #tpu.memory_space<vmem>>, vector<1x1x16xf32>,
      %parallel_loop3A_805 = arith.constant 0 : i32
      %parallel_loop3A_806 = arith.index_cast %parallel_loop3A_805 : i32 to index
      %parallel_loop3A_807 = arith.index_cast %parallel_loop3A_772 : i32 to index
      %parallel_loop3A_808 = arith.constant 32 : index
      %parallel_loop3A_809 = tpu.vector_load %arg7[%parallel_loop3A_806, %parallel_loop3A_807, %parallel_loop3A_808] {strides = array<i32>} : memref<2x100x64xf32, #tpu.memory_space<vmem>>, vector<1x1x16xf32>,
      %parallel_loop3A_810 = vector.shape_cast %parallel_loop3A_809 : vector<1x1x16xf32> to vector<16xf32>
      %parallel_loop3A_811 = arith.constant 8.000000e+00 : f32
      %parallel_loop3A_812 = vector.broadcast %parallel_loop3A_811 : f32 to vector<16xf32>
      %parallel_loop3A_813 = arith.mulf %parallel_loop3A_810, %parallel_loop3A_812 : vector<16xf32>
      %parallel_loop3A_814 = arith.constant 0 : i32
      %parallel_loop3A_815 = arith.index_cast %parallel_loop3A_814 : i32 to index
      %parallel_loop3A_816 = arith.index_cast %parallel_loop3A_772 : i32 to index
      %parallel_loop3A_817 = arith.constant 32 : index
      %parallel_loop3A_818 = tpu.vector_load %arg7[%parallel_loop3A_815, %parallel_loop3A_816, %parallel_loop3A_817] {strides = array<i32>} : memref<2x100x64xf32, #tpu.memory_space<vmem>>, vector<1x1x16xf32>,
      %parallel_loop3A_819 = vector.shape_cast %parallel_loop3A_818 : vector<1x1x16xf32> to vector<16xf32>
      %parallel_loop3A_820 = vector.shape_cast %parallel_loop3A_813 : vector<16xf32> to vector<1x1x16xf32>
      tpu.vector_store %arg7[%parallel_loop3A_815, %parallel_loop3A_816, %parallel_loop3A_817], %parallel_loop3A_820 {strides = array<i32>} : memref<2x100x64xf32, #tpu.memory_space<vmem>>, vector<1x1x16xf32>,
      %parallel_loop3A_821 = arith.constant 0 : i32
      %parallel_loop3A_822 = arith.index_cast %parallel_loop3A_821 : i32 to index
      %parallel_loop3A_823 = arith.index_cast %parallel_loop3A_772 : i32 to index
      %parallel_loop3A_824 = arith.constant 48 : index
      %parallel_loop3A_825 = tpu.vector_load %arg7[%parallel_loop3A_822, %parallel_loop3A_823, %parallel_loop3A_824] {strides = array<i32>} : memref<2x100x64xf32, #tpu.memory_space<vmem>>, vector<1x1x16xf32>,
      %parallel_loop3A_826 = vector.shape_cast %parallel_loop3A_825 : vector<1x1x16xf32> to vector<16xf32>
      %parallel_loop3A_827 = arith.constant 8.000000e+00 : f32
      %parallel_loop3A_828 = vector.broadcast %parallel_loop3A_827 : f32 to vector<16xf32>
      %parallel_loop3A_829 = arith.mulf %parallel_loop3A_826, %parallel_loop3A_828 : vector<16xf32>
      %parallel_loop3A_830 = arith.constant 0 : i32
      %parallel_loop3A_831 = arith.index_cast %parallel_loop3A_830 : i32 to index
      %parallel_loop3A_832 = arith.index_cast %parallel_loop3A_772 : i32 to index
      %parallel_loop3A_833 = arith.constant 48 : index
      %parallel_loop3A_834 = tpu.vector_load %arg7[%parallel_loop3A_831, %parallel_loop3A_832, %parallel_loop3A_833] {strides = array<i32>} : memref<2x100x64xf32, #tpu.memory_space<vmem>>, vector<1x1x16xf32>,
      %parallel_loop3A_835 = vector.shape_cast %parallel_loop3A_834 : vector<1x1x16xf32> to vector<16xf32>
      %parallel_loop3A_836 = vector.shape_cast %parallel_loop3A_829 : vector<16xf32> to vector<1x1x16xf32>
      tpu.vector_store %arg7[%parallel_loop3A_831, %parallel_loop3A_832, %parallel_loop3A_833], %parallel_loop3A_836 {strides = array<i32>} : memref<2x100x64xf32, #tpu.memory_space<vmem>>, vector<1x1x16xf32>,
    } {sc.loop_unroll_factor = 4 : i64, sc.parallel_access}
    %add3A_177 = arith.constant 2 : i32
    %add3A_178 = arith.addi %mul3A_2, %add3A_177 : i32
    %add3A_179 = arith.constant 0 : i32
    %add3A_180 = arith.addi %add3A_178, %add3A_179 : i32
    %shift_right_logical3A_181 = arith.constant 1 : i32
    %shift_right_logical3A_182 = arith.shrui %add3A_180, %shift_right_logical3A_181 : i32
    %and3A_183 = arith.constant 1 : i32
    %and3A_184 = arith.andi %add3A_180, %and3A_183 : i32
    %mul3A_185 = arith.constant 100 : i32
    %mul3A_186 = arith.muli %and3A_184, %mul3A_185 : i32
    %dma_start3A_187 = arith.constant 0 : i32
    %dma_start3A_188 = arith.constant 0 : i32
    %dma_start3A_189 = arith.constant 0 : i32
    %dma_start3A_190 = tpu.memref_slice %arg7[%dma_start3A_187, %dma_start3A_188, %dma_start3A_189] : memref<2x100x64xf32, #tpu.memory_space<vmem>> -> memref<1x100x64xf32, #tpu.memory_space<vmem>>
    %dma_start3A_191 = tpu.memref_squeeze %dma_start3A_190 : memref<1x100x64xf32, #tpu.memory_space<vmem>> -> memref<100x64xf32, #tpu.memory_space<vmem>>
    %dma_start3A_192 = arith.constant 0 : i32
    %dma_start3A_193 = tpu.memref_slice %arg4[%shift_right_logical3A_182, %mul3A_186, %dma_start3A_192] : memref<4096x200x64xf32, #tpu.memory_space<hbm>> -> memref<1x100x64xf32, #tpu.memory_space<hbm>>
    %dma_start3A_194 = tpu.memref_squeeze %dma_start3A_193 : memref<1x100x64xf32, #tpu.memory_space<hbm>> -> memref<100x64xf32, #tpu.memory_space<hbm>>
    %dma_start3A_195 = arith.constant 0 : i32
    %dma_start3A_196 = tpu.memref_slice %arg4[%shift_right_logical3A_182, %mul3A_186, %dma_start3A_195] : memref<4096x200x64xf32, #tpu.memory_space<hbm>> -> memref<1x100x64xf32, #tpu.memory_space<hbm>>
    %dma_start3A_197 = tpu.memref_squeeze %dma_start3A_196 : memref<1x100x64xf32, #tpu.memory_space<hbm>> -> memref<100x64xf32, #tpu.memory_space<hbm>>
    %dma_start3A_198 = arith.constant 0 : i32
    %dma_start3A_199 = arith.constant 0 : i32
    %dma_start3A_200 = tpu.memref_slice %arg7[%dma_start3A_187, %dma_start3A_198, %dma_start3A_199] : memref<2x100x64xf32, #tpu.memory_space<vmem>> -> memref<1x100x64xf32, #tpu.memory_space<vmem>>
    %dma_start3A_201 = tpu.memref_squeeze %dma_start3A_200 : memref<1x100x64xf32, #tpu.memory_space<vmem>> -> memref<100x64xf32, #tpu.memory_space<vmem>>
    tpu.enqueue_dma source(%dma_start3A_201 : memref<100x64xf32, #tpu.memory_space<vmem>>) target(%dma_start3A_197 : memref<100x64xf32, #tpu.memory_space<hbm>>) target_semaphore(%arg13 : memref<!tpu.dma_semaphore, #tpu.memory_space<semaphore_mem>>)
    %parallel_loop3A_202 = arith.constant 0 : i32
    %parallel_loop3A_203 = arith.constant 100 : i32
    %parallel_loop3A_204 = arith.constant 1 : i32
    scf.for %parallel_loop3A_772 = %parallel_loop3A_202 to %parallel_loop3A_203 step %parallel_loop3A_204  : i32 {
      %parallel_loop3A_773 = arith.constant 1 : i32
      %parallel_loop3A_774 = arith.index_cast %parallel_loop3A_773 : i32 to index
      %parallel_loop3A_775 = arith.index_cast %parallel_loop3A_772 : i32 to index
      %parallel_loop3A_776 = arith.constant 0 : index
      %parallel_loop3A_777 = tpu.vector_load %arg7[%parallel_loop3A_774, %parallel_loop3A_775, %parallel_loop3A_776] {strides = array<i32>} : memref<2x100x64xf32, #tpu.memory_space<vmem>>, vector<1x1x16xf32>,
      %parallel_loop3A_778 = vector.shape_cast %parallel_loop3A_777 : vector<1x1x16xf32> to vector<16xf32>
      %parallel_loop3A_779 = arith.constant 8.000000e+00 : f32
      %parallel_loop3A_780 = vector.broadcast %parallel_loop3A_779 : f32 to vector<16xf32>
      %parallel_loop3A_781 = arith.mulf %parallel_loop3A_778, %parallel_loop3A_780 : vector<16xf32>
      %parallel_loop3A_782 = arith.constant 1 : i32
      %parallel_loop3A_783 = arith.index_cast %parallel_loop3A_782 : i32 to index
      %parallel_loop3A_784 = arith.index_cast %parallel_loop3A_772 : i32 to index
      %parallel_loop3A_785 = arith.constant 0 : index
      %parallel_loop3A_786 = tpu.vector_load %arg7[%parallel_loop3A_783, %parallel_loop3A_784, %parallel_loop3A_785] {strides = array<i32>} : memref<2x100x64xf32, #tpu.memory_space<vmem>>, vector<1x1x16xf32>,
      %parallel_loop3A_787 = vector.shape_cast %parallel_loop3A_786 : vector<1x1x16xf32> to vector<16xf32>
      %parallel_loop3A_788 = vector.shape_cast %parallel_loop3A_781 : vector<16xf32> to vector<1x1x16xf32>
      tpu.vector_store %arg7[%parallel_loop3A_783, %parallel_loop3A_784, %parallel_loop3A_785], %parallel_loop3A_788 {strides = array<i32>} : memref<2x100x64xf32, #tpu.memory_space<vmem>>, vector<1x1x16xf32>,
      %parallel_loop3A_789 = arith.constant 1 : i32
      %parallel_loop3A_790 = arith.index_cast %parallel_loop3A_789 : i32 to index
      %parallel_loop3A_791 = arith.index_cast %parallel_loop3A_772 : i32 to index
      %parallel_loop3A_792 = arith.constant 16 : index
      %parallel_loop3A_793 = tpu.vector_load %arg7[%parallel_loop3A_790, %parallel_loop3A_791, %parallel_loop3A_792] {strides = array<i32>} : memref<2x100x64xf32, #tpu.memory_space<vmem>>, vector<1x1x16xf32>,
      %parallel_loop3A_794 = vector.shape_cast %parallel_loop3A_793 : vector<1x1x16xf32> to vector<16xf32>
      %parallel_loop3A_795 = arith.constant 8.000000e+00 : f32
      %parallel_loop3A_796 = vector.broadcast %parallel_loop3A_795 : f32 to vector<16xf32>
      %parallel_loop3A_797 = arith.mulf %parallel_loop3A_794, %parallel_loop3A_796 : vector<16xf32>
      %parallel_loop3A_798 = arith.constant 1 : i32
      %parallel_loop3A_799 = arith.index_cast %parallel_loop3A_798 : i32 to index
      %parallel_loop3A_800 = arith.index_cast %parallel_loop3A_772 : i32 to index
      %parallel_loop3A_801 = arith.constant 16 : index
      %parallel_loop3A_802 = tpu.vector_load %arg7[%parallel_loop3A_799, %parallel_loop3A_800, %parallel_loop3A_801] {strides = array<i32>} : memref<2x100x64xf32, #tpu.memory_space<vmem>>, vector<1x1x16xf32>,
      %parallel_loop3A_803 = vector.shape_cast %parallel_loop3A_802 : vector<1x1x16xf32> to vector<16xf32>
      %parallel_loop3A_804 = vector.shape_cast %parallel_loop3A_797 : vector<16xf32> to vector<1x1x16xf32>
      tpu.vector_store %arg7[%parallel_loop3A_799, %parallel_loop3A_800, %parallel_loop3A_801], %parallel_loop3A_804 {strides = array<i32>} : memref<2x100x64xf32, #tpu.memory_space<vmem>>, vector<1x1x16xf32>,
      %parallel_loop3A_805 = arith.constant 1 : i32
      %parallel_loop3A_806 = arith.index_cast %parallel_loop3A_805 : i32 to index
      %parallel_loop3A_807 = arith.index_cast %parallel_loop3A_772 : i32 to index
      %parallel_loop3A_808 = arith.constant 32 : index
      %parallel_loop3A_809 = tpu.vector_load %arg7[%parallel_loop3A_806, %parallel_loop3A_807, %parallel_loop3A_808] {strides = array<i32>} : memref<2x100x64xf32, #tpu.memory_space<vmem>>, vector<1x1x16xf32>,
      %parallel_loop3A_810 = vector.shape_cast %parallel_loop3A_809 : vector<1x1x16xf32> to vector<16xf32>
      %parallel_loop3A_811 = arith.constant 8.000000e+00 : f32
      %parallel_loop3A_812 = vector.broadcast %parallel_loop3A_811 : f32 to vector<16xf32>
      %parallel_loop3A_813 = arith.mulf %parallel_loop3A_810, %parallel_loop3A_812 : vector<16xf32>
      %parallel_loop3A_814 = arith.constant 1 : i32
      %parallel_loop3A_815 = arith.index_cast %parallel_loop3A_814 : i32 to index
      %parallel_loop3A_816 = arith.index_cast %parallel_loop3A_772 : i32 to index
      %parallel_loop3A_817 = arith.constant 32 : index
      %parallel_loop3A_818 = tpu.vector_load %arg7[%parallel_loop3A_815, %parallel_loop3A_816, %parallel_loop3A_817] {strides = array<i32>} : memref<2x100x64xf32, #tpu.memory_space<vmem>>, vector<1x1x16xf32>,
      %parallel_loop3A_819 = vector.shape_cast %parallel_loop3A_818 : vector<1x1x16xf32> to vector<16xf32>
      %parallel_loop3A_820 = vector.shape_cast %parallel_loop3A_813 : vector<16xf32> to vector<1x1x16xf32>
      tpu.vector_store %arg7[%parallel_loop3A_815, %parallel_loop3A_816, %parallel_loop3A_817], %parallel_loop3A_820 {strides = array<i32>} : memref<2x100x64xf32, #tpu.memory_space<vmem>>, vector<1x1x16xf32>,
      %parallel_loop3A_821 = arith.constant 1 : i32
      %parallel_loop3A_822 = arith.index_cast %parallel_loop3A_821 : i32 to index
      %parallel_loop3A_823 = arith.index_cast %parallel_loop3A_772 : i32 to index
      %parallel_loop3A_824 = arith.constant 48 : index
      %parallel_loop3A_825 = tpu.vector_load %arg7[%parallel_loop3A_822, %parallel_loop3A_823, %parallel_loop3A_824] {strides = array<i32>} : memref<2x100x64xf32, #tpu.memory_space<vmem>>, vector<1x1x16xf32>,
      %parallel_loop3A_826 = vector.shape_cast %parallel_loop3A_825 : vector<1x1x16xf32> to vector<16xf32>
      %parallel_loop3A_827 = arith.constant 8.000000e+00 : f32
      %parallel_loop3A_828 = vector.broadcast %parallel_loop3A_827 : f32 to vector<16xf32>
      %parallel_loop3A_829 = arith.mulf %parallel_loop3A_826, %parallel_loop3A_828 : vector<16xf32>
      %parallel_loop3A_830 = arith.constant 1 : i32
      %parallel_loop3A_831 = arith.index_cast %parallel_loop3A_830 : i32 to index
      %parallel_loop3A_832 = arith.index_cast %parallel_loop3A_772 : i32 to index
      %parallel_loop3A_833 = arith.constant 48 : index
      %parallel_loop3A_834 = tpu.vector_load %arg7[%parallel_loop3A_831, %parallel_loop3A_832, %parallel_loop3A_833] {strides = array<i32>} : memref<2x100x64xf32, #tpu.memory_space<vmem>>, vector<1x1x16xf32>,
      %parallel_loop3A_835 = vector.shape_cast %parallel_loop3A_834 : vector<1x1x16xf32> to vector<16xf32>
      %parallel_loop3A_836 = vector.shape_cast %parallel_loop3A_829 : vector<16xf32> to vector<1x1x16xf32>
      tpu.vector_store %arg7[%parallel_loop3A_831, %parallel_loop3A_832, %parallel_loop3A_833], %parallel_loop3A_836 {strides = array<i32>} : memref<2x100x64xf32, #tpu.memory_space<vmem>>, vector<1x1x16xf32>,
    } {sc.loop_unroll_factor = 4 : i64, sc.parallel_access}
    %add3A_205 = arith.constant 2 : i32
    %add3A_206 = arith.addi %mul3A_2, %add3A_205 : i32
    %add3A_207 = arith.constant 1 : i32
    %add3A_208 = arith.addi %add3A_206, %add3A_207 : i32
    %shift_right_logical3A_209 = arith.constant 1 : i32
    %shift_right_logical3A_210 = arith.shrui %add3A_208, %shift_right_logical3A_209 : i32
    %and3A_211 = arith.constant 1 : i32
    %and3A_212 = arith.andi %add3A_208, %and3A_211 : i32
    %mul3A_213 = arith.constant 100 : i32
    %mul3A_214 = arith.muli %and3A_212, %mul3A_213 : i32
    %dma_start3A_215 = arith.constant 1 : i32
    %dma_start3A_216 = arith.constant 0 : i32
    %dma_start3A_217 = arith.constant 0 : i32
    %dma_start3A_218 = tpu.memref_slice %arg7[%dma_start3A_215, %dma_start3A_216, %dma_start3A_217] : memref<2x100x64xf32, #tpu.memory_space<vmem>> -> memref<1x100x64xf32, #tpu.memory_space<vmem>>
    %dma_start3A_219 = tpu.memref_squeeze %dma_start3A_218 : memref<1x100x64xf32, #tpu.memory_space<vmem>> -> memref<100x64xf32, #tpu.memory_space<vmem>>
    %dma_start3A_220 = arith.constant 0 : i32
    %dma_start3A_221 = tpu.memref_slice %arg4[%shift_right_logical3A_210, %mul3A_214, %dma_start3A_220] : memref<4096x200x64xf32, #tpu.memory_space<hbm>> -> memref<1x100x64xf32, #tpu.memory_space<hbm>>
    %dma_start3A_222 = tpu.memref_squeeze %dma_start3A_221 : memref<1x100x64xf32, #tpu.memory_space<hbm>> -> memref<100x64xf32, #tpu.memory_space<hbm>>
    %dma_start3A_223 = arith.constant 0 : i32
    %dma_start3A_224 = tpu.memref_slice %arg4[%shift_right_logical3A_210, %mul3A_214, %dma_start3A_223] : memref<4096x200x64xf32, #tpu.memory_space<hbm>> -> memref<1x100x64xf32, #tpu.memory_space<hbm>>
    %dma_start3A_225 = tpu.memref_squeeze %dma_start3A_224 : memref<1x100x64xf32, #tpu.memory_space<hbm>> -> memref<100x64xf32, #tpu.memory_space<hbm>>
    %dma_start3A_226 = arith.constant 0 : i32
    %dma_start3A_227 = arith.constant 0 : i32
    %dma_start3A_228 = tpu.memref_slice %arg7[%dma_start3A_215, %dma_start3A_226, %dma_start3A_227] : memref<2x100x64xf32, #tpu.memory_space<vmem>> -> memref<1x100x64xf32, #tpu.memory_space<vmem>>
    %dma_start3A_229 = tpu.memref_squeeze %dma_start3A_228 : memref<1x100x64xf32, #tpu.memory_space<vmem>> -> memref<100x64xf32, #tpu.memory_space<vmem>>
    tpu.enqueue_dma source(%dma_start3A_229 : memref<100x64xf32, #tpu.memory_space<vmem>>) target(%dma_start3A_225 : memref<100x64xf32, #tpu.memory_space<hbm>>) target_semaphore(%arg13 : memref<!tpu.dma_semaphore, #tpu.memory_space<semaphore_mem>>)
    %scan3A = arith.constant 0 : i32
    %scan3A_230 = arith.constant 41 : i32
    %scan3A_231 = arith.addi %scan3A, %scan3A_230 : i32
    %scan3A_232 = arith.constant 1 : i32
    scf.for %scan3A_772 = %scan3A to %scan3A_231 step %scan3A_232  : i32 {
      %mul3A_773 = arith.constant 3 : i32
      %mul3A_774 = arith.muli %mul3A_773, %scan3A_772 : i32
      %add3A_775 = arith.constant 2 : i32
      %add3A_776 = arith.addi %mul3A_774, %add3A_775 : i32
      %add3A_777 = arith.constant 0 : i32
      %add3A_778 = arith.addi %add3A_776, %add3A_777 : i32
      %add3A_779 = arith.constant 0 : i32
      %add3A_780 = arith.addi %mul3A_2, %add3A_779 : i32
      %add3A_781 = arith.constant 0 : i32
      %add3A_782 = arith.addi %add3A_780, %add3A_781 : i32
      %shift_right_logical3A_783 = arith.constant 1 : i32
      %shift_right_logical3A_784 = arith.shrui %add3A_782, %shift_right_logical3A_783 : i32
      %and3A_785 = arith.constant 1 : i32
      %and3A_786 = arith.andi %add3A_782, %and3A_785 : i32
      %mul3A_787 = arith.constant 100 : i32
      %mul3A_788 = arith.muli %and3A_786, %mul3A_787 : i32
      %dma_wait3A_789 = arith.constant 0 : i32
      %dma_wait3A_790 = arith.constant 0 : i32
      %dma_wait3A_791 = arith.constant 0 : i32
      %dma_wait3A_792 = tpu.memref_slice %arg6[%dma_wait3A_789, %dma_wait3A_790, %dma_wait3A_791] : memref<2x100x64xf32, #tpu.memory_space<vmem>> -> memref<1x100x64xf32, #tpu.memory_space<vmem>>
      %dma_wait3A_793 = tpu.memref_squeeze %dma_wait3A_792 : memref<1x100x64xf32, #tpu.memory_space<vmem>> -> memref<100x64xf32, #tpu.memory_space<vmem>>
      %dma_wait3A_794 = arith.constant 0 : i32
      %dma_wait3A_795 = tpu.memref_slice %arg4[%shift_right_logical3A_784, %mul3A_788, %dma_wait3A_794] : memref<4096x200x64xf32, #tpu.memory_space<hbm>> -> memref<1x100x64xf32, #tpu.memory_space<hbm>>
      %dma_wait3A_796 = tpu.memref_squeeze %dma_wait3A_795 : memref<1x100x64xf32, #tpu.memory_space<hbm>> -> memref<100x64xf32, #tpu.memory_space<hbm>>
      %dma_wait3A_797 = arith.constant 0 : i32
      %dma_wait3A_798 = tpu.memref_slice %arg4[%shift_right_logical3A_784, %mul3A_788, %dma_wait3A_797] : memref<4096x200x64xf32, #tpu.memory_space<hbm>> -> memref<1x100x64xf32, #tpu.memory_space<hbm>>
      %dma_wait3A_799 = tpu.memref_squeeze %dma_wait3A_798 : memref<1x100x64xf32, #tpu.memory_space<hbm>> -> memref<100x64xf32, #tpu.memory_space<hbm>>
      %dma_wait3A_800 = arith.constant 0 : i32
      %dma_wait3A_801 = arith.constant 0 : i32
      %dma_wait3A_802 = tpu.memref_slice %arg6[%dma_wait3A_789, %dma_wait3A_800, %dma_wait3A_801] : memref<2x100x64xf32, #tpu.memory_space<vmem>> -> memref<1x100x64xf32, #tpu.memory_space<vmem>>
      %dma_wait3A_803 = tpu.memref_squeeze %dma_wait3A_802 : memref<1x100x64xf32, #tpu.memory_space<vmem>> -> memref<100x64xf32, #tpu.memory_space<vmem>>
      tpu.wait_dma2 semaphore(%arg12 : memref<!tpu.dma_semaphore, #tpu.memory_space<semaphore_mem>>) src(%dma_wait3A_803 : memref<100x64xf32, #tpu.memory_space<vmem>>) dst(%dma_wait3A_799 : memref<100x64xf32, #tpu.memory_space<hbm>>)
      %add3A_804 = arith.constant 0 : i32
      %add3A_805 = arith.addi %mul3A_2, %add3A_804 : i32
      %add3A_806 = arith.constant 1 : i32
      %add3A_807 = arith.addi %add3A_805, %add3A_806 : i32
      %shift_right_logical3A_808 = arith.constant 1 : i32
      %shift_right_logical3A_809 = arith.shrui %add3A_807, %shift_right_logical3A_808 : i32
      %and3A_810 = arith.constant 1 : i32
      %and3A_811 = arith.andi %add3A_807, %and3A_810 : i32
      %mul3A_812 = arith.constant 100 : i32
      %mul3A_813 = arith.muli %and3A_811, %mul3A_812 : i32
      %dma_wait3A_814 = arith.constant 1 : i32
      %dma_wait3A_815 = arith.constant 0 : i32
      %dma_wait3A_816 = arith.constant 0 : i32
      %dma_wait3A_817 = tpu.memref_slice %arg6[%dma_wait3A_814, %dma_wait3A_815, %dma_wait3A_816] : memref<2x100x64xf32, #tpu.memory_space<vmem>> -> memref<1x100x64xf32, #tpu.memory_space<vmem>>
      %dma_wait3A_818 = tpu.memref_squeeze %dma_wait3A_817 : memref<1x100x64xf32, #tpu.memory_space<vmem>> -> memref<100x64xf32, #tpu.memory_space<vmem>>
      %dma_wait3A_819 = arith.constant 0 : i32
      %dma_wait3A_820 = tpu.memref_slice %arg4[%shift_right_logical3A_809, %mul3A_813, %dma_wait3A_819] : memref<4096x200x64xf32, #tpu.memory_space<hbm>> -> memref<1x100x64xf32, #tpu.memory_space<hbm>>
      %dma_wait3A_821 = tpu.memref_squeeze %dma_wait3A_820 : memref<1x100x64xf32, #tpu.memory_space<hbm>> -> memref<100x64xf32, #tpu.memory_space<hbm>>
      %dma_wait3A_822 = arith.constant 0 : i32
      %dma_wait3A_823 = tpu.memref_slice %arg4[%shift_right_logical3A_809, %mul3A_813, %dma_wait3A_822] : memref<4096x200x64xf32, #tpu.memory_space<hbm>> -> memref<1x100x64xf32, #tpu.memory_space<hbm>>
      %dma_wait3A_824 = tpu.memref_squeeze %dma_wait3A_823 : memref<1x100x64xf32, #tpu.memory_space<hbm>> -> memref<100x64xf32, #tpu.memory_space<hbm>>
      %dma_wait3A_825 = arith.constant 0 : i32
      %dma_wait3A_826 = arith.constant 0 : i32
      %dma_wait3A_827 = tpu.memref_slice %arg6[%dma_wait3A_814, %dma_wait3A_825, %dma_wait3A_826] : memref<2x100x64xf32, #tpu.memory_space<vmem>> -> memref<1x100x64xf32, #tpu.memory_space<vmem>>
      %dma_wait3A_828 = tpu.memref_squeeze %dma_wait3A_827 : memref<1x100x64xf32, #tpu.memory_space<vmem>> -> memref<100x64xf32, #tpu.memory_space<vmem>>
      tpu.wait_dma2 semaphore(%arg12 : memref<!tpu.dma_semaphore, #tpu.memory_space<semaphore_mem>>) src(%dma_wait3A_828 : memref<100x64xf32, #tpu.memory_space<vmem>>) dst(%dma_wait3A_824 : memref<100x64xf32, #tpu.memory_space<hbm>>)
      %add3A_829 = arith.constant 1 : i32
      %add3A_830 = arith.addi %add3A_778, %add3A_829 : i32
      %mul3A_831 = arith.constant 2 : i32
      %mul3A_832 = arith.muli %add3A_830, %mul3A_831 : i32
      %add3A_833 = arith.constant 0 : i32
      %add3A_834 = arith.addi %mul3A_832, %add3A_833 : i32
      %dma_start3A_835 = arith.constant 0 : i32
      %dma_start3A_836 = arith.constant 0 : i32
      %dma_start3A_837 = arith.constant 0 : i32
      %dma_start3A_838 = tpu.memref_slice %arg6[%dma_start3A_835, %dma_start3A_836, %dma_start3A_837] : memref<2x100x64xf32, #tpu.memory_space<vmem>> -> memref<1x100x64xf32, #tpu.memory_space<vmem>>
      %dma_start3A_839 = tpu.memref_squeeze %dma_start3A_838 : memref<1x100x64xf32, #tpu.memory_space<vmem>> -> memref<100x64xf32, #tpu.memory_space<vmem>>
      %dma_start3A_840 = arith.constant 0 : i32
      %dma_start3A_841 = tpu.memref_slice %arg5[%add3A_834, %dma_start3A_840] : memref<256x100xi32, #tpu.memory_space<vmem>> -> memref<1x100xi32, #tpu.memory_space<vmem>>
      %dma_start3A_842 = tpu.memref_squeeze %dma_start3A_841 : memref<1x100xi32, #tpu.memory_space<vmem>> -> memref<100xi32, #tpu.memory_space<vmem>>
      %dma_start3A_843 = arith.constant 0 : i32
      %dma_start3A_844 = arith.constant 0 : i32
      %dma_start3A_845 = tpu.memref_slice %arg3[%dma_start3A_843, %dma_start3A_844] : memref<1000000x64xf32, #tpu.memory_space<hbm>> -> memref<1000000x64xf32, #tpu.memory_space<hbm>>
      tpu.enqueue_indirect_dma source(%dma_start3A_845 : memref<1000000x64xf32, #tpu.memory_space<hbm>>) target(%dma_start3A_839 : memref<100x64xf32, #tpu.memory_space<vmem>>) offsets(%dma_start3A_842 : memref<100xi32, #tpu.memory_space<vmem>>) semaphore(%arg9 : memref<!tpu.dma_semaphore, #tpu.memory_space<semaphore_mem>>)
      %mul3A_846 = arith.constant 2 : i32
      %mul3A_847 = arith.muli %add3A_830, %mul3A_846 : i32
      %add3A_848 = arith.constant 1 : i32
      %add3A_849 = arith.addi %mul3A_847, %add3A_848 : i32
      %dma_start3A_850 = arith.constant 1 : i32
      %dma_start3A_851 = arith.constant 0 : i32
      %dma_start3A_852 = arith.constant 0 : i32
      %dma_start3A_853 = tpu.memref_slice %arg6[%dma_start3A_850, %dma_start3A_851, %dma_start3A_852] : memref<2x100x64xf32, #tpu.memory_space<vmem>> -> memref<1x100x64xf32, #tpu.memory_space<vmem>>
      %dma_start3A_854 = tpu.memref_squeeze %dma_start3A_853 : memref<1x100x64xf32, #tpu.memory_space<vmem>> -> memref<100x64xf32, #tpu.memory_space<vmem>>
      %dma_start3A_855 = arith.constant 0 : i32
      %dma_start3A_856 = tpu.memref_slice %arg5[%add3A_849, %dma_start3A_855] : memref<256x100xi32, #tpu.memory_space<vmem>> -> memref<1x100xi32, #tpu.memory_space<vmem>>
      %dma_start3A_857 = tpu.memref_squeeze %dma_start3A_856 : memref<1x100xi32, #tpu.memory_space<vmem>> -> memref<100xi32, #tpu.memory_space<vmem>>
      %dma_start3A_858 = arith.constant 0 : i32
      %dma_start3A_859 = arith.constant 0 : i32
      %dma_start3A_860 = tpu.memref_slice %arg3[%dma_start3A_858, %dma_start3A_859] : memref<1000000x64xf32, #tpu.memory_space<hbm>> -> memref<1000000x64xf32, #tpu.memory_space<hbm>>
      tpu.enqueue_indirect_dma source(%dma_start3A_860 : memref<1000000x64xf32, #tpu.memory_space<hbm>>) target(%dma_start3A_854 : memref<100x64xf32, #tpu.memory_space<vmem>>) offsets(%dma_start3A_857 : memref<100xi32, #tpu.memory_space<vmem>>) semaphore(%arg9 : memref<!tpu.dma_semaphore, #tpu.memory_space<semaphore_mem>>)
      %dma_wait3A_861 = arith.constant 0 : i32
      %dma_wait3A_862 = arith.constant 0 : i32
      %dma_wait3A_863 = arith.constant 0 : i32
      %dma_wait3A_864 = arith.constant 0 : i32
      %dma_wait3A_865 = tpu.memref_slice %arg8[%dma_wait3A_862, %dma_wait3A_863, %dma_wait3A_864] : memref<2x100x64xf32, #tpu.memory_space<vmem>> -> memref<1x100x64xf32, #tpu.memory_space<vmem>>
      %dma_wait3A_866 = tpu.memref_squeeze %dma_wait3A_865 : memref<1x100x64xf32, #tpu.memory_space<vmem>> -> memref<100x64xf32, #tpu.memory_space<vmem>>
      %dma_wait3A_867 = arith.constant 0 : i32
      %dma_wait3A_868 = tpu.memref_slice %arg5[%dma_wait3A_861, %dma_wait3A_867] : memref<256x100xi32, #tpu.memory_space<vmem>> -> memref<1x100xi32, #tpu.memory_space<vmem>>
      %dma_wait3A_869 = tpu.memref_squeeze %dma_wait3A_868 : memref<1x100xi32, #tpu.memory_space<vmem>> -> memref<100xi32, #tpu.memory_space<vmem>>
      %dma_wait3A_870 = arith.constant 0 : i32
      %dma_wait3A_871 = arith.constant 0 : i32
      %dma_wait3A_872 = tpu.memref_slice %arg3[%dma_wait3A_870, %dma_wait3A_871] : memref<1000000x64xf32, #tpu.memory_space<hbm>> -> memref<1000000x64xf32, #tpu.memory_space<hbm>>
      tpu.wait_indirect_dma semaphore(%arg11 : memref<!tpu.dma_semaphore, #tpu.memory_space<semaphore_mem>>) src(%dma_wait3A_872 : memref<1000000x64xf32, #tpu.memory_space<hbm>>) dst(%dma_wait3A_866 : memref<100x64xf32, #tpu.memory_space<vmem>>)
      %dma_wait3A_873 = arith.constant 1 : i32
      %dma_wait3A_874 = arith.constant 1 : i32
      %dma_wait3A_875 = arith.constant 0 : i32
      %dma_wait3A_876 = arith.constant 0 : i32
      %dma_wait3A_877 = tpu.memref_slice %arg8[%dma_wait3A_874, %dma_wait3A_875, %dma_wait3A_876] : memref<2x100x64xf32, #tpu.memory_space<vmem>> -> memref<1x100x64xf32, #tpu.memory_space<vmem>>
      %dma_wait3A_878 = tpu.memref_squeeze %dma_wait3A_877 : memref<1x100x64xf32, #tpu.memory_space<vmem>> -> memref<100x64xf32, #tpu.memory_space<vmem>>
      %dma_wait3A_879 = arith.constant 0 : i32
      %dma_wait3A_880 = tpu.memref_slice %arg5[%dma_wait3A_873, %dma_wait3A_879] : memref<256x100xi32, #tpu.memory_space<vmem>> -> memref<1x100xi32, #tpu.memory_space<vmem>>
      %dma_wait3A_881 = tpu.memref_squeeze %dma_wait3A_880 : memref<1x100xi32, #tpu.memory_space<vmem>> -> memref<100xi32, #tpu.memory_space<vmem>>
      %dma_wait3A_882 = arith.constant 0 : i32
      %dma_wait3A_883 = arith.constant 0 : i32
      %dma_wait3A_884 = tpu.memref_slice %arg3[%dma_wait3A_882, %dma_wait3A_883] : memref<1000000x64xf32, #tpu.memory_space<hbm>> -> memref<1000000x64xf32, #tpu.memory_space<hbm>>
      tpu.wait_indirect_dma semaphore(%arg11 : memref<!tpu.dma_semaphore, #tpu.memory_space<semaphore_mem>>) src(%dma_wait3A_884 : memref<1000000x64xf32, #tpu.memory_space<hbm>>) dst(%dma_wait3A_878 : memref<100x64xf32, #tpu.memory_space<vmem>>)
      %parallel_loop3A_885 = arith.constant 0 : i32
      %parallel_loop3A_886 = arith.constant 100 : i32
      %parallel_loop3A_887 = arith.constant 1 : i32
      scf.for %parallel_loop3A_1275 = %parallel_loop3A_885 to %parallel_loop3A_886 step %parallel_loop3A_887  : i32 {
        %parallel_loop3A_1276 = arith.constant 0 : i32
        %parallel_loop3A_1277 = arith.index_cast %parallel_loop3A_1276 : i32 to index
        %parallel_loop3A_1278 = arith.index_cast %parallel_loop3A_1275 : i32 to index
        %parallel_loop3A_1279 = arith.constant 0 : index
        %parallel_loop3A_1280 = tpu.vector_load %arg8[%parallel_loop3A_1277, %parallel_loop3A_1278, %parallel_loop3A_1279] {strides = array<i32>} : memref<2x100x64xf32, #tpu.memory_space<vmem>>, vector<1x1x16xf32>,
        %parallel_loop3A_1281 = vector.shape_cast %parallel_loop3A_1280 : vector<1x1x16xf32> to vector<16xf32>
        %parallel_loop3A_1282 = arith.constant 8.000000e+00 : f32
        %parallel_loop3A_1283 = vector.broadcast %parallel_loop3A_1282 : f32 to vector<16xf32>
        %parallel_loop3A_1284 = arith.mulf %parallel_loop3A_1281, %parallel_loop3A_1283 : vector<16xf32>
        %parallel_loop3A_1285 = arith.constant 0 : i32
        %parallel_loop3A_1286 = arith.index_cast %parallel_loop3A_1285 : i32 to index
        %parallel_loop3A_1287 = arith.index_cast %parallel_loop3A_1275 : i32 to index
        %parallel_loop3A_1288 = arith.constant 0 : index
        %parallel_loop3A_1289 = tpu.vector_load %arg8[%parallel_loop3A_1286, %parallel_loop3A_1287, %parallel_loop3A_1288] {strides = array<i32>} : memref<2x100x64xf32, #tpu.memory_space<vmem>>, vector<1x1x16xf32>,
        %parallel_loop3A_1290 = vector.shape_cast %parallel_loop3A_1289 : vector<1x1x16xf32> to vector<16xf32>
        %parallel_loop3A_1291 = vector.shape_cast %parallel_loop3A_1284 : vector<16xf32> to vector<1x1x16xf32>
        tpu.vector_store %arg8[%parallel_loop3A_1286, %parallel_loop3A_1287, %parallel_loop3A_1288], %parallel_loop3A_1291 {strides = array<i32>} : memref<2x100x64xf32, #tpu.memory_space<vmem>>, vector<1x1x16xf32>,
        %parallel_loop3A_1292 = arith.constant 0 : i32
        %parallel_loop3A_1293 = arith.index_cast %parallel_loop3A_1292 : i32 to index
        %parallel_loop3A_1294 = arith.index_cast %parallel_loop3A_1275 : i32 to index
        %parallel_loop3A_1295 = arith.constant 16 : index
        %parallel_loop3A_1296 = tpu.vector_load %arg8[%parallel_loop3A_1293, %parallel_loop3A_1294, %parallel_loop3A_1295] {strides = array<i32>} : memref<2x100x64xf32, #tpu.memory_space<vmem>>, vector<1x1x16xf32>,
        %parallel_loop3A_1297 = vector.shape_cast %parallel_loop3A_1296 : vector<1x1x16xf32> to vector<16xf32>
        %parallel_loop3A_1298 = arith.constant 8.000000e+00 : f32
        %parallel_loop3A_1299 = vector.broadcast %parallel_loop3A_1298 : f32 to vector<16xf32>
        %parallel_loop3A_1300 = arith.mulf %parallel_loop3A_1297, %parallel_loop3A_1299 : vector<16xf32>
        %parallel_loop3A_1301 = arith.constant 0 : i32
        %parallel_loop3A_1302 = arith.index_cast %parallel_loop3A_1301 : i32 to index
        %parallel_loop3A_1303 = arith.index_cast %parallel_loop3A_1275 : i32 to index
        %parallel_loop3A_1304 = arith.constant 16 : index
        %parallel_loop3A_1305 = tpu.vector_load %arg8[%parallel_loop3A_1302, %parallel_loop3A_1303, %parallel_loop3A_1304] {strides = array<i32>} : memref<2x100x64xf32, #tpu.memory_space<vmem>>, vector<1x1x16xf32>,
        %parallel_loop3A_1306 = vector.shape_cast %parallel_loop3A_1305 : vector<1x1x16xf32> to vector<16xf32>
        %parallel_loop3A_1307 = vector.shape_cast %parallel_loop3A_1300 : vector<16xf32> to vector<1x1x16xf32>
        tpu.vector_store %arg8[%parallel_loop3A_1302, %parallel_loop3A_1303, %parallel_loop3A_1304], %parallel_loop3A_1307 {strides = array<i32>} : memref<2x100x64xf32, #tpu.memory_space<vmem>>, vector<1x1x16xf32>,
        %parallel_loop3A_1308 = arith.constant 0 : i32
        %parallel_loop3A_1309 = arith.index_cast %parallel_loop3A_1308 : i32 to index
        %parallel_loop3A_1310 = arith.index_cast %parallel_loop3A_1275 : i32 to index
        %parallel_loop3A_1311 = arith.constant 32 : index
        %parallel_loop3A_1312 = tpu.vector_load %arg8[%parallel_loop3A_1309, %parallel_loop3A_1310, %parallel_loop3A_1311] {strides = array<i32>} : memref<2x100x64xf32, #tpu.memory_space<vmem>>, vector<1x1x16xf32>,
        %parallel_loop3A_1313 = vector.shape_cast %parallel_loop3A_1312 : vector<1x1x16xf32> to vector<16xf32>
        %parallel_loop3A_1314 = arith.constant 8.000000e+00 : f32
        %parallel_loop3A_1315 = vector.broadcast %parallel_loop3A_1314 : f32 to vector<16xf32>
        %parallel_loop3A_1316 = arith.mulf %parallel_loop3A_1313, %parallel_loop3A_1315 : vector<16xf32>
        %parallel_loop3A_1317 = arith.constant 0 : i32
        %parallel_loop3A_1318 = arith.index_cast %parallel_loop3A_1317 : i32 to index
        %parallel_loop3A_1319 = arith.index_cast %parallel_loop3A_1275 : i32 to index
        %parallel_loop3A_1320 = arith.constant 32 : index
        %parallel_loop3A_1321 = tpu.vector_load %arg8[%parallel_loop3A_1318, %parallel_loop3A_1319, %parallel_loop3A_1320] {strides = array<i32>} : memref<2x100x64xf32, #tpu.memory_space<vmem>>, vector<1x1x16xf32>,
        %parallel_loop3A_1322 = vector.shape_cast %parallel_loop3A_1321 : vector<1x1x16xf32> to vector<16xf32>
        %parallel_loop3A_1323 = vector.shape_cast %parallel_loop3A_1316 : vector<16xf32> to vector<1x1x16xf32>
        tpu.vector_store %arg8[%parallel_loop3A_1318, %parallel_loop3A_1319, %parallel_loop3A_1320], %parallel_loop3A_1323 {strides = array<i32>} : memref<2x100x64xf32, #tpu.memory_space<vmem>>, vector<1x1x16xf32>,
        %parallel_loop3A_1324 = arith.constant 0 : i32
        %parallel_loop3A_1325 = arith.index_cast %parallel_loop3A_1324 : i32 to index
        %parallel_loop3A_1326 = arith.index_cast %parallel_loop3A_1275 : i32 to index
        %parallel_loop3A_1327 = arith.constant 48 : index
        %parallel_loop3A_1328 = tpu.vector_load %arg8[%parallel_loop3A_1325, %parallel_loop3A_1326, %parallel_loop3A_1327] {strides = array<i32>} : memref<2x100x64xf32, #tpu.memory_space<vmem>>, vector<1x1x16xf32>,
        %parallel_loop3A_1329 = vector.shape_cast %parallel_loop3A_1328 : vector<1x1x16xf32> to vector<16xf32>
        %parallel_loop3A_1330 = arith.constant 8.000000e+00 : f32
        %parallel_loop3A_1331 = vector.broadcast %parallel_loop3A_1330 : f32 to vector<16xf32>
        %parallel_loop3A_1332 = arith.mulf %parallel_loop3A_1329, %parallel_loop3A_1331 : vector<16xf32>
        %parallel_loop3A_1333 = arith.constant 0 : i32
        %parallel_loop3A_1334 = arith.index_cast %parallel_loop3A_1333 : i32 to index
        %parallel_loop3A_1335 = arith.index_cast %parallel_loop3A_1275 : i32 to index
        %parallel_loop3A_1336 = arith.constant 48 : index
        %parallel_loop3A_1337 = tpu.vector_load %arg8[%parallel_loop3A_1334, %parallel_loop3A_1335, %parallel_loop3A_1336] {strides = array<i32>} : memref<2x100x64xf32, #tpu.memory_space<vmem>>, vector<1x1x16xf32>,
        %parallel_loop3A_1338 = vector.shape_cast %parallel_loop3A_1337 : vector<1x1x16xf32> to vector<16xf32>
        %parallel_loop3A_1339 = vector.shape_cast %parallel_loop3A_1332 : vector<16xf32> to vector<1x1x16xf32>
        tpu.vector_store %arg8[%parallel_loop3A_1334, %parallel_loop3A_1335, %parallel_loop3A_1336], %parallel_loop3A_1339 {strides = array<i32>} : memref<2x100x64xf32, #tpu.memory_space<vmem>>, vector<1x1x16xf32>,
      } {sc.loop_unroll_factor = 4 : i64, sc.parallel_access}
      %mul3A_888 = arith.constant 2 : i32
      %mul3A_889 = arith.muli %add3A_778, %mul3A_888 : i32
      %add3A_890 = arith.addi %mul3A_2, %mul3A_889 : i32
      %add3A_891 = arith.constant 0 : i32
      %add3A_892 = arith.addi %add3A_890, %add3A_891 : i32
      %shift_right_logical3A_893 = arith.constant 1 : i32
      %shift_right_logical3A_894 = arith.shrui %add3A_892, %shift_right_logical3A_893 : i32
      %and3A_895 = arith.constant 1 : i32
      %and3A_896 = arith.andi %add3A_892, %and3A_895 : i32
      %mul3A_897 = arith.constant 100 : i32
      %mul3A_898 = arith.muli %and3A_896, %mul3A_897 : i32
      %dma_start3A_899 = arith.constant 0 : i32
      %dma_start3A_900 = arith.constant 0 : i32
      %dma_start3A_901 = arith.constant 0 : i32
      %dma_start3A_902 = tpu.memref_slice %arg8[%dma_start3A_899, %dma_start3A_900, %dma_start3A_901] : memref<2x100x64xf32, #tpu.memory_space<vmem>> -> memref<1x100x64xf32, #tpu.memory_space<vmem>>
      %dma_start3A_903 = tpu.memref_squeeze %dma_start3A_902 : memref<1x100x64xf32, #tpu.memory_space<vmem>> -> memref<100x64xf32, #tpu.memory_space<vmem>>
      %dma_start3A_904 = arith.constant 0 : i32
      %dma_start3A_905 = tpu.memref_slice %arg4[%shift_right_logical3A_894, %mul3A_898, %dma_start3A_904] : memref<4096x200x64xf32, #tpu.memory_space<hbm>> -> memref<1x100x64xf32, #tpu.memory_space<hbm>>
      %dma_start3A_906 = tpu.memref_squeeze %dma_start3A_905 : memref<1x100x64xf32, #tpu.memory_space<hbm>> -> memref<100x64xf32, #tpu.memory_space<hbm>>
      %dma_start3A_907 = arith.constant 0 : i32
      %dma_start3A_908 = tpu.memref_slice %arg4[%shift_right_logical3A_894, %mul3A_898, %dma_start3A_907] : memref<4096x200x64xf32, #tpu.memory_space<hbm>> -> memref<1x100x64xf32, #tpu.memory_space<hbm>>
      %dma_start3A_909 = tpu.memref_squeeze %dma_start3A_908 : memref<1x100x64xf32, #tpu.memory_space<hbm>> -> memref<100x64xf32, #tpu.memory_space<hbm>>
      %dma_start3A_910 = arith.constant 0 : i32
      %dma_start3A_911 = arith.constant 0 : i32
      %dma_start3A_912 = tpu.memref_slice %arg8[%dma_start3A_899, %dma_start3A_910, %dma_start3A_911] : memref<2x100x64xf32, #tpu.memory_space<vmem>> -> memref<1x100x64xf32, #tpu.memory_space<vmem>>
      %dma_start3A_913 = tpu.memref_squeeze %dma_start3A_912 : memref<1x100x64xf32, #tpu.memory_space<vmem>> -> memref<100x64xf32, #tpu.memory_space<vmem>>
      tpu.enqueue_dma source(%dma_start3A_913 : memref<100x64xf32, #tpu.memory_space<vmem>>) target(%dma_start3A_909 : memref<100x64xf32, #tpu.memory_space<hbm>>) target_semaphore(%arg14 : memref<!tpu.dma_semaphore, #tpu.memory_space<semaphore_mem>>)
      %parallel_loop3A_914 = arith.constant 0 : i32
      %parallel_loop3A_915 = arith.constant 100 : i32
      %parallel_loop3A_916 = arith.constant 1 : i32
      scf.for %parallel_loop3A_1275 = %parallel_loop3A_914 to %parallel_loop3A_915 step %parallel_loop3A_916  : i32 {
        %parallel_loop3A_1276 = arith.constant 1 : i32
        %parallel_loop3A_1277 = arith.index_cast %parallel_loop3A_1276 : i32 to index
        %parallel_loop3A_1278 = arith.index_cast %parallel_loop3A_1275 : i32 to index
        %parallel_loop3A_1279 = arith.constant 0 : index
        %parallel_loop3A_1280 = tpu.vector_load %arg8[%parallel_loop3A_1277, %parallel_loop3A_1278, %parallel_loop3A_1279] {strides = array<i32>} : memref<2x100x64xf32, #tpu.memory_space<vmem>>, vector<1x1x16xf32>,
        %parallel_loop3A_1281 = vector.shape_cast %parallel_loop3A_1280 : vector<1x1x16xf32> to vector<16xf32>
        %parallel_loop3A_1282 = arith.constant 8.000000e+00 : f32
        %parallel_loop3A_1283 = vector.broadcast %parallel_loop3A_1282 : f32 to vector<16xf32>
        %parallel_loop3A_1284 = arith.mulf %parallel_loop3A_1281, %parallel_loop3A_1283 : vector<16xf32>
        %parallel_loop3A_1285 = arith.constant 1 : i32
        %parallel_loop3A_1286 = arith.index_cast %parallel_loop3A_1285 : i32 to index
        %parallel_loop3A_1287 = arith.index_cast %parallel_loop3A_1275 : i32 to index
        %parallel_loop3A_1288 = arith.constant 0 : index
        %parallel_loop3A_1289 = tpu.vector_load %arg8[%parallel_loop3A_1286, %parallel_loop3A_1287, %parallel_loop3A_1288] {strides = array<i32>} : memref<2x100x64xf32, #tpu.memory_space<vmem>>, vector<1x1x16xf32>,
        %parallel_loop3A_1290 = vector.shape_cast %parallel_loop3A_1289 : vector<1x1x16xf32> to vector<16xf32>
        %parallel_loop3A_1291 = vector.shape_cast %parallel_loop3A_1284 : vector<16xf32> to vector<1x1x16xf32>
        tpu.vector_store %arg8[%parallel_loop3A_1286, %parallel_loop3A_1287, %parallel_loop3A_1288], %parallel_loop3A_1291 {strides = array<i32>} : memref<2x100x64xf32, #tpu.memory_space<vmem>>, vector<1x1x16xf32>,
        %parallel_loop3A_1292 = arith.constant 1 : i32
        %parallel_loop3A_1293 = arith.index_cast %parallel_loop3A_1292 : i32 to index
        %parallel_loop3A_1294 = arith.index_cast %parallel_loop3A_1275 : i32 to index
        %parallel_loop3A_1295 = arith.constant 16 : index
        %parallel_loop3A_1296 = tpu.vector_load %arg8[%parallel_loop3A_1293, %parallel_loop3A_1294, %parallel_loop3A_1295] {strides = array<i32>} : memref<2x100x64xf32, #tpu.memory_space<vmem>>, vector<1x1x16xf32>,
        %parallel_loop3A_1297 = vector.shape_cast %parallel_loop3A_1296 : vector<1x1x16xf32> to vector<16xf32>
        %parallel_loop3A_1298 = arith.constant 8.000000e+00 : f32
        %parallel_loop3A_1299 = vector.broadcast %parallel_loop3A_1298 : f32 to vector<16xf32>
        %parallel_loop3A_1300 = arith.mulf %parallel_loop3A_1297, %parallel_loop3A_1299 : vector<16xf32>
        %parallel_loop3A_1301 = arith.constant 1 : i32
        %parallel_loop3A_1302 = arith.index_cast %parallel_loop3A_1301 : i32 to index
        %parallel_loop3A_1303 = arith.index_cast %parallel_loop3A_1275 : i32 to index
        %parallel_loop3A_1304 = arith.constant 16 : index
        %parallel_loop3A_1305 = tpu.vector_load %arg8[%parallel_loop3A_1302, %parallel_loop3A_1303, %parallel_loop3A_1304] {strides = array<i32>} : memref<2x100x64xf32, #tpu.memory_space<vmem>>, vector<1x1x16xf32>,
        %parallel_loop3A_1306 = vector.shape_cast %parallel_loop3A_1305 : vector<1x1x16xf32> to vector<16xf32>
        %parallel_loop3A_1307 = vector.shape_cast %parallel_loop3A_1300 : vector<16xf32> to vector<1x1x16xf32>
        tpu.vector_store %arg8[%parallel_loop3A_1302, %parallel_loop3A_1303, %parallel_loop3A_1304], %parallel_loop3A_1307 {strides = array<i32>} : memref<2x100x64xf32, #tpu.memory_space<vmem>>, vector<1x1x16xf32>,
        %parallel_loop3A_1308 = arith.constant 1 : i32
        %parallel_loop3A_1309 = arith.index_cast %parallel_loop3A_1308 : i32 to index
        %parallel_loop3A_1310 = arith.index_cast %parallel_loop3A_1275 : i32 to index
        %parallel_loop3A_1311 = arith.constant 32 : index
        %parallel_loop3A_1312 = tpu.vector_load %arg8[%parallel_loop3A_1309, %parallel_loop3A_1310, %parallel_loop3A_1311] {strides = array<i32>} : memref<2x100x64xf32, #tpu.memory_space<vmem>>, vector<1x1x16xf32>,
        %parallel_loop3A_1313 = vector.shape_cast %parallel_loop3A_1312 : vector<1x1x16xf32> to vector<16xf32>
        %parallel_loop3A_1314 = arith.constant 8.000000e+00 : f32
        %parallel_loop3A_1315 = vector.broadcast %parallel_loop3A_1314 : f32 to vector<16xf32>
        %parallel_loop3A_1316 = arith.mulf %parallel_loop3A_1313, %parallel_loop3A_1315 : vector<16xf32>
        %parallel_loop3A_1317 = arith.constant 1 : i32
        %parallel_loop3A_1318 = arith.index_cast %parallel_loop3A_1317 : i32 to index
        %parallel_loop3A_1319 = arith.index_cast %parallel_loop3A_1275 : i32 to index
        %parallel_loop3A_1320 = arith.constant 32 : index
        %parallel_loop3A_1321 = tpu.vector_load %arg8[%parallel_loop3A_1318, %parallel_loop3A_1319, %parallel_loop3A_1320] {strides = array<i32>} : memref<2x100x64xf32, #tpu.memory_space<vmem>>, vector<1x1x16xf32>,
        %parallel_loop3A_1322 = vector.shape_cast %parallel_loop3A_1321 : vector<1x1x16xf32> to vector<16xf32>
        %parallel_loop3A_1323 = vector.shape_cast %parallel_loop3A_1316 : vector<16xf32> to vector<1x1x16xf32>
        tpu.vector_store %arg8[%parallel_loop3A_1318, %parallel_loop3A_1319, %parallel_loop3A_1320], %parallel_loop3A_1323 {strides = array<i32>} : memref<2x100x64xf32, #tpu.memory_space<vmem>>, vector<1x1x16xf32>,
        %parallel_loop3A_1324 = arith.constant 1 : i32
        %parallel_loop3A_1325 = arith.index_cast %parallel_loop3A_1324 : i32 to index
        %parallel_loop3A_1326 = arith.index_cast %parallel_loop3A_1275 : i32 to index
        %parallel_loop3A_1327 = arith.constant 48 : index
        %parallel_loop3A_1328 = tpu.vector_load %arg8[%parallel_loop3A_1325, %parallel_loop3A_1326, %parallel_loop3A_1327] {strides = array<i32>} : memref<2x100x64xf32, #tpu.memory_space<vmem>>, vector<1x1x16xf32>,
        %parallel_loop3A_1329 = vector.shape_cast %parallel_loop3A_1328 : vector<1x1x16xf32> to vector<16xf32>
        %parallel_loop3A_1330 = arith.constant 8.000000e+00 : f32
        %parallel_loop3A_1331 = vector.broadcast %parallel_loop3A_1330 : f32 to vector<16xf32>
        %parallel_loop3A_1332 = arith.mulf %parallel_loop3A_1329, %parallel_loop3A_1331 : vector<16xf32>
        %parallel_loop3A_1333 = arith.constant 1 : i32
        %parallel_loop3A_1334 = arith.index_cast %parallel_loop3A_1333 : i32 to index
        %parallel_loop3A_1335 = arith.index_cast %parallel_loop3A_1275 : i32 to index
        %parallel_loop3A_1336 = arith.constant 48 : index
        %parallel_loop3A_1337 = tpu.vector_load %arg8[%parallel_loop3A_1334, %parallel_loop3A_1335, %parallel_loop3A_1336] {strides = array<i32>} : memref<2x100x64xf32, #tpu.memory_space<vmem>>, vector<1x1x16xf32>,
        %parallel_loop3A_1338 = vector.shape_cast %parallel_loop3A_1337 : vector<1x1x16xf32> to vector<16xf32>
        %parallel_loop3A_1339 = vector.shape_cast %parallel_loop3A_1332 : vector<16xf32> to vector<1x1x16xf32>
        tpu.vector_store %arg8[%parallel_loop3A_1334, %parallel_loop3A_1335, %parallel_loop3A_1336], %parallel_loop3A_1339 {strides = array<i32>} : memref<2x100x64xf32, #tpu.memory_space<vmem>>, vector<1x1x16xf32>,
      } {sc.loop_unroll_factor = 4 : i64, sc.parallel_access}
      %mul3A_917 = arith.constant 2 : i32
      %mul3A_918 = arith.muli %add3A_778, %mul3A_917 : i32
      %add3A_919 = arith.addi %mul3A_2, %mul3A_918 : i32
      %add3A_920 = arith.constant 1 : i32
      %add3A_921 = arith.addi %add3A_919, %add3A_920 : i32
      %shift_right_logical3A_922 = arith.constant 1 : i32
      %shift_right_logical3A_923 = arith.shrui %add3A_921, %shift_right_logical3A_922 : i32
      %and3A_924 = arith.constant 1 : i32
      %and3A_925 = arith.andi %add3A_921, %and3A_924 : i32
      %mul3A_926 = arith.constant 100 : i32
      %mul3A_927 = arith.muli %and3A_925, %mul3A_926 : i32
      %dma_start3A_928 = arith.constant 1 : i32
      %dma_start3A_929 = arith.constant 0 : i32
      %dma_start3A_930 = arith.constant 0 : i32
      %dma_start3A_931 = tpu.memref_slice %arg8[%dma_start3A_928, %dma_start3A_929, %dma_start3A_930] : memref<2x100x64xf32, #tpu.memory_space<vmem>> -> memref<1x100x64xf32, #tpu.memory_space<vmem>>
      %dma_start3A_932 = tpu.memref_squeeze %dma_start3A_931 : memref<1x100x64xf32, #tpu.memory_space<vmem>> -> memref<100x64xf32, #tpu.memory_space<vmem>>
      %dma_start3A_933 = arith.constant 0 : i32
      %dma_start3A_934 = tpu.memref_slice %arg4[%shift_right_logical3A_923, %mul3A_927, %dma_start3A_933] : memref<4096x200x64xf32, #tpu.memory_space<hbm>> -> memref<1x100x64xf32, #tpu.memory_space<hbm>>
      %dma_start3A_935 = tpu.memref_squeeze %dma_start3A_934 : memref<1x100x64xf32, #tpu.memory_space<hbm>> -> memref<100x64xf32, #tpu.memory_space<hbm>>
      %dma_start3A_936 = arith.constant 0 : i32
      %dma_start3A_937 = tpu.memref_slice %arg4[%shift_right_logical3A_923, %mul3A_927, %dma_start3A_936] : memref<4096x200x64xf32, #tpu.memory_space<hbm>> -> memref<1x100x64xf32, #tpu.memory_space<hbm>>
      %dma_start3A_938 = tpu.memref_squeeze %dma_start3A_937 : memref<1x100x64xf32, #tpu.memory_space<hbm>> -> memref<100x64xf32, #tpu.memory_space<hbm>>
      %dma_start3A_939 = arith.constant 0 : i32
      %dma_start3A_940 = arith.constant 0 : i32
      %dma_start3A_941 = tpu.memref_slice %arg8[%dma_start3A_928, %dma_start3A_939, %dma_start3A_940] : memref<2x100x64xf32, #tpu.memory_space<vmem>> -> memref<1x100x64xf32, #tpu.memory_space<vmem>>
      %dma_start3A_942 = tpu.memref_squeeze %dma_start3A_941 : memref<1x100x64xf32, #tpu.memory_space<vmem>> -> memref<100x64xf32, #tpu.memory_space<vmem>>
      tpu.enqueue_dma source(%dma_start3A_942 : memref<100x64xf32, #tpu.memory_space<vmem>>) target(%dma_start3A_938 : memref<100x64xf32, #tpu.memory_space<hbm>>) target_semaphore(%arg14 : memref<!tpu.dma_semaphore, #tpu.memory_space<semaphore_mem>>)
      %add3A_943 = arith.constant 1 : i32
      %add3A_944 = arith.addi %add3A_776, %add3A_943 : i32
      %add3A_945 = arith.constant 0 : i32
      %add3A_946 = arith.addi %mul3A_2, %add3A_945 : i32
      %add3A_947 = arith.constant 0 : i32
      %add3A_948 = arith.addi %add3A_946, %add3A_947 : i32
      %shift_right_logical3A_949 = arith.constant 1 : i32
      %shift_right_logical3A_950 = arith.shrui %add3A_948, %shift_right_logical3A_949 : i32
      %and3A_951 = arith.constant 1 : i32
      %and3A_952 = arith.andi %add3A_948, %and3A_951 : i32
      %mul3A_953 = arith.constant 100 : i32
      %mul3A_954 = arith.muli %and3A_952, %mul3A_953 : i32
      %dma_wait3A_955 = arith.constant 0 : i32
      %dma_wait3A_956 = arith.constant 0 : i32
      %dma_wait3A_957 = arith.constant 0 : i32
      %dma_wait3A_958 = tpu.memref_slice %arg7[%dma_wait3A_955, %dma_wait3A_956, %dma_wait3A_957] : memref<2x100x64xf32, #tpu.memory_space<vmem>> -> memref<1x100x64xf32, #tpu.memory_space<vmem>>
      %dma_wait3A_959 = tpu.memref_squeeze %dma_wait3A_958 : memref<1x100x64xf32, #tpu.memory_space<vmem>> -> memref<100x64xf32, #tpu.memory_space<vmem>>
      %dma_wait3A_960 = arith.constant 0 : i32
      %dma_wait3A_961 = tpu.memref_slice %arg4[%shift_right_logical3A_950, %mul3A_954, %dma_wait3A_960] : memref<4096x200x64xf32, #tpu.memory_space<hbm>> -> memref<1x100x64xf32, #tpu.memory_space<hbm>>
      %dma_wait3A_962 = tpu.memref_squeeze %dma_wait3A_961 : memref<1x100x64xf32, #tpu.memory_space<hbm>> -> memref<100x64xf32, #tpu.memory_space<hbm>>
      %dma_wait3A_963 = arith.constant 0 : i32
      %dma_wait3A_964 = tpu.memref_slice %arg4[%shift_right_logical3A_950, %mul3A_954, %dma_wait3A_963] : memref<4096x200x64xf32, #tpu.memory_space<hbm>> -> memref<1x100x64xf32, #tpu.memory_space<hbm>>
      %dma_wait3A_965 = tpu.memref_squeeze %dma_wait3A_964 : memref<1x100x64xf32, #tpu.memory_space<hbm>> -> memref<100x64xf32, #tpu.memory_space<hbm>>
      %dma_wait3A_966 = arith.constant 0 : i32
      %dma_wait3A_967 = arith.constant 0 : i32
      %dma_wait3A_968 = tpu.memref_slice %arg7[%dma_wait3A_955, %dma_wait3A_966, %dma_wait3A_967] : memref<2x100x64xf32, #tpu.memory_space<vmem>> -> memref<1x100x64xf32, #tpu.memory_space<vmem>>
      %dma_wait3A_969 = tpu.memref_squeeze %dma_wait3A_968 : memref<1x100x64xf32, #tpu.memory_space<vmem>> -> memref<100x64xf32, #tpu.memory_space<vmem>>
      tpu.wait_dma2 semaphore(%arg13 : memref<!tpu.dma_semaphore, #tpu.memory_space<semaphore_mem>>) src(%dma_wait3A_969 : memref<100x64xf32, #tpu.memory_space<vmem>>) dst(%dma_wait3A_965 : memref<100x64xf32, #tpu.memory_space<hbm>>)
      %add3A_970 = arith.constant 0 : i32
      %add3A_971 = arith.addi %mul3A_2, %add3A_970 : i32
      %add3A_972 = arith.constant 1 : i32
      %add3A_973 = arith.addi %add3A_971, %add3A_972 : i32
      %shift_right_logical3A_974 = arith.constant 1 : i32
      %shift_right_logical3A_975 = arith.shrui %add3A_973, %shift_right_logical3A_974 : i32
      %and3A_976 = arith.constant 1 : i32
      %and3A_977 = arith.andi %add3A_973, %and3A_976 : i32
      %mul3A_978 = arith.constant 100 : i32
      %mul3A_979 = arith.muli %and3A_977, %mul3A_978 : i32
      %dma_wait3A_980 = arith.constant 1 : i32
      %dma_wait3A_981 = arith.constant 0 : i32
      %dma_wait3A_982 = arith.constant 0 : i32
      %dma_wait3A_983 = tpu.memref_slice %arg7[%dma_wait3A_980, %dma_wait3A_981, %dma_wait3A_982] : memref<2x100x64xf32, #tpu.memory_space<vmem>> -> memref<1x100x64xf32, #tpu.memory_space<vmem>>
      %dma_wait3A_984 = tpu.memref_squeeze %dma_wait3A_983 : memref<1x100x64xf32, #tpu.memory_space<vmem>> -> memref<100x64xf32, #tpu.memory_space<vmem>>
      %dma_wait3A_985 = arith.constant 0 : i32
      %dma_wait3A_986 = tpu.memref_slice %arg4[%shift_right_logical3A_975, %mul3A_979, %dma_wait3A_985] : memref<4096x200x64xf32, #tpu.memory_space<hbm>> -> memref<1x100x64xf32, #tpu.memory_space<hbm>>
      %dma_wait3A_987 = tpu.memref_squeeze %dma_wait3A_986 : memref<1x100x64xf32, #tpu.memory_space<hbm>> -> memref<100x64xf32, #tpu.memory_space<hbm>>
      %dma_wait3A_988 = arith.constant 0 : i32
      %dma_wait3A_989 = tpu.memref_slice %arg4[%shift_right_logical3A_975, %mul3A_979, %dma_wait3A_988] : memref<4096x200x64xf32, #tpu.memory_space<hbm>> -> memref<1x100x64xf32, #tpu.memory_space<hbm>>
      %dma_wait3A_990 = tpu.memref_squeeze %dma_wait3A_989 : memref<1x100x64xf32, #tpu.memory_space<hbm>> -> memref<100x64xf32, #tpu.memory_space<hbm>>
      %dma_wait3A_991 = arith.constant 0 : i32
      %dma_wait3A_992 = arith.constant 0 : i32
      %dma_wait3A_993 = tpu.memref_slice %arg7[%dma_wait3A_980, %dma_wait3A_991, %dma_wait3A_992] : memref<2x100x64xf32, #tpu.memory_space<vmem>> -> memref<1x100x64xf32, #tpu.memory_space<vmem>>
      %dma_wait3A_994 = tpu.memref_squeeze %dma_wait3A_993 : memref<1x100x64xf32, #tpu.memory_space<vmem>> -> memref<100x64xf32, #tpu.memory_space<vmem>>
      tpu.wait_dma2 semaphore(%arg13 : memref<!tpu.dma_semaphore, #tpu.memory_space<semaphore_mem>>) src(%dma_wait3A_994 : memref<100x64xf32, #tpu.memory_space<vmem>>) dst(%dma_wait3A_990 : memref<100x64xf32, #tpu.memory_space<hbm>>)
      %add3A_995 = arith.constant 1 : i32
      %add3A_996 = arith.addi %add3A_944, %add3A_995 : i32
      %mul3A_997 = arith.constant 2 : i32
      %mul3A_998 = arith.muli %add3A_996, %mul3A_997 : i32
      %add3A_999 = arith.constant 0 : i32
      %add3A_1000 = arith.addi %mul3A_998, %add3A_999 : i32
      %dma_start3A_1001 = arith.constant 0 : i32
      %dma_start3A_1002 = arith.constant 0 : i32
      %dma_start3A_1003 = arith.constant 0 : i32
      %dma_start3A_1004 = tpu.memref_slice %arg7[%dma_start3A_1001, %dma_start3A_1002, %dma_start3A_1003] : memref<2x100x64xf32, #tpu.memory_space<vmem>> -> memref<1x100x64xf32, #tpu.memory_space<vmem>>
      %dma_start3A_1005 = tpu.memref_squeeze %dma_start3A_1004 : memref<1x100x64xf32, #tpu.memory_space<vmem>> -> memref<100x64xf32, #tpu.memory_space<vmem>>
      %dma_start3A_1006 = arith.constant 0 : i32
      %dma_start3A_1007 = tpu.memref_slice %arg5[%add3A_1000, %dma_start3A_1006] : memref<256x100xi32, #tpu.memory_space<vmem>> -> memref<1x100xi32, #tpu.memory_space<vmem>>
      %dma_start3A_1008 = tpu.memref_squeeze %dma_start3A_1007 : memref<1x100xi32, #tpu.memory_space<vmem>> -> memref<100xi32, #tpu.memory_space<vmem>>
      %dma_start3A_1009 = arith.constant 0 : i32
      %dma_start3A_1010 = arith.constant 0 : i32
      %dma_start3A_1011 = tpu.memref_slice %arg3[%dma_start3A_1009, %dma_start3A_1010] : memref<1000000x64xf32, #tpu.memory_space<hbm>> -> memref<1000000x64xf32, #tpu.memory_space<hbm>>
      tpu.enqueue_indirect_dma source(%dma_start3A_1011 : memref<1000000x64xf32, #tpu.memory_space<hbm>>) target(%dma_start3A_1005 : memref<100x64xf32, #tpu.memory_space<vmem>>) offsets(%dma_start3A_1008 : memref<100xi32, #tpu.memory_space<vmem>>) semaphore(%arg10 : memref<!tpu.dma_semaphore, #tpu.memory_space<semaphore_mem>>)
      %mul3A_1012 = arith.constant 2 : i32
      %mul3A_1013 = arith.muli %add3A_996, %mul3A_1012 : i32
      %add3A_1014 = arith.constant 1 : i32
      %add3A_1015 = arith.addi %mul3A_1013, %add3A_1014 : i32
      %dma_start3A_1016 = arith.constant 1 : i32
      %dma_start3A_1017 = arith.constant 0 : i32
      %dma_start3A_1018 = arith.constant 0 : i32
      %dma_start3A_1019 = tpu.memref_slice %arg7[%dma_start3A_1016, %dma_start3A_1017, %dma_start3A_1018] : memref<2x100x64xf32, #tpu.memory_space<vmem>> -> memref<1x100x64xf32, #tpu.memory_space<vmem>>
      %dma_start3A_1020 = tpu.memref_squeeze %dma_start3A_1019 : memref<1x100x64xf32, #tpu.memory_space<vmem>> -> memref<100x64xf32, #tpu.memory_space<vmem>>
      %dma_start3A_1021 = arith.constant 0 : i32
      %dma_start3A_1022 = tpu.memref_slice %arg5[%add3A_1015, %dma_start3A_1021] : memref<256x100xi32, #tpu.memory_space<vmem>> -> memref<1x100xi32, #tpu.memory_space<vmem>>
      %dma_start3A_1023 = tpu.memref_squeeze %dma_start3A_1022 : memref<1x100xi32, #tpu.memory_space<vmem>> -> memref<100xi32, #tpu.memory_space<vmem>>
      %dma_start3A_1024 = arith.constant 0 : i32
      %dma_start3A_1025 = arith.constant 0 : i32
      %dma_start3A_1026 = tpu.memref_slice %arg3[%dma_start3A_1024, %dma_start3A_1025] : memref<1000000x64xf32, #tpu.memory_space<hbm>> -> memref<1000000x64xf32, #tpu.memory_space<hbm>>
      tpu.enqueue_indirect_dma source(%dma_start3A_1026 : memref<1000000x64xf32, #tpu.memory_space<hbm>>) target(%dma_start3A_1020 : memref<100x64xf32, #tpu.memory_space<vmem>>) offsets(%dma_start3A_1023 : memref<100xi32, #tpu.memory_space<vmem>>) semaphore(%arg10 : memref<!tpu.dma_semaphore, #tpu.memory_space<semaphore_mem>>)
      %dma_wait3A_1027 = arith.constant 0 : i32
      %dma_wait3A_1028 = arith.constant 0 : i32
      %dma_wait3A_1029 = arith.constant 0 : i32
      %dma_wait3A_1030 = arith.constant 0 : i32
      %dma_wait3A_1031 = tpu.memref_slice %arg6[%dma_wait3A_1028, %dma_wait3A_1029, %dma_wait3A_1030] : memref<2x100x64xf32, #tpu.memory_space<vmem>> -> memref<1x100x64xf32, #tpu.memory_space<vmem>>
      %dma_wait3A_1032 = tpu.memref_squeeze %dma_wait3A_1031 : memref<1x100x64xf32, #tpu.memory_space<vmem>> -> memref<100x64xf32, #tpu.memory_space<vmem>>
      %dma_wait3A_1033 = arith.constant 0 : i32
      %dma_wait3A_1034 = tpu.memref_slice %arg5[%dma_wait3A_1027, %dma_wait3A_1033] : memref<256x100xi32, #tpu.memory_space<vmem>> -> memref<1x100xi32, #tpu.memory_space<vmem>>
      %dma_wait3A_1035 = tpu.memref_squeeze %dma_wait3A_1034 : memref<1x100xi32, #tpu.memory_space<vmem>> -> memref<100xi32, #tpu.memory_space<vmem>>
      %dma_wait3A_1036 = arith.constant 0 : i32
      %dma_wait3A_1037 = arith.constant 0 : i32
      %dma_wait3A_1038 = tpu.memref_slice %arg3[%dma_wait3A_1036, %dma_wait3A_1037] : memref<1000000x64xf32, #tpu.memory_space<hbm>> -> memref<1000000x64xf32, #tpu.memory_space<hbm>>
      tpu.wait_indirect_dma semaphore(%arg9 : memref<!tpu.dma_semaphore, #tpu.memory_space<semaphore_mem>>) src(%dma_wait3A_1038 : memref<1000000x64xf32, #tpu.memory_space<hbm>>) dst(%dma_wait3A_1032 : memref<100x64xf32, #tpu.memory_space<vmem>>)
      %dma_wait3A_1039 = arith.constant 1 : i32
      %dma_wait3A_1040 = arith.constant 1 : i32
      %dma_wait3A_1041 = arith.constant 0 : i32
      %dma_wait3A_1042 = arith.constant 0 : i32
      %dma_wait3A_1043 = tpu.memref_slice %arg6[%dma_wait3A_1040, %dma_wait3A_1041, %dma_wait3A_1042] : memref<2x100x64xf32, #tpu.memory_space<vmem>> -> memref<1x100x64xf32, #tpu.memory_space<vmem>>
      %dma_wait3A_1044 = tpu.memref_squeeze %dma_wait3A_1043 : memref<1x100x64xf32, #tpu.memory_space<vmem>> -> memref<100x64xf32, #tpu.memory_space<vmem>>
      %dma_wait3A_1045 = arith.constant 0 : i32
      %dma_wait3A_1046 = tpu.memref_slice %arg5[%dma_wait3A_1039, %dma_wait3A_1045] : memref<256x100xi32, #tpu.memory_space<vmem>> -> memref<1x100xi32, #tpu.memory_space<vmem>>
      %dma_wait3A_1047 = tpu.memref_squeeze %dma_wait3A_1046 : memref<1x100xi32, #tpu.memory_space<vmem>> -> memref<100xi32, #tpu.memory_space<vmem>>
      %dma_wait3A_1048 = arith.constant 0 : i32
      %dma_wait3A_1049 = arith.constant 0 : i32
      %dma_wait3A_1050 = tpu.memref_slice %arg3[%dma_wait3A_1048, %dma_wait3A_1049] : memref<1000000x64xf32, #tpu.memory_space<hbm>> -> memref<1000000x64xf32, #tpu.memory_space<hbm>>
      tpu.wait_indirect_dma semaphore(%arg9 : memref<!tpu.dma_semaphore, #tpu.memory_space<semaphore_mem>>) src(%dma_wait3A_1050 : memref<1000000x64xf32, #tpu.memory_space<hbm>>) dst(%dma_wait3A_1044 : memref<100x64xf32, #tpu.memory_space<vmem>>)
      %parallel_loop3A_1051 = arith.constant 0 : i32
      %parallel_loop3A_1052 = arith.constant 100 : i32
      %parallel_loop3A_1053 = arith.constant 1 : i32
      scf.for %parallel_loop3A_1275 = %parallel_loop3A_1051 to %parallel_loop3A_1052 step %parallel_loop3A_1053  : i32 {
        %parallel_loop3A_1276 = arith.constant 0 : i32
        %parallel_loop3A_1277 = arith.index_cast %parallel_loop3A_1276 : i32 to index
        %parallel_loop3A_1278 = arith.index_cast %parallel_loop3A_1275 : i32 to index
        %parallel_loop3A_1279 = arith.constant 0 : index
        %parallel_loop3A_1280 = tpu.vector_load %arg6[%parallel_loop3A_1277, %parallel_loop3A_1278, %parallel_loop3A_1279] {strides = array<i32>} : memref<2x100x64xf32, #tpu.memory_space<vmem>>, vector<1x1x16xf32>,
        %parallel_loop3A_1281 = vector.shape_cast %parallel_loop3A_1280 : vector<1x1x16xf32> to vector<16xf32>
        %parallel_loop3A_1282 = arith.constant 8.000000e+00 : f32
        %parallel_loop3A_1283 = vector.broadcast %parallel_loop3A_1282 : f32 to vector<16xf32>
        %parallel_loop3A_1284 = arith.mulf %parallel_loop3A_1281, %parallel_loop3A_1283 : vector<16xf32>
        %parallel_loop3A_1285 = arith.constant 0 : i32
        %parallel_loop3A_1286 = arith.index_cast %parallel_loop3A_1285 : i32 to index
        %parallel_loop3A_1287 = arith.index_cast %parallel_loop3A_1275 : i32 to index
        %parallel_loop3A_1288 = arith.constant 0 : index
        %parallel_loop3A_1289 = tpu.vector_load %arg6[%parallel_loop3A_1286, %parallel_loop3A_1287, %parallel_loop3A_1288] {strides = array<i32>} : memref<2x100x64xf32, #tpu.memory_space<vmem>>, vector<1x1x16xf32>,
        %parallel_loop3A_1290 = vector.shape_cast %parallel_loop3A_1289 : vector<1x1x16xf32> to vector<16xf32>
        %parallel_loop3A_1291 = vector.shape_cast %parallel_loop3A_1284 : vector<16xf32> to vector<1x1x16xf32>
        tpu.vector_store %arg6[%parallel_loop3A_1286, %parallel_loop3A_1287, %parallel_loop3A_1288], %parallel_loop3A_1291 {strides = array<i32>} : memref<2x100x64xf32, #tpu.memory_space<vmem>>, vector<1x1x16xf32>,
        %parallel_loop3A_1292 = arith.constant 0 : i32
        %parallel_loop3A_1293 = arith.index_cast %parallel_loop3A_1292 : i32 to index
        %parallel_loop3A_1294 = arith.index_cast %parallel_loop3A_1275 : i32 to index
        %parallel_loop3A_1295 = arith.constant 16 : index
        %parallel_loop3A_1296 = tpu.vector_load %arg6[%parallel_loop3A_1293, %parallel_loop3A_1294, %parallel_loop3A_1295] {strides = array<i32>} : memref<2x100x64xf32, #tpu.memory_space<vmem>>, vector<1x1x16xf32>,
        %parallel_loop3A_1297 = vector.shape_cast %parallel_loop3A_1296 : vector<1x1x16xf32> to vector<16xf32>
        %parallel_loop3A_1298 = arith.constant 8.000000e+00 : f32
        %parallel_loop3A_1299 = vector.broadcast %parallel_loop3A_1298 : f32 to vector<16xf32>
        %parallel_loop3A_1300 = arith.mulf %parallel_loop3A_1297, %parallel_loop3A_1299 : vector<16xf32>
        %parallel_loop3A_1301 = arith.constant 0 : i32
        %parallel_loop3A_1302 = arith.index_cast %parallel_loop3A_1301 : i32 to index
        %parallel_loop3A_1303 = arith.index_cast %parallel_loop3A_1275 : i32 to index
        %parallel_loop3A_1304 = arith.constant 16 : index
        %parallel_loop3A_1305 = tpu.vector_load %arg6[%parallel_loop3A_1302, %parallel_loop3A_1303, %parallel_loop3A_1304] {strides = array<i32>} : memref<2x100x64xf32, #tpu.memory_space<vmem>>, vector<1x1x16xf32>,
        %parallel_loop3A_1306 = vector.shape_cast %parallel_loop3A_1305 : vector<1x1x16xf32> to vector<16xf32>
        %parallel_loop3A_1307 = vector.shape_cast %parallel_loop3A_1300 : vector<16xf32> to vector<1x1x16xf32>
        tpu.vector_store %arg6[%parallel_loop3A_1302, %parallel_loop3A_1303, %parallel_loop3A_1304], %parallel_loop3A_1307 {strides = array<i32>} : memref<2x100x64xf32, #tpu.memory_space<vmem>>, vector<1x1x16xf32>,
        %parallel_loop3A_1308 = arith.constant 0 : i32
        %parallel_loop3A_1309 = arith.index_cast %parallel_loop3A_1308 : i32 to index
        %parallel_loop3A_1310 = arith.index_cast %parallel_loop3A_1275 : i32 to index
        %parallel_loop3A_1311 = arith.constant 32 : index
        %parallel_loop3A_1312 = tpu.vector_load %arg6[%parallel_loop3A_1309, %parallel_loop3A_1310, %parallel_loop3A_1311] {strides = array<i32>} : memref<2x100x64xf32, #tpu.memory_space<vmem>>, vector<1x1x16xf32>,
        %parallel_loop3A_1313 = vector.shape_cast %parallel_loop3A_1312 : vector<1x1x16xf32> to vector<16xf32>
        %parallel_loop3A_1314 = arith.constant 8.000000e+00 : f32
        %parallel_loop3A_1315 = vector.broadcast %parallel_loop3A_1314 : f32 to vector<16xf32>
        %parallel_loop3A_1316 = arith.mulf %parallel_loop3A_1313, %parallel_loop3A_1315 : vector<16xf32>
        %parallel_loop3A_1317 = arith.constant 0 : i32
        %parallel_loop3A_1318 = arith.index_cast %parallel_loop3A_1317 : i32 to index
        %parallel_loop3A_1319 = arith.index_cast %parallel_loop3A_1275 : i32 to index
        %parallel_loop3A_1320 = arith.constant 32 : index
        %parallel_loop3A_1321 = tpu.vector_load %arg6[%parallel_loop3A_1318, %parallel_loop3A_1319, %parallel_loop3A_1320] {strides = array<i32>} : memref<2x100x64xf32, #tpu.memory_space<vmem>>, vector<1x1x16xf32>,
        %parallel_loop3A_1322 = vector.shape_cast %parallel_loop3A_1321 : vector<1x1x16xf32> to vector<16xf32>
        %parallel_loop3A_1323 = vector.shape_cast %parallel_loop3A_1316 : vector<16xf32> to vector<1x1x16xf32>
        tpu.vector_store %arg6[%parallel_loop3A_1318, %parallel_loop3A_1319, %parallel_loop3A_1320], %parallel_loop3A_1323 {strides = array<i32>} : memref<2x100x64xf32, #tpu.memory_space<vmem>>, vector<1x1x16xf32>,
        %parallel_loop3A_1324 = arith.constant 0 : i32
        %parallel_loop3A_1325 = arith.index_cast %parallel_loop3A_1324 : i32 to index
        %parallel_loop3A_1326 = arith.index_cast %parallel_loop3A_1275 : i32 to index
        %parallel_loop3A_1327 = arith.constant 48 : index
        %parallel_loop3A_1328 = tpu.vector_load %arg6[%parallel_loop3A_1325, %parallel_loop3A_1326, %parallel_loop3A_1327] {strides = array<i32>} : memref<2x100x64xf32, #tpu.memory_space<vmem>>, vector<1x1x16xf32>,
        %parallel_loop3A_1329 = vector.shape_cast %parallel_loop3A_1328 : vector<1x1x16xf32> to vector<16xf32>
        %parallel_loop3A_1330 = arith.constant 8.000000e+00 : f32
        %parallel_loop3A_1331 = vector.broadcast %parallel_loop3A_1330 : f32 to vector<16xf32>
        %parallel_loop3A_1332 = arith.mulf %parallel_loop3A_1329, %parallel_loop3A_1331 : vector<16xf32>
        %parallel_loop3A_1333 = arith.constant 0 : i32
        %parallel_loop3A_1334 = arith.index_cast %parallel_loop3A_1333 : i32 to index
        %parallel_loop3A_1335 = arith.index_cast %parallel_loop3A_1275 : i32 to index
        %parallel_loop3A_1336 = arith.constant 48 : index
        %parallel_loop3A_1337 = tpu.vector_load %arg6[%parallel_loop3A_1334, %parallel_loop3A_1335, %parallel_loop3A_1336] {strides = array<i32>} : memref<2x100x64xf32, #tpu.memory_space<vmem>>, vector<1x1x16xf32>,
        %parallel_loop3A_1338 = vector.shape_cast %parallel_loop3A_1337 : vector<1x1x16xf32> to vector<16xf32>
        %parallel_loop3A_1339 = vector.shape_cast %parallel_loop3A_1332 : vector<16xf32> to vector<1x1x16xf32>
        tpu.vector_store %arg6[%parallel_loop3A_1334, %parallel_loop3A_1335, %parallel_loop3A_1336], %parallel_loop3A_1339 {strides = array<i32>} : memref<2x100x64xf32, #tpu.memory_space<vmem>>, vector<1x1x16xf32>,
      } {sc.loop_unroll_factor = 4 : i64, sc.parallel_access}
      %mul3A_1054 = arith.constant 2 : i32
      %mul3A_1055 = arith.muli %add3A_944, %mul3A_1054 : i32
      %add3A_1056 = arith.addi %mul3A_2, %mul3A_1055 : i32
      %add3A_1057 = arith.constant 0 : i32
      %add3A_1058 = arith.addi %add3A_1056, %add3A_1057 : i32
      %shift_right_logical3A_1059 = arith.constant 1 : i32
      %shift_right_logical3A_1060 = arith.shrui %add3A_1058, %shift_right_logical3A_1059 : i32
      %and3A_1061 = arith.constant 1 : i32
      %and3A_1062 = arith.andi %add3A_1058, %and3A_1061 : i32
      %mul3A_1063 = arith.constant 100 : i32
      %mul3A_1064 = arith.muli %and3A_1062, %mul3A_1063 : i32
      %dma_start3A_1065 = arith.constant 0 : i32
      %dma_start3A_1066 = arith.constant 0 : i32
      %dma_start3A_1067 = arith.constant 0 : i32
      %dma_start3A_1068 = tpu.memref_slice %arg6[%dma_start3A_1065, %dma_start3A_1066, %dma_start3A_1067] : memref<2x100x64xf32, #tpu.memory_space<vmem>> -> memref<1x100x64xf32, #tpu.memory_space<vmem>>
      %dma_start3A_1069 = tpu.memref_squeeze %dma_start3A_1068 : memref<1x100x64xf32, #tpu.memory_space<vmem>> -> memref<100x64xf32, #tpu.memory_space<vmem>>
      %dma_start3A_1070 = arith.constant 0 : i32
      %dma_start3A_1071 = tpu.memref_slice %arg4[%shift_right_logical3A_1060, %mul3A_1064, %dma_start3A_1070] : memref<4096x200x64xf32, #tpu.memory_space<hbm>> -> memref<1x100x64xf32, #tpu.memory_space<hbm>>
      %dma_start3A_1072 = tpu.memref_squeeze %dma_start3A_1071 : memref<1x100x64xf32, #tpu.memory_space<hbm>> -> memref<100x64xf32, #tpu.memory_space<hbm>>
      %dma_start3A_1073 = arith.constant 0 : i32
      %dma_start3A_1074 = tpu.memref_slice %arg4[%shift_right_logical3A_1060, %mul3A_1064, %dma_start3A_1073] : memref<4096x200x64xf32, #tpu.memory_space<hbm>> -> memref<1x100x64xf32, #tpu.memory_space<hbm>>
      %dma_start3A_1075 = tpu.memref_squeeze %dma_start3A_1074 : memref<1x100x64xf32, #tpu.memory_space<hbm>> -> memref<100x64xf32, #tpu.memory_space<hbm>>
      %dma_start3A_1076 = arith.constant 0 : i32
      %dma_start3A_1077 = arith.constant 0 : i32
      %dma_start3A_1078 = tpu.memref_slice %arg6[%dma_start3A_1065, %dma_start3A_1076, %dma_start3A_1077] : memref<2x100x64xf32, #tpu.memory_space<vmem>> -> memref<1x100x64xf32, #tpu.memory_space<vmem>>
      %dma_start3A_1079 = tpu.memref_squeeze %dma_start3A_1078 : memref<1x100x64xf32, #tpu.memory_space<vmem>> -> memref<100x64xf32, #tpu.memory_space<vmem>>
      tpu.enqueue_dma source(%dma_start3A_1079 : memref<100x64xf32, #tpu.memory_space<vmem>>) target(%dma_start3A_1075 : memref<100x64xf32, #tpu.memory_space<hbm>>) target_semaphore(%arg12 : memref<!tpu.dma_semaphore, #tpu.memory_space<semaphore_mem>>)
      %parallel_loop3A_1080 = arith.constant 0 : i32
      %parallel_loop3A_1081 = arith.constant 100 : i32
      %parallel_loop3A_1082 = arith.constant 1 : i32
      scf.for %parallel_loop3A_1275 = %parallel_loop3A_1080 to %parallel_loop3A_1081 step %parallel_loop3A_1082  : i32 {
        %parallel_loop3A_1276 = arith.constant 1 : i32
        %parallel_loop3A_1277 = arith.index_cast %parallel_loop3A_1276 : i32 to index
        %parallel_loop3A_1278 = arith.index_cast %parallel_loop3A_1275 : i32 to index
        %parallel_loop3A_1279 = arith.constant 0 : index
        %parallel_loop3A_1280 = tpu.vector_load %arg6[%parallel_loop3A_1277, %parallel_loop3A_1278, %parallel_loop3A_1279] {strides = array<i32>} : memref<2x100x64xf32, #tpu.memory_space<vmem>>, vector<1x1x16xf32>,
        %parallel_loop3A_1281 = vector.shape_cast %parallel_loop3A_1280 : vector<1x1x16xf32> to vector<16xf32>
        %parallel_loop3A_1282 = arith.constant 8.000000e+00 : f32
        %parallel_loop3A_1283 = vector.broadcast %parallel_loop3A_1282 : f32 to vector<16xf32>
        %parallel_loop3A_1284 = arith.mulf %parallel_loop3A_1281, %parallel_loop3A_1283 : vector<16xf32>
        %parallel_loop3A_1285 = arith.constant 1 : i32
        %parallel_loop3A_1286 = arith.index_cast %parallel_loop3A_1285 : i32 to index
        %parallel_loop3A_1287 = arith.index_cast %parallel_loop3A_1275 : i32 to index
        %parallel_loop3A_1288 = arith.constant 0 : index
        %parallel_loop3A_1289 = tpu.vector_load %arg6[%parallel_loop3A_1286, %parallel_loop3A_1287, %parallel_loop3A_1288] {strides = array<i32>} : memref<2x100x64xf32, #tpu.memory_space<vmem>>, vector<1x1x16xf32>,
        %parallel_loop3A_1290 = vector.shape_cast %parallel_loop3A_1289 : vector<1x1x16xf32> to vector<16xf32>
        %parallel_loop3A_1291 = vector.shape_cast %parallel_loop3A_1284 : vector<16xf32> to vector<1x1x16xf32>
        tpu.vector_store %arg6[%parallel_loop3A_1286, %parallel_loop3A_1287, %parallel_loop3A_1288], %parallel_loop3A_1291 {strides = array<i32>} : memref<2x100x64xf32, #tpu.memory_space<vmem>>, vector<1x1x16xf32>,
        %parallel_loop3A_1292 = arith.constant 1 : i32
        %parallel_loop3A_1293 = arith.index_cast %parallel_loop3A_1292 : i32 to index
        %parallel_loop3A_1294 = arith.index_cast %parallel_loop3A_1275 : i32 to index
        %parallel_loop3A_1295 = arith.constant 16 : index
        %parallel_loop3A_1296 = tpu.vector_load %arg6[%parallel_loop3A_1293, %parallel_loop3A_1294, %parallel_loop3A_1295] {strides = array<i32>} : memref<2x100x64xf32, #tpu.memory_space<vmem>>, vector<1x1x16xf32>,
        %parallel_loop3A_1297 = vector.shape_cast %parallel_loop3A_1296 : vector<1x1x16xf32> to vector<16xf32>
        %parallel_loop3A_1298 = arith.constant 8.000000e+00 : f32
        %parallel_loop3A_1299 = vector.broadcast %parallel_loop3A_1298 : f32 to vector<16xf32>
        %parallel_loop3A_1300 = arith.mulf %parallel_loop3A_1297, %parallel_loop3A_1299 : vector<16xf32>
        %parallel_loop3A_1301 = arith.constant 1 : i32
        %parallel_loop3A_1302 = arith.index_cast %parallel_loop3A_1301 : i32 to index
        %parallel_loop3A_1303 = arith.index_cast %parallel_loop3A_1275 : i32 to index
        %parallel_loop3A_1304 = arith.constant 16 : index
        %parallel_loop3A_1305 = tpu.vector_load %arg6[%parallel_loop3A_1302, %parallel_loop3A_1303, %parallel_loop3A_1304] {strides = array<i32>} : memref<2x100x64xf32, #tpu.memory_space<vmem>>, vector<1x1x16xf32>,
        %parallel_loop3A_1306 = vector.shape_cast %parallel_loop3A_1305 : vector<1x1x16xf32> to vector<16xf32>
        %parallel_loop3A_1307 = vector.shape_cast %parallel_loop3A_1300 : vector<16xf32> to vector<1x1x16xf32>
        tpu.vector_store %arg6[%parallel_loop3A_1302, %parallel_loop3A_1303, %parallel_loop3A_1304], %parallel_loop3A_1307 {strides = array<i32>} : memref<2x100x64xf32, #tpu.memory_space<vmem>>, vector<1x1x16xf32>,
        %parallel_loop3A_1308 = arith.constant 1 : i32
        %parallel_loop3A_1309 = arith.index_cast %parallel_loop3A_1308 : i32 to index
        %parallel_loop3A_1310 = arith.index_cast %parallel_loop3A_1275 : i32 to index
        %parallel_loop3A_1311 = arith.constant 32 : index
        %parallel_loop3A_1312 = tpu.vector_load %arg6[%parallel_loop3A_1309, %parallel_loop3A_1310, %parallel_loop3A_1311] {strides = array<i32>} : memref<2x100x64xf32, #tpu.memory_space<vmem>>, vector<1x1x16xf32>,
        %parallel_loop3A_1313 = vector.shape_cast %parallel_loop3A_1312 : vector<1x1x16xf32> to vector<16xf32>
        %parallel_loop3A_1314 = arith.constant 8.000000e+00 : f32
        %parallel_loop3A_1315 = vector.broadcast %parallel_loop3A_1314 : f32 to vector<16xf32>
        %parallel_loop3A_1316 = arith.mulf %parallel_loop3A_1313, %parallel_loop3A_1315 : vector<16xf32>
        %parallel_loop3A_1317 = arith.constant 1 : i32
        %parallel_loop3A_1318 = arith.index_cast %parallel_loop3A_1317 : i32 to index
        %parallel_loop3A_1319 = arith.index_cast %parallel_loop3A_1275 : i32 to index
        %parallel_loop3A_1320 = arith.constant 32 : index
        %parallel_loop3A_1321 = tpu.vector_load %arg6[%parallel_loop3A_1318, %parallel_loop3A_1319, %parallel_loop3A_1320] {strides = array<i32>} : memref<2x100x64xf32, #tpu.memory_space<vmem>>, vector<1x1x16xf32>,
        %parallel_loop3A_1322 = vector.shape_cast %parallel_loop3A_1321 : vector<1x1x16xf32> to vector<16xf32>
        %parallel_loop3A_1323 = vector.shape_cast %parallel_loop3A_1316 : vector<16xf32> to vector<1x1x16xf32>
        tpu.vector_store %arg6[%parallel_loop3A_1318, %parallel_loop3A_1319, %parallel_loop3A_1320], %parallel_loop3A_1323 {strides = array<i32>} : memref<2x100x64xf32, #tpu.memory_space<vmem>>, vector<1x1x16xf32>,
        %parallel_loop3A_1324 = arith.constant 1 : i32
        %parallel_loop3A_1325 = arith.index_cast %parallel_loop3A_1324 : i32 to index
        %parallel_loop3A_1326 = arith.index_cast %parallel_loop3A_1275 : i32 to index
        %parallel_loop3A_1327 = arith.constant 48 : index
        %parallel_loop3A_1328 = tpu.vector_load %arg6[%parallel_loop3A_1325, %parallel_loop3A_1326, %parallel_loop3A_1327] {strides = array<i32>} : memref<2x100x64xf32, #tpu.memory_space<vmem>>, vector<1x1x16xf32>,
        %parallel_loop3A_1329 = vector.shape_cast %parallel_loop3A_1328 : vector<1x1x16xf32> to vector<16xf32>
        %parallel_loop3A_1330 = arith.constant 8.000000e+00 : f32
        %parallel_loop3A_1331 = vector.broadcast %parallel_loop3A_1330 : f32 to vector<16xf32>
        %parallel_loop3A_1332 = arith.mulf %parallel_loop3A_1329, %parallel_loop3A_1331 : vector<16xf32>
        %parallel_loop3A_1333 = arith.constant 1 : i32
        %parallel_loop3A_1334 = arith.index_cast %parallel_loop3A_1333 : i32 to index
        %parallel_loop3A_1335 = arith.index_cast %parallel_loop3A_1275 : i32 to index
        %parallel_loop3A_1336 = arith.constant 48 : index
        %parallel_loop3A_1337 = tpu.vector_load %arg6[%parallel_loop3A_1334, %parallel_loop3A_1335, %parallel_loop3A_1336] {strides = array<i32>} : memref<2x100x64xf32, #tpu.memory_space<vmem>>, vector<1x1x16xf32>,
        %parallel_loop3A_1338 = vector.shape_cast %parallel_loop3A_1337 : vector<1x1x16xf32> to vector<16xf32>
        %parallel_loop3A_1339 = vector.shape_cast %parallel_loop3A_1332 : vector<16xf32> to vector<1x1x16xf32>
        tpu.vector_store %arg6[%parallel_loop3A_1334, %parallel_loop3A_1335, %parallel_loop3A_1336], %parallel_loop3A_1339 {strides = array<i32>} : memref<2x100x64xf32, #tpu.memory_space<vmem>>, vector<1x1x16xf32>,
      } {sc.loop_unroll_factor = 4 : i64, sc.parallel_access}
      %mul3A_1083 = arith.constant 2 : i32
      %mul3A_1084 = arith.muli %add3A_944, %mul3A_1083 : i32
      %add3A_1085 = arith.addi %mul3A_2, %mul3A_1084 : i32
      %add3A_1086 = arith.constant 1 : i32
      %add3A_1087 = arith.addi %add3A_1085, %add3A_1086 : i32
      %shift_right_logical3A_1088 = arith.constant 1 : i32
      %shift_right_logical3A_1089 = arith.shrui %add3A_1087, %shift_right_logical3A_1088 : i32
      %and3A_1090 = arith.constant 1 : i32
      %and3A_1091 = arith.andi %add3A_1087, %and3A_1090 : i32
      %mul3A_1092 = arith.constant 100 : i32
      %mul3A_1093 = arith.muli %and3A_1091, %mul3A_1092 : i32
      %dma_start3A_1094 = arith.constant 1 : i32
      %dma_start3A_1095 = arith.constant 0 : i32
      %dma_start3A_1096 = arith.constant 0 : i32
      %dma_start3A_1097 = tpu.memref_slice %arg6[%dma_start3A_1094, %dma_start3A_1095, %dma_start3A_1096] : memref<2x100x64xf32, #tpu.memory_space<vmem>> -> memref<1x100x64xf32, #tpu.memory_space<vmem>>
      %dma_start3A_1098 = tpu.memref_squeeze %dma_start3A_1097 : memref<1x100x64xf32, #tpu.memory_space<vmem>> -> memref<100x64xf32, #tpu.memory_space<vmem>>
      %dma_start3A_1099 = arith.constant 0 : i32
      %dma_start3A_1100 = tpu.memref_slice %arg4[%shift_right_logical3A_1089, %mul3A_1093, %dma_start3A_1099] : memref<4096x200x64xf32, #tpu.memory_space<hbm>> -> memref<1x100x64xf32, #tpu.memory_space<hbm>>
      %dma_start3A_1101 = tpu.memref_squeeze %dma_start3A_1100 : memref<1x100x64xf32, #tpu.memory_space<hbm>> -> memref<100x64xf32, #tpu.memory_space<hbm>>
      %dma_start3A_1102 = arith.constant 0 : i32
      %dma_start3A_1103 = tpu.memref_slice %arg4[%shift_right_logical3A_1089, %mul3A_1093, %dma_start3A_1102] : memref<4096x200x64xf32, #tpu.memory_space<hbm>> -> memref<1x100x64xf32, #tpu.memory_space<hbm>>
      %dma_start3A_1104 = tpu.memref_squeeze %dma_start3A_1103 : memref<1x100x64xf32, #tpu.memory_space<hbm>> -> memref<100x64xf32, #tpu.memory_space<hbm>>
      %dma_start3A_1105 = arith.constant 0 : i32
      %dma_start3A_1106 = arith.constant 0 : i32
      %dma_start3A_1107 = tpu.memref_slice %arg6[%dma_start3A_1094, %dma_start3A_1105, %dma_start3A_1106] : memref<2x100x64xf32, #tpu.memory_space<vmem>> -> memref<1x100x64xf32, #tpu.memory_space<vmem>>
      %dma_start3A_1108 = tpu.memref_squeeze %dma_start3A_1107 : memref<1x100x64xf32, #tpu.memory_space<vmem>> -> memref<100x64xf32, #tpu.memory_space<vmem>>
      tpu.enqueue_dma source(%dma_start3A_1108 : memref<100x64xf32, #tpu.memory_space<vmem>>) target(%dma_start3A_1104 : memref<100x64xf32, #tpu.memory_space<hbm>>) target_semaphore(%arg12 : memref<!tpu.dma_semaphore, #tpu.memory_space<semaphore_mem>>)
      %add3A_1109 = arith.constant 2 : i32
      %add3A_1110 = arith.addi %add3A_776, %add3A_1109 : i32
      %add3A_1111 = arith.constant 0 : i32
      %add3A_1112 = arith.addi %mul3A_2, %add3A_1111 : i32
      %add3A_1113 = arith.constant 0 : i32
      %add3A_1114 = arith.addi %add3A_1112, %add3A_1113 : i32
      %shift_right_logical3A_1115 = arith.constant 1 : i32
      %shift_right_logical3A_1116 = arith.shrui %add3A_1114, %shift_right_logical3A_1115 : i32
      %and3A_1117 = arith.constant 1 : i32
      %and3A_1118 = arith.andi %add3A_1114, %and3A_1117 : i32
      %mul3A_1119 = arith.constant 100 : i32
      %mul3A_1120 = arith.muli %and3A_1118, %mul3A_1119 : i32
      %dma_wait3A_1121 = arith.constant 0 : i32
      %dma_wait3A_1122 = arith.constant 0 : i32
      %dma_wait3A_1123 = arith.constant 0 : i32
      %dma_wait3A_1124 = tpu.memref_slice %arg8[%dma_wait3A_1121, %dma_wait3A_1122, %dma_wait3A_1123] : memref<2x100x64xf32, #tpu.memory_space<vmem>> -> memref<1x100x64xf32, #tpu.memory_space<vmem>>
      %dma_wait3A_1125 = tpu.memref_squeeze %dma_wait3A_1124 : memref<1x100x64xf32, #tpu.memory_space<vmem>> -> memref<100x64xf32, #tpu.memory_space<vmem>>
      %dma_wait3A_1126 = arith.constant 0 : i32
      %dma_wait3A_1127 = tpu.memref_slice %arg4[%shift_right_logical3A_1116, %mul3A_1120, %dma_wait3A_1126] : memref<4096x200x64xf32, #tpu.memory_space<hbm>> -> memref<1x100x64xf32, #tpu.memory_space<hbm>>
      %dma_wait3A_1128 = tpu.memref_squeeze %dma_wait3A_1127 : memref<1x100x64xf32, #tpu.memory_space<hbm>> -> memref<100x64xf32, #tpu.memory_space<hbm>>
      %dma_wait3A_1129 = arith.constant 0 : i32
      %dma_wait3A_1130 = tpu.memref_slice %arg4[%shift_right_logical3A_1116, %mul3A_1120, %dma_wait3A_1129] : memref<4096x200x64xf32, #tpu.memory_space<hbm>> -> memref<1x100x64xf32, #tpu.memory_space<hbm>>
      %dma_wait3A_1131 = tpu.memref_squeeze %dma_wait3A_1130 : memref<1x100x64xf32, #tpu.memory_space<hbm>> -> memref<100x64xf32, #tpu.memory_space<hbm>>
      %dma_wait3A_1132 = arith.constant 0 : i32
      %dma_wait3A_1133 = arith.constant 0 : i32
      %dma_wait3A_1134 = tpu.memref_slice %arg8[%dma_wait3A_1121, %dma_wait3A_1132, %dma_wait3A_1133] : memref<2x100x64xf32, #tpu.memory_space<vmem>> -> memref<1x100x64xf32, #tpu.memory_space<vmem>>
      %dma_wait3A_1135 = tpu.memref_squeeze %dma_wait3A_1134 : memref<1x100x64xf32, #tpu.memory_space<vmem>> -> memref<100x64xf32, #tpu.memory_space<vmem>>
      tpu.wait_dma2 semaphore(%arg14 : memref<!tpu.dma_semaphore, #tpu.memory_space<semaphore_mem>>) src(%dma_wait3A_1135 : memref<100x64xf32, #tpu.memory_space<vmem>>) dst(%dma_wait3A_1131 : memref<100x64xf32, #tpu.memory_space<hbm>>)
      %add3A_1136 = arith.constant 0 : i32
      %add3A_1137 = arith.addi %mul3A_2, %add3A_1136 : i32
      %add3A_1138 = arith.constant 1 : i32
      %add3A_1139 = arith.addi %add3A_1137, %add3A_1138 : i32
      %shift_right_logical3A_1140 = arith.constant 1 : i32
      %shift_right_logical3A_1141 = arith.shrui %add3A_1139, %shift_right_logical3A_1140 : i32
      %and3A_1142 = arith.constant 1 : i32
      %and3A_1143 = arith.andi %add3A_1139, %and3A_1142 : i32
      %mul3A_1144 = arith.constant 100 : i32
      %mul3A_1145 = arith.muli %and3A_1143, %mul3A_1144 : i32
      %dma_wait3A_1146 = arith.constant 1 : i32
      %dma_wait3A_1147 = arith.constant 0 : i32
      %dma_wait3A_1148 = arith.constant 0 : i32
      %dma_wait3A_1149 = tpu.memref_slice %arg8[%dma_wait3A_1146, %dma_wait3A_1147, %dma_wait3A_1148] : memref<2x100x64xf32, #tpu.memory_space<vmem>> -> memref<1x100x64xf32, #tpu.memory_space<vmem>>
      %dma_wait3A_1150 = tpu.memref_squeeze %dma_wait3A_1149 : memref<1x100x64xf32, #tpu.memory_space<vmem>> -> memref<100x64xf32, #tpu.memory_space<vmem>>
      %dma_wait3A_1151 = arith.constant 0 : i32
      %dma_wait3A_1152 = tpu.memref_slice %arg4[%shift_right_logical3A_1141, %mul3A_1145, %dma_wait3A_1151] : memref<4096x200x64xf32, #tpu.memory_space<hbm>> -> memref<1x100x64xf32, #tpu.memory_space<hbm>>
      %dma_wait3A_1153 = tpu.memref_squeeze %dma_wait3A_1152 : memref<1x100x64xf32, #tpu.memory_space<hbm>> -> memref<100x64xf32, #tpu.memory_space<hbm>>
      %dma_wait3A_1154 = arith.constant 0 : i32
      %dma_wait3A_1155 = tpu.memref_slice %arg4[%shift_right_logical3A_1141, %mul3A_1145, %dma_wait3A_1154] : memref<4096x200x64xf32, #tpu.memory_space<hbm>> -> memref<1x100x64xf32, #tpu.memory_space<hbm>>
      %dma_wait3A_1156 = tpu.memref_squeeze %dma_wait3A_1155 : memref<1x100x64xf32, #tpu.memory_space<hbm>> -> memref<100x64xf32, #tpu.memory_space<hbm>>
      %dma_wait3A_1157 = arith.constant 0 : i32
      %dma_wait3A_1158 = arith.constant 0 : i32
      %dma_wait3A_1159 = tpu.memref_slice %arg8[%dma_wait3A_1146, %dma_wait3A_1157, %dma_wait3A_1158] : memref<2x100x64xf32, #tpu.memory_space<vmem>> -> memref<1x100x64xf32, #tpu.memory_space<vmem>>
      %dma_wait3A_1160 = tpu.memref_squeeze %dma_wait3A_1159 : memref<1x100x64xf32, #tpu.memory_space<vmem>> -> memref<100x64xf32, #tpu.memory_space<vmem>>
      tpu.wait_dma2 semaphore(%arg14 : memref<!tpu.dma_semaphore, #tpu.memory_space<semaphore_mem>>) src(%dma_wait3A_1160 : memref<100x64xf32, #tpu.memory_space<vmem>>) dst(%dma_wait3A_1156 : memref<100x64xf32, #tpu.memory_space<hbm>>)
      %add3A_1161 = arith.constant 1 : i32
      %add3A_1162 = arith.addi %add3A_1110, %add3A_1161 : i32
      %mul3A_1163 = arith.constant 2 : i32
      %mul3A_1164 = arith.muli %add3A_1162, %mul3A_1163 : i32
      %add3A_1165 = arith.constant 0 : i32
      %add3A_1166 = arith.addi %mul3A_1164, %add3A_1165 : i32
      %dma_start3A_1167 = arith.constant 0 : i32
      %dma_start3A_1168 = arith.constant 0 : i32
      %dma_start3A_1169 = arith.constant 0 : i32
      %dma_start3A_1170 = tpu.memref_slice %arg8[%dma_start3A_1167, %dma_start3A_1168, %dma_start3A_1169] : memref<2x100x64xf32, #tpu.memory_space<vmem>> -> memref<1x100x64xf32, #tpu.memory_space<vmem>>
      %dma_start3A_1171 = tpu.memref_squeeze %dma_start3A_1170 : memref<1x100x64xf32, #tpu.memory_space<vmem>> -> memref<100x64xf32, #tpu.memory_space<vmem>>
      %dma_start3A_1172 = arith.constant 0 : i32
      %dma_start3A_1173 = tpu.memref_slice %arg5[%add3A_1166, %dma_start3A_1172] : memref<256x100xi32, #tpu.memory_space<vmem>> -> memref<1x100xi32, #tpu.memory_space<vmem>>
      %dma_start3A_1174 = tpu.memref_squeeze %dma_start3A_1173 : memref<1x100xi32, #tpu.memory_space<vmem>> -> memref<100xi32, #tpu.memory_space<vmem>>
      %dma_start3A_1175 = arith.constant 0 : i32
      %dma_start3A_1176 = arith.constant 0 : i32
      %dma_start3A_1177 = tpu.memref_slice %arg3[%dma_start3A_1175, %dma_start3A_1176] : memref<1000000x64xf32, #tpu.memory_space<hbm>> -> memref<1000000x64xf32, #tpu.memory_space<hbm>>
      tpu.enqueue_indirect_dma source(%dma_start3A_1177 : memref<1000000x64xf32, #tpu.memory_space<hbm>>) target(%dma_start3A_1171 : memref<100x64xf32, #tpu.memory_space<vmem>>) offsets(%dma_start3A_1174 : memref<100xi32, #tpu.memory_space<vmem>>) semaphore(%arg11 : memref<!tpu.dma_semaphore, #tpu.memory_space<semaphore_mem>>)
      %mul3A_1178 = arith.constant 2 : i32
      %mul3A_1179 = arith.muli %add3A_1162, %mul3A_1178 : i32
      %add3A_1180 = arith.constant 1 : i32
      %add3A_1181 = arith.addi %mul3A_1179, %add3A_1180 : i32
      %dma_start3A_1182 = arith.constant 1 : i32
      %dma_start3A_1183 = arith.constant 0 : i32
      %dma_start3A_1184 = arith.constant 0 : i32
      %dma_start3A_1185 = tpu.memref_slice %arg8[%dma_start3A_1182, %dma_start3A_1183, %dma_start3A_1184] : memref<2x100x64xf32, #tpu.memory_space<vmem>> -> memref<1x100x64xf32, #tpu.memory_space<vmem>>
      %dma_start3A_1186 = tpu.memref_squeeze %dma_start3A_1185 : memref<1x100x64xf32, #tpu.memory_space<vmem>> -> memref<100x64xf32, #tpu.memory_space<vmem>>
      %dma_start3A_1187 = arith.constant 0 : i32
      %dma_start3A_1188 = tpu.memref_slice %arg5[%add3A_1181, %dma_start3A_1187] : memref<256x100xi32, #tpu.memory_space<vmem>> -> memref<1x100xi32, #tpu.memory_space<vmem>>
      %dma_start3A_1189 = tpu.memref_squeeze %dma_start3A_1188 : memref<1x100xi32, #tpu.memory_space<vmem>> -> memref<100xi32, #tpu.memory_space<vmem>>
      %dma_start3A_1190 = arith.constant 0 : i32
      %dma_start3A_1191 = arith.constant 0 : i32
      %dma_start3A_1192 = tpu.memref_slice %arg3[%dma_start3A_1190, %dma_start3A_1191] : memref<1000000x64xf32, #tpu.memory_space<hbm>> -> memref<1000000x64xf32, #tpu.memory_space<hbm>>
      tpu.enqueue_indirect_dma source(%dma_start3A_1192 : memref<1000000x64xf32, #tpu.memory_space<hbm>>) target(%dma_start3A_1186 : memref<100x64xf32, #tpu.memory_space<vmem>>) offsets(%dma_start3A_1189 : memref<100xi32, #tpu.memory_space<vmem>>) semaphore(%arg11 : memref<!tpu.dma_semaphore, #tpu.memory_space<semaphore_mem>>)
      %dma_wait3A_1193 = arith.constant 0 : i32
      %dma_wait3A_1194 = arith.constant 0 : i32
      %dma_wait3A_1195 = arith.constant 0 : i32
      %dma_wait3A_1196 = arith.constant 0 : i32
      %dma_wait3A_1197 = tpu.memref_slice %arg7[%dma_wait3A_1194, %dma_wait3A_1195, %dma_wait3A_1196] : memref<2x100x64xf32, #tpu.memory_space<vmem>> -> memref<1x100x64xf32, #tpu.memory_space<vmem>>
      %dma_wait3A_1198 = tpu.memref_squeeze %dma_wait3A_1197 : memref<1x100x64xf32, #tpu.memory_space<vmem>> -> memref<100x64xf32, #tpu.memory_space<vmem>>
      %dma_wait3A_1199 = arith.constant 0 : i32
      %dma_wait3A_1200 = tpu.memref_slice %arg5[%dma_wait3A_1193, %dma_wait3A_1199] : memref<256x100xi32, #tpu.memory_space<vmem>> -> memref<1x100xi32, #tpu.memory_space<vmem>>
      %dma_wait3A_1201 = tpu.memref_squeeze %dma_wait3A_1200 : memref<1x100xi32, #tpu.memory_space<vmem>> -> memref<100xi32, #tpu.memory_space<vmem>>
      %dma_wait3A_1202 = arith.constant 0 : i32
      %dma_wait3A_1203 = arith.constant 0 : i32
      %dma_wait3A_1204 = tpu.memref_slice %arg3[%dma_wait3A_1202, %dma_wait3A_1203] : memref<1000000x64xf32, #tpu.memory_space<hbm>> -> memref<1000000x64xf32, #tpu.memory_space<hbm>>
      tpu.wait_indirect_dma semaphore(%arg10 : memref<!tpu.dma_semaphore, #tpu.memory_space<semaphore_mem>>) src(%dma_wait3A_1204 : memref<1000000x64xf32, #tpu.memory_space<hbm>>) dst(%dma_wait3A_1198 : memref<100x64xf32, #tpu.memory_space<vmem>>)
      %dma_wait3A_1205 = arith.constant 1 : i32
      %dma_wait3A_1206 = arith.constant 1 : i32
      %dma_wait3A_1207 = arith.constant 0 : i32
      %dma_wait3A_1208 = arith.constant 0 : i32
      %dma_wait3A_1209 = tpu.memref_slice %arg7[%dma_wait3A_1206, %dma_wait3A_1207, %dma_wait3A_1208] : memref<2x100x64xf32, #tpu.memory_space<vmem>> -> memref<1x100x64xf32, #tpu.memory_space<vmem>>
      %dma_wait3A_1210 = tpu.memref_squeeze %dma_wait3A_1209 : memref<1x100x64xf32, #tpu.memory_space<vmem>> -> memref<100x64xf32, #tpu.memory_space<vmem>>
      %dma_wait3A_1211 = arith.constant 0 : i32
      %dma_wait3A_1212 = tpu.memref_slice %arg5[%dma_wait3A_1205, %dma_wait3A_1211] : memref<256x100xi32, #tpu.memory_space<vmem>> -> memref<1x100xi32, #tpu.memory_space<vmem>>
      %dma_wait3A_1213 = tpu.memref_squeeze %dma_wait3A_1212 : memref<1x100xi32, #tpu.memory_space<vmem>> -> memref<100xi32, #tpu.memory_space<vmem>>
      %dma_wait3A_1214 = arith.constant 0 : i32
      %dma_wait3A_1215 = arith.constant 0 : i32
      %dma_wait3A_1216 = tpu.memref_slice %arg3[%dma_wait3A_1214, %dma_wait3A_1215] : memref<1000000x64xf32, #tpu.memory_space<hbm>> -> memref<1000000x64xf32, #tpu.memory_space<hbm>>
      tpu.wait_indirect_dma semaphore(%arg10 : memref<!tpu.dma_semaphore, #tpu.memory_space<semaphore_mem>>) src(%dma_wait3A_1216 : memref<1000000x64xf32, #tpu.memory_space<hbm>>) dst(%dma_wait3A_1210 : memref<100x64xf32, #tpu.memory_space<vmem>>)
      %parallel_loop3A_1217 = arith.constant 0 : i32
      %parallel_loop3A_1218 = arith.constant 100 : i32
      %parallel_loop3A_1219 = arith.constant 1 : i32
      scf.for %parallel_loop3A_1275 = %parallel_loop3A_1217 to %parallel_loop3A_1218 step %parallel_loop3A_1219  : i32 {
        %parallel_loop3A_1276 = arith.constant 0 : i32
        %parallel_loop3A_1277 = arith.index_cast %parallel_loop3A_1276 : i32 to index
        %parallel_loop3A_1278 = arith.index_cast %parallel_loop3A_1275 : i32 to index
        %parallel_loop3A_1279 = arith.constant 0 : index
        %parallel_loop3A_1280 = tpu.vector_load %arg7[%parallel_loop3A_1277, %parallel_loop3A_1278, %parallel_loop3A_1279] {strides = array<i32>} : memref<2x100x64xf32, #tpu.memory_space<vmem>>, vector<1x1x16xf32>,
        %parallel_loop3A_1281 = vector.shape_cast %parallel_loop3A_1280 : vector<1x1x16xf32> to vector<16xf32>
        %parallel_loop3A_1282 = arith.constant 8.000000e+00 : f32
        %parallel_loop3A_1283 = vector.broadcast %parallel_loop3A_1282 : f32 to vector<16xf32>
        %parallel_loop3A_1284 = arith.mulf %parallel_loop3A_1281, %parallel_loop3A_1283 : vector<16xf32>
        %parallel_loop3A_1285 = arith.constant 0 : i32
        %parallel_loop3A_1286 = arith.index_cast %parallel_loop3A_1285 : i32 to index
        %parallel_loop3A_1287 = arith.index_cast %parallel_loop3A_1275 : i32 to index
        %parallel_loop3A_1288 = arith.constant 0 : index
        %parallel_loop3A_1289 = tpu.vector_load %arg7[%parallel_loop3A_1286, %parallel_loop3A_1287, %parallel_loop3A_1288] {strides = array<i32>} : memref<2x100x64xf32, #tpu.memory_space<vmem>>, vector<1x1x16xf32>,
        %parallel_loop3A_1290 = vector.shape_cast %parallel_loop3A_1289 : vector<1x1x16xf32> to vector<16xf32>
        %parallel_loop3A_1291 = vector.shape_cast %parallel_loop3A_1284 : vector<16xf32> to vector<1x1x16xf32>
        tpu.vector_store %arg7[%parallel_loop3A_1286, %parallel_loop3A_1287, %parallel_loop3A_1288], %parallel_loop3A_1291 {strides = array<i32>} : memref<2x100x64xf32, #tpu.memory_space<vmem>>, vector<1x1x16xf32>,
        %parallel_loop3A_1292 = arith.constant 0 : i32
        %parallel_loop3A_1293 = arith.index_cast %parallel_loop3A_1292 : i32 to index
        %parallel_loop3A_1294 = arith.index_cast %parallel_loop3A_1275 : i32 to index
        %parallel_loop3A_1295 = arith.constant 16 : index
        %parallel_loop3A_1296 = tpu.vector_load %arg7[%parallel_loop3A_1293, %parallel_loop3A_1294, %parallel_loop3A_1295] {strides = array<i32>} : memref<2x100x64xf32, #tpu.memory_space<vmem>>, vector<1x1x16xf32>,
        %parallel_loop3A_1297 = vector.shape_cast %parallel_loop3A_1296 : vector<1x1x16xf32> to vector<16xf32>
        %parallel_loop3A_1298 = arith.constant 8.000000e+00 : f32
        %parallel_loop3A_1299 = vector.broadcast %parallel_loop3A_1298 : f32 to vector<16xf32>
        %parallel_loop3A_1300 = arith.mulf %parallel_loop3A_1297, %parallel_loop3A_1299 : vector<16xf32>
        %parallel_loop3A_1301 = arith.constant 0 : i32
        %parallel_loop3A_1302 = arith.index_cast %parallel_loop3A_1301 : i32 to index
        %parallel_loop3A_1303 = arith.index_cast %parallel_loop3A_1275 : i32 to index
        %parallel_loop3A_1304 = arith.constant 16 : index
        %parallel_loop3A_1305 = tpu.vector_load %arg7[%parallel_loop3A_1302, %parallel_loop3A_1303, %parallel_loop3A_1304] {strides = array<i32>} : memref<2x100x64xf32, #tpu.memory_space<vmem>>, vector<1x1x16xf32>,
        %parallel_loop3A_1306 = vector.shape_cast %parallel_loop3A_1305 : vector<1x1x16xf32> to vector<16xf32>
        %parallel_loop3A_1307 = vector.shape_cast %parallel_loop3A_1300 : vector<16xf32> to vector<1x1x16xf32>
        tpu.vector_store %arg7[%parallel_loop3A_1302, %parallel_loop3A_1303, %parallel_loop3A_1304], %parallel_loop3A_1307 {strides = array<i32>} : memref<2x100x64xf32, #tpu.memory_space<vmem>>, vector<1x1x16xf32>,
        %parallel_loop3A_1308 = arith.constant 0 : i32
        %parallel_loop3A_1309 = arith.index_cast %parallel_loop3A_1308 : i32 to index
        %parallel_loop3A_1310 = arith.index_cast %parallel_loop3A_1275 : i32 to index
        %parallel_loop3A_1311 = arith.constant 32 : index
        %parallel_loop3A_1312 = tpu.vector_load %arg7[%parallel_loop3A_1309, %parallel_loop3A_1310, %parallel_loop3A_1311] {strides = array<i32>} : memref<2x100x64xf32, #tpu.memory_space<vmem>>, vector<1x1x16xf32>,
        %parallel_loop3A_1313 = vector.shape_cast %parallel_loop3A_1312 : vector<1x1x16xf32> to vector<16xf32>
        %parallel_loop3A_1314 = arith.constant 8.000000e+00 : f32
        %parallel_loop3A_1315 = vector.broadcast %parallel_loop3A_1314 : f32 to vector<16xf32>
        %parallel_loop3A_1316 = arith.mulf %parallel_loop3A_1313, %parallel_loop3A_1315 : vector<16xf32>
        %parallel_loop3A_1317 = arith.constant 0 : i32
        %parallel_loop3A_1318 = arith.index_cast %parallel_loop3A_1317 : i32 to index
        %parallel_loop3A_1319 = arith.index_cast %parallel_loop3A_1275 : i32 to index
        %parallel_loop3A_1320 = arith.constant 32 : index
        %parallel_loop3A_1321 = tpu.vector_load %arg7[%parallel_loop3A_1318, %parallel_loop3A_1319, %parallel_loop3A_1320] {strides = array<i32>} : memref<2x100x64xf32, #tpu.memory_space<vmem>>, vector<1x1x16xf32>,
        %parallel_loop3A_1322 = vector.shape_cast %parallel_loop3A_1321 : vector<1x1x16xf32> to vector<16xf32>
        %parallel_loop3A_1323 = vector.shape_cast %parallel_loop3A_1316 : vector<16xf32> to vector<1x1x16xf32>
        tpu.vector_store %arg7[%parallel_loop3A_1318, %parallel_loop3A_1319, %parallel_loop3A_1320], %parallel_loop3A_1323 {strides = array<i32>} : memref<2x100x64xf32, #tpu.memory_space<vmem>>, vector<1x1x16xf32>,
        %parallel_loop3A_1324 = arith.constant 0 : i32
        %parallel_loop3A_1325 = arith.index_cast %parallel_loop3A_1324 : i32 to index
        %parallel_loop3A_1326 = arith.index_cast %parallel_loop3A_1275 : i32 to index
        %parallel_loop3A_1327 = arith.constant 48 : index
        %parallel_loop3A_1328 = tpu.vector_load %arg7[%parallel_loop3A_1325, %parallel_loop3A_1326, %parallel_loop3A_1327] {strides = array<i32>} : memref<2x100x64xf32, #tpu.memory_space<vmem>>, vector<1x1x16xf32>,
        %parallel_loop3A_1329 = vector.shape_cast %parallel_loop3A_1328 : vector<1x1x16xf32> to vector<16xf32>
        %parallel_loop3A_1330 = arith.constant 8.000000e+00 : f32
        %parallel_loop3A_1331 = vector.broadcast %parallel_loop3A_1330 : f32 to vector<16xf32>
        %parallel_loop3A_1332 = arith.mulf %parallel_loop3A_1329, %parallel_loop3A_1331 : vector<16xf32>
        %parallel_loop3A_1333 = arith.constant 0 : i32
        %parallel_loop3A_1334 = arith.index_cast %parallel_loop3A_1333 : i32 to index
        %parallel_loop3A_1335 = arith.index_cast %parallel_loop3A_1275 : i32 to index
        %parallel_loop3A_1336 = arith.constant 48 : index
        %parallel_loop3A_1337 = tpu.vector_load %arg7[%parallel_loop3A_1334, %parallel_loop3A_1335, %parallel_loop3A_1336] {strides = array<i32>} : memref<2x100x64xf32, #tpu.memory_space<vmem>>, vector<1x1x16xf32>,
        %parallel_loop3A_1338 = vector.shape_cast %parallel_loop3A_1337 : vector<1x1x16xf32> to vector<16xf32>
        %parallel_loop3A_1339 = vector.shape_cast %parallel_loop3A_1332 : vector<16xf32> to vector<1x1x16xf32>
        tpu.vector_store %arg7[%parallel_loop3A_1334, %parallel_loop3A_1335, %parallel_loop3A_1336], %parallel_loop3A_1339 {strides = array<i32>} : memref<2x100x64xf32, #tpu.memory_space<vmem>>, vector<1x1x16xf32>,
      } {sc.loop_unroll_factor = 4 : i64, sc.parallel_access}
      %mul3A_1220 = arith.constant 2 : i32
      %mul3A_1221 = arith.muli %add3A_1110, %mul3A_1220 : i32
      %add3A_1222 = arith.addi %mul3A_2, %mul3A_1221 : i32
      %add3A_1223 = arith.constant 0 : i32
      %add3A_1224 = arith.addi %add3A_1222, %add3A_1223 : i32
      %shift_right_logical3A_1225 = arith.constant 1 : i32
      %shift_right_logical3A_1226 = arith.shrui %add3A_1224, %shift_right_logical3A_1225 : i32
      %and3A_1227 = arith.constant 1 : i32
      %and3A_1228 = arith.andi %add3A_1224, %and3A_1227 : i32
      %mul3A_1229 = arith.constant 100 : i32
      %mul3A_1230 = arith.muli %and3A_1228, %mul3A_1229 : i32
      %dma_start3A_1231 = arith.constant 0 : i32
      %dma_start3A_1232 = arith.constant 0 : i32
      %dma_start3A_1233 = arith.constant 0 : i32
      %dma_start3A_1234 = tpu.memref_slice %arg7[%dma_start3A_1231, %dma_start3A_1232, %dma_start3A_1233] : memref<2x100x64xf32, #tpu.memory_space<vmem>> -> memref<1x100x64xf32, #tpu.memory_space<vmem>>
      %dma_start3A_1235 = tpu.memref_squeeze %dma_start3A_1234 : memref<1x100x64xf32, #tpu.memory_space<vmem>> -> memref<100x64xf32, #tpu.memory_space<vmem>>
      %dma_start3A_1236 = arith.constant 0 : i32
      %dma_start3A_1237 = tpu.memref_slice %arg4[%shift_right_logical3A_1226, %mul3A_1230, %dma_start3A_1236] : memref<4096x200x64xf32, #tpu.memory_space<hbm>> -> memref<1x100x64xf32, #tpu.memory_space<hbm>>
      %dma_start3A_1238 = tpu.memref_squeeze %dma_start3A_1237 : memref<1x100x64xf32, #tpu.memory_space<hbm>> -> memref<100x64xf32, #tpu.memory_space<hbm>>
      %dma_start3A_1239 = arith.constant 0 : i32
      %dma_start3A_1240 = tpu.memref_slice %arg4[%shift_right_logical3A_1226, %mul3A_1230, %dma_start3A_1239] : memref<4096x200x64xf32, #tpu.memory_space<hbm>> -> memref<1x100x64xf32, #tpu.memory_space<hbm>>
      %dma_start3A_1241 = tpu.memref_squeeze %dma_start3A_1240 : memref<1x100x64xf32, #tpu.memory_space<hbm>> -> memref<100x64xf32, #tpu.memory_space<hbm>>
      %dma_start3A_1242 = arith.constant 0 : i32
      %dma_start3A_1243 = arith.constant 0 : i32
      %dma_start3A_1244 = tpu.memref_slice %arg7[%dma_start3A_1231, %dma_start3A_1242, %dma_start3A_1243] : memref<2x100x64xf32, #tpu.memory_space<vmem>> -> memref<1x100x64xf32, #tpu.memory_space<vmem>>
      %dma_start3A_1245 = tpu.memref_squeeze %dma_start3A_1244 : memref<1x100x64xf32, #tpu.memory_space<vmem>> -> memref<100x64xf32, #tpu.memory_space<vmem>>
      tpu.enqueue_dma source(%dma_start3A_1245 : memref<100x64xf32, #tpu.memory_space<vmem>>) target(%dma_start3A_1241 : memref<100x64xf32, #tpu.memory_space<hbm>>) target_semaphore(%arg13 : memref<!tpu.dma_semaphore, #tpu.memory_space<semaphore_mem>>)
      %parallel_loop3A_1246 = arith.constant 0 : i32
      %parallel_loop3A_1247 = arith.constant 100 : i32
      %parallel_loop3A_1248 = arith.constant 1 : i32
      scf.for %parallel_loop3A_1275 = %parallel_loop3A_1246 to %parallel_loop3A_1247 step %parallel_loop3A_1248  : i32 {
        %parallel_loop3A_1276 = arith.constant 1 : i32
        %parallel_loop3A_1277 = arith.index_cast %parallel_loop3A_1276 : i32 to index
        %parallel_loop3A_1278 = arith.index_cast %parallel_loop3A_1275 : i32 to index
        %parallel_loop3A_1279 = arith.constant 0 : index
        %parallel_loop3A_1280 = tpu.vector_load %arg7[%parallel_loop3A_1277, %parallel_loop3A_1278, %parallel_loop3A_1279] {strides = array<i32>} : memref<2x100x64xf32, #tpu.memory_space<vmem>>, vector<1x1x16xf32>,
        %parallel_loop3A_1281 = vector.shape_cast %parallel_loop3A_1280 : vector<1x1x16xf32> to vector<16xf32>
        %parallel_loop3A_1282 = arith.constant 8.000000e+00 : f32
        %parallel_loop3A_1283 = vector.broadcast %parallel_loop3A_1282 : f32 to vector<16xf32>
        %parallel_loop3A_1284 = arith.mulf %parallel_loop3A_1281, %parallel_loop3A_1283 : vector<16xf32>
        %parallel_loop3A_1285 = arith.constant 1 : i32
        %parallel_loop3A_1286 = arith.index_cast %parallel_loop3A_1285 : i32 to index
        %parallel_loop3A_1287 = arith.index_cast %parallel_loop3A_1275 : i32 to index
        %parallel_loop3A_1288 = arith.constant 0 : index
        %parallel_loop3A_1289 = tpu.vector_load %arg7[%parallel_loop3A_1286, %parallel_loop3A_1287, %parallel_loop3A_1288] {strides = array<i32>} : memref<2x100x64xf32, #tpu.memory_space<vmem>>, vector<1x1x16xf32>,
        %parallel_loop3A_1290 = vector.shape_cast %parallel_loop3A_1289 : vector<1x1x16xf32> to vector<16xf32>
        %parallel_loop3A_1291 = vector.shape_cast %parallel_loop3A_1284 : vector<16xf32> to vector<1x1x16xf32>
        tpu.vector_store %arg7[%parallel_loop3A_1286, %parallel_loop3A_1287, %parallel_loop3A_1288], %parallel_loop3A_1291 {strides = array<i32>} : memref<2x100x64xf32, #tpu.memory_space<vmem>>, vector<1x1x16xf32>,
        %parallel_loop3A_1292 = arith.constant 1 : i32
        %parallel_loop3A_1293 = arith.index_cast %parallel_loop3A_1292 : i32 to index
        %parallel_loop3A_1294 = arith.index_cast %parallel_loop3A_1275 : i32 to index
        %parallel_loop3A_1295 = arith.constant 16 : index
        %parallel_loop3A_1296 = tpu.vector_load %arg7[%parallel_loop3A_1293, %parallel_loop3A_1294, %parallel_loop3A_1295] {strides = array<i32>} : memref<2x100x64xf32, #tpu.memory_space<vmem>>, vector<1x1x16xf32>,
        %parallel_loop3A_1297 = vector.shape_cast %parallel_loop3A_1296 : vector<1x1x16xf32> to vector<16xf32>
        %parallel_loop3A_1298 = arith.constant 8.000000e+00 : f32
        %parallel_loop3A_1299 = vector.broadcast %parallel_loop3A_1298 : f32 to vector<16xf32>
        %parallel_loop3A_1300 = arith.mulf %parallel_loop3A_1297, %parallel_loop3A_1299 : vector<16xf32>
        %parallel_loop3A_1301 = arith.constant 1 : i32
        %parallel_loop3A_1302 = arith.index_cast %parallel_loop3A_1301 : i32 to index
        %parallel_loop3A_1303 = arith.index_cast %parallel_loop3A_1275 : i32 to index
        %parallel_loop3A_1304 = arith.constant 16 : index
        %parallel_loop3A_1305 = tpu.vector_load %arg7[%parallel_loop3A_1302, %parallel_loop3A_1303, %parallel_loop3A_1304] {strides = array<i32>} : memref<2x100x64xf32, #tpu.memory_space<vmem>>, vector<1x1x16xf32>,
        %parallel_loop3A_1306 = vector.shape_cast %parallel_loop3A_1305 : vector<1x1x16xf32> to vector<16xf32>
        %parallel_loop3A_1307 = vector.shape_cast %parallel_loop3A_1300 : vector<16xf32> to vector<1x1x16xf32>
        tpu.vector_store %arg7[%parallel_loop3A_1302, %parallel_loop3A_1303, %parallel_loop3A_1304], %parallel_loop3A_1307 {strides = array<i32>} : memref<2x100x64xf32, #tpu.memory_space<vmem>>, vector<1x1x16xf32>,
        %parallel_loop3A_1308 = arith.constant 1 : i32
        %parallel_loop3A_1309 = arith.index_cast %parallel_loop3A_1308 : i32 to index
        %parallel_loop3A_1310 = arith.index_cast %parallel_loop3A_1275 : i32 to index
        %parallel_loop3A_1311 = arith.constant 32 : index
        %parallel_loop3A_1312 = tpu.vector_load %arg7[%parallel_loop3A_1309, %parallel_loop3A_1310, %parallel_loop3A_1311] {strides = array<i32>} : memref<2x100x64xf32, #tpu.memory_space<vmem>>, vector<1x1x16xf32>,
        %parallel_loop3A_1313 = vector.shape_cast %parallel_loop3A_1312 : vector<1x1x16xf32> to vector<16xf32>
        %parallel_loop3A_1314 = arith.constant 8.000000e+00 : f32
        %parallel_loop3A_1315 = vector.broadcast %parallel_loop3A_1314 : f32 to vector<16xf32>
        %parallel_loop3A_1316 = arith.mulf %parallel_loop3A_1313, %parallel_loop3A_1315 : vector<16xf32>
        %parallel_loop3A_1317 = arith.constant 1 : i32
        %parallel_loop3A_1318 = arith.index_cast %parallel_loop3A_1317 : i32 to index
        %parallel_loop3A_1319 = arith.index_cast %parallel_loop3A_1275 : i32 to index
        %parallel_loop3A_1320 = arith.constant 32 : index
        %parallel_loop3A_1321 = tpu.vector_load %arg7[%parallel_loop3A_1318, %parallel_loop3A_1319, %parallel_loop3A_1320] {strides = array<i32>} : memref<2x100x64xf32, #tpu.memory_space<vmem>>, vector<1x1x16xf32>,
        %parallel_loop3A_1322 = vector.shape_cast %parallel_loop3A_1321 : vector<1x1x16xf32> to vector<16xf32>
        %parallel_loop3A_1323 = vector.shape_cast %parallel_loop3A_1316 : vector<16xf32> to vector<1x1x16xf32>
        tpu.vector_store %arg7[%parallel_loop3A_1318, %parallel_loop3A_1319, %parallel_loop3A_1320], %parallel_loop3A_1323 {strides = array<i32>} : memref<2x100x64xf32, #tpu.memory_space<vmem>>, vector<1x1x16xf32>,
        %parallel_loop3A_1324 = arith.constant 1 : i32
        %parallel_loop3A_1325 = arith.index_cast %parallel_loop3A_1324 : i32 to index
        %parallel_loop3A_1326 = arith.index_cast %parallel_loop3A_1275 : i32 to index
        %parallel_loop3A_1327 = arith.constant 48 : index
        %parallel_loop3A_1328 = tpu.vector_load %arg7[%parallel_loop3A_1325, %parallel_loop3A_1326, %parallel_loop3A_1327] {strides = array<i32>} : memref<2x100x64xf32, #tpu.memory_space<vmem>>, vector<1x1x16xf32>,
        %parallel_loop3A_1329 = vector.shape_cast %parallel_loop3A_1328 : vector<1x1x16xf32> to vector<16xf32>
        %parallel_loop3A_1330 = arith.constant 8.000000e+00 : f32
        %parallel_loop3A_1331 = vector.broadcast %parallel_loop3A_1330 : f32 to vector<16xf32>
        %parallel_loop3A_1332 = arith.mulf %parallel_loop3A_1329, %parallel_loop3A_1331 : vector<16xf32>
        %parallel_loop3A_1333 = arith.constant 1 : i32
        %parallel_loop3A_1334 = arith.index_cast %parallel_loop3A_1333 : i32 to index
        %parallel_loop3A_1335 = arith.index_cast %parallel_loop3A_1275 : i32 to index
        %parallel_loop3A_1336 = arith.constant 48 : index
        %parallel_loop3A_1337 = tpu.vector_load %arg7[%parallel_loop3A_1334, %parallel_loop3A_1335, %parallel_loop3A_1336] {strides = array<i32>} : memref<2x100x64xf32, #tpu.memory_space<vmem>>, vector<1x1x16xf32>,
        %parallel_loop3A_1338 = vector.shape_cast %parallel_loop3A_1337 : vector<1x1x16xf32> to vector<16xf32>
        %parallel_loop3A_1339 = vector.shape_cast %parallel_loop3A_1332 : vector<16xf32> to vector<1x1x16xf32>
        tpu.vector_store %arg7[%parallel_loop3A_1334, %parallel_loop3A_1335, %parallel_loop3A_1336], %parallel_loop3A_1339 {strides = array<i32>} : memref<2x100x64xf32, #tpu.memory_space<vmem>>, vector<1x1x16xf32>,
      } {sc.loop_unroll_factor = 4 : i64, sc.parallel_access}
      %mul3A_1249 = arith.constant 2 : i32
      %mul3A_1250 = arith.muli %add3A_1110, %mul3A_1249 : i32
      %add3A_1251 = arith.addi %mul3A_2, %mul3A_1250 : i32
      %add3A_1252 = arith.constant 1 : i32
      %add3A_1253 = arith.addi %add3A_1251, %add3A_1252 : i32
      %shift_right_logical3A_1254 = arith.constant 1 : i32
      %shift_right_logical3A_1255 = arith.shrui %add3A_1253, %shift_right_logical3A_1254 : i32
      %and3A_1256 = arith.constant 1 : i32
      %and3A_1257 = arith.andi %add3A_1253, %and3A_1256 : i32
      %mul3A_1258 = arith.constant 100 : i32
      %mul3A_1259 = arith.muli %and3A_1257, %mul3A_1258 : i32
      %dma_start3A_1260 = arith.constant 1 : i32
      %dma_start3A_1261 = arith.constant 0 : i32
      %dma_start3A_1262 = arith.constant 0 : i32
      %dma_start3A_1263 = tpu.memref_slice %arg7[%dma_start3A_1260, %dma_start3A_1261, %dma_start3A_1262] : memref<2x100x64xf32, #tpu.memory_space<vmem>> -> memref<1x100x64xf32, #tpu.memory_space<vmem>>
      %dma_start3A_1264 = tpu.memref_squeeze %dma_start3A_1263 : memref<1x100x64xf32, #tpu.memory_space<vmem>> -> memref<100x64xf32, #tpu.memory_space<vmem>>
      %dma_start3A_1265 = arith.constant 0 : i32
      %dma_start3A_1266 = tpu.memref_slice %arg4[%shift_right_logical3A_1255, %mul3A_1259, %dma_start3A_1265] : memref<4096x200x64xf32, #tpu.memory_space<hbm>> -> memref<1x100x64xf32, #tpu.memory_space<hbm>>
      %dma_start3A_1267 = tpu.memref_squeeze %dma_start3A_1266 : memref<1x100x64xf32, #tpu.memory_space<hbm>> -> memref<100x64xf32, #tpu.memory_space<hbm>>
      %dma_start3A_1268 = arith.constant 0 : i32
      %dma_start3A_1269 = tpu.memref_slice %arg4[%shift_right_logical3A_1255, %mul3A_1259, %dma_start3A_1268] : memref<4096x200x64xf32, #tpu.memory_space<hbm>> -> memref<1x100x64xf32, #tpu.memory_space<hbm>>
      %dma_start3A_1270 = tpu.memref_squeeze %dma_start3A_1269 : memref<1x100x64xf32, #tpu.memory_space<hbm>> -> memref<100x64xf32, #tpu.memory_space<hbm>>
      %dma_start3A_1271 = arith.constant 0 : i32
      %dma_start3A_1272 = arith.constant 0 : i32
      %dma_start3A_1273 = tpu.memref_slice %arg7[%dma_start3A_1260, %dma_start3A_1271, %dma_start3A_1272] : memref<2x100x64xf32, #tpu.memory_space<vmem>> -> memref<1x100x64xf32, #tpu.memory_space<vmem>>
      %dma_start3A_1274 = tpu.memref_squeeze %dma_start3A_1273 : memref<1x100x64xf32, #tpu.memory_space<vmem>> -> memref<100x64xf32, #tpu.memory_space<vmem>>
      tpu.enqueue_dma source(%dma_start3A_1274 : memref<100x64xf32, #tpu.memory_space<vmem>>) target(%dma_start3A_1270 : memref<100x64xf32, #tpu.memory_space<hbm>>) target_semaphore(%arg13 : memref<!tpu.dma_semaphore, #tpu.memory_space<semaphore_mem>>)
    }
    %scan3A_233 = arith.constant 41 : i32
    %add3A_234 = arith.constant 0 : i32
    %add3A_235 = arith.addi %mul3A_2, %add3A_234 : i32
    %add3A_236 = arith.constant 0 : i32
    %add3A_237 = arith.addi %add3A_235, %add3A_236 : i32
    %shift_right_logical3A_238 = arith.constant 1 : i32
    %shift_right_logical3A_239 = arith.shrui %add3A_237, %shift_right_logical3A_238 : i32
    %and3A_240 = arith.constant 1 : i32
    %and3A_241 = arith.andi %add3A_237, %and3A_240 : i32
    %mul3A_242 = arith.constant 100 : i32
    %mul3A_243 = arith.muli %and3A_241, %mul3A_242 : i32
    %dma_wait3A_244 = arith.constant 0 : i32
    %dma_wait3A_245 = arith.constant 0 : i32
    %dma_wait3A_246 = arith.constant 0 : i32
    %dma_wait3A_247 = tpu.memref_slice %arg6[%dma_wait3A_244, %dma_wait3A_245, %dma_wait3A_246] : memref<2x100x64xf32, #tpu.memory_space<vmem>> -> memref<1x100x64xf32, #tpu.memory_space<vmem>>
    %dma_wait3A_248 = tpu.memref_squeeze %dma_wait3A_247 : memref<1x100x64xf32, #tpu.memory_space<vmem>> -> memref<100x64xf32, #tpu.memory_space<vmem>>
    %dma_wait3A_249 = arith.constant 0 : i32
    %dma_wait3A_250 = tpu.memref_slice %arg4[%shift_right_logical3A_239, %mul3A_243, %dma_wait3A_249] : memref<4096x200x64xf32, #tpu.memory_space<hbm>> -> memref<1x100x64xf32, #tpu.memory_space<hbm>>
    %dma_wait3A_251 = tpu.memref_squeeze %dma_wait3A_250 : memref<1x100x64xf32, #tpu.memory_space<hbm>> -> memref<100x64xf32, #tpu.memory_space<hbm>>
    %dma_wait3A_252 = arith.constant 0 : i32
    %dma_wait3A_253 = tpu.memref_slice %arg4[%shift_right_logical3A_239, %mul3A_243, %dma_wait3A_252] : memref<4096x200x64xf32, #tpu.memory_space<hbm>> -> memref<1x100x64xf32, #tpu.memory_space<hbm>>
    %dma_wait3A_254 = tpu.memref_squeeze %dma_wait3A_253 : memref<1x100x64xf32, #tpu.memory_space<hbm>> -> memref<100x64xf32, #tpu.memory_space<hbm>>
    %dma_wait3A_255 = arith.constant 0 : i32
    %dma_wait3A_256 = arith.constant 0 : i32
    %dma_wait3A_257 = tpu.memref_slice %arg6[%dma_wait3A_244, %dma_wait3A_255, %dma_wait3A_256] : memref<2x100x64xf32, #tpu.memory_space<vmem>> -> memref<1x100x64xf32, #tpu.memory_space<vmem>>
    %dma_wait3A_258 = tpu.memref_squeeze %dma_wait3A_257 : memref<1x100x64xf32, #tpu.memory_space<vmem>> -> memref<100x64xf32, #tpu.memory_space<vmem>>
    tpu.wait_dma2 semaphore(%arg12 : memref<!tpu.dma_semaphore, #tpu.memory_space<semaphore_mem>>) src(%dma_wait3A_258 : memref<100x64xf32, #tpu.memory_space<vmem>>) dst(%dma_wait3A_254 : memref<100x64xf32, #tpu.memory_space<hbm>>)
    %add3A_259 = arith.constant 0 : i32
    %add3A_260 = arith.addi %mul3A_2, %add3A_259 : i32
    %add3A_261 = arith.constant 1 : i32
    %add3A_262 = arith.addi %add3A_260, %add3A_261 : i32
    %shift_right_logical3A_263 = arith.constant 1 : i32
    %shift_right_logical3A_264 = arith.shrui %add3A_262, %shift_right_logical3A_263 : i32
    %and3A_265 = arith.constant 1 : i32
    %and3A_266 = arith.andi %add3A_262, %and3A_265 : i32
    %mul3A_267 = arith.constant 100 : i32
    %mul3A_268 = arith.muli %and3A_266, %mul3A_267 : i32
    %dma_wait3A_269 = arith.constant 1 : i32
    %dma_wait3A_270 = arith.constant 0 : i32
    %dma_wait3A_271 = arith.constant 0 : i32
    %dma_wait3A_272 = tpu.memref_slice %arg6[%dma_wait3A_269, %dma_wait3A_270, %dma_wait3A_271] : memref<2x100x64xf32, #tpu.memory_space<vmem>> -> memref<1x100x64xf32, #tpu.memory_space<vmem>>
    %dma_wait3A_273 = tpu.memref_squeeze %dma_wait3A_272 : memref<1x100x64xf32, #tpu.memory_space<vmem>> -> memref<100x64xf32, #tpu.memory_space<vmem>>
    %dma_wait3A_274 = arith.constant 0 : i32
    %dma_wait3A_275 = tpu.memref_slice %arg4[%shift_right_logical3A_264, %mul3A_268, %dma_wait3A_274] : memref<4096x200x64xf32, #tpu.memory_space<hbm>> -> memref<1x100x64xf32, #tpu.memory_space<hbm>>
    %dma_wait3A_276 = tpu.memref_squeeze %dma_wait3A_275 : memref<1x100x64xf32, #tpu.memory_space<hbm>> -> memref<100x64xf32, #tpu.memory_space<hbm>>
    %dma_wait3A_277 = arith.constant 0 : i32
    %dma_wait3A_278 = tpu.memref_slice %arg4[%shift_right_logical3A_264, %mul3A_268, %dma_wait3A_277] : memref<4096x200x64xf32, #tpu.memory_space<hbm>> -> memref<1x100x64xf32, #tpu.memory_space<hbm>>
    %dma_wait3A_279 = tpu.memref_squeeze %dma_wait3A_278 : memref<1x100x64xf32, #tpu.memory_space<hbm>> -> memref<100x64xf32, #tpu.memory_space<hbm>>
    %dma_wait3A_280 = arith.constant 0 : i32
    %dma_wait3A_281 = arith.constant 0 : i32
    %dma_wait3A_282 = tpu.memref_slice %arg6[%dma_wait3A_269, %dma_wait3A_280, %dma_wait3A_281] : memref<2x100x64xf32, #tpu.memory_space<vmem>> -> memref<1x100x64xf32, #tpu.memory_space<vmem>>
    %dma_wait3A_283 = tpu.memref_squeeze %dma_wait3A_282 : memref<1x100x64xf32, #tpu.memory_space<vmem>> -> memref<100x64xf32, #tpu.memory_space<vmem>>
    tpu.wait_dma2 semaphore(%arg12 : memref<!tpu.dma_semaphore, #tpu.memory_space<semaphore_mem>>) src(%dma_wait3A_283 : memref<100x64xf32, #tpu.memory_space<vmem>>) dst(%dma_wait3A_279 : memref<100x64xf32, #tpu.memory_space<hbm>>)
    %dma_start3A_284 = arith.constant 252 : i32
    %dma_start3A_285 = arith.constant 0 : i32
    %dma_start3A_286 = arith.constant 0 : i32
    %dma_start3A_287 = arith.constant 0 : i32
    %dma_start3A_288 = tpu.memref_slice %arg6[%dma_start3A_285, %dma_start3A_286, %dma_start3A_287] : memref<2x100x64xf32, #tpu.memory_space<vmem>> -> memref<1x100x64xf32, #tpu.memory_space<vmem>>
    %dma_start3A_289 = tpu.memref_squeeze %dma_start3A_288 : memref<1x100x64xf32, #tpu.memory_space<vmem>> -> memref<100x64xf32, #tpu.memory_space<vmem>>
    %dma_start3A_290 = arith.constant 0 : i32
    %dma_start3A_291 = tpu.memref_slice %arg5[%dma_start3A_284, %dma_start3A_290] : memref<256x100xi32, #tpu.memory_space<vmem>> -> memref<1x100xi32, #tpu.memory_space<vmem>>
    %dma_start3A_292 = tpu.memref_squeeze %dma_start3A_291 : memref<1x100xi32, #tpu.memory_space<vmem>> -> memref<100xi32, #tpu.memory_space<vmem>>
    %dma_start3A_293 = arith.constant 0 : i32
    %dma_start3A_294 = arith.constant 0 : i32
    %dma_start3A_295 = tpu.memref_slice %arg3[%dma_start3A_293, %dma_start3A_294] : memref<1000000x64xf32, #tpu.memory_space<hbm>> -> memref<1000000x64xf32, #tpu.memory_space<hbm>>
    tpu.enqueue_indirect_dma source(%dma_start3A_295 : memref<1000000x64xf32, #tpu.memory_space<hbm>>) target(%dma_start3A_289 : memref<100x64xf32, #tpu.memory_space<vmem>>) offsets(%dma_start3A_292 : memref<100xi32, #tpu.memory_space<vmem>>) semaphore(%arg9 : memref<!tpu.dma_semaphore, #tpu.memory_space<semaphore_mem>>)
    %dma_start3A_296 = arith.constant 253 : i32
    %dma_start3A_297 = arith.constant 1 : i32
    %dma_start3A_298 = arith.constant 0 : i32
    %dma_start3A_299 = arith.constant 0 : i32
    %dma_start3A_300 = tpu.memref_slice %arg6[%dma_start3A_297, %dma_start3A_298, %dma_start3A_299] : memref<2x100x64xf32, #tpu.memory_space<vmem>> -> memref<1x100x64xf32, #tpu.memory_space<vmem>>
    %dma_start3A_301 = tpu.memref_squeeze %dma_start3A_300 : memref<1x100x64xf32, #tpu.memory_space<vmem>> -> memref<100x64xf32, #tpu.memory_space<vmem>>
    %dma_start3A_302 = arith.constant 0 : i32
    %dma_start3A_303 = tpu.memref_slice %arg5[%dma_start3A_296, %dma_start3A_302] : memref<256x100xi32, #tpu.memory_space<vmem>> -> memref<1x100xi32, #tpu.memory_space<vmem>>
    %dma_start3A_304 = tpu.memref_squeeze %dma_start3A_303 : memref<1x100xi32, #tpu.memory_space<vmem>> -> memref<100xi32, #tpu.memory_space<vmem>>
    %dma_start3A_305 = arith.constant 0 : i32
    %dma_start3A_306 = arith.constant 0 : i32
    %dma_start3A_307 = tpu.memref_slice %arg3[%dma_start3A_305, %dma_start3A_306] : memref<1000000x64xf32, #tpu.memory_space<hbm>> -> memref<1000000x64xf32, #tpu.memory_space<hbm>>
    tpu.enqueue_indirect_dma source(%dma_start3A_307 : memref<1000000x64xf32, #tpu.memory_space<hbm>>) target(%dma_start3A_301 : memref<100x64xf32, #tpu.memory_space<vmem>>) offsets(%dma_start3A_304 : memref<100xi32, #tpu.memory_space<vmem>>) semaphore(%arg9 : memref<!tpu.dma_semaphore, #tpu.memory_space<semaphore_mem>>)
    %dma_wait3A_308 = arith.constant 0 : i32
    %dma_wait3A_309 = arith.constant 0 : i32
    %dma_wait3A_310 = arith.constant 0 : i32
    %dma_wait3A_311 = arith.constant 0 : i32
    %dma_wait3A_312 = tpu.memref_slice %arg8[%dma_wait3A_309, %dma_wait3A_310, %dma_wait3A_311] : memref<2x100x64xf32, #tpu.memory_space<vmem>> -> memref<1x100x64xf32, #tpu.memory_space<vmem>>
    %dma_wait3A_313 = tpu.memref_squeeze %dma_wait3A_312 : memref<1x100x64xf32, #tpu.memory_space<vmem>> -> memref<100x64xf32, #tpu.memory_space<vmem>>
    %dma_wait3A_314 = arith.constant 0 : i32
    %dma_wait3A_315 = tpu.memref_slice %arg5[%dma_wait3A_308, %dma_wait3A_314] : memref<256x100xi32, #tpu.memory_space<vmem>> -> memref<1x100xi32, #tpu.memory_space<vmem>>
    %dma_wait3A_316 = tpu.memref_squeeze %dma_wait3A_315 : memref<1x100xi32, #tpu.memory_space<vmem>> -> memref<100xi32, #tpu.memory_space<vmem>>
    %dma_wait3A_317 = arith.constant 0 : i32
    %dma_wait3A_318 = arith.constant 0 : i32
    %dma_wait3A_319 = tpu.memref_slice %arg3[%dma_wait3A_317, %dma_wait3A_318] : memref<1000000x64xf32, #tpu.memory_space<hbm>> -> memref<1000000x64xf32, #tpu.memory_space<hbm>>
    tpu.wait_indirect_dma semaphore(%arg11 : memref<!tpu.dma_semaphore, #tpu.memory_space<semaphore_mem>>) src(%dma_wait3A_319 : memref<1000000x64xf32, #tpu.memory_space<hbm>>) dst(%dma_wait3A_313 : memref<100x64xf32, #tpu.memory_space<vmem>>)
    %dma_wait3A_320 = arith.constant 1 : i32
    %dma_wait3A_321 = arith.constant 1 : i32
    %dma_wait3A_322 = arith.constant 0 : i32
    %dma_wait3A_323 = arith.constant 0 : i32
    %dma_wait3A_324 = tpu.memref_slice %arg8[%dma_wait3A_321, %dma_wait3A_322, %dma_wait3A_323] : memref<2x100x64xf32, #tpu.memory_space<vmem>> -> memref<1x100x64xf32, #tpu.memory_space<vmem>>
    %dma_wait3A_325 = tpu.memref_squeeze %dma_wait3A_324 : memref<1x100x64xf32, #tpu.memory_space<vmem>> -> memref<100x64xf32, #tpu.memory_space<vmem>>
    %dma_wait3A_326 = arith.constant 0 : i32
    %dma_wait3A_327 = tpu.memref_slice %arg5[%dma_wait3A_320, %dma_wait3A_326] : memref<256x100xi32, #tpu.memory_space<vmem>> -> memref<1x100xi32, #tpu.memory_space<vmem>>
    %dma_wait3A_328 = tpu.memref_squeeze %dma_wait3A_327 : memref<1x100xi32, #tpu.memory_space<vmem>> -> memref<100xi32, #tpu.memory_space<vmem>>
    %dma_wait3A_329 = arith.constant 0 : i32
    %dma_wait3A_330 = arith.constant 0 : i32
    %dma_wait3A_331 = tpu.memref_slice %arg3[%dma_wait3A_329, %dma_wait3A_330] : memref<1000000x64xf32, #tpu.memory_space<hbm>> -> memref<1000000x64xf32, #tpu.memory_space<hbm>>
    tpu.wait_indirect_dma semaphore(%arg11 : memref<!tpu.dma_semaphore, #tpu.memory_space<semaphore_mem>>) src(%dma_wait3A_331 : memref<1000000x64xf32, #tpu.memory_space<hbm>>) dst(%dma_wait3A_325 : memref<100x64xf32, #tpu.memory_space<vmem>>)
    %parallel_loop3A_332 = arith.constant 0 : i32
    %parallel_loop3A_333 = arith.constant 100 : i32
    %parallel_loop3A_334 = arith.constant 1 : i32
    scf.for %parallel_loop3A_772 = %parallel_loop3A_332 to %parallel_loop3A_333 step %parallel_loop3A_334  : i32 {
      %parallel_loop3A_773 = arith.constant 0 : i32
      %parallel_loop3A_774 = arith.index_cast %parallel_loop3A_773 : i32 to index
      %parallel_loop3A_775 = arith.index_cast %parallel_loop3A_772 : i32 to index
      %parallel_loop3A_776 = arith.constant 0 : index
      %parallel_loop3A_777 = tpu.vector_load %arg8[%parallel_loop3A_774, %parallel_loop3A_775, %parallel_loop3A_776] {strides = array<i32>} : memref<2x100x64xf32, #tpu.memory_space<vmem>>, vector<1x1x16xf32>,
      %parallel_loop3A_778 = vector.shape_cast %parallel_loop3A_777 : vector<1x1x16xf32> to vector<16xf32>
      %parallel_loop3A_779 = arith.constant 8.000000e+00 : f32
      %parallel_loop3A_780 = vector.broadcast %parallel_loop3A_779 : f32 to vector<16xf32>
      %parallel_loop3A_781 = arith.mulf %parallel_loop3A_778, %parallel_loop3A_780 : vector<16xf32>
      %parallel_loop3A_782 = arith.constant 0 : i32
      %parallel_loop3A_783 = arith.index_cast %parallel_loop3A_782 : i32 to index
      %parallel_loop3A_784 = arith.index_cast %parallel_loop3A_772 : i32 to index
      %parallel_loop3A_785 = arith.constant 0 : index
      %parallel_loop3A_786 = tpu.vector_load %arg8[%parallel_loop3A_783, %parallel_loop3A_784, %parallel_loop3A_785] {strides = array<i32>} : memref<2x100x64xf32, #tpu.memory_space<vmem>>, vector<1x1x16xf32>,
      %parallel_loop3A_787 = vector.shape_cast %parallel_loop3A_786 : vector<1x1x16xf32> to vector<16xf32>
      %parallel_loop3A_788 = vector.shape_cast %parallel_loop3A_781 : vector<16xf32> to vector<1x1x16xf32>
      tpu.vector_store %arg8[%parallel_loop3A_783, %parallel_loop3A_784, %parallel_loop3A_785], %parallel_loop3A_788 {strides = array<i32>} : memref<2x100x64xf32, #tpu.memory_space<vmem>>, vector<1x1x16xf32>,
      %parallel_loop3A_789 = arith.constant 0 : i32
      %parallel_loop3A_790 = arith.index_cast %parallel_loop3A_789 : i32 to index
      %parallel_loop3A_791 = arith.index_cast %parallel_loop3A_772 : i32 to index
      %parallel_loop3A_792 = arith.constant 16 : index
      %parallel_loop3A_793 = tpu.vector_load %arg8[%parallel_loop3A_790, %parallel_loop3A_791, %parallel_loop3A_792] {strides = array<i32>} : memref<2x100x64xf32, #tpu.memory_space<vmem>>, vector<1x1x16xf32>,
      %parallel_loop3A_794 = vector.shape_cast %parallel_loop3A_793 : vector<1x1x16xf32> to vector<16xf32>
      %parallel_loop3A_795 = arith.constant 8.000000e+00 : f32
      %parallel_loop3A_796 = vector.broadcast %parallel_loop3A_795 : f32 to vector<16xf32>
      %parallel_loop3A_797 = arith.mulf %parallel_loop3A_794, %parallel_loop3A_796 : vector<16xf32>
      %parallel_loop3A_798 = arith.constant 0 : i32
      %parallel_loop3A_799 = arith.index_cast %parallel_loop3A_798 : i32 to index
      %parallel_loop3A_800 = arith.index_cast %parallel_loop3A_772 : i32 to index
      %parallel_loop3A_801 = arith.constant 16 : index
      %parallel_loop3A_802 = tpu.vector_load %arg8[%parallel_loop3A_799, %parallel_loop3A_800, %parallel_loop3A_801] {strides = array<i32>} : memref<2x100x64xf32, #tpu.memory_space<vmem>>, vector<1x1x16xf32>,
      %parallel_loop3A_803 = vector.shape_cast %parallel_loop3A_802 : vector<1x1x16xf32> to vector<16xf32>
      %parallel_loop3A_804 = vector.shape_cast %parallel_loop3A_797 : vector<16xf32> to vector<1x1x16xf32>
      tpu.vector_store %arg8[%parallel_loop3A_799, %parallel_loop3A_800, %parallel_loop3A_801], %parallel_loop3A_804 {strides = array<i32>} : memref<2x100x64xf32, #tpu.memory_space<vmem>>, vector<1x1x16xf32>,
      %parallel_loop3A_805 = arith.constant 0 : i32
      %parallel_loop3A_806 = arith.index_cast %parallel_loop3A_805 : i32 to index
      %parallel_loop3A_807 = arith.index_cast %parallel_loop3A_772 : i32 to index
      %parallel_loop3A_808 = arith.constant 32 : index
      %parallel_loop3A_809 = tpu.vector_load %arg8[%parallel_loop3A_806, %parallel_loop3A_807, %parallel_loop3A_808] {strides = array<i32>} : memref<2x100x64xf32, #tpu.memory_space<vmem>>, vector<1x1x16xf32>,
      %parallel_loop3A_810 = vector.shape_cast %parallel_loop3A_809 : vector<1x1x16xf32> to vector<16xf32>
      %parallel_loop3A_811 = arith.constant 8.000000e+00 : f32
      %parallel_loop3A_812 = vector.broadcast %parallel_loop3A_811 : f32 to vector<16xf32>
      %parallel_loop3A_813 = arith.mulf %parallel_loop3A_810, %parallel_loop3A_812 : vector<16xf32>
      %parallel_loop3A_814 = arith.constant 0 : i32
      %parallel_loop3A_815 = arith.index_cast %parallel_loop3A_814 : i32 to index
      %parallel_loop3A_816 = arith.index_cast %parallel_loop3A_772 : i32 to index
      %parallel_loop3A_817 = arith.constant 32 : index
      %parallel_loop3A_818 = tpu.vector_load %arg8[%parallel_loop3A_815, %parallel_loop3A_816, %parallel_loop3A_817] {strides = array<i32>} : memref<2x100x64xf32, #tpu.memory_space<vmem>>, vector<1x1x16xf32>,
      %parallel_loop3A_819 = vector.shape_cast %parallel_loop3A_818 : vector<1x1x16xf32> to vector<16xf32>
      %parallel_loop3A_820 = vector.shape_cast %parallel_loop3A_813 : vector<16xf32> to vector<1x1x16xf32>
      tpu.vector_store %arg8[%parallel_loop3A_815, %parallel_loop3A_816, %parallel_loop3A_817], %parallel_loop3A_820 {strides = array<i32>} : memref<2x100x64xf32, #tpu.memory_space<vmem>>, vector<1x1x16xf32>,
      %parallel_loop3A_821 = arith.constant 0 : i32
      %parallel_loop3A_822 = arith.index_cast %parallel_loop3A_821 : i32 to index
      %parallel_loop3A_823 = arith.index_cast %parallel_loop3A_772 : i32 to index
      %parallel_loop3A_824 = arith.constant 48 : index
      %parallel_loop3A_825 = tpu.vector_load %arg8[%parallel_loop3A_822, %parallel_loop3A_823, %parallel_loop3A_824] {strides = array<i32>} : memref<2x100x64xf32, #tpu.memory_space<vmem>>, vector<1x1x16xf32>,
      %parallel_loop3A_826 = vector.shape_cast %parallel_loop3A_825 : vector<1x1x16xf32> to vector<16xf32>
      %parallel_loop3A_827 = arith.constant 8.000000e+00 : f32
      %parallel_loop3A_828 = vector.broadcast %parallel_loop3A_827 : f32 to vector<16xf32>
      %parallel_loop3A_829 = arith.mulf %parallel_loop3A_826, %parallel_loop3A_828 : vector<16xf32>
      %parallel_loop3A_830 = arith.constant 0 : i32
      %parallel_loop3A_831 = arith.index_cast %parallel_loop3A_830 : i32 to index
      %parallel_loop3A_832 = arith.index_cast %parallel_loop3A_772 : i32 to index
      %parallel_loop3A_833 = arith.constant 48 : index
      %parallel_loop3A_834 = tpu.vector_load %arg8[%parallel_loop3A_831, %parallel_loop3A_832, %parallel_loop3A_833] {strides = array<i32>} : memref<2x100x64xf32, #tpu.memory_space<vmem>>, vector<1x1x16xf32>,
      %parallel_loop3A_835 = vector.shape_cast %parallel_loop3A_834 : vector<1x1x16xf32> to vector<16xf32>
      %parallel_loop3A_836 = vector.shape_cast %parallel_loop3A_829 : vector<16xf32> to vector<1x1x16xf32>
      tpu.vector_store %arg8[%parallel_loop3A_831, %parallel_loop3A_832, %parallel_loop3A_833], %parallel_loop3A_836 {strides = array<i32>} : memref<2x100x64xf32, #tpu.memory_space<vmem>>, vector<1x1x16xf32>,
    } {sc.loop_unroll_factor = 4 : i64, sc.parallel_access}
    %add3A_335 = arith.constant 250 : i32
    %add3A_336 = arith.addi %mul3A_2, %add3A_335 : i32
    %add3A_337 = arith.constant 0 : i32
    %add3A_338 = arith.addi %add3A_336, %add3A_337 : i32
    %shift_right_logical3A_339 = arith.constant 1 : i32
    %shift_right_logical3A_340 = arith.shrui %add3A_338, %shift_right_logical3A_339 : i32
    %and3A_341 = arith.constant 1 : i32
    %and3A_342 = arith.andi %add3A_338, %and3A_341 : i32
    %mul3A_343 = arith.constant 100 : i32
    %mul3A_344 = arith.muli %and3A_342, %mul3A_343 : i32
    %dma_start3A_345 = arith.constant 0 : i32
    %dma_start3A_346 = arith.constant 0 : i32
    %dma_start3A_347 = arith.constant 0 : i32
    %dma_start3A_348 = tpu.memref_slice %arg8[%dma_start3A_345, %dma_start3A_346, %dma_start3A_347] : memref<2x100x64xf32, #tpu.memory_space<vmem>> -> memref<1x100x64xf32, #tpu.memory_space<vmem>>
    %dma_start3A_349 = tpu.memref_squeeze %dma_start3A_348 : memref<1x100x64xf32, #tpu.memory_space<vmem>> -> memref<100x64xf32, #tpu.memory_space<vmem>>
    %dma_start3A_350 = arith.constant 0 : i32
    %dma_start3A_351 = tpu.memref_slice %arg4[%shift_right_logical3A_340, %mul3A_344, %dma_start3A_350] : memref<4096x200x64xf32, #tpu.memory_space<hbm>> -> memref<1x100x64xf32, #tpu.memory_space<hbm>>
    %dma_start3A_352 = tpu.memref_squeeze %dma_start3A_351 : memref<1x100x64xf32, #tpu.memory_space<hbm>> -> memref<100x64xf32, #tpu.memory_space<hbm>>
    %dma_start3A_353 = arith.constant 0 : i32
    %dma_start3A_354 = tpu.memref_slice %arg4[%shift_right_logical3A_340, %mul3A_344, %dma_start3A_353] : memref<4096x200x64xf32, #tpu.memory_space<hbm>> -> memref<1x100x64xf32, #tpu.memory_space<hbm>>
    %dma_start3A_355 = tpu.memref_squeeze %dma_start3A_354 : memref<1x100x64xf32, #tpu.memory_space<hbm>> -> memref<100x64xf32, #tpu.memory_space<hbm>>
    %dma_start3A_356 = arith.constant 0 : i32
    %dma_start3A_357 = arith.constant 0 : i32
    %dma_start3A_358 = tpu.memref_slice %arg8[%dma_start3A_345, %dma_start3A_356, %dma_start3A_357] : memref<2x100x64xf32, #tpu.memory_space<vmem>> -> memref<1x100x64xf32, #tpu.memory_space<vmem>>
    %dma_start3A_359 = tpu.memref_squeeze %dma_start3A_358 : memref<1x100x64xf32, #tpu.memory_space<vmem>> -> memref<100x64xf32, #tpu.memory_space<vmem>>
    tpu.enqueue_dma source(%dma_start3A_359 : memref<100x64xf32, #tpu.memory_space<vmem>>) target(%dma_start3A_355 : memref<100x64xf32, #tpu.memory_space<hbm>>) target_semaphore(%arg14 : memref<!tpu.dma_semaphore, #tpu.memory_space<semaphore_mem>>)
    %parallel_loop3A_360 = arith.constant 0 : i32
    %parallel_loop3A_361 = arith.constant 100 : i32
    %parallel_loop3A_362 = arith.constant 1 : i32
    scf.for %parallel_loop3A_772 = %parallel_loop3A_360 to %parallel_loop3A_361 step %parallel_loop3A_362  : i32 {
      %parallel_loop3A_773 = arith.constant 1 : i32
      %parallel_loop3A_774 = arith.index_cast %parallel_loop3A_773 : i32 to index
      %parallel_loop3A_775 = arith.index_cast %parallel_loop3A_772 : i32 to index
      %parallel_loop3A_776 = arith.constant 0 : index
      %parallel_loop3A_777 = tpu.vector_load %arg8[%parallel_loop3A_774, %parallel_loop3A_775, %parallel_loop3A_776] {strides = array<i32>} : memref<2x100x64xf32, #tpu.memory_space<vmem>>, vector<1x1x16xf32>,
      %parallel_loop3A_778 = vector.shape_cast %parallel_loop3A_777 : vector<1x1x16xf32> to vector<16xf32>
      %parallel_loop3A_779 = arith.constant 8.000000e+00 : f32
      %parallel_loop3A_780 = vector.broadcast %parallel_loop3A_779 : f32 to vector<16xf32>
      %parallel_loop3A_781 = arith.mulf %parallel_loop3A_778, %parallel_loop3A_780 : vector<16xf32>
      %parallel_loop3A_782 = arith.constant 1 : i32
      %parallel_loop3A_783 = arith.index_cast %parallel_loop3A_782 : i32 to index
      %parallel_loop3A_784 = arith.index_cast %parallel_loop3A_772 : i32 to index
      %parallel_loop3A_785 = arith.constant 0 : index
      %parallel_loop3A_786 = tpu.vector_load %arg8[%parallel_loop3A_783, %parallel_loop3A_784, %parallel_loop3A_785] {strides = array<i32>} : memref<2x100x64xf32, #tpu.memory_space<vmem>>, vector<1x1x16xf32>,
      %parallel_loop3A_787 = vector.shape_cast %parallel_loop3A_786 : vector<1x1x16xf32> to vector<16xf32>
      %parallel_loop3A_788 = vector.shape_cast %parallel_loop3A_781 : vector<16xf32> to vector<1x1x16xf32>
      tpu.vector_store %arg8[%parallel_loop3A_783, %parallel_loop3A_784, %parallel_loop3A_785], %parallel_loop3A_788 {strides = array<i32>} : memref<2x100x64xf32, #tpu.memory_space<vmem>>, vector<1x1x16xf32>,
      %parallel_loop3A_789 = arith.constant 1 : i32
      %parallel_loop3A_790 = arith.index_cast %parallel_loop3A_789 : i32 to index
      %parallel_loop3A_791 = arith.index_cast %parallel_loop3A_772 : i32 to index
      %parallel_loop3A_792 = arith.constant 16 : index
      %parallel_loop3A_793 = tpu.vector_load %arg8[%parallel_loop3A_790, %parallel_loop3A_791, %parallel_loop3A_792] {strides = array<i32>} : memref<2x100x64xf32, #tpu.memory_space<vmem>>, vector<1x1x16xf32>,
      %parallel_loop3A_794 = vector.shape_cast %parallel_loop3A_793 : vector<1x1x16xf32> to vector<16xf32>
      %parallel_loop3A_795 = arith.constant 8.000000e+00 : f32
      %parallel_loop3A_796 = vector.broadcast %parallel_loop3A_795 : f32 to vector<16xf32>
      %parallel_loop3A_797 = arith.mulf %parallel_loop3A_794, %parallel_loop3A_796 : vector<16xf32>
      %parallel_loop3A_798 = arith.constant 1 : i32
      %parallel_loop3A_799 = arith.index_cast %parallel_loop3A_798 : i32 to index
      %parallel_loop3A_800 = arith.index_cast %parallel_loop3A_772 : i32 to index
      %parallel_loop3A_801 = arith.constant 16 : index
      %parallel_loop3A_802 = tpu.vector_load %arg8[%parallel_loop3A_799, %parallel_loop3A_800, %parallel_loop3A_801] {strides = array<i32>} : memref<2x100x64xf32, #tpu.memory_space<vmem>>, vector<1x1x16xf32>,
      %parallel_loop3A_803 = vector.shape_cast %parallel_loop3A_802 : vector<1x1x16xf32> to vector<16xf32>
      %parallel_loop3A_804 = vector.shape_cast %parallel_loop3A_797 : vector<16xf32> to vector<1x1x16xf32>
      tpu.vector_store %arg8[%parallel_loop3A_799, %parallel_loop3A_800, %parallel_loop3A_801], %parallel_loop3A_804 {strides = array<i32>} : memref<2x100x64xf32, #tpu.memory_space<vmem>>, vector<1x1x16xf32>,
      %parallel_loop3A_805 = arith.constant 1 : i32
      %parallel_loop3A_806 = arith.index_cast %parallel_loop3A_805 : i32 to index
      %parallel_loop3A_807 = arith.index_cast %parallel_loop3A_772 : i32 to index
      %parallel_loop3A_808 = arith.constant 32 : index
      %parallel_loop3A_809 = tpu.vector_load %arg8[%parallel_loop3A_806, %parallel_loop3A_807, %parallel_loop3A_808] {strides = array<i32>} : memref<2x100x64xf32, #tpu.memory_space<vmem>>, vector<1x1x16xf32>,
      %parallel_loop3A_810 = vector.shape_cast %parallel_loop3A_809 : vector<1x1x16xf32> to vector<16xf32>
      %parallel_loop3A_811 = arith.constant 8.000000e+00 : f32
      %parallel_loop3A_812 = vector.broadcast %parallel_loop3A_811 : f32 to vector<16xf32>
      %parallel_loop3A_813 = arith.mulf %parallel_loop3A_810, %parallel_loop3A_812 : vector<16xf32>
      %parallel_loop3A_814 = arith.constant 1 : i32
      %parallel_loop3A_815 = arith.index_cast %parallel_loop3A_814 : i32 to index
      %parallel_loop3A_816 = arith.index_cast %parallel_loop3A_772 : i32 to index
      %parallel_loop3A_817 = arith.constant 32 : index
      %parallel_loop3A_818 = tpu.vector_load %arg8[%parallel_loop3A_815, %parallel_loop3A_816, %parallel_loop3A_817] {strides = array<i32>} : memref<2x100x64xf32, #tpu.memory_space<vmem>>, vector<1x1x16xf32>,
      %parallel_loop3A_819 = vector.shape_cast %parallel_loop3A_818 : vector<1x1x16xf32> to vector<16xf32>
      %parallel_loop3A_820 = vector.shape_cast %parallel_loop3A_813 : vector<16xf32> to vector<1x1x16xf32>
      tpu.vector_store %arg8[%parallel_loop3A_815, %parallel_loop3A_816, %parallel_loop3A_817], %parallel_loop3A_820 {strides = array<i32>} : memref<2x100x64xf32, #tpu.memory_space<vmem>>, vector<1x1x16xf32>,
      %parallel_loop3A_821 = arith.constant 1 : i32
      %parallel_loop3A_822 = arith.index_cast %parallel_loop3A_821 : i32 to index
      %parallel_loop3A_823 = arith.index_cast %parallel_loop3A_772 : i32 to index
      %parallel_loop3A_824 = arith.constant 48 : index
      %parallel_loop3A_825 = tpu.vector_load %arg8[%parallel_loop3A_822, %parallel_loop3A_823, %parallel_loop3A_824] {strides = array<i32>} : memref<2x100x64xf32, #tpu.memory_space<vmem>>, vector<1x1x16xf32>,
      %parallel_loop3A_826 = vector.shape_cast %parallel_loop3A_825 : vector<1x1x16xf32> to vector<16xf32>
      %parallel_loop3A_827 = arith.constant 8.000000e+00 : f32
      %parallel_loop3A_828 = vector.broadcast %parallel_loop3A_827 : f32 to vector<16xf32>
      %parallel_loop3A_829 = arith.mulf %parallel_loop3A_826, %parallel_loop3A_828 : vector<16xf32>
      %parallel_loop3A_830 = arith.constant 1 : i32
      %parallel_loop3A_831 = arith.index_cast %parallel_loop3A_830 : i32 to index
      %parallel_loop3A_832 = arith.index_cast %parallel_loop3A_772 : i32 to index
      %parallel_loop3A_833 = arith.constant 48 : index
      %parallel_loop3A_834 = tpu.vector_load %arg8[%parallel_loop3A_831, %parallel_loop3A_832, %parallel_loop3A_833] {strides = array<i32>} : memref<2x100x64xf32, #tpu.memory_space<vmem>>, vector<1x1x16xf32>,
      %parallel_loop3A_835 = vector.shape_cast %parallel_loop3A_834 : vector<1x1x16xf32> to vector<16xf32>
      %parallel_loop3A_836 = vector.shape_cast %parallel_loop3A_829 : vector<16xf32> to vector<1x1x16xf32>
      tpu.vector_store %arg8[%parallel_loop3A_831, %parallel_loop3A_832, %parallel_loop3A_833], %parallel_loop3A_836 {strides = array<i32>} : memref<2x100x64xf32, #tpu.memory_space<vmem>>, vector<1x1x16xf32>,
    } {sc.loop_unroll_factor = 4 : i64, sc.parallel_access}
    %add3A_363 = arith.constant 250 : i32
    %add3A_364 = arith.addi %mul3A_2, %add3A_363 : i32
    %add3A_365 = arith.constant 1 : i32
    %add3A_366 = arith.addi %add3A_364, %add3A_365 : i32
    %shift_right_logical3A_367 = arith.constant 1 : i32
    %shift_right_logical3A_368 = arith.shrui %add3A_366, %shift_right_logical3A_367 : i32
    %and3A_369 = arith.constant 1 : i32
    %and3A_370 = arith.andi %add3A_366, %and3A_369 : i32
    %mul3A_371 = arith.constant 100 : i32
    %mul3A_372 = arith.muli %and3A_370, %mul3A_371 : i32
    %dma_start3A_373 = arith.constant 1 : i32
    %dma_start3A_374 = arith.constant 0 : i32
    %dma_start3A_375 = arith.constant 0 : i32
    %dma_start3A_376 = tpu.memref_slice %arg8[%dma_start3A_373, %dma_start3A_374, %dma_start3A_375] : memref<2x100x64xf32, #tpu.memory_space<vmem>> -> memref<1x100x64xf32, #tpu.memory_space<vmem>>
    %dma_start3A_377 = tpu.memref_squeeze %dma_start3A_376 : memref<1x100x64xf32, #tpu.memory_space<vmem>> -> memref<100x64xf32, #tpu.memory_space<vmem>>
    %dma_start3A_378 = arith.constant 0 : i32
    %dma_start3A_379 = tpu.memref_slice %arg4[%shift_right_logical3A_368, %mul3A_372, %dma_start3A_378] : memref<4096x200x64xf32, #tpu.memory_space<hbm>> -> memref<1x100x64xf32, #tpu.memory_space<hbm>>
    %dma_start3A_380 = tpu.memref_squeeze %dma_start3A_379 : memref<1x100x64xf32, #tpu.memory_space<hbm>> -> memref<100x64xf32, #tpu.memory_space<hbm>>
    %dma_start3A_381 = arith.constant 0 : i32
    %dma_start3A_382 = tpu.memref_slice %arg4[%shift_right_logical3A_368, %mul3A_372, %dma_start3A_381] : memref<4096x200x64xf32, #tpu.memory_space<hbm>> -> memref<1x100x64xf32, #tpu.memory_space<hbm>>
    %dma_start3A_383 = tpu.memref_squeeze %dma_start3A_382 : memref<1x100x64xf32, #tpu.memory_space<hbm>> -> memref<100x64xf32, #tpu.memory_space<hbm>>
    %dma_start3A_384 = arith.constant 0 : i32
    %dma_start3A_385 = arith.constant 0 : i32
    %dma_start3A_386 = tpu.memref_slice %arg8[%dma_start3A_373, %dma_start3A_384, %dma_start3A_385] : memref<2x100x64xf32, #tpu.memory_space<vmem>> -> memref<1x100x64xf32, #tpu.memory_space<vmem>>
    %dma_start3A_387 = tpu.memref_squeeze %dma_start3A_386 : memref<1x100x64xf32, #tpu.memory_space<vmem>> -> memref<100x64xf32, #tpu.memory_space<vmem>>
    tpu.enqueue_dma source(%dma_start3A_387 : memref<100x64xf32, #tpu.memory_space<vmem>>) target(%dma_start3A_383 : memref<100x64xf32, #tpu.memory_space<hbm>>) target_semaphore(%arg14 : memref<!tpu.dma_semaphore, #tpu.memory_space<semaphore_mem>>)
    %add3A_388 = arith.constant 0 : i32
    %add3A_389 = arith.addi %mul3A_2, %add3A_388 : i32
    %add3A_390 = arith.constant 0 : i32
    %add3A_391 = arith.addi %add3A_389, %add3A_390 : i32
    %shift_right_logical3A_392 = arith.constant 1 : i32
    %shift_right_logical3A_393 = arith.shrui %add3A_391, %shift_right_logical3A_392 : i32
    %and3A_394 = arith.constant 1 : i32
    %and3A_395 = arith.andi %add3A_391, %and3A_394 : i32
    %mul3A_396 = arith.constant 100 : i32
    %mul3A_397 = arith.muli %and3A_395, %mul3A_396 : i32
    %dma_wait3A_398 = arith.constant 0 : i32
    %dma_wait3A_399 = arith.constant 0 : i32
    %dma_wait3A_400 = arith.constant 0 : i32
    %dma_wait3A_401 = tpu.memref_slice %arg7[%dma_wait3A_398, %dma_wait3A_399, %dma_wait3A_400] : memref<2x100x64xf32, #tpu.memory_space<vmem>> -> memref<1x100x64xf32, #tpu.memory_space<vmem>>
    %dma_wait3A_402 = tpu.memref_squeeze %dma_wait3A_401 : memref<1x100x64xf32, #tpu.memory_space<vmem>> -> memref<100x64xf32, #tpu.memory_space<vmem>>
    %dma_wait3A_403 = arith.constant 0 : i32
    %dma_wait3A_404 = tpu.memref_slice %arg4[%shift_right_logical3A_393, %mul3A_397, %dma_wait3A_403] : memref<4096x200x64xf32, #tpu.memory_space<hbm>> -> memref<1x100x64xf32, #tpu.memory_space<hbm>>
    %dma_wait3A_405 = tpu.memref_squeeze %dma_wait3A_404 : memref<1x100x64xf32, #tpu.memory_space<hbm>> -> memref<100x64xf32, #tpu.memory_space<hbm>>
    %dma_wait3A_406 = arith.constant 0 : i32
    %dma_wait3A_407 = tpu.memref_slice %arg4[%shift_right_logical3A_393, %mul3A_397, %dma_wait3A_406] : memref<4096x200x64xf32, #tpu.memory_space<hbm>> -> memref<1x100x64xf32, #tpu.memory_space<hbm>>
    %dma_wait3A_408 = tpu.memref_squeeze %dma_wait3A_407 : memref<1x100x64xf32, #tpu.memory_space<hbm>> -> memref<100x64xf32, #tpu.memory_space<hbm>>
    %dma_wait3A_409 = arith.constant 0 : i32
    %dma_wait3A_410 = arith.constant 0 : i32
    %dma_wait3A_411 = tpu.memref_slice %arg7[%dma_wait3A_398, %dma_wait3A_409, %dma_wait3A_410] : memref<2x100x64xf32, #tpu.memory_space<vmem>> -> memref<1x100x64xf32, #tpu.memory_space<vmem>>
    %dma_wait3A_412 = tpu.memref_squeeze %dma_wait3A_411 : memref<1x100x64xf32, #tpu.memory_space<vmem>> -> memref<100x64xf32, #tpu.memory_space<vmem>>
    tpu.wait_dma2 semaphore(%arg13 : memref<!tpu.dma_semaphore, #tpu.memory_space<semaphore_mem>>) src(%dma_wait3A_412 : memref<100x64xf32, #tpu.memory_space<vmem>>) dst(%dma_wait3A_408 : memref<100x64xf32, #tpu.memory_space<hbm>>)
    %add3A_413 = arith.constant 0 : i32
    %add3A_414 = arith.addi %mul3A_2, %add3A_413 : i32
    %add3A_415 = arith.constant 1 : i32
    %add3A_416 = arith.addi %add3A_414, %add3A_415 : i32
    %shift_right_logical3A_417 = arith.constant 1 : i32
    %shift_right_logical3A_418 = arith.shrui %add3A_416, %shift_right_logical3A_417 : i32
    %and3A_419 = arith.constant 1 : i32
    %and3A_420 = arith.andi %add3A_416, %and3A_419 : i32
    %mul3A_421 = arith.constant 100 : i32
    %mul3A_422 = arith.muli %and3A_420, %mul3A_421 : i32
    %dma_wait3A_423 = arith.constant 1 : i32
    %dma_wait3A_424 = arith.constant 0 : i32
    %dma_wait3A_425 = arith.constant 0 : i32
    %dma_wait3A_426 = tpu.memref_slice %arg7[%dma_wait3A_423, %dma_wait3A_424, %dma_wait3A_425] : memref<2x100x64xf32, #tpu.memory_space<vmem>> -> memref<1x100x64xf32, #tpu.memory_space<vmem>>
    %dma_wait3A_427 = tpu.memref_squeeze %dma_wait3A_426 : memref<1x100x64xf32, #tpu.memory_space<vmem>> -> memref<100x64xf32, #tpu.memory_space<vmem>>
    %dma_wait3A_428 = arith.constant 0 : i32
    %dma_wait3A_429 = tpu.memref_slice %arg4[%shift_right_logical3A_418, %mul3A_422, %dma_wait3A_428] : memref<4096x200x64xf32, #tpu.memory_space<hbm>> -> memref<1x100x64xf32, #tpu.memory_space<hbm>>
    %dma_wait3A_430 = tpu.memref_squeeze %dma_wait3A_429 : memref<1x100x64xf32, #tpu.memory_space<hbm>> -> memref<100x64xf32, #tpu.memory_space<hbm>>
    %dma_wait3A_431 = arith.constant 0 : i32
    %dma_wait3A_432 = tpu.memref_slice %arg4[%shift_right_logical3A_418, %mul3A_422, %dma_wait3A_431] : memref<4096x200x64xf32, #tpu.memory_space<hbm>> -> memref<1x100x64xf32, #tpu.memory_space<hbm>>
    %dma_wait3A_433 = tpu.memref_squeeze %dma_wait3A_432 : memref<1x100x64xf32, #tpu.memory_space<hbm>> -> memref<100x64xf32, #tpu.memory_space<hbm>>
    %dma_wait3A_434 = arith.constant 0 : i32
    %dma_wait3A_435 = arith.constant 0 : i32
    %dma_wait3A_436 = tpu.memref_slice %arg7[%dma_wait3A_423, %dma_wait3A_434, %dma_wait3A_435] : memref<2x100x64xf32, #tpu.memory_space<vmem>> -> memref<1x100x64xf32, #tpu.memory_space<vmem>>
    %dma_wait3A_437 = tpu.memref_squeeze %dma_wait3A_436 : memref<1x100x64xf32, #tpu.memory_space<vmem>> -> memref<100x64xf32, #tpu.memory_space<vmem>>
    tpu.wait_dma2 semaphore(%arg13 : memref<!tpu.dma_semaphore, #tpu.memory_space<semaphore_mem>>) src(%dma_wait3A_437 : memref<100x64xf32, #tpu.memory_space<vmem>>) dst(%dma_wait3A_433 : memref<100x64xf32, #tpu.memory_space<hbm>>)
    %dma_start3A_438 = arith.constant 254 : i32
    %dma_start3A_439 = arith.constant 0 : i32
    %dma_start3A_440 = arith.constant 0 : i32
    %dma_start3A_441 = arith.constant 0 : i32
    %dma_start3A_442 = tpu.memref_slice %arg7[%dma_start3A_439, %dma_start3A_440, %dma_start3A_441] : memref<2x100x64xf32, #tpu.memory_space<vmem>> -> memref<1x100x64xf32, #tpu.memory_space<vmem>>
    %dma_start3A_443 = tpu.memref_squeeze %dma_start3A_442 : memref<1x100x64xf32, #tpu.memory_space<vmem>> -> memref<100x64xf32, #tpu.memory_space<vmem>>
    %dma_start3A_444 = arith.constant 0 : i32
    %dma_start3A_445 = tpu.memref_slice %arg5[%dma_start3A_438, %dma_start3A_444] : memref<256x100xi32, #tpu.memory_space<vmem>> -> memref<1x100xi32, #tpu.memory_space<vmem>>
    %dma_start3A_446 = tpu.memref_squeeze %dma_start3A_445 : memref<1x100xi32, #tpu.memory_space<vmem>> -> memref<100xi32, #tpu.memory_space<vmem>>
    %dma_start3A_447 = arith.constant 0 : i32
    %dma_start3A_448 = arith.constant 0 : i32
    %dma_start3A_449 = tpu.memref_slice %arg3[%dma_start3A_447, %dma_start3A_448] : memref<1000000x64xf32, #tpu.memory_space<hbm>> -> memref<1000000x64xf32, #tpu.memory_space<hbm>>
    tpu.enqueue_indirect_dma source(%dma_start3A_449 : memref<1000000x64xf32, #tpu.memory_space<hbm>>) target(%dma_start3A_443 : memref<100x64xf32, #tpu.memory_space<vmem>>) offsets(%dma_start3A_446 : memref<100xi32, #tpu.memory_space<vmem>>) semaphore(%arg10 : memref<!tpu.dma_semaphore, #tpu.memory_space<semaphore_mem>>)
    %dma_start3A_450 = arith.constant 255 : i32
    %dma_start3A_451 = arith.constant 1 : i32
    %dma_start3A_452 = arith.constant 0 : i32
    %dma_start3A_453 = arith.constant 0 : i32
    %dma_start3A_454 = tpu.memref_slice %arg7[%dma_start3A_451, %dma_start3A_452, %dma_start3A_453] : memref<2x100x64xf32, #tpu.memory_space<vmem>> -> memref<1x100x64xf32, #tpu.memory_space<vmem>>
    %dma_start3A_455 = tpu.memref_squeeze %dma_start3A_454 : memref<1x100x64xf32, #tpu.memory_space<vmem>> -> memref<100x64xf32, #tpu.memory_space<vmem>>
    %dma_start3A_456 = arith.constant 0 : i32
    %dma_start3A_457 = tpu.memref_slice %arg5[%dma_start3A_450, %dma_start3A_456] : memref<256x100xi32, #tpu.memory_space<vmem>> -> memref<1x100xi32, #tpu.memory_space<vmem>>
    %dma_start3A_458 = tpu.memref_squeeze %dma_start3A_457 : memref<1x100xi32, #tpu.memory_space<vmem>> -> memref<100xi32, #tpu.memory_space<vmem>>
    %dma_start3A_459 = arith.constant 0 : i32
    %dma_start3A_460 = arith.constant 0 : i32
    %dma_start3A_461 = tpu.memref_slice %arg3[%dma_start3A_459, %dma_start3A_460] : memref<1000000x64xf32, #tpu.memory_space<hbm>> -> memref<1000000x64xf32, #tpu.memory_space<hbm>>
    tpu.enqueue_indirect_dma source(%dma_start3A_461 : memref<1000000x64xf32, #tpu.memory_space<hbm>>) target(%dma_start3A_455 : memref<100x64xf32, #tpu.memory_space<vmem>>) offsets(%dma_start3A_458 : memref<100xi32, #tpu.memory_space<vmem>>) semaphore(%arg10 : memref<!tpu.dma_semaphore, #tpu.memory_space<semaphore_mem>>)
    %dma_wait3A_462 = arith.constant 0 : i32
    %dma_wait3A_463 = arith.constant 0 : i32
    %dma_wait3A_464 = arith.constant 0 : i32
    %dma_wait3A_465 = arith.constant 0 : i32
    %dma_wait3A_466 = tpu.memref_slice %arg6[%dma_wait3A_463, %dma_wait3A_464, %dma_wait3A_465] : memref<2x100x64xf32, #tpu.memory_space<vmem>> -> memref<1x100x64xf32, #tpu.memory_space<vmem>>
    %dma_wait3A_467 = tpu.memref_squeeze %dma_wait3A_466 : memref<1x100x64xf32, #tpu.memory_space<vmem>> -> memref<100x64xf32, #tpu.memory_space<vmem>>
    %dma_wait3A_468 = arith.constant 0 : i32
    %dma_wait3A_469 = tpu.memref_slice %arg5[%dma_wait3A_462, %dma_wait3A_468] : memref<256x100xi32, #tpu.memory_space<vmem>> -> memref<1x100xi32, #tpu.memory_space<vmem>>
    %dma_wait3A_470 = tpu.memref_squeeze %dma_wait3A_469 : memref<1x100xi32, #tpu.memory_space<vmem>> -> memref<100xi32, #tpu.memory_space<vmem>>
    %dma_wait3A_471 = arith.constant 0 : i32
    %dma_wait3A_472 = arith.constant 0 : i32
    %dma_wait3A_473 = tpu.memref_slice %arg3[%dma_wait3A_471, %dma_wait3A_472] : memref<1000000x64xf32, #tpu.memory_space<hbm>> -> memref<1000000x64xf32, #tpu.memory_space<hbm>>
    tpu.wait_indirect_dma semaphore(%arg9 : memref<!tpu.dma_semaphore, #tpu.memory_space<semaphore_mem>>) src(%dma_wait3A_473 : memref<1000000x64xf32, #tpu.memory_space<hbm>>) dst(%dma_wait3A_467 : memref<100x64xf32, #tpu.memory_space<vmem>>)
    %dma_wait3A_474 = arith.constant 1 : i32
    %dma_wait3A_475 = arith.constant 1 : i32
    %dma_wait3A_476 = arith.constant 0 : i32
    %dma_wait3A_477 = arith.constant 0 : i32
    %dma_wait3A_478 = tpu.memref_slice %arg6[%dma_wait3A_475, %dma_wait3A_476, %dma_wait3A_477] : memref<2x100x64xf32, #tpu.memory_space<vmem>> -> memref<1x100x64xf32, #tpu.memory_space<vmem>>
    %dma_wait3A_479 = tpu.memref_squeeze %dma_wait3A_478 : memref<1x100x64xf32, #tpu.memory_space<vmem>> -> memref<100x64xf32, #tpu.memory_space<vmem>>
    %dma_wait3A_480 = arith.constant 0 : i32
    %dma_wait3A_481 = tpu.memref_slice %arg5[%dma_wait3A_474, %dma_wait3A_480] : memref<256x100xi32, #tpu.memory_space<vmem>> -> memref<1x100xi32, #tpu.memory_space<vmem>>
    %dma_wait3A_482 = tpu.memref_squeeze %dma_wait3A_481 : memref<1x100xi32, #tpu.memory_space<vmem>> -> memref<100xi32, #tpu.memory_space<vmem>>
    %dma_wait3A_483 = arith.constant 0 : i32
    %dma_wait3A_484 = arith.constant 0 : i32
    %dma_wait3A_485 = tpu.memref_slice %arg3[%dma_wait3A_483, %dma_wait3A_484] : memref<1000000x64xf32, #tpu.memory_space<hbm>> -> memref<1000000x64xf32, #tpu.memory_space<hbm>>
    tpu.wait_indirect_dma semaphore(%arg9 : memref<!tpu.dma_semaphore, #tpu.memory_space<semaphore_mem>>) src(%dma_wait3A_485 : memref<1000000x64xf32, #tpu.memory_space<hbm>>) dst(%dma_wait3A_479 : memref<100x64xf32, #tpu.memory_space<vmem>>)
    %parallel_loop3A_486 = arith.constant 0 : i32
    %parallel_loop3A_487 = arith.constant 100 : i32
    %parallel_loop3A_488 = arith.constant 1 : i32
    scf.for %parallel_loop3A_772 = %parallel_loop3A_486 to %parallel_loop3A_487 step %parallel_loop3A_488  : i32 {
      %parallel_loop3A_773 = arith.constant 0 : i32
      %parallel_loop3A_774 = arith.index_cast %parallel_loop3A_773 : i32 to index
      %parallel_loop3A_775 = arith.index_cast %parallel_loop3A_772 : i32 to index
      %parallel_loop3A_776 = arith.constant 0 : index
      %parallel_loop3A_777 = tpu.vector_load %arg6[%parallel_loop3A_774, %parallel_loop3A_775, %parallel_loop3A_776] {strides = array<i32>} : memref<2x100x64xf32, #tpu.memory_space<vmem>>, vector<1x1x16xf32>,
      %parallel_loop3A_778 = vector.shape_cast %parallel_loop3A_777 : vector<1x1x16xf32> to vector<16xf32>
      %parallel_loop3A_779 = arith.constant 8.000000e+00 : f32
      %parallel_loop3A_780 = vector.broadcast %parallel_loop3A_779 : f32 to vector<16xf32>
      %parallel_loop3A_781 = arith.mulf %parallel_loop3A_778, %parallel_loop3A_780 : vector<16xf32>
      %parallel_loop3A_782 = arith.constant 0 : i32
      %parallel_loop3A_783 = arith.index_cast %parallel_loop3A_782 : i32 to index
      %parallel_loop3A_784 = arith.index_cast %parallel_loop3A_772 : i32 to index
      %parallel_loop3A_785 = arith.constant 0 : index
      %parallel_loop3A_786 = tpu.vector_load %arg6[%parallel_loop3A_783, %parallel_loop3A_784, %parallel_loop3A_785] {strides = array<i32>} : memref<2x100x64xf32, #tpu.memory_space<vmem>>, vector<1x1x16xf32>,
      %parallel_loop3A_787 = vector.shape_cast %parallel_loop3A_786 : vector<1x1x16xf32> to vector<16xf32>
      %parallel_loop3A_788 = vector.shape_cast %parallel_loop3A_781 : vector<16xf32> to vector<1x1x16xf32>
      tpu.vector_store %arg6[%parallel_loop3A_783, %parallel_loop3A_784, %parallel_loop3A_785], %parallel_loop3A_788 {strides = array<i32>} : memref<2x100x64xf32, #tpu.memory_space<vmem>>, vector<1x1x16xf32>,
      %parallel_loop3A_789 = arith.constant 0 : i32
      %parallel_loop3A_790 = arith.index_cast %parallel_loop3A_789 : i32 to index
      %parallel_loop3A_791 = arith.index_cast %parallel_loop3A_772 : i32 to index
      %parallel_loop3A_792 = arith.constant 16 : index
      %parallel_loop3A_793 = tpu.vector_load %arg6[%parallel_loop3A_790, %parallel_loop3A_791, %parallel_loop3A_792] {strides = array<i32>} : memref<2x100x64xf32, #tpu.memory_space<vmem>>, vector<1x1x16xf32>,
      %parallel_loop3A_794 = vector.shape_cast %parallel_loop3A_793 : vector<1x1x16xf32> to vector<16xf32>
      %parallel_loop3A_795 = arith.constant 8.000000e+00 : f32
      %parallel_loop3A_796 = vector.broadcast %parallel_loop3A_795 : f32 to vector<16xf32>
      %parallel_loop3A_797 = arith.mulf %parallel_loop3A_794, %parallel_loop3A_796 : vector<16xf32>
      %parallel_loop3A_798 = arith.constant 0 : i32
      %parallel_loop3A_799 = arith.index_cast %parallel_loop3A_798 : i32 to index
      %parallel_loop3A_800 = arith.index_cast %parallel_loop3A_772 : i32 to index
      %parallel_loop3A_801 = arith.constant 16 : index
      %parallel_loop3A_802 = tpu.vector_load %arg6[%parallel_loop3A_799, %parallel_loop3A_800, %parallel_loop3A_801] {strides = array<i32>} : memref<2x100x64xf32, #tpu.memory_space<vmem>>, vector<1x1x16xf32>,
      %parallel_loop3A_803 = vector.shape_cast %parallel_loop3A_802 : vector<1x1x16xf32> to vector<16xf32>
      %parallel_loop3A_804 = vector.shape_cast %parallel_loop3A_797 : vector<16xf32> to vector<1x1x16xf32>
      tpu.vector_store %arg6[%parallel_loop3A_799, %parallel_loop3A_800, %parallel_loop3A_801], %parallel_loop3A_804 {strides = array<i32>} : memref<2x100x64xf32, #tpu.memory_space<vmem>>, vector<1x1x16xf32>,
      %parallel_loop3A_805 = arith.constant 0 : i32
      %parallel_loop3A_806 = arith.index_cast %parallel_loop3A_805 : i32 to index
      %parallel_loop3A_807 = arith.index_cast %parallel_loop3A_772 : i32 to index
      %parallel_loop3A_808 = arith.constant 32 : index
      %parallel_loop3A_809 = tpu.vector_load %arg6[%parallel_loop3A_806, %parallel_loop3A_807, %parallel_loop3A_808] {strides = array<i32>} : memref<2x100x64xf32, #tpu.memory_space<vmem>>, vector<1x1x16xf32>,
      %parallel_loop3A_810 = vector.shape_cast %parallel_loop3A_809 : vector<1x1x16xf32> to vector<16xf32>
      %parallel_loop3A_811 = arith.constant 8.000000e+00 : f32
      %parallel_loop3A_812 = vector.broadcast %parallel_loop3A_811 : f32 to vector<16xf32>
      %parallel_loop3A_813 = arith.mulf %parallel_loop3A_810, %parallel_loop3A_812 : vector<16xf32>
      %parallel_loop3A_814 = arith.constant 0 : i32
      %parallel_loop3A_815 = arith.index_cast %parallel_loop3A_814 : i32 to index
      %parallel_loop3A_816 = arith.index_cast %parallel_loop3A_772 : i32 to index
      %parallel_loop3A_817 = arith.constant 32 : index
      %parallel_loop3A_818 = tpu.vector_load %arg6[%parallel_loop3A_815, %parallel_loop3A_816, %parallel_loop3A_817] {strides = array<i32>} : memref<2x100x64xf32, #tpu.memory_space<vmem>>, vector<1x1x16xf32>,
      %parallel_loop3A_819 = vector.shape_cast %parallel_loop3A_818 : vector<1x1x16xf32> to vector<16xf32>
      %parallel_loop3A_820 = vector.shape_cast %parallel_loop3A_813 : vector<16xf32> to vector<1x1x16xf32>
      tpu.vector_store %arg6[%parallel_loop3A_815, %parallel_loop3A_816, %parallel_loop3A_817], %parallel_loop3A_820 {strides = array<i32>} : memref<2x100x64xf32, #tpu.memory_space<vmem>>, vector<1x1x16xf32>,
      %parallel_loop3A_821 = arith.constant 0 : i32
      %parallel_loop3A_822 = arith.index_cast %parallel_loop3A_821 : i32 to index
      %parallel_loop3A_823 = arith.index_cast %parallel_loop3A_772 : i32 to index
      %parallel_loop3A_824 = arith.constant 48 : index
      %parallel_loop3A_825 = tpu.vector_load %arg6[%parallel_loop3A_822, %parallel_loop3A_823, %parallel_loop3A_824] {strides = array<i32>} : memref<2x100x64xf32, #tpu.memory_space<vmem>>, vector<1x1x16xf32>,
      %parallel_loop3A_826 = vector.shape_cast %parallel_loop3A_825 : vector<1x1x16xf32> to vector<16xf32>
      %parallel_loop3A_827 = arith.constant 8.000000e+00 : f32
      %parallel_loop3A_828 = vector.broadcast %parallel_loop3A_827 : f32 to vector<16xf32>
      %parallel_loop3A_829 = arith.mulf %parallel_loop3A_826, %parallel_loop3A_828 : vector<16xf32>
      %parallel_loop3A_830 = arith.constant 0 : i32
      %parallel_loop3A_831 = arith.index_cast %parallel_loop3A_830 : i32 to index
      %parallel_loop3A_832 = arith.index_cast %parallel_loop3A_772 : i32 to index
      %parallel_loop3A_833 = arith.constant 48 : index
      %parallel_loop3A_834 = tpu.vector_load %arg6[%parallel_loop3A_831, %parallel_loop3A_832, %parallel_loop3A_833] {strides = array<i32>} : memref<2x100x64xf32, #tpu.memory_space<vmem>>, vector<1x1x16xf32>,
      %parallel_loop3A_835 = vector.shape_cast %parallel_loop3A_834 : vector<1x1x16xf32> to vector<16xf32>
      %parallel_loop3A_836 = vector.shape_cast %parallel_loop3A_829 : vector<16xf32> to vector<1x1x16xf32>
      tpu.vector_store %arg6[%parallel_loop3A_831, %parallel_loop3A_832, %parallel_loop3A_833], %parallel_loop3A_836 {strides = array<i32>} : memref<2x100x64xf32, #tpu.memory_space<vmem>>, vector<1x1x16xf32>,
    } {sc.loop_unroll_factor = 4 : i64, sc.parallel_access}
    %add3A_489 = arith.constant 252 : i32
    %add3A_490 = arith.addi %mul3A_2, %add3A_489 : i32
    %add3A_491 = arith.constant 0 : i32
    %add3A_492 = arith.addi %add3A_490, %add3A_491 : i32
    %shift_right_logical3A_493 = arith.constant 1 : i32
    %shift_right_logical3A_494 = arith.shrui %add3A_492, %shift_right_logical3A_493 : i32
    %and3A_495 = arith.constant 1 : i32
    %and3A_496 = arith.andi %add3A_492, %and3A_495 : i32
    %mul3A_497 = arith.constant 100 : i32
    %mul3A_498 = arith.muli %and3A_496, %mul3A_497 : i32
    %dma_start3A_499 = arith.constant 0 : i32
    %dma_start3A_500 = arith.constant 0 : i32
    %dma_start3A_501 = arith.constant 0 : i32
    %dma_start3A_502 = tpu.memref_slice %arg6[%dma_start3A_499, %dma_start3A_500, %dma_start3A_501] : memref<2x100x64xf32, #tpu.memory_space<vmem>> -> memref<1x100x64xf32, #tpu.memory_space<vmem>>
    %dma_start3A_503 = tpu.memref_squeeze %dma_start3A_502 : memref<1x100x64xf32, #tpu.memory_space<vmem>> -> memref<100x64xf32, #tpu.memory_space<vmem>>
    %dma_start3A_504 = arith.constant 0 : i32
    %dma_start3A_505 = tpu.memref_slice %arg4[%shift_right_logical3A_494, %mul3A_498, %dma_start3A_504] : memref<4096x200x64xf32, #tpu.memory_space<hbm>> -> memref<1x100x64xf32, #tpu.memory_space<hbm>>
    %dma_start3A_506 = tpu.memref_squeeze %dma_start3A_505 : memref<1x100x64xf32, #tpu.memory_space<hbm>> -> memref<100x64xf32, #tpu.memory_space<hbm>>
    %dma_start3A_507 = arith.constant 0 : i32
    %dma_start3A_508 = tpu.memref_slice %arg4[%shift_right_logical3A_494, %mul3A_498, %dma_start3A_507] : memref<4096x200x64xf32, #tpu.memory_space<hbm>> -> memref<1x100x64xf32, #tpu.memory_space<hbm>>
    %dma_start3A_509 = tpu.memref_squeeze %dma_start3A_508 : memref<1x100x64xf32, #tpu.memory_space<hbm>> -> memref<100x64xf32, #tpu.memory_space<hbm>>
    %dma_start3A_510 = arith.constant 0 : i32
    %dma_start3A_511 = arith.constant 0 : i32
    %dma_start3A_512 = tpu.memref_slice %arg6[%dma_start3A_499, %dma_start3A_510, %dma_start3A_511] : memref<2x100x64xf32, #tpu.memory_space<vmem>> -> memref<1x100x64xf32, #tpu.memory_space<vmem>>
    %dma_start3A_513 = tpu.memref_squeeze %dma_start3A_512 : memref<1x100x64xf32, #tpu.memory_space<vmem>> -> memref<100x64xf32, #tpu.memory_space<vmem>>
    tpu.enqueue_dma source(%dma_start3A_513 : memref<100x64xf32, #tpu.memory_space<vmem>>) target(%dma_start3A_509 : memref<100x64xf32, #tpu.memory_space<hbm>>) target_semaphore(%arg12 : memref<!tpu.dma_semaphore, #tpu.memory_space<semaphore_mem>>)
    %parallel_loop3A_514 = arith.constant 0 : i32
    %parallel_loop3A_515 = arith.constant 100 : i32
    %parallel_loop3A_516 = arith.constant 1 : i32
    scf.for %parallel_loop3A_772 = %parallel_loop3A_514 to %parallel_loop3A_515 step %parallel_loop3A_516  : i32 {
      %parallel_loop3A_773 = arith.constant 1 : i32
      %parallel_loop3A_774 = arith.index_cast %parallel_loop3A_773 : i32 to index
      %parallel_loop3A_775 = arith.index_cast %parallel_loop3A_772 : i32 to index
      %parallel_loop3A_776 = arith.constant 0 : index
      %parallel_loop3A_777 = tpu.vector_load %arg6[%parallel_loop3A_774, %parallel_loop3A_775, %parallel_loop3A_776] {strides = array<i32>} : memref<2x100x64xf32, #tpu.memory_space<vmem>>, vector<1x1x16xf32>,
      %parallel_loop3A_778 = vector.shape_cast %parallel_loop3A_777 : vector<1x1x16xf32> to vector<16xf32>
      %parallel_loop3A_779 = arith.constant 8.000000e+00 : f32
      %parallel_loop3A_780 = vector.broadcast %parallel_loop3A_779 : f32 to vector<16xf32>
      %parallel_loop3A_781 = arith.mulf %parallel_loop3A_778, %parallel_loop3A_780 : vector<16xf32>
      %parallel_loop3A_782 = arith.constant 1 : i32
      %parallel_loop3A_783 = arith.index_cast %parallel_loop3A_782 : i32 to index
      %parallel_loop3A_784 = arith.index_cast %parallel_loop3A_772 : i32 to index
      %parallel_loop3A_785 = arith.constant 0 : index
      %parallel_loop3A_786 = tpu.vector_load %arg6[%parallel_loop3A_783, %parallel_loop3A_784, %parallel_loop3A_785] {strides = array<i32>} : memref<2x100x64xf32, #tpu.memory_space<vmem>>, vector<1x1x16xf32>,
      %parallel_loop3A_787 = vector.shape_cast %parallel_loop3A_786 : vector<1x1x16xf32> to vector<16xf32>
      %parallel_loop3A_788 = vector.shape_cast %parallel_loop3A_781 : vector<16xf32> to vector<1x1x16xf32>
      tpu.vector_store %arg6[%parallel_loop3A_783, %parallel_loop3A_784, %parallel_loop3A_785], %parallel_loop3A_788 {strides = array<i32>} : memref<2x100x64xf32, #tpu.memory_space<vmem>>, vector<1x1x16xf32>,
      %parallel_loop3A_789 = arith.constant 1 : i32
      %parallel_loop3A_790 = arith.index_cast %parallel_loop3A_789 : i32 to index
      %parallel_loop3A_791 = arith.index_cast %parallel_loop3A_772 : i32 to index
      %parallel_loop3A_792 = arith.constant 16 : index
      %parallel_loop3A_793 = tpu.vector_load %arg6[%parallel_loop3A_790, %parallel_loop3A_791, %parallel_loop3A_792] {strides = array<i32>} : memref<2x100x64xf32, #tpu.memory_space<vmem>>, vector<1x1x16xf32>,
      %parallel_loop3A_794 = vector.shape_cast %parallel_loop3A_793 : vector<1x1x16xf32> to vector<16xf32>
      %parallel_loop3A_795 = arith.constant 8.000000e+00 : f32
      %parallel_loop3A_796 = vector.broadcast %parallel_loop3A_795 : f32 to vector<16xf32>
      %parallel_loop3A_797 = arith.mulf %parallel_loop3A_794, %parallel_loop3A_796 : vector<16xf32>
      %parallel_loop3A_798 = arith.constant 1 : i32
      %parallel_loop3A_799 = arith.index_cast %parallel_loop3A_798 : i32 to index
      %parallel_loop3A_800 = arith.index_cast %parallel_loop3A_772 : i32 to index
      %parallel_loop3A_801 = arith.constant 16 : index
      %parallel_loop3A_802 = tpu.vector_load %arg6[%parallel_loop3A_799, %parallel_loop3A_800, %parallel_loop3A_801] {strides = array<i32>} : memref<2x100x64xf32, #tpu.memory_space<vmem>>, vector<1x1x16xf32>,
      %parallel_loop3A_803 = vector.shape_cast %parallel_loop3A_802 : vector<1x1x16xf32> to vector<16xf32>
      %parallel_loop3A_804 = vector.shape_cast %parallel_loop3A_797 : vector<16xf32> to vector<1x1x16xf32>
      tpu.vector_store %arg6[%parallel_loop3A_799, %parallel_loop3A_800, %parallel_loop3A_801], %parallel_loop3A_804 {strides = array<i32>} : memref<2x100x64xf32, #tpu.memory_space<vmem>>, vector<1x1x16xf32>,
      %parallel_loop3A_805 = arith.constant 1 : i32
      %parallel_loop3A_806 = arith.index_cast %parallel_loop3A_805 : i32 to index
      %parallel_loop3A_807 = arith.index_cast %parallel_loop3A_772 : i32 to index
      %parallel_loop3A_808 = arith.constant 32 : index
      %parallel_loop3A_809 = tpu.vector_load %arg6[%parallel_loop3A_806, %parallel_loop3A_807, %parallel_loop3A_808] {strides = array<i32>} : memref<2x100x64xf32, #tpu.memory_space<vmem>>, vector<1x1x16xf32>,
      %parallel_loop3A_810 = vector.shape_cast %parallel_loop3A_809 : vector<1x1x16xf32> to vector<16xf32>
      %parallel_loop3A_811 = arith.constant 8.000000e+00 : f32
      %parallel_loop3A_812 = vector.broadcast %parallel_loop3A_811 : f32 to vector<16xf32>
      %parallel_loop3A_813 = arith.mulf %parallel_loop3A_810, %parallel_loop3A_812 : vector<16xf32>
      %parallel_loop3A_814 = arith.constant 1 : i32
      %parallel_loop3A_815 = arith.index_cast %parallel_loop3A_814 : i32 to index
      %parallel_loop3A_816 = arith.index_cast %parallel_loop3A_772 : i32 to index
      %parallel_loop3A_817 = arith.constant 32 : index
      %parallel_loop3A_818 = tpu.vector_load %arg6[%parallel_loop3A_815, %parallel_loop3A_816, %parallel_loop3A_817] {strides = array<i32>} : memref<2x100x64xf32, #tpu.memory_space<vmem>>, vector<1x1x16xf32>,
      %parallel_loop3A_819 = vector.shape_cast %parallel_loop3A_818 : vector<1x1x16xf32> to vector<16xf32>
      %parallel_loop3A_820 = vector.shape_cast %parallel_loop3A_813 : vector<16xf32> to vector<1x1x16xf32>
      tpu.vector_store %arg6[%parallel_loop3A_815, %parallel_loop3A_816, %parallel_loop3A_817], %parallel_loop3A_820 {strides = array<i32>} : memref<2x100x64xf32, #tpu.memory_space<vmem>>, vector<1x1x16xf32>,
      %parallel_loop3A_821 = arith.constant 1 : i32
      %parallel_loop3A_822 = arith.index_cast %parallel_loop3A_821 : i32 to index
      %parallel_loop3A_823 = arith.index_cast %parallel_loop3A_772 : i32 to index
      %parallel_loop3A_824 = arith.constant 48 : index
      %parallel_loop3A_825 = tpu.vector_load %arg6[%parallel_loop3A_822, %parallel_loop3A_823, %parallel_loop3A_824] {strides = array<i32>} : memref<2x100x64xf32, #tpu.memory_space<vmem>>, vector<1x1x16xf32>,
      %parallel_loop3A_826 = vector.shape_cast %parallel_loop3A_825 : vector<1x1x16xf32> to vector<16xf32>
      %parallel_loop3A_827 = arith.constant 8.000000e+00 : f32
      %parallel_loop3A_828 = vector.broadcast %parallel_loop3A_827 : f32 to vector<16xf32>
      %parallel_loop3A_829 = arith.mulf %parallel_loop3A_826, %parallel_loop3A_828 : vector<16xf32>
      %parallel_loop3A_830 = arith.constant 1 : i32
      %parallel_loop3A_831 = arith.index_cast %parallel_loop3A_830 : i32 to index
      %parallel_loop3A_832 = arith.index_cast %parallel_loop3A_772 : i32 to index
      %parallel_loop3A_833 = arith.constant 48 : index
      %parallel_loop3A_834 = tpu.vector_load %arg6[%parallel_loop3A_831, %parallel_loop3A_832, %parallel_loop3A_833] {strides = array<i32>} : memref<2x100x64xf32, #tpu.memory_space<vmem>>, vector<1x1x16xf32>,
      %parallel_loop3A_835 = vector.shape_cast %parallel_loop3A_834 : vector<1x1x16xf32> to vector<16xf32>
      %parallel_loop3A_836 = vector.shape_cast %parallel_loop3A_829 : vector<16xf32> to vector<1x1x16xf32>
      tpu.vector_store %arg6[%parallel_loop3A_831, %parallel_loop3A_832, %parallel_loop3A_833], %parallel_loop3A_836 {strides = array<i32>} : memref<2x100x64xf32, #tpu.memory_space<vmem>>, vector<1x1x16xf32>,
    } {sc.loop_unroll_factor = 4 : i64, sc.parallel_access}
    %add3A_517 = arith.constant 252 : i32
    %add3A_518 = arith.addi %mul3A_2, %add3A_517 : i32
    %add3A_519 = arith.constant 1 : i32
    %add3A_520 = arith.addi %add3A_518, %add3A_519 : i32
    %shift_right_logical3A_521 = arith.constant 1 : i32
    %shift_right_logical3A_522 = arith.shrui %add3A_520, %shift_right_logical3A_521 : i32
    %and3A_523 = arith.constant 1 : i32
    %and3A_524 = arith.andi %add3A_520, %and3A_523 : i32
    %mul3A_525 = arith.constant 100 : i32
    %mul3A_526 = arith.muli %and3A_524, %mul3A_525 : i32
    %dma_start3A_527 = arith.constant 1 : i32
    %dma_start3A_528 = arith.constant 0 : i32
    %dma_start3A_529 = arith.constant 0 : i32
    %dma_start3A_530 = tpu.memref_slice %arg6[%dma_start3A_527, %dma_start3A_528, %dma_start3A_529] : memref<2x100x64xf32, #tpu.memory_space<vmem>> -> memref<1x100x64xf32, #tpu.memory_space<vmem>>
    %dma_start3A_531 = tpu.memref_squeeze %dma_start3A_530 : memref<1x100x64xf32, #tpu.memory_space<vmem>> -> memref<100x64xf32, #tpu.memory_space<vmem>>
    %dma_start3A_532 = arith.constant 0 : i32
    %dma_start3A_533 = tpu.memref_slice %arg4[%shift_right_logical3A_522, %mul3A_526, %dma_start3A_532] : memref<4096x200x64xf32, #tpu.memory_space<hbm>> -> memref<1x100x64xf32, #tpu.memory_space<hbm>>
    %dma_start3A_534 = tpu.memref_squeeze %dma_start3A_533 : memref<1x100x64xf32, #tpu.memory_space<hbm>> -> memref<100x64xf32, #tpu.memory_space<hbm>>
    %dma_start3A_535 = arith.constant 0 : i32
    %dma_start3A_536 = tpu.memref_slice %arg4[%shift_right_logical3A_522, %mul3A_526, %dma_start3A_535] : memref<4096x200x64xf32, #tpu.memory_space<hbm>> -> memref<1x100x64xf32, #tpu.memory_space<hbm>>
    %dma_start3A_537 = tpu.memref_squeeze %dma_start3A_536 : memref<1x100x64xf32, #tpu.memory_space<hbm>> -> memref<100x64xf32, #tpu.memory_space<hbm>>
    %dma_start3A_538 = arith.constant 0 : i32
    %dma_start3A_539 = arith.constant 0 : i32
    %dma_start3A_540 = tpu.memref_slice %arg6[%dma_start3A_527, %dma_start3A_538, %dma_start3A_539] : memref<2x100x64xf32, #tpu.memory_space<vmem>> -> memref<1x100x64xf32, #tpu.memory_space<vmem>>
    %dma_start3A_541 = tpu.memref_squeeze %dma_start3A_540 : memref<1x100x64xf32, #tpu.memory_space<vmem>> -> memref<100x64xf32, #tpu.memory_space<vmem>>
    tpu.enqueue_dma source(%dma_start3A_541 : memref<100x64xf32, #tpu.memory_space<vmem>>) target(%dma_start3A_537 : memref<100x64xf32, #tpu.memory_space<hbm>>) target_semaphore(%arg12 : memref<!tpu.dma_semaphore, #tpu.memory_space<semaphore_mem>>)
    %add3A_542 = arith.constant 0 : i32
    %add3A_543 = arith.addi %mul3A_2, %add3A_542 : i32
    %add3A_544 = arith.constant 0 : i32
    %add3A_545 = arith.addi %add3A_543, %add3A_544 : i32
    %shift_right_logical3A_546 = arith.constant 1 : i32
    %shift_right_logical3A_547 = arith.shrui %add3A_545, %shift_right_logical3A_546 : i32
    %and3A_548 = arith.constant 1 : i32
    %and3A_549 = arith.andi %add3A_545, %and3A_548 : i32
    %mul3A_550 = arith.constant 100 : i32
    %mul3A_551 = arith.muli %and3A_549, %mul3A_550 : i32
    %dma_wait3A_552 = arith.constant 0 : i32
    %dma_wait3A_553 = arith.constant 0 : i32
    %dma_wait3A_554 = arith.constant 0 : i32
    %dma_wait3A_555 = tpu.memref_slice %arg8[%dma_wait3A_552, %dma_wait3A_553, %dma_wait3A_554] : memref<2x100x64xf32, #tpu.memory_space<vmem>> -> memref<1x100x64xf32, #tpu.memory_space<vmem>>
    %dma_wait3A_556 = tpu.memref_squeeze %dma_wait3A_555 : memref<1x100x64xf32, #tpu.memory_space<vmem>> -> memref<100x64xf32, #tpu.memory_space<vmem>>
    %dma_wait3A_557 = arith.constant 0 : i32
    %dma_wait3A_558 = tpu.memref_slice %arg4[%shift_right_logical3A_547, %mul3A_551, %dma_wait3A_557] : memref<4096x200x64xf32, #tpu.memory_space<hbm>> -> memref<1x100x64xf32, #tpu.memory_space<hbm>>
    %dma_wait3A_559 = tpu.memref_squeeze %dma_wait3A_558 : memref<1x100x64xf32, #tpu.memory_space<hbm>> -> memref<100x64xf32, #tpu.memory_space<hbm>>
    %dma_wait3A_560 = arith.constant 0 : i32
    %dma_wait3A_561 = tpu.memref_slice %arg4[%shift_right_logical3A_547, %mul3A_551, %dma_wait3A_560] : memref<4096x200x64xf32, #tpu.memory_space<hbm>> -> memref<1x100x64xf32, #tpu.memory_space<hbm>>
    %dma_wait3A_562 = tpu.memref_squeeze %dma_wait3A_561 : memref<1x100x64xf32, #tpu.memory_space<hbm>> -> memref<100x64xf32, #tpu.memory_space<hbm>>
    %dma_wait3A_563 = arith.constant 0 : i32
    %dma_wait3A_564 = arith.constant 0 : i32
    %dma_wait3A_565 = tpu.memref_slice %arg8[%dma_wait3A_552, %dma_wait3A_563, %dma_wait3A_564] : memref<2x100x64xf32, #tpu.memory_space<vmem>> -> memref<1x100x64xf32, #tpu.memory_space<vmem>>
    %dma_wait3A_566 = tpu.memref_squeeze %dma_wait3A_565 : memref<1x100x64xf32, #tpu.memory_space<vmem>> -> memref<100x64xf32, #tpu.memory_space<vmem>>
    tpu.wait_dma2 semaphore(%arg14 : memref<!tpu.dma_semaphore, #tpu.memory_space<semaphore_mem>>) src(%dma_wait3A_566 : memref<100x64xf32, #tpu.memory_space<vmem>>) dst(%dma_wait3A_562 : memref<100x64xf32, #tpu.memory_space<hbm>>)
    %add3A_567 = arith.constant 0 : i32
    %add3A_568 = arith.addi %mul3A_2, %add3A_567 : i32
    %add3A_569 = arith.constant 1 : i32
    %add3A_570 = arith.addi %add3A_568, %add3A_569 : i32
    %shift_right_logical3A_571 = arith.constant 1 : i32
    %shift_right_logical3A_572 = arith.shrui %add3A_570, %shift_right_logical3A_571 : i32
    %and3A_573 = arith.constant 1 : i32
    %and3A_574 = arith.andi %add3A_570, %and3A_573 : i32
    %mul3A_575 = arith.constant 100 : i32
    %mul3A_576 = arith.muli %and3A_574, %mul3A_575 : i32
    %dma_wait3A_577 = arith.constant 1 : i32
    %dma_wait3A_578 = arith.constant 0 : i32
    %dma_wait3A_579 = arith.constant 0 : i32
    %dma_wait3A_580 = tpu.memref_slice %arg8[%dma_wait3A_577, %dma_wait3A_578, %dma_wait3A_579] : memref<2x100x64xf32, #tpu.memory_space<vmem>> -> memref<1x100x64xf32, #tpu.memory_space<vmem>>
    %dma_wait3A_581 = tpu.memref_squeeze %dma_wait3A_580 : memref<1x100x64xf32, #tpu.memory_space<vmem>> -> memref<100x64xf32, #tpu.memory_space<vmem>>
    %dma_wait3A_582 = arith.constant 0 : i32
    %dma_wait3A_583 = tpu.memref_slice %arg4[%shift_right_logical3A_572, %mul3A_576, %dma_wait3A_582] : memref<4096x200x64xf32, #tpu.memory_space<hbm>> -> memref<1x100x64xf32, #tpu.memory_space<hbm>>
    %dma_wait3A_584 = tpu.memref_squeeze %dma_wait3A_583 : memref<1x100x64xf32, #tpu.memory_space<hbm>> -> memref<100x64xf32, #tpu.memory_space<hbm>>
    %dma_wait3A_585 = arith.constant 0 : i32
    %dma_wait3A_586 = tpu.memref_slice %arg4[%shift_right_logical3A_572, %mul3A_576, %dma_wait3A_585] : memref<4096x200x64xf32, #tpu.memory_space<hbm>> -> memref<1x100x64xf32, #tpu.memory_space<hbm>>
    %dma_wait3A_587 = tpu.memref_squeeze %dma_wait3A_586 : memref<1x100x64xf32, #tpu.memory_space<hbm>> -> memref<100x64xf32, #tpu.memory_space<hbm>>
    %dma_wait3A_588 = arith.constant 0 : i32
    %dma_wait3A_589 = arith.constant 0 : i32
    %dma_wait3A_590 = tpu.memref_slice %arg8[%dma_wait3A_577, %dma_wait3A_588, %dma_wait3A_589] : memref<2x100x64xf32, #tpu.memory_space<vmem>> -> memref<1x100x64xf32, #tpu.memory_space<vmem>>
    %dma_wait3A_591 = tpu.memref_squeeze %dma_wait3A_590 : memref<1x100x64xf32, #tpu.memory_space<vmem>> -> memref<100x64xf32, #tpu.memory_space<vmem>>
    tpu.wait_dma2 semaphore(%arg14 : memref<!tpu.dma_semaphore, #tpu.memory_space<semaphore_mem>>) src(%dma_wait3A_591 : memref<100x64xf32, #tpu.memory_space<vmem>>) dst(%dma_wait3A_587 : memref<100x64xf32, #tpu.memory_space<hbm>>)
    %dma_wait3A_592 = arith.constant 0 : i32
    %dma_wait3A_593 = arith.constant 0 : i32
    %dma_wait3A_594 = arith.constant 0 : i32
    %dma_wait3A_595 = arith.constant 0 : i32
    %dma_wait3A_596 = tpu.memref_slice %arg7[%dma_wait3A_593, %dma_wait3A_594, %dma_wait3A_595] : memref<2x100x64xf32, #tpu.memory_space<vmem>> -> memref<1x100x64xf32, #tpu.memory_space<vmem>>
    %dma_wait3A_597 = tpu.memref_squeeze %dma_wait3A_596 : memref<1x100x64xf32, #tpu.memory_space<vmem>> -> memref<100x64xf32, #tpu.memory_space<vmem>>
    %dma_wait3A_598 = arith.constant 0 : i32
    %dma_wait3A_599 = tpu.memref_slice %arg5[%dma_wait3A_592, %dma_wait3A_598] : memref<256x100xi32, #tpu.memory_space<vmem>> -> memref<1x100xi32, #tpu.memory_space<vmem>>
    %dma_wait3A_600 = tpu.memref_squeeze %dma_wait3A_599 : memref<1x100xi32, #tpu.memory_space<vmem>> -> memref<100xi32, #tpu.memory_space<vmem>>
    %dma_wait3A_601 = arith.constant 0 : i32
    %dma_wait3A_602 = arith.constant 0 : i32
    %dma_wait3A_603 = tpu.memref_slice %arg3[%dma_wait3A_601, %dma_wait3A_602] : memref<1000000x64xf32, #tpu.memory_space<hbm>> -> memref<1000000x64xf32, #tpu.memory_space<hbm>>
    tpu.wait_indirect_dma semaphore(%arg10 : memref<!tpu.dma_semaphore, #tpu.memory_space<semaphore_mem>>) src(%dma_wait3A_603 : memref<1000000x64xf32, #tpu.memory_space<hbm>>) dst(%dma_wait3A_597 : memref<100x64xf32, #tpu.memory_space<vmem>>)
    %dma_wait3A_604 = arith.constant 1 : i32
    %dma_wait3A_605 = arith.constant 1 : i32
    %dma_wait3A_606 = arith.constant 0 : i32
    %dma_wait3A_607 = arith.constant 0 : i32
    %dma_wait3A_608 = tpu.memref_slice %arg7[%dma_wait3A_605, %dma_wait3A_606, %dma_wait3A_607] : memref<2x100x64xf32, #tpu.memory_space<vmem>> -> memref<1x100x64xf32, #tpu.memory_space<vmem>>
    %dma_wait3A_609 = tpu.memref_squeeze %dma_wait3A_608 : memref<1x100x64xf32, #tpu.memory_space<vmem>> -> memref<100x64xf32, #tpu.memory_space<vmem>>
    %dma_wait3A_610 = arith.constant 0 : i32
    %dma_wait3A_611 = tpu.memref_slice %arg5[%dma_wait3A_604, %dma_wait3A_610] : memref<256x100xi32, #tpu.memory_space<vmem>> -> memref<1x100xi32, #tpu.memory_space<vmem>>
    %dma_wait3A_612 = tpu.memref_squeeze %dma_wait3A_611 : memref<1x100xi32, #tpu.memory_space<vmem>> -> memref<100xi32, #tpu.memory_space<vmem>>
    %dma_wait3A_613 = arith.constant 0 : i32
    %dma_wait3A_614 = arith.constant 0 : i32
    %dma_wait3A_615 = tpu.memref_slice %arg3[%dma_wait3A_613, %dma_wait3A_614] : memref<1000000x64xf32, #tpu.memory_space<hbm>> -> memref<1000000x64xf32, #tpu.memory_space<hbm>>
    tpu.wait_indirect_dma semaphore(%arg10 : memref<!tpu.dma_semaphore, #tpu.memory_space<semaphore_mem>>) src(%dma_wait3A_615 : memref<1000000x64xf32, #tpu.memory_space<hbm>>) dst(%dma_wait3A_609 : memref<100x64xf32, #tpu.memory_space<vmem>>)
    %parallel_loop3A_616 = arith.constant 0 : i32
    %parallel_loop3A_617 = arith.constant 100 : i32
    %parallel_loop3A_618 = arith.constant 1 : i32
    scf.for %parallel_loop3A_772 = %parallel_loop3A_616 to %parallel_loop3A_617 step %parallel_loop3A_618  : i32 {
      %parallel_loop3A_773 = arith.constant 0 : i32
      %parallel_loop3A_774 = arith.index_cast %parallel_loop3A_773 : i32 to index
      %parallel_loop3A_775 = arith.index_cast %parallel_loop3A_772 : i32 to index
      %parallel_loop3A_776 = arith.constant 0 : index
      %parallel_loop3A_777 = tpu.vector_load %arg7[%parallel_loop3A_774, %parallel_loop3A_775, %parallel_loop3A_776] {strides = array<i32>} : memref<2x100x64xf32, #tpu.memory_space<vmem>>, vector<1x1x16xf32>,
      %parallel_loop3A_778 = vector.shape_cast %parallel_loop3A_777 : vector<1x1x16xf32> to vector<16xf32>
      %parallel_loop3A_779 = arith.constant 8.000000e+00 : f32
      %parallel_loop3A_780 = vector.broadcast %parallel_loop3A_779 : f32 to vector<16xf32>
      %parallel_loop3A_781 = arith.mulf %parallel_loop3A_778, %parallel_loop3A_780 : vector<16xf32>
      %parallel_loop3A_782 = arith.constant 0 : i32
      %parallel_loop3A_783 = arith.index_cast %parallel_loop3A_782 : i32 to index
      %parallel_loop3A_784 = arith.index_cast %parallel_loop3A_772 : i32 to index
      %parallel_loop3A_785 = arith.constant 0 : index
      %parallel_loop3A_786 = tpu.vector_load %arg7[%parallel_loop3A_783, %parallel_loop3A_784, %parallel_loop3A_785] {strides = array<i32>} : memref<2x100x64xf32, #tpu.memory_space<vmem>>, vector<1x1x16xf32>,
      %parallel_loop3A_787 = vector.shape_cast %parallel_loop3A_786 : vector<1x1x16xf32> to vector<16xf32>
      %parallel_loop3A_788 = vector.shape_cast %parallel_loop3A_781 : vector<16xf32> to vector<1x1x16xf32>
      tpu.vector_store %arg7[%parallel_loop3A_783, %parallel_loop3A_784, %parallel_loop3A_785], %parallel_loop3A_788 {strides = array<i32>} : memref<2x100x64xf32, #tpu.memory_space<vmem>>, vector<1x1x16xf32>,
      %parallel_loop3A_789 = arith.constant 0 : i32
      %parallel_loop3A_790 = arith.index_cast %parallel_loop3A_789 : i32 to index
      %parallel_loop3A_791 = arith.index_cast %parallel_loop3A_772 : i32 to index
      %parallel_loop3A_792 = arith.constant 16 : index
      %parallel_loop3A_793 = tpu.vector_load %arg7[%parallel_loop3A_790, %parallel_loop3A_791, %parallel_loop3A_792] {strides = array<i32>} : memref<2x100x64xf32, #tpu.memory_space<vmem>>, vector<1x1x16xf32>,
      %parallel_loop3A_794 = vector.shape_cast %parallel_loop3A_793 : vector<1x1x16xf32> to vector<16xf32>
      %parallel_loop3A_795 = arith.constant 8.000000e+00 : f32
      %parallel_loop3A_796 = vector.broadcast %parallel_loop3A_795 : f32 to vector<16xf32>
      %parallel_loop3A_797 = arith.mulf %parallel_loop3A_794, %parallel_loop3A_796 : vector<16xf32>
      %parallel_loop3A_798 = arith.constant 0 : i32
      %parallel_loop3A_799 = arith.index_cast %parallel_loop3A_798 : i32 to index
      %parallel_loop3A_800 = arith.index_cast %parallel_loop3A_772 : i32 to index
      %parallel_loop3A_801 = arith.constant 16 : index
      %parallel_loop3A_802 = tpu.vector_load %arg7[%parallel_loop3A_799, %parallel_loop3A_800, %parallel_loop3A_801] {strides = array<i32>} : memref<2x100x64xf32, #tpu.memory_space<vmem>>, vector<1x1x16xf32>,
      %parallel_loop3A_803 = vector.shape_cast %parallel_loop3A_802 : vector<1x1x16xf32> to vector<16xf32>
      %parallel_loop3A_804 = vector.shape_cast %parallel_loop3A_797 : vector<16xf32> to vector<1x1x16xf32>
      tpu.vector_store %arg7[%parallel_loop3A_799, %parallel_loop3A_800, %parallel_loop3A_801], %parallel_loop3A_804 {strides = array<i32>} : memref<2x100x64xf32, #tpu.memory_space<vmem>>, vector<1x1x16xf32>,
      %parallel_loop3A_805 = arith.constant 0 : i32
      %parallel_loop3A_806 = arith.index_cast %parallel_loop3A_805 : i32 to index
      %parallel_loop3A_807 = arith.index_cast %parallel_loop3A_772 : i32 to index
      %parallel_loop3A_808 = arith.constant 32 : index
      %parallel_loop3A_809 = tpu.vector_load %arg7[%parallel_loop3A_806, %parallel_loop3A_807, %parallel_loop3A_808] {strides = array<i32>} : memref<2x100x64xf32, #tpu.memory_space<vmem>>, vector<1x1x16xf32>,
      %parallel_loop3A_810 = vector.shape_cast %parallel_loop3A_809 : vector<1x1x16xf32> to vector<16xf32>
      %parallel_loop3A_811 = arith.constant 8.000000e+00 : f32
      %parallel_loop3A_812 = vector.broadcast %parallel_loop3A_811 : f32 to vector<16xf32>
      %parallel_loop3A_813 = arith.mulf %parallel_loop3A_810, %parallel_loop3A_812 : vector<16xf32>
      %parallel_loop3A_814 = arith.constant 0 : i32
      %parallel_loop3A_815 = arith.index_cast %parallel_loop3A_814 : i32 to index
      %parallel_loop3A_816 = arith.index_cast %parallel_loop3A_772 : i32 to index
      %parallel_loop3A_817 = arith.constant 32 : index
      %parallel_loop3A_818 = tpu.vector_load %arg7[%parallel_loop3A_815, %parallel_loop3A_816, %parallel_loop3A_817] {strides = array<i32>} : memref<2x100x64xf32, #tpu.memory_space<vmem>>, vector<1x1x16xf32>,
      %parallel_loop3A_819 = vector.shape_cast %parallel_loop3A_818 : vector<1x1x16xf32> to vector<16xf32>
      %parallel_loop3A_820 = vector.shape_cast %parallel_loop3A_813 : vector<16xf32> to vector<1x1x16xf32>
      tpu.vector_store %arg7[%parallel_loop3A_815, %parallel_loop3A_816, %parallel_loop3A_817], %parallel_loop3A_820 {strides = array<i32>} : memref<2x100x64xf32, #tpu.memory_space<vmem>>, vector<1x1x16xf32>,
      %parallel_loop3A_821 = arith.constant 0 : i32
      %parallel_loop3A_822 = arith.index_cast %parallel_loop3A_821 : i32 to index
      %parallel_loop3A_823 = arith.index_cast %parallel_loop3A_772 : i32 to index
      %parallel_loop3A_824 = arith.constant 48 : index
      %parallel_loop3A_825 = tpu.vector_load %arg7[%parallel_loop3A_822, %parallel_loop3A_823, %parallel_loop3A_824] {strides = array<i32>} : memref<2x100x64xf32, #tpu.memory_space<vmem>>, vector<1x1x16xf32>,
      %parallel_loop3A_826 = vector.shape_cast %parallel_loop3A_825 : vector<1x1x16xf32> to vector<16xf32>
      %parallel_loop3A_827 = arith.constant 8.000000e+00 : f32
      %parallel_loop3A_828 = vector.broadcast %parallel_loop3A_827 : f32 to vector<16xf32>
      %parallel_loop3A_829 = arith.mulf %parallel_loop3A_826, %parallel_loop3A_828 : vector<16xf32>
      %parallel_loop3A_830 = arith.constant 0 : i32
      %parallel_loop3A_831 = arith.index_cast %parallel_loop3A_830 : i32 to index
      %parallel_loop3A_832 = arith.index_cast %parallel_loop3A_772 : i32 to index
      %parallel_loop3A_833 = arith.constant 48 : index
      %parallel_loop3A_834 = tpu.vector_load %arg7[%parallel_loop3A_831, %parallel_loop3A_832, %parallel_loop3A_833] {strides = array<i32>} : memref<2x100x64xf32, #tpu.memory_space<vmem>>, vector<1x1x16xf32>,
      %parallel_loop3A_835 = vector.shape_cast %parallel_loop3A_834 : vector<1x1x16xf32> to vector<16xf32>
      %parallel_loop3A_836 = vector.shape_cast %parallel_loop3A_829 : vector<16xf32> to vector<1x1x16xf32>
      tpu.vector_store %arg7[%parallel_loop3A_831, %parallel_loop3A_832, %parallel_loop3A_833], %parallel_loop3A_836 {strides = array<i32>} : memref<2x100x64xf32, #tpu.memory_space<vmem>>, vector<1x1x16xf32>,
    } {sc.loop_unroll_factor = 4 : i64, sc.parallel_access}
    %add3A_619 = arith.constant 254 : i32
    %add3A_620 = arith.addi %mul3A_2, %add3A_619 : i32
    %add3A_621 = arith.constant 0 : i32
    %add3A_622 = arith.addi %add3A_620, %add3A_621 : i32
    %shift_right_logical3A_623 = arith.constant 1 : i32
    %shift_right_logical3A_624 = arith.shrui %add3A_622, %shift_right_logical3A_623 : i32
    %and3A_625 = arith.constant 1 : i32
    %and3A_626 = arith.andi %add3A_622, %and3A_625 : i32
    %mul3A_627 = arith.constant 100 : i32
    %mul3A_628 = arith.muli %and3A_626, %mul3A_627 : i32
    %dma_start3A_629 = arith.constant 0 : i32
    %dma_start3A_630 = arith.constant 0 : i32
    %dma_start3A_631 = arith.constant 0 : i32
    %dma_start3A_632 = tpu.memref_slice %arg7[%dma_start3A_629, %dma_start3A_630, %dma_start3A_631] : memref<2x100x64xf32, #tpu.memory_space<vmem>> -> memref<1x100x64xf32, #tpu.memory_space<vmem>>
    %dma_start3A_633 = tpu.memref_squeeze %dma_start3A_632 : memref<1x100x64xf32, #tpu.memory_space<vmem>> -> memref<100x64xf32, #tpu.memory_space<vmem>>
    %dma_start3A_634 = arith.constant 0 : i32
    %dma_start3A_635 = tpu.memref_slice %arg4[%shift_right_logical3A_624, %mul3A_628, %dma_start3A_634] : memref<4096x200x64xf32, #tpu.memory_space<hbm>> -> memref<1x100x64xf32, #tpu.memory_space<hbm>>
    %dma_start3A_636 = tpu.memref_squeeze %dma_start3A_635 : memref<1x100x64xf32, #tpu.memory_space<hbm>> -> memref<100x64xf32, #tpu.memory_space<hbm>>
    %dma_start3A_637 = arith.constant 0 : i32
    %dma_start3A_638 = tpu.memref_slice %arg4[%shift_right_logical3A_624, %mul3A_628, %dma_start3A_637] : memref<4096x200x64xf32, #tpu.memory_space<hbm>> -> memref<1x100x64xf32, #tpu.memory_space<hbm>>
    %dma_start3A_639 = tpu.memref_squeeze %dma_start3A_638 : memref<1x100x64xf32, #tpu.memory_space<hbm>> -> memref<100x64xf32, #tpu.memory_space<hbm>>
    %dma_start3A_640 = arith.constant 0 : i32
    %dma_start3A_641 = arith.constant 0 : i32
    %dma_start3A_642 = tpu.memref_slice %arg7[%dma_start3A_629, %dma_start3A_640, %dma_start3A_641] : memref<2x100x64xf32, #tpu.memory_space<vmem>> -> memref<1x100x64xf32, #tpu.memory_space<vmem>>
    %dma_start3A_643 = tpu.memref_squeeze %dma_start3A_642 : memref<1x100x64xf32, #tpu.memory_space<vmem>> -> memref<100x64xf32, #tpu.memory_space<vmem>>
    tpu.enqueue_dma source(%dma_start3A_643 : memref<100x64xf32, #tpu.memory_space<vmem>>) target(%dma_start3A_639 : memref<100x64xf32, #tpu.memory_space<hbm>>) target_semaphore(%arg13 : memref<!tpu.dma_semaphore, #tpu.memory_space<semaphore_mem>>)
    %parallel_loop3A_644 = arith.constant 0 : i32
    %parallel_loop3A_645 = arith.constant 100 : i32
    %parallel_loop3A_646 = arith.constant 1 : i32
    scf.for %parallel_loop3A_772 = %parallel_loop3A_644 to %parallel_loop3A_645 step %parallel_loop3A_646  : i32 {
      %parallel_loop3A_773 = arith.constant 1 : i32
      %parallel_loop3A_774 = arith.index_cast %parallel_loop3A_773 : i32 to index
      %parallel_loop3A_775 = arith.index_cast %parallel_loop3A_772 : i32 to index
      %parallel_loop3A_776 = arith.constant 0 : index
      %parallel_loop3A_777 = tpu.vector_load %arg7[%parallel_loop3A_774, %parallel_loop3A_775, %parallel_loop3A_776] {strides = array<i32>} : memref<2x100x64xf32, #tpu.memory_space<vmem>>, vector<1x1x16xf32>,
      %parallel_loop3A_778 = vector.shape_cast %parallel_loop3A_777 : vector<1x1x16xf32> to vector<16xf32>
      %parallel_loop3A_779 = arith.constant 8.000000e+00 : f32
      %parallel_loop3A_780 = vector.broadcast %parallel_loop3A_779 : f32 to vector<16xf32>
      %parallel_loop3A_781 = arith.mulf %parallel_loop3A_778, %parallel_loop3A_780 : vector<16xf32>
      %parallel_loop3A_782 = arith.constant 1 : i32
      %parallel_loop3A_783 = arith.index_cast %parallel_loop3A_782 : i32 to index
      %parallel_loop3A_784 = arith.index_cast %parallel_loop3A_772 : i32 to index
      %parallel_loop3A_785 = arith.constant 0 : index
      %parallel_loop3A_786 = tpu.vector_load %arg7[%parallel_loop3A_783, %parallel_loop3A_784, %parallel_loop3A_785] {strides = array<i32>} : memref<2x100x64xf32, #tpu.memory_space<vmem>>, vector<1x1x16xf32>,
      %parallel_loop3A_787 = vector.shape_cast %parallel_loop3A_786 : vector<1x1x16xf32> to vector<16xf32>
      %parallel_loop3A_788 = vector.shape_cast %parallel_loop3A_781 : vector<16xf32> to vector<1x1x16xf32>
      tpu.vector_store %arg7[%parallel_loop3A_783, %parallel_loop3A_784, %parallel_loop3A_785], %parallel_loop3A_788 {strides = array<i32>} : memref<2x100x64xf32, #tpu.memory_space<vmem>>, vector<1x1x16xf32>,
      %parallel_loop3A_789 = arith.constant 1 : i32
      %parallel_loop3A_790 = arith.index_cast %parallel_loop3A_789 : i32 to index
      %parallel_loop3A_791 = arith.index_cast %parallel_loop3A_772 : i32 to index
      %parallel_loop3A_792 = arith.constant 16 : index
      %parallel_loop3A_793 = tpu.vector_load %arg7[%parallel_loop3A_790, %parallel_loop3A_791, %parallel_loop3A_792] {strides = array<i32>} : memref<2x100x64xf32, #tpu.memory_space<vmem>>, vector<1x1x16xf32>,
      %parallel_loop3A_794 = vector.shape_cast %parallel_loop3A_793 : vector<1x1x16xf32> to vector<16xf32>
      %parallel_loop3A_795 = arith.constant 8.000000e+00 : f32
      %parallel_loop3A_796 = vector.broadcast %parallel_loop3A_795 : f32 to vector<16xf32>
      %parallel_loop3A_797 = arith.mulf %parallel_loop3A_794, %parallel_loop3A_796 : vector<16xf32>
      %parallel_loop3A_798 = arith.constant 1 : i32
      %parallel_loop3A_799 = arith.index_cast %parallel_loop3A_798 : i32 to index
      %parallel_loop3A_800 = arith.index_cast %parallel_loop3A_772 : i32 to index
      %parallel_loop3A_801 = arith.constant 16 : index
      %parallel_loop3A_802 = tpu.vector_load %arg7[%parallel_loop3A_799, %parallel_loop3A_800, %parallel_loop3A_801] {strides = array<i32>} : memref<2x100x64xf32, #tpu.memory_space<vmem>>, vector<1x1x16xf32>,
      %parallel_loop3A_803 = vector.shape_cast %parallel_loop3A_802 : vector<1x1x16xf32> to vector<16xf32>
      %parallel_loop3A_804 = vector.shape_cast %parallel_loop3A_797 : vector<16xf32> to vector<1x1x16xf32>
      tpu.vector_store %arg7[%parallel_loop3A_799, %parallel_loop3A_800, %parallel_loop3A_801], %parallel_loop3A_804 {strides = array<i32>} : memref<2x100x64xf32, #tpu.memory_space<vmem>>, vector<1x1x16xf32>,
      %parallel_loop3A_805 = arith.constant 1 : i32
      %parallel_loop3A_806 = arith.index_cast %parallel_loop3A_805 : i32 to index
      %parallel_loop3A_807 = arith.index_cast %parallel_loop3A_772 : i32 to index
      %parallel_loop3A_808 = arith.constant 32 : index
      %parallel_loop3A_809 = tpu.vector_load %arg7[%parallel_loop3A_806, %parallel_loop3A_807, %parallel_loop3A_808] {strides = array<i32>} : memref<2x100x64xf32, #tpu.memory_space<vmem>>, vector<1x1x16xf32>,
      %parallel_loop3A_810 = vector.shape_cast %parallel_loop3A_809 : vector<1x1x16xf32> to vector<16xf32>
      %parallel_loop3A_811 = arith.constant 8.000000e+00 : f32
      %parallel_loop3A_812 = vector.broadcast %parallel_loop3A_811 : f32 to vector<16xf32>
      %parallel_loop3A_813 = arith.mulf %parallel_loop3A_810, %parallel_loop3A_812 : vector<16xf32>
      %parallel_loop3A_814 = arith.constant 1 : i32
      %parallel_loop3A_815 = arith.index_cast %parallel_loop3A_814 : i32 to index
      %parallel_loop3A_816 = arith.index_cast %parallel_loop3A_772 : i32 to index
      %parallel_loop3A_817 = arith.constant 32 : index
      %parallel_loop3A_818 = tpu.vector_load %arg7[%parallel_loop3A_815, %parallel_loop3A_816, %parallel_loop3A_817] {strides = array<i32>} : memref<2x100x64xf32, #tpu.memory_space<vmem>>, vector<1x1x16xf32>,
      %parallel_loop3A_819 = vector.shape_cast %parallel_loop3A_818 : vector<1x1x16xf32> to vector<16xf32>
      %parallel_loop3A_820 = vector.shape_cast %parallel_loop3A_813 : vector<16xf32> to vector<1x1x16xf32>
      tpu.vector_store %arg7[%parallel_loop3A_815, %parallel_loop3A_816, %parallel_loop3A_817], %parallel_loop3A_820 {strides = array<i32>} : memref<2x100x64xf32, #tpu.memory_space<vmem>>, vector<1x1x16xf32>,
      %parallel_loop3A_821 = arith.constant 1 : i32
      %parallel_loop3A_822 = arith.index_cast %parallel_loop3A_821 : i32 to index
      %parallel_loop3A_823 = arith.index_cast %parallel_loop3A_772 : i32 to index
      %parallel_loop3A_824 = arith.constant 48 : index
      %parallel_loop3A_825 = tpu.vector_load %arg7[%parallel_loop3A_822, %parallel_loop3A_823, %parallel_loop3A_824] {strides = array<i32>} : memref<2x100x64xf32, #tpu.memory_space<vmem>>, vector<1x1x16xf32>,
      %parallel_loop3A_826 = vector.shape_cast %parallel_loop3A_825 : vector<1x1x16xf32> to vector<16xf32>
      %parallel_loop3A_827 = arith.constant 8.000000e+00 : f32
      %parallel_loop3A_828 = vector.broadcast %parallel_loop3A_827 : f32 to vector<16xf32>
      %parallel_loop3A_829 = arith.mulf %parallel_loop3A_826, %parallel_loop3A_828 : vector<16xf32>
      %parallel_loop3A_830 = arith.constant 1 : i32
      %parallel_loop3A_831 = arith.index_cast %parallel_loop3A_830 : i32 to index
      %parallel_loop3A_832 = arith.index_cast %parallel_loop3A_772 : i32 to index
      %parallel_loop3A_833 = arith.constant 48 : index
      %parallel_loop3A_834 = tpu.vector_load %arg7[%parallel_loop3A_831, %parallel_loop3A_832, %parallel_loop3A_833] {strides = array<i32>} : memref<2x100x64xf32, #tpu.memory_space<vmem>>, vector<1x1x16xf32>,
      %parallel_loop3A_835 = vector.shape_cast %parallel_loop3A_834 : vector<1x1x16xf32> to vector<16xf32>
      %parallel_loop3A_836 = vector.shape_cast %parallel_loop3A_829 : vector<16xf32> to vector<1x1x16xf32>
      tpu.vector_store %arg7[%parallel_loop3A_831, %parallel_loop3A_832, %parallel_loop3A_833], %parallel_loop3A_836 {strides = array<i32>} : memref<2x100x64xf32, #tpu.memory_space<vmem>>, vector<1x1x16xf32>,
    } {sc.loop_unroll_factor = 4 : i64, sc.parallel_access}
    %add3A_647 = arith.constant 254 : i32
    %add3A_648 = arith.addi %mul3A_2, %add3A_647 : i32
    %add3A_649 = arith.constant 1 : i32
    %add3A_650 = arith.addi %add3A_648, %add3A_649 : i32
    %shift_right_logical3A_651 = arith.constant 1 : i32
    %shift_right_logical3A_652 = arith.shrui %add3A_650, %shift_right_logical3A_651 : i32
    %and3A_653 = arith.constant 1 : i32
    %and3A_654 = arith.andi %add3A_650, %and3A_653 : i32
    %mul3A_655 = arith.constant 100 : i32
    %mul3A_656 = arith.muli %and3A_654, %mul3A_655 : i32
    %dma_start3A_657 = arith.constant 1 : i32
    %dma_start3A_658 = arith.constant 0 : i32
    %dma_start3A_659 = arith.constant 0 : i32
    %dma_start3A_660 = tpu.memref_slice %arg7[%dma_start3A_657, %dma_start3A_658, %dma_start3A_659] : memref<2x100x64xf32, #tpu.memory_space<vmem>> -> memref<1x100x64xf32, #tpu.memory_space<vmem>>
    %dma_start3A_661 = tpu.memref_squeeze %dma_start3A_660 : memref<1x100x64xf32, #tpu.memory_space<vmem>> -> memref<100x64xf32, #tpu.memory_space<vmem>>
    %dma_start3A_662 = arith.constant 0 : i32
    %dma_start3A_663 = tpu.memref_slice %arg4[%shift_right_logical3A_652, %mul3A_656, %dma_start3A_662] : memref<4096x200x64xf32, #tpu.memory_space<hbm>> -> memref<1x100x64xf32, #tpu.memory_space<hbm>>
    %dma_start3A_664 = tpu.memref_squeeze %dma_start3A_663 : memref<1x100x64xf32, #tpu.memory_space<hbm>> -> memref<100x64xf32, #tpu.memory_space<hbm>>
    %dma_start3A_665 = arith.constant 0 : i32
    %dma_start3A_666 = tpu.memref_slice %arg4[%shift_right_logical3A_652, %mul3A_656, %dma_start3A_665] : memref<4096x200x64xf32, #tpu.memory_space<hbm>> -> memref<1x100x64xf32, #tpu.memory_space<hbm>>
    %dma_start3A_667 = tpu.memref_squeeze %dma_start3A_666 : memref<1x100x64xf32, #tpu.memory_space<hbm>> -> memref<100x64xf32, #tpu.memory_space<hbm>>
    %dma_start3A_668 = arith.constant 0 : i32
    %dma_start3A_669 = arith.constant 0 : i32
    %dma_start3A_670 = tpu.memref_slice %arg7[%dma_start3A_657, %dma_start3A_668, %dma_start3A_669] : memref<2x100x64xf32, #tpu.memory_space<vmem>> -> memref<1x100x64xf32, #tpu.memory_space<vmem>>
    %dma_start3A_671 = tpu.memref_squeeze %dma_start3A_670 : memref<1x100x64xf32, #tpu.memory_space<vmem>> -> memref<100x64xf32, #tpu.memory_space<vmem>>
    tpu.enqueue_dma source(%dma_start3A_671 : memref<100x64xf32, #tpu.memory_space<vmem>>) target(%dma_start3A_667 : memref<100x64xf32, #tpu.memory_space<hbm>>) target_semaphore(%arg13 : memref<!tpu.dma_semaphore, #tpu.memory_space<semaphore_mem>>)
    %add3A_672 = arith.constant 0 : i32
    %add3A_673 = arith.addi %mul3A_2, %add3A_672 : i32
    %add3A_674 = arith.constant 0 : i32
    %add3A_675 = arith.addi %add3A_673, %add3A_674 : i32
    %shift_right_logical3A_676 = arith.constant 1 : i32
    %shift_right_logical3A_677 = arith.shrui %add3A_675, %shift_right_logical3A_676 : i32
    %and3A_678 = arith.constant 1 : i32
    %and3A_679 = arith.andi %add3A_675, %and3A_678 : i32
    %mul3A_680 = arith.constant 100 : i32
    %mul3A_681 = arith.muli %and3A_679, %mul3A_680 : i32
    %dma_wait3A_682 = arith.constant 0 : i32
    %dma_wait3A_683 = arith.constant 0 : i32
    %dma_wait3A_684 = arith.constant 0 : i32
    %dma_wait3A_685 = tpu.memref_slice %arg6[%dma_wait3A_682, %dma_wait3A_683, %dma_wait3A_684] : memref<2x100x64xf32, #tpu.memory_space<vmem>> -> memref<1x100x64xf32, #tpu.memory_space<vmem>>
    %dma_wait3A_686 = tpu.memref_squeeze %dma_wait3A_685 : memref<1x100x64xf32, #tpu.memory_space<vmem>> -> memref<100x64xf32, #tpu.memory_space<vmem>>
    %dma_wait3A_687 = arith.constant 0 : i32
    %dma_wait3A_688 = tpu.memref_slice %arg4[%shift_right_logical3A_677, %mul3A_681, %dma_wait3A_687] : memref<4096x200x64xf32, #tpu.memory_space<hbm>> -> memref<1x100x64xf32, #tpu.memory_space<hbm>>
    %dma_wait3A_689 = tpu.memref_squeeze %dma_wait3A_688 : memref<1x100x64xf32, #tpu.memory_space<hbm>> -> memref<100x64xf32, #tpu.memory_space<hbm>>
    %dma_wait3A_690 = arith.constant 0 : i32
    %dma_wait3A_691 = tpu.memref_slice %arg4[%shift_right_logical3A_677, %mul3A_681, %dma_wait3A_690] : memref<4096x200x64xf32, #tpu.memory_space<hbm>> -> memref<1x100x64xf32, #tpu.memory_space<hbm>>
    %dma_wait3A_692 = tpu.memref_squeeze %dma_wait3A_691 : memref<1x100x64xf32, #tpu.memory_space<hbm>> -> memref<100x64xf32, #tpu.memory_space<hbm>>
    %dma_wait3A_693 = arith.constant 0 : i32
    %dma_wait3A_694 = arith.constant 0 : i32
    %dma_wait3A_695 = tpu.memref_slice %arg6[%dma_wait3A_682, %dma_wait3A_693, %dma_wait3A_694] : memref<2x100x64xf32, #tpu.memory_space<vmem>> -> memref<1x100x64xf32, #tpu.memory_space<vmem>>
    %dma_wait3A_696 = tpu.memref_squeeze %dma_wait3A_695 : memref<1x100x64xf32, #tpu.memory_space<vmem>> -> memref<100x64xf32, #tpu.memory_space<vmem>>
    tpu.wait_dma2 semaphore(%arg12 : memref<!tpu.dma_semaphore, #tpu.memory_space<semaphore_mem>>) src(%dma_wait3A_696 : memref<100x64xf32, #tpu.memory_space<vmem>>) dst(%dma_wait3A_692 : memref<100x64xf32, #tpu.memory_space<hbm>>)
    %add3A_697 = arith.constant 0 : i32
    %add3A_698 = arith.addi %mul3A_2, %add3A_697 : i32
    %add3A_699 = arith.constant 1 : i32
    %add3A_700 = arith.addi %add3A_698, %add3A_699 : i32
    %shift_right_logical3A_701 = arith.constant 1 : i32
    %shift_right_logical3A_702 = arith.shrui %add3A_700, %shift_right_logical3A_701 : i32
    %and3A_703 = arith.constant 1 : i32
    %and3A_704 = arith.andi %add3A_700, %and3A_703 : i32
    %mul3A_705 = arith.constant 100 : i32
    %mul3A_706 = arith.muli %and3A_704, %mul3A_705 : i32
    %dma_wait3A_707 = arith.constant 1 : i32
    %dma_wait3A_708 = arith.constant 0 : i32
    %dma_wait3A_709 = arith.constant 0 : i32
    %dma_wait3A_710 = tpu.memref_slice %arg6[%dma_wait3A_707, %dma_wait3A_708, %dma_wait3A_709] : memref<2x100x64xf32, #tpu.memory_space<vmem>> -> memref<1x100x64xf32, #tpu.memory_space<vmem>>
    %dma_wait3A_711 = tpu.memref_squeeze %dma_wait3A_710 : memref<1x100x64xf32, #tpu.memory_space<vmem>> -> memref<100x64xf32, #tpu.memory_space<vmem>>
    %dma_wait3A_712 = arith.constant 0 : i32
    %dma_wait3A_713 = tpu.memref_slice %arg4[%shift_right_logical3A_702, %mul3A_706, %dma_wait3A_712] : memref<4096x200x64xf32, #tpu.memory_space<hbm>> -> memref<1x100x64xf32, #tpu.memory_space<hbm>>
    %dma_wait3A_714 = tpu.memref_squeeze %dma_wait3A_713 : memref<1x100x64xf32, #tpu.memory_space<hbm>> -> memref<100x64xf32, #tpu.memory_space<hbm>>
    %dma_wait3A_715 = arith.constant 0 : i32
    %dma_wait3A_716 = tpu.memref_slice %arg4[%shift_right_logical3A_702, %mul3A_706, %dma_wait3A_715] : memref<4096x200x64xf32, #tpu.memory_space<hbm>> -> memref<1x100x64xf32, #tpu.memory_space<hbm>>
    %dma_wait3A_717 = tpu.memref_squeeze %dma_wait3A_716 : memref<1x100x64xf32, #tpu.memory_space<hbm>> -> memref<100x64xf32, #tpu.memory_space<hbm>>
    %dma_wait3A_718 = arith.constant 0 : i32
    %dma_wait3A_719 = arith.constant 0 : i32
    %dma_wait3A_720 = tpu.memref_slice %arg6[%dma_wait3A_707, %dma_wait3A_718, %dma_wait3A_719] : memref<2x100x64xf32, #tpu.memory_space<vmem>> -> memref<1x100x64xf32, #tpu.memory_space<vmem>>
    %dma_wait3A_721 = tpu.memref_squeeze %dma_wait3A_720 : memref<1x100x64xf32, #tpu.memory_space<vmem>> -> memref<100x64xf32, #tpu.memory_space<vmem>>
    tpu.wait_dma2 semaphore(%arg12 : memref<!tpu.dma_semaphore, #tpu.memory_space<semaphore_mem>>) src(%dma_wait3A_721 : memref<100x64xf32, #tpu.memory_space<vmem>>) dst(%dma_wait3A_717 : memref<100x64xf32, #tpu.memory_space<hbm>>)
    %add3A_722 = arith.constant 0 : i32
    %add3A_723 = arith.addi %mul3A_2, %add3A_722 : i32
    %add3A_724 = arith.constant 0 : i32
    %add3A_725 = arith.addi %add3A_723, %add3A_724 : i32
    %shift_right_logical3A_726 = arith.constant 1 : i32
    %shift_right_logical3A_727 = arith.shrui %add3A_725, %shift_right_logical3A_726 : i32
    %and3A_728 = arith.constant 1 : i32
    %and3A_729 = arith.andi %add3A_725, %and3A_728 : i32
    %mul3A_730 = arith.constant 100 : i32
    %mul3A_731 = arith.muli %and3A_729, %mul3A_730 : i32
    %dma_wait3A_732 = arith.constant 0 : i32
    %dma_wait3A_733 = arith.constant 0 : i32
    %dma_wait3A_734 = arith.constant 0 : i32
    %dma_wait3A_735 = tpu.memref_slice %arg7[%dma_wait3A_732, %dma_wait3A_733, %dma_wait3A_734] : memref<2x100x64xf32, #tpu.memory_space<vmem>> -> memref<1x100x64xf32, #tpu.memory_space<vmem>>
    %dma_wait3A_736 = tpu.memref_squeeze %dma_wait3A_735 : memref<1x100x64xf32, #tpu.memory_space<vmem>> -> memref<100x64xf32, #tpu.memory_space<vmem>>
    %dma_wait3A_737 = arith.constant 0 : i32
    %dma_wait3A_738 = tpu.memref_slice %arg4[%shift_right_logical3A_727, %mul3A_731, %dma_wait3A_737] : memref<4096x200x64xf32, #tpu.memory_space<hbm>> -> memref<1x100x64xf32, #tpu.memory_space<hbm>>
    %dma_wait3A_739 = tpu.memref_squeeze %dma_wait3A_738 : memref<1x100x64xf32, #tpu.memory_space<hbm>> -> memref<100x64xf32, #tpu.memory_space<hbm>>
    %dma_wait3A_740 = arith.constant 0 : i32
    %dma_wait3A_741 = tpu.memref_slice %arg4[%shift_right_logical3A_727, %mul3A_731, %dma_wait3A_740] : memref<4096x200x64xf32, #tpu.memory_space<hbm>> -> memref<1x100x64xf32, #tpu.memory_space<hbm>>
    %dma_wait3A_742 = tpu.memref_squeeze %dma_wait3A_741 : memref<1x100x64xf32, #tpu.memory_space<hbm>> -> memref<100x64xf32, #tpu.memory_space<hbm>>
    %dma_wait3A_743 = arith.constant 0 : i32
    %dma_wait3A_744 = arith.constant 0 : i32
    %dma_wait3A_745 = tpu.memref_slice %arg7[%dma_wait3A_732, %dma_wait3A_743, %dma_wait3A_744] : memref<2x100x64xf32, #tpu.memory_space<vmem>> -> memref<1x100x64xf32, #tpu.memory_space<vmem>>
    %dma_wait3A_746 = tpu.memref_squeeze %dma_wait3A_745 : memref<1x100x64xf32, #tpu.memory_space<vmem>> -> memref<100x64xf32, #tpu.memory_space<vmem>>
    tpu.wait_dma2 semaphore(%arg13 : memref<!tpu.dma_semaphore, #tpu.memory_space<semaphore_mem>>) src(%dma_wait3A_746 : memref<100x64xf32, #tpu.memory_space<vmem>>) dst(%dma_wait3A_742 : memref<100x64xf32, #tpu.memory_space<hbm>>)
    %add3A_747 = arith.constant 0 : i32
    %add3A_748 = arith.addi %mul3A_2, %add3A_747 : i32
    %add3A_749 = arith.constant 1 : i32
    %add3A_750 = arith.addi %add3A_748, %add3A_749 : i32
    %shift_right_logical3A_751 = arith.constant 1 : i32
    %shift_right_logical3A_752 = arith.shrui %add3A_750, %shift_right_logical3A_751 : i32
    %and3A_753 = arith.constant 1 : i32
    %and3A_754 = arith.andi %add3A_750, %and3A_753 : i32
    %mul3A_755 = arith.constant 100 : i32
    %mul3A_756 = arith.muli %and3A_754, %mul3A_755 : i32
    %dma_wait3A_757 = arith.constant 1 : i32
    %dma_wait3A_758 = arith.constant 0 : i32
    %dma_wait3A_759 = arith.constant 0 : i32
    %dma_wait3A_760 = tpu.memref_slice %arg7[%dma_wait3A_757, %dma_wait3A_758, %dma_wait3A_759] : memref<2x100x64xf32, #tpu.memory_space<vmem>> -> memref<1x100x64xf32, #tpu.memory_space<vmem>>
    %dma_wait3A_761 = tpu.memref_squeeze %dma_wait3A_760 : memref<1x100x64xf32, #tpu.memory_space<vmem>> -> memref<100x64xf32, #tpu.memory_space<vmem>>
    %dma_wait3A_762 = arith.constant 0 : i32
    %dma_wait3A_763 = tpu.memref_slice %arg4[%shift_right_logical3A_752, %mul3A_756, %dma_wait3A_762] : memref<4096x200x64xf32, #tpu.memory_space<hbm>> -> memref<1x100x64xf32, #tpu.memory_space<hbm>>
    %dma_wait3A_764 = tpu.memref_squeeze %dma_wait3A_763 : memref<1x100x64xf32, #tpu.memory_space<hbm>> -> memref<100x64xf32, #tpu.memory_space<hbm>>
    %dma_wait3A_765 = arith.constant 0 : i32
    %dma_wait3A_766 = tpu.memref_slice %arg4[%shift_right_logical3A_752, %mul3A_756, %dma_wait3A_765] : memref<4096x200x64xf32, #tpu.memory_space<hbm>> -> memref<1x100x64xf32, #tpu.memory_space<hbm>>
    %dma_wait3A_767 = tpu.memref_squeeze %dma_wait3A_766 : memref<1x100x64xf32, #tpu.memory_space<hbm>> -> memref<100x64xf32, #tpu.memory_space<hbm>>
    %dma_wait3A_768 = arith.constant 0 : i32
    %dma_wait3A_769 = arith.constant 0 : i32
    %dma_wait3A_770 = tpu.memref_slice %arg7[%dma_wait3A_757, %dma_wait3A_768, %dma_wait3A_769] : memref<2x100x64xf32, #tpu.memory_space<vmem>> -> memref<1x100x64xf32, #tpu.memory_space<vmem>>
    %dma_wait3A_771 = tpu.memref_squeeze %dma_wait3A_770 : memref<1x100x64xf32, #tpu.memory_space<vmem>> -> memref<100x64xf32, #tpu.memory_space<vmem>>
    tpu.wait_dma2 semaphore(%arg13 : memref<!tpu.dma_semaphore, #tpu.memory_space<semaphore_mem>>) src(%dma_wait3A_771 : memref<100x64xf32, #tpu.memory_space<vmem>>) dst(%dma_wait3A_767 : memref<100x64xf32, #tpu.memory_space<hbm>>)
    return
  }
}

</mosaic_0001>

<sc_bundles>
// kernel: kernel.3.cloned.1.call-start
scs
__scs_entry_jumppad:
0x0: {  	(pc) =	sbr.rel $0x88, $3  }
0x1: {  	(tag) =	ssettag $0x0;
	lr =	simm.s32 $0x1  }
0x2: {  	[smem:$0x3F9F] =	sst lr;
	_ =	strace $0xD0000000  }
0x3: {  	_ = 	snop  }
0x4: {  	_ = 	snop  }
0x5: {  	_ = 	snop  }
0x6: {  	_ = 	snop  }
0x7: {  	_ = 	snop  }
__scs_overlays_trampoline_lowered:
0x8: {  	[smem:$0x3FAE] =	sst s0  }
0x9: {  	[smem:$0x3FAF] =	sst s1  }
0xa: {  	[smem:$0x3FB0] =	sst s2  }
0xb: {  	[smem:$0x3FB1] =	sst s3  }
0xc: {  	[smem:$0x3FB2] =	sst s4  }
0xd: {  	[smem:$0x3FB3] =	sst s5  }
0xe: {  	[smem:$0x3FB4] =	sst s6  }
0xf: {  	[smem:$0x3FB5] =	sst s7  }
0x10: {  	[smem:$0x3FB6] =	sst s8  }
0x11: {  	[smem:$0x3FB7] =	sst s9;
	s0 =	simm.s32 @!p0 $0x0  }
0x12: {  	s1 =	sld [smem:$0x3F9D];
	s0 =	simm.s32 @p0 $0x1  }
0x13: {  	[smem:$0x3FB8] =	sst s0;
	s0 =	simm.s32 @!p1 $0x0  }
0x14: {  	s2 =	sld [smem:$0x3F9C];
	s0 =	simm.s32 @p1 $0x1  }
0x15: {  	[smem:$0x3FB9] =	sst s0;
	s0 =	simm.s32 @!p2 $0x0  }
0x16: {  	s3 =	sld [smem:$0x3FDB];
	s0 =	simm.s32 @p2 $0x1  }
0x17: {  	s4 =	simm.s32 $0x1BF5;
	[smem:$0x3FBB] =	sst s0  }
0x18: {  	s0 =	sld [smem:$0x3F9E];
	_ =	swait.ge [sflag:s4], $0x0  }
0x19: {  	s7 =	sld [smem:$0x3F9F]  }
0x1a: {  	s8 =	sadd.s32 $0xFFFFE003, lr  }
0x1b: {  	s9 =	sadd.s32 $0xFFFFFEF7, lr;
	s5 =	simm.s32 $0xFFFFFFFF;
	p2 =	slt.u32 s8, $0xFFFFF086  }
0x1c: {  	p1 =	slt.u32 s9, $0xF7A;
	s5 =	simm.s32 @!p2 $0x0  }
0x1d: {  	s5 =	simm.s32 @p1 $0x1;
	p0 =	seq.s32 s7, s2  }
0x1e: {  	s7 =	smul.u32 @!p0 $0xF7A, s2;
	p2 =	seq.s32 @!p0 s5, $0x0  }
0x1f: {  	s9 =	smul.u32 $0xF7A, s1;
	s8 =	simm.s32 @!p0 $0x1BF5;
	p2 =	por !p2, p0  }
0x20: {  	[sflag:s8] =	ssyncset.s32 @!p0 $0xFFFFF086;
	s6 =	sadd.s32 @!p0 s3, s7;
	s7 =	simm.s32 @!p0 $0x108  }
0x21: {  	s3 =	sadd.s32 s3, s9;
	s6 =	sadd.s32 @!p0 $0x88, s6;
	s7 =	simm.s32 @p2 $0x1082  }
0x22: {  	[simem:s7], [sflag:s8] =	dma.local @!p0 [hbm:s6], $0xF7A  }
0x23: {  	s9 =	sor.u32 $0xD0000000, s2;
	s6 =	simm.s32 $0x108;
	_ =	swait.ge @!p0 [sflag:s8], $0x0  }
0x24: {  	s3 =	sadd.s32 $0x88, s3;
	s6 =	simm.s32 @!p1 $0x1082;
	[sflag:s4] =	ssyncset.s32 $0xFFFFF086  }
0x25: {  	[simem:s6], [sflag:s4] =	dma.local [hbm:s3], $0xF7A  }
0x26: {  	[smem:$0x3F9F] =	sst s1;
	(tag) =	ssettag s2;
	_ =	strace s9  }
0x27: {  	s1 =	sld [smem:$0x3FAF]  }
0x28: {  	s2 =	sld [smem:$0x3FB0]  }
0x29: {  	s4 =	sld [smem:$0x3FB2]  }
0x2a: {  	p0 =	seq.s32 s5, $0x0;
	s5 =	sld [smem:$0x3FB3]  }
0x2b: {  	s6 =	sld [smem:$0x3FB4]  }
0x2c: {  	s7 =	sld [smem:$0x3FB5]  }
0x2d: {  	s3 =	simm.s32 $0x108;
	s8 =	sld [smem:$0x3FB6]  }
0x2e: {  	s3 =	simm.s32 @!p0 $0x1082;
	s9 =	sld [smem:$0x3FB7]  }
0x2f: {  	lr =	sadd.s32 s0, s3;
	s0 =	sld [smem:$0x3FAE]  }
0x30: {  	s3 =	sld [smem:$0x3FB1]  }
0x31: {  	[smem:$0x3FBA] =	sst s10  }
0x32: {  	s10 =	sld [smem:$0x3FB8];
	_ =	sdelay $0x3  }
0x33: {  	p0 =	seq.s32 s10, $0x1;
	s10 =	sld [smem:$0x3FBA];
	_ =	sdelay $0x3  }
0x34: {  	[smem:$0x3FBA] =	sst s10  }
0x35: {  	s10 =	sld [smem:$0x3FB9];
	_ =	sdelay $0x3  }
0x36: {  	p1 =	seq.s32 s10, $0x1;
	s10 =	sld [smem:$0x3FBA];
	_ =	sdelay $0x3  }
0x37: {  	[smem:$0x3FBA] =	sst s10  }
0x38: {  	s10 =	sld [smem:$0x3FBB]  }
0x39: {  	_ = 	snop;
	(pc) =	sbr.ind lr, $3  }
0x3a: {  	_ = 	snop  }
0x3b: {  	_ = 	snop  }
0x3c: {  	p2 =	seq.s32 s10, $0x1;
	s10 =	sld [smem:$0x3FBA]  }
0x3d: {  	_ =	shalt  }
0x3e: {  	_ =	shalt  }
0x3f: {  	_ =	shalt  }
0x40: {  	_ =	shalt  }
0x41: {  	_ =	shalt  }
0x42: {  	_ =	shalt  }
0x43: {  	_ =	shalt  }
0x44: {  	_ =	shalt  }
0x45: {  	_ =	shalt  }
0x46: {  	_ =	shalt  }
0x47: {  	_ =	shalt  }
0x48: {  	_ =	shalt  }
0x49: {  	_ =	shalt  }
0x4a: {  	_ =	shalt  }
0x4b: {  	_ =	shalt  }
0x4c: {  	_ =	shalt  }
0x4d: {  	_ =	shalt  }
0x4e: {  	_ =	shalt  }
0x4f: {  	_ =	shalt  }
0x50: {  	_ =	shalt  }
0x51: {  	_ =	shalt  }
0x52: {  	_ =	shalt  }
0x53: {  	_ =	shalt  }
0x54: {  	_ =	shalt  }
0x55: {  	_ =	shalt  }
0x56: {  	_ =	shalt  }
0x57: {  	_ =	shalt  }
0x58: {  	_ =	shalt  }
0x59: {  	_ =	shalt  }
0x5a: {  	_ =	shalt  }
0x5b: {  	_ =	shalt  }
0x5c: {  	_ =	shalt  }
0x5d: {  	_ =	shalt  }
0x5e: {  	_ =	shalt  }
0x5f: {  	_ =	shalt  }
0x60: {  	_ =	shalt  }
0x61: {  	_ =	shalt  }
0x62: {  	_ =	shalt  }
0x63: {  	_ =	shalt  }
0x64: {  	_ =	shalt  }
0x65: {  	_ =	shalt  }
0x66: {  	_ =	shalt  }
0x67: {  	_ =	shalt  }
0x68: {  	_ =	shalt  }
0x69: {  	_ =	shalt  }
0x6a: {  	_ =	shalt  }
0x6b: {  	_ =	shalt  }
0x6c: {  	_ =	shalt  }
0x6d: {  	_ =	shalt  }
0x6e: {  	_ =	shalt  }
0x6f: {  	_ =	shalt  }
0x70: {  	_ =	shalt  }
0x71: {  	_ =	shalt  }
0x72: {  	_ =	shalt  }
0x73: {  	_ =	shalt  }
0x74: {  	_ =	shalt  }
0x75: {  	_ =	shalt  }
0x76: {  	_ =	shalt  }
0x77: {  	_ =	shalt  }
0x78: {  	_ =	shalt  }
0x79: {  	_ =	shalt  }
0x7a: {  	_ =	shalt  }
0x7b: {  	_ =	shalt  }
0x7c: {  	_ =	shalt  }
0x7d: {  	_ =	shalt  }
0x7e: {  	_ =	shalt  }
0x7f: {  	_ =	shalt  }
0x80: {  	_ =	shalt  }
0x81: {  	_ =	shalt  }
0x82: {  	_ =	shalt  }
0x83: {  	_ =	shalt  }
0x84: {  	_ =	shalt  }
0x85: {  	_ =	shalt  }
0x86: {  	_ =	shalt  }
0x87: {  	_ =	shalt  }
.Lfunc_end0:
.L_simem_size_0:
called_computation.1_lowered:
.L_overlay_start_0:
0x88: {  	s2 =	sld [smem:$0x3FD9]  }
0x89: {  	s3 =	sld [smem:$0x3FFE];
	_ =	sdelay $0x1  }
0x8a: {  	s1 =	srdreg.scid  }
0x8b: {  	s0 =	sand.u32 $0x1, s1  }
0x8c: {  	s17 =	sshll.u32 s0, $0xA;
	s2 =	sadd.s32 s3, s2  }
0x8d: {  	s2 =	sadd.s32 s2, s17  }
0x8e: {  	[smem:$0x3FC6] =	sst s2  }
0x8f: {  	_ = 	snop  }
0x90: {  	s2 =	sld [smem:$0x3FD0];
	(tm) =	ssettm $0x1  }
0x91: {  	s18 =	sld [smem:$0x3FFB];
	_ =	sdelay $0x3  }
0x92: {  	_ =	strace s18  }
0x93: {  	s3 =	sld [smem:$0x3FFC];
	_ =	sdelay $0x3  }
0x94: {  	_ =	strace s3  }
0x95: {  	s3 =	sld [smem:$0x3FFD];
	_ =	sdelay $0x3  }
0x96: {  	_ =	strace s3  }
0x97: {  	_ =	strace $0x8FFFFFFF  }
0x98: {  	s19 =	sld [smem:$0x3FDB];
	_ =	sdelay $0x1  }
0x99: {  	s4 =	simm.s32 $_scs_section_size  }
0x9a: {  	s5 =	simm.s32 $_size__tile_overlayer_lowered;
	s6 =	simm.s32 $_tile_overlayer_lowered  }
0x9b: {  	s22 =	simm.s32 $0x1BFF;
	s21 =	sshll.u32 s6, $0x1;
	s3 =	sadd.s32 s4, s19  }
0x9c: {  	s7 =	simm.s32 $0x0;
	s20 =	sshll.u32 s5, $0x1;
	s5 =	sadd.s32 s21, s3  }
0x9d: {  	[timem:s7], [sflag:s22] =	dma.local [hbm:s5], s20  }
0x9e: {  	_ =	swait.ge [sflag:s22], s20  }
0x9f: {  	s4 =	ssub.s32 $0x0, s20;
	[sflag:s22] =	ssyncset.done $0x0  }
0xa0: {  	[sflag:s22] =	ssyncadd.s32 s4;
	_ =	sdelay $0x1  }
0xa1: {  	s23 =	simm.s32 $0x1B8B  }
0xa2: {  	_ =	swait.ge [sflag:s23], $0x1  }
0xa3: {  	[sflag:s23] =	ssyncset.done $0x0  }
0xa4: {  	s25 =	simm.s32 $0x1B8E;
	s24 =	sld [smem:$0x3FFE];
	[sflag:s23] =	ssyncadd.s32 $0xFFFFFFFF  }
0xa5: {  	s26 =	simm.s32 $execute0_lowered;
	[smem:$0x3FD2] =	sst s25  }
0xa6: {  	s5 =	sshll.u32 s26, $0x1;
	_ =	strace $0x80000046;
	[dreg:$0x1] =	wrdreg $0xFFFFFFFF  }
0xa7: {  	s28 =	simm.s32 $_size_execute0_lowered;
	s3 =	sadd.s32 s3, s5;
	[dreg:$0x0] =	wrdreg $0x0  }
0xa8: {  	s5 =	sshll.u32 s28, $0x1;
	[dreg:$0x2] =	wrdreg s3  }
0xa9: {  	[dreg:$0x3] =	wrdreg s5  }
0xaa: {  	[dreg:$0x4] =	wrdreg $0xC0  }
0xab: {  	_ =	task [dreg:s7], $0x5FFFF  }
0xac: {  	[dreg:$0x1] =	wrdreg $0xFFFFFFFF  }
0xad: {  	[dreg:$0x0] =	wrdreg $0x60  }
0xae: {  	[dreg:$0x2] =	wrdreg s24  }
0xaf: {  	[dreg:$0x3] =	wrdreg s2  }
0xb0: {  	[dreg:$0x4] =	wrdreg $0x9  }
0xb1: {  	_ =	task.clear_ibuf [dreg:s7], $0x5FFFF;
	_ =	strace $0x90000046  }
0xb2: {  	s29 =	simm.s32 $0x9;
	_ =	strace $0x80000048  }
0xb3: {  	_ =	swait.ge [sflag:s29], $0x1  }
0xb4: {  	[sflag:s29] =	ssyncadd.s32 $0xFFFFFFFF  }
0xb5: {  	_ =	strace $0x90000048  }
0xb6: {  	_ =	sfence  }
0xb7: {  	s30 =	sld [smem:$0x0];
	_ =	sdelay $0x2  }
0xb8: {  	s31 =	sshll.u32 s1, $0xD;
	s1 =	sshrl.u32 s1, $0x2  }
0xb9: {  	s3 =	sand.u32 $0x4000, s31;
	s1 =	sadd.s32 s1, s30  }
0xba: {  	s0 =	sor.u32 s3, s0;
	s1 =	sshll.u32 s1, $0x11  }
0xbb: {  	s0 =	sor.u32 s1, s0  }
0xbc: {  	s0 =	sadd.s32 $0x8F2B, s0  }
0xbd: {  	[sflag:s0] =	ssyncadd.remote.s32 $0x1  }
0xbe: {  	_ =	sfence.sel $0xFFFF  }
0xbf: {  	[dreg:$0x0] =	wrdreg $0xFFFFFFFF;
	(pc) =	sbr.abs _section_cstart, $3  }
0xc0: {  	[dreg:$0x1] =	wrdreg $0xFFFFFFFF  }
0xc1: {  	_ =	task.clear_ibuf [dreg:s7], $0x2FFFF;
	_ =	strace $0x9FFFFFFF  }
0xc2: {  	(tm) =	ssettm $0x7FFFFFFF  }
0xc3: {  	_ =	shalt  }
tec
execute0_lowered:
.L_overlay_start_1:
0x0: {  	(tag) =	ssettag $0x1  }
0x1: {  	s0 =	srdreg.scid;
	s1 =	rddreg [dreg:$0x0]  }
0x2: {  	s3 =	stileid.u32;
	s2 =	rddreg [dreg:$0x1];
	s28 =	simm.s32 $0xB300  }
0x3: {  	s29 =	simm.s32 $0x1;
	s31 =	simm.s32 $0xCC00;
	s0 =	sand.u32 $0x1, s0  }
0x4: {  	s30 =	simm.s32 $0x5;
	s3 =	sshll.u32 s3, $0x9;
	s4 =	sshll.u32 s0, $0x8  }
0x5: {  	s0 =	ssub.s32 $0x2, s0;
	s3 =	sor.u32 s4, s3;
	s4 =	simm.s32 $0x0  }
0x6: {  	s8 =	sshrl.u32 s0, $0x1;
	s5 =	smul.u32 $0xD, s3;
	s6 =	sshrl.u32 s3, $0x1  }
0x7: {  	[smem:$0x7FF] =	sst s4;
	s0 =	ssub.s32 s0, s8;
	s7 =	smul.u32 $0x640, s6  }
0x8: {  	_ =	strace $0x80000047;
	s6 =	smul.u32 $0x3200, s6;
	s9 =	sadd.s32 s5, s1  }
0x9: {  	s11 =	sor.u32 $0x4, s3;
	s5 =	sadd.s32 $0xF42E00, s1;
	s17 =	sadd.s32 $0xA00, s9  }
0xa: {  	s7 =	sadd.s32 s2, s7;
	s18 =	sshrl.u32 s6, $0x3;
	s6 =	simm.s32 $0x0  }
0xb: {  	[dreg:$0x3] =	wrdreg s17;
	s19 =	sadd.s32 $0x320, s7;
	s20 =	sadd.s32 $0x640, s7  }
0xc: {  	s1 =	sadd.s32 s2, s18;
	s21 =	sadd.s32 $0x960, s7;
	[dreg:$0x4] =	wrdreg s19  }
0xd: {  	s18 =	smax.u32 s0, $0x1;
	s0 =	simm.s32 $0xE500;
	[dreg:$0x5] =	wrdreg s20  }
0xe: {  	[dreg:$0x6] =	wrdreg s21;
	s22 =	sadd.s32 $0x30D40, s1;
	s23 =	sadd.s32 $0x31060, s1  }
0xf: {  	s24 =	sadd.s32 $0x31380, s1;
	s25 =	sadd.s32 $0x316A0, s1;
	[dreg:$0x7] =	wrdreg s22  }
0x10: {  	s26 =	sadd.s32 $0x319C0, s1;
	s17 =	sadd.s32 $0x31CE0, s1;
	[dreg:$0x8] =	wrdreg s23  }
0x11: {  	s19 =	simm.s32 $0x7;
	s20 =	simm.s32 $0x64;
	[dreg:$0x9] =	wrdreg s24  }
0x12: {  	s21 =	simm.s32 $0x6800;
	s1 =	simm.s32 $0x6;
	[dreg:$0xa] =	wrdreg s25  }
0x13: {  	[dreg:$0xb] =	wrdreg s26;
	s23 =	simm.s32 $0x8100;
	s25 =	simm.s32 $0x9A00  }
0x14: {  	s22 =	simm.s32 $0x2;
	s24 =	simm.s32 $0x4;
	s26 =	simm.s32 $0x3  }
.LBB2_1:
0x15: {  	s8 =	rddreg [dreg:$0x3]  }
0x16: {  	[tilespmem:s4], [sflag:$0x7] =	stream.linear.gather [hbm4b:s8+s4], $0x6800, $0x38;
	[tilespmem:$0xFE00] =	vst v63  }
0x17: {  	_ =	swait.ge [sflag:s19], $0x6800  }
0x18: {  	[sflag:s19] =	ssyncset.done $0x0  }
0x19: {  	[sflag:s19] =	ssyncadd.s32 $0xFFFF9800  }
0x1a: {  	[tilespmem:s21], [sflag:$0x1] =	stream.indirect.gather [hbm4b:s5+s20], $0x40, s4, s20, $0xb8;
	[tilespmem:$0xFE00] =	vst v63  }
0x1b: {  	s14 =	simm.s32 $0x68  }
0x1c: {  	[tilespmem:s23], [sflag:$0x1] =	stream.indirect.gather [hbm4b:s5+s20], $0x40, s14, s20, $0xb8;
	[tilespmem:$0xFE00] =	vst v63  }
0x1d: {  	s15 =	simm.s32 $0xD0  }
0x1e: {  	[tilespmem:s25], [sflag:$0x2] =	stream.indirect.gather [hbm4b:s5+s20], $0x40, s15, s20, $0xb8;
	[tilespmem:$0xFE00] =	vst v63  }
0x1f: {  	s16 =	simm.s32 $0x138  }
0x20: {  	[tilespmem:s28], [sflag:$0x2] =	stream.indirect.gather [hbm4b:s5+s20], $0x40, s16, s20, $0xb8;
	[tilespmem:$0xFE00] =	vst v63  }
0x21: {  	_ =	swait.ge [sflag:s29], $0x1900  }
0x22: {  	[sflag:s29] =	ssyncset.done $0x0  }
0x23: {  	[sflag:s29] =	ssyncadd.s32 $0xFFFFE700  }
0x24: {  	_ =	swait.ge [sflag:s29], $0x1900  }
0x25: {  	[sflag:s29] =	ssyncset.done $0x0  }
0x26: {  	s8 =	simm.s32 $0x6880;
	[sflag:s29] =	ssyncadd.s32 $0xFFFFE700  }
0x27: {  	v0 =	vld [tilespmem:s8+$0x70]  }
0x28: {  	v1 =	vld [tilespmem:s8+$0xFFFFFF90]  }
0x29: {  	v2 =	vld [tilespmem:s8+$0xFFFFFFA0]  }
0x2a: {  	v3 =	vld [tilespmem:s8+$0xFFFFFFB0]  }
0x2b: {  	v4 =	vld [tilespmem:s8+$0xFFFFFFC0]  }
0x2c: {  	v5 =	vld [tilespmem:s8+$0xFFFFFFD0];
	v0 =	vmul.f32 $8.000000000e+00, v0  }
0x2d: {  	v6 =	vld [tilespmem:s8+$0xFFFFFFE0];
	v1 =	vmul.f32 $8.000000000e+00, v1  }
0x2e: {  	v7 =	vld [tilespmem:s8+$0xFFFFFFF0];
	v2 =	vmul.f32 $8.000000000e+00, v2;
	[tilespmem:s8+$0x70] =	vst v0  }
0x2f: {  	[tilespmem:s8+$0xFFFFFF90] =	vst v1;
	v0 =	vmul.f32 $8.000000000e+00, v3;
	v3 =	vld [tilespmem:s8+$0x0]  }
0x30: {  	[tilespmem:s8+$0xFFFFFFA0] =	vst v2;
	v1 =	vmul.f32 $8.000000000e+00, v4;
	v4 =	vld [tilespmem:s8+$0x10]  }
0x31: {  	v8 =	vld [tilespmem:s8+$0x20];
	v2 =	vmul.f32 $8.000000000e+00, v5;
	[tilespmem:s8+$0xFFFFFFB0] =	vst v0  }
0x32: {  	v5 =	vmul.f32 $8.000000000e+00, v6;
	[tilespmem:s8+$0xFFFFFFC0] =	vst v1;
	v0 =	vld [tilespmem:s8+$0x30]  }
0x33: {  	v6 =	vmul.f32 $8.000000000e+00, v7;
	[tilespmem:s8+$0xFFFFFFD0] =	vst v2;
	v1 =	vld [tilespmem:s8+$0x40]  }
0x34: {  	[tilespmem:s8+$0xFFFFFFE0] =	vst v5;
	v2 =	vld [tilespmem:s8+$0x50];
	v7 =	vmul.f32 $8.000000000e+00, v3  }
0x35: {  	[tilespmem:s8+$0xFFFFFFF0] =	vst v6;
	v3 =	vld [tilespmem:s8+$0x60];
	v5 =	vmul.f32 $8.000000000e+00, v4  }
0x36: {  	s9 =	simm.s32 $0x0;
	s10 =	simm.s32 $0x6980;
	v6 =	vmul.f32 $8.000000000e+00, v8;
	v4 =	vld [tilespmem:s8+$0xFFFFFF80];
	[tilespmem:s8+$0x0] =	vst v7  }
.LBB2_2:
0x37: {  	v7 =	vld [tilespmem:s10+$0x70];
	s9 =	sadd.s32 $0x4, s9;
	[tilespmem:s8+$0x10] =	vst v5;
	v0 =	vmul.f32 $8.000000000e+00, v0  }
0x38: {  	v5 =	vld [tilespmem:s10+$0xFFFFFF90];
	p0 =	slt.u32 s9, $0x60;
	[tilespmem:s8+$0x20] =	vst v6;
	v1 =	vmul.f32 $8.000000000e+00, v1  }
0x39: {  	v6 =	vld [tilespmem:s10+$0xFFFFFFA0];
	[tilespmem:s8+$0x30] =	vst v0;
	v0 =	vmul.f32 $8.000000000e+00, v2  }
0x3a: {  	v2 =	vld [tilespmem:s10+$0xFFFFFFB0];
	[tilespmem:s8+$0x40] =	vst v1;
	v1 =	vmul.f32 $8.000000000e+00, v3  }
0x3b: {  	v3 =	vld [tilespmem:s10+$0xFFFFFFC0];
	v4 =	vmul.f32 $8.000000000e+00, v4;
	[tilespmem:s8+$0x50] =	vst v0  }
0x3c: {  	v0 =	vld [tilespmem:s10+$0xFFFFFFD0];
	v7 =	vmul.f32 $8.000000000e+00, v7;
	[tilespmem:s8+$0x60] =	vst v1  }
0x3d: {  	v1 =	vmul.f32 $8.000000000e+00, v5;
	v5 =	vld [tilespmem:s10+$0xFFFFFFE0];
	[tilespmem:s8+$0xFFFFFF80] =	vst v4;
	s8 =	smov.u32 s10  }
0x3e: {  	v4 =	vmul.f32 $8.000000000e+00, v6;
	v6 =	vld [tilespmem:s10+$0xFFFFFFF0];
	[tilespmem:s10+$0x70] =	vst v7  }
0x3f: {  	[tilespmem:s10+$0xFFFFFF90] =	vst v1;
	v1 =	vmul.f32 $8.000000000e+00, v2;
	v2 =	vld [tilespmem:s10+$0x0]  }
0x40: {  	[tilespmem:s10+$0xFFFFFFA0] =	vst v4;
	v3 =	vmul.f32 $8.000000000e+00, v3;
	v4 =	vld [tilespmem:s10+$0x10]  }
0x41: {  	[tilespmem:s10+$0xFFFFFFB0] =	vst v1;
	v1 =	vmul.f32 $8.000000000e+00, v0;
	v7 =	vld [tilespmem:s10+$0x20]  }
.Ltmp0:
0x42: {  	[tilespmem:s10+$0xFFFFFFC0] =	vst v3;
	v3 =	vmul.f32 $8.000000000e+00, v5;
	v0 =	vld [tilespmem:s10+$0x30];
	(pc) =	sbr.rel @p0 .LBB2_2-.Ltmp0, $4  }
0x43: {  	[tilespmem:s10+$0xFFFFFFD0] =	vst v1;
	v5 =	vmul.f32 $8.000000000e+00, v6;
	v1 =	vld [tilespmem:s10+$0x40]  }
0x44: {  	[tilespmem:s10+$0xFFFFFFE0] =	vst v3;
	v6 =	vmul.f32 $8.000000000e+00, v2;
	v2 =	vld [tilespmem:s10+$0x50]  }
0x45: {  	[tilespmem:s10+$0xFFFFFFF0] =	vst v5;
	v5 =	vmul.f32 $8.000000000e+00, v4;
	v3 =	vld [tilespmem:s10+$0x60]  }
0x46: {  	s10 =	sadd.s32 $0x100, s10;
	v4 =	vld [tilespmem:s8+$0xFFFFFF80];
	[tilespmem:s8+$0x0] =	vst v6;
	v6 =	vmul.f32 $8.000000000e+00, v7  }
0x47: {  	[tilespmem:s8+$0x10] =	vst v5;
	v0 =	vmul.f32 $8.000000000e+00, v0  }
0x48: {  	[tilespmem:s8+$0x20] =	vst v6;
	v1 =	vmul.f32 $8.000000000e+00, v1  }
0x49: {  	[tilespmem:s8+$0x30] =	vst v0;
	v0 =	vmul.f32 $8.000000000e+00, v2  }
0x4a: {  	[tilespmem:s8+$0x40] =	vst v1;
	v1 =	vmul.f32 $8.000000000e+00, v3  }
0x4b: {  	v2 =	vmul.f32 $8.000000000e+00, v4;
	[tilespmem:s8+$0x50] =	vst v0  }
0x4c: {  	[tilespmem:s8+$0x60] =	vst v1  }
0x4d: {  	[tilespmem:s8+$0xFFFFFF80] =	vst v2;
	s8 =	simm.s32 $0x81F0  }
0x4e: {  	[hbm4b:s7+s4] =	stream.linear.scatter [tilespmem:s21], [sflag:$0x4], $0x1900, $0x38;
	[tilespmem:$0xFE00] =	vst v63  }
0x4f: {  	v0 =	vld [tilespmem:s8+$0x0]  }
0x50: {  	v1 =	vld [tilespmem:s8+$0xFFFFFF20]  }
0x51: {  	v2 =	vld [tilespmem:s8+$0xFFFFFF30]  }
0x52: {  	v3 =	vld [tilespmem:s8+$0xFFFFFF40]  }
0x53: {  	v4 =	vld [tilespmem:s8+$0xFFFFFF50]  }
0x54: {  	v5 =	vld [tilespmem:s8+$0xFFFFFF60];
	v0 =	vmul.f32 $8.000000000e+00, v0  }
0x55: {  	v6 =	vld [tilespmem:s8+$0xFFFFFF70];
	v1 =	vmul.f32 $8.000000000e+00, v1  }
0x56: {  	v7 =	vld [tilespmem:s8+$0xFFFFFF80];
	v2 =	vmul.f32 $8.000000000e+00, v2;
	[tilespmem:s8+$0x0] =	vst v0  }
0x57: {  	[tilespmem:s8+$0xFFFFFF20] =	vst v1;
	v0 =	vmul.f32 $8.000000000e+00, v3;
	v3 =	vld [tilespmem:s8+$0xFFFFFF90]  }
0x58: {  	[tilespmem:s8+$0xFFFFFF30] =	vst v2;
	v1 =	vmul.f32 $8.000000000e+00, v4;
	v4 =	vld [tilespmem:s8+$0xFFFFFFA0]  }
0x59: {  	v8 =	vld [tilespmem:s8+$0xFFFFFFB0];
	v2 =	vmul.f32 $8.000000000e+00, v5;
	[tilespmem:s8+$0xFFFFFF40] =	vst v0  }
0x5a: {  	v5 =	vmul.f32 $8.000000000e+00, v6;
	[tilespmem:s8+$0xFFFFFF50] =	vst v1;
	v0 =	vld [tilespmem:s8+$0xFFFFFFC0]  }
0x5b: {  	v6 =	vmul.f32 $8.000000000e+00, v7;
	[tilespmem:s8+$0xFFFFFF60] =	vst v2;
	v1 =	vld [tilespmem:s8+$0xFFFFFFD0]  }
0x5c: {  	[tilespmem:s8+$0xFFFFFF70] =	vst v5;
	v2 =	vld [tilespmem:s8+$0xFFFFFFE0];
	v7 =	vmul.f32 $8.000000000e+00, v3  }
0x5d: {  	[tilespmem:s8+$0xFFFFFF80] =	vst v6;
	v3 =	vld [tilespmem:s8+$0xFFFFFFF0];
	v5 =	vmul.f32 $8.000000000e+00, v4  }
0x5e: {  	s9 =	simm.s32 $0x0;
	s10 =	simm.s32 $0x82F0;
	v6 =	vmul.f32 $8.000000000e+00, v8;
	v4 =	vld [tilespmem:s8+$0xFFFFFF10];
	[tilespmem:s8+$0xFFFFFF90] =	vst v7  }
.LBB2_4:
0x5f: {  	v7 =	vld [tilespmem:s10+$0x0];
	s9 =	sadd.s32 $0x4, s9;
	[tilespmem:s8+$0xFFFFFFA0] =	vst v5;
	v0 =	vmul.f32 $8.000000000e+00, v0  }
0x60: {  	v5 =	vld [tilespmem:s10+$0xFFFFFF20];
	p0 =	slt.u32 s9, $0x60;
	[tilespmem:s8+$0xFFFFFFB0] =	vst v6;
	v1 =	vmul.f32 $8.000000000e+00, v1  }
0x61: {  	v6 =	vld [tilespmem:s10+$0xFFFFFF30];
	[tilespmem:s8+$0xFFFFFFC0] =	vst v0;
	v0 =	vmul.f32 $8.000000000e+00, v2  }
0x62: {  	v2 =	vld [tilespmem:s10+$0xFFFFFF40];
	[tilespmem:s8+$0xFFFFFFD0] =	vst v1;
	v1 =	vmul.f32 $8.000000000e+00, v3  }
0x63: {  	v3 =	vld [tilespmem:s10+$0xFFFFFF50];
	v4 =	vmul.f32 $8.000000000e+00, v4;
	[tilespmem:s8+$0xFFFFFFE0] =	vst v0  }
0x64: {  	v0 =	vld [tilespmem:s10+$0xFFFFFF60];
	v7 =	vmul.f32 $8.000000000e+00, v7;
	[tilespmem:s8+$0xFFFFFFF0] =	vst v1  }
0x65: {  	v1 =	vmul.f32 $8.000000000e+00, v5;
	v5 =	vld [tilespmem:s10+$0xFFFFFF70];
	[tilespmem:s8+$0xFFFFFF10] =	vst v4;
	s8 =	smov.u32 s10  }
0x66: {  	v4 =	vmul.f32 $8.000000000e+00, v6;
	v6 =	vld [tilespmem:s10+$0xFFFFFF80];
	[tilespmem:s10+$0x0] =	vst v7  }
0x67: {  	[tilespmem:s10+$0xFFFFFF20] =	vst v1;
	v1 =	vmul.f32 $8.000000000e+00, v2;
	v2 =	vld [tilespmem:s10+$0xFFFFFF90]  }
0x68: {  	[tilespmem:s10+$0xFFFFFF30] =	vst v4;
	v3 =	vmul.f32 $8.000000000e+00, v3;
	v4 =	vld [tilespmem:s10+$0xFFFFFFA0]  }
0x69: {  	[tilespmem:s10+$0xFFFFFF40] =	vst v1;
	v1 =	vmul.f32 $8.000000000e+00, v0;
	v7 =	vld [tilespmem:s10+$0xFFFFFFB0]  }
.Ltmp1:
0x6a: {  	[tilespmem:s10+$0xFFFFFF50] =	vst v3;
	v3 =	vmul.f32 $8.000000000e+00, v5;
	v0 =	vld [tilespmem:s10+$0xFFFFFFC0];
	(pc) =	sbr.rel @p0 .LBB2_4-.Ltmp1, $4  }
0x6b: {  	[tilespmem:s10+$0xFFFFFF60] =	vst v1;
	v5 =	vmul.f32 $8.000000000e+00, v6;
	v1 =	vld [tilespmem:s10+$0xFFFFFFD0]  }
0x6c: {  	[tilespmem:s10+$0xFFFFFF70] =	vst v3;
	v6 =	vmul.f32 $8.000000000e+00, v2;
	v2 =	vld [tilespmem:s10+$0xFFFFFFE0]  }
0x6d: {  	[tilespmem:s10+$0xFFFFFF80] =	vst v5;
	v5 =	vmul.f32 $8.000000000e+00, v4;
	v3 =	vld [tilespmem:s10+$0xFFFFFFF0]  }
0x6e: {  	s10 =	sadd.s32 $0x100, s10;
	v4 =	vld [tilespmem:s8+$0xFFFFFF10];
	[tilespmem:s8+$0xFFFFFF90] =	vst v6;
	v6 =	vmul.f32 $8.000000000e+00, v7  }
0x6f: {  	[tilespmem:s8+$0xFFFFFFA0] =	vst v5;
	v0 =	vmul.f32 $8.000000000e+00, v0  }
0x70: {  	[tilespmem:s8+$0xFFFFFFB0] =	vst v6;
	v1 =	vmul.f32 $8.000000000e+00, v1  }
0x71: {  	[tilespmem:s8+$0xFFFFFFC0] =	vst v0;
	v0 =	vmul.f32 $8.000000000e+00, v2  }
0x72: {  	[tilespmem:s8+$0xFFFFFFD0] =	vst v1;
	v1 =	vmul.f32 $8.000000000e+00, v3  }
0x73: {  	v2 =	vmul.f32 $8.000000000e+00, v4;
	[tilespmem:s8+$0xFFFFFFE0] =	vst v0  }
0x74: {  	[tilespmem:s8+$0xFFFFFFF0] =	vst v1  }
0x75: {  	[tilespmem:s8+$0xFFFFFF10] =	vst v2  }
0x76: {  	s8 =	rddreg [dreg:$0x4]  }
0x77: {  	[hbm4b:s8+s4] =	stream.linear.scatter [tilespmem:s23], [sflag:$0x4], $0x1900, $0x38;
	[tilespmem:$0xFE00] =	vst v63  }
0x78: {  	s15 =	simm.s32 $0x1A0  }
0x79: {  	[tilespmem:s31], [sflag:$0x3] =	stream.indirect.gather [hbm4b:s5+s20], $0x40, s15, s20, $0xb8;
	[tilespmem:$0xFE00] =	vst v63  }
0x7a: {  	s16 =	simm.s32 $0x208  }
0x7b: {  	[tilespmem:s0], [sflag:$0x3] =	stream.indirect.gather [hbm4b:s5+s20], $0x40, s16, s20, $0xb8;
	[tilespmem:$0xFE00] =	vst v63  }
0x7c: {  	_ =	swait.ge [sflag:s22], $0x1900  }
0x7d: {  	[sflag:s22] =	ssyncset.done $0x0  }
0x7e: {  	[sflag:s22] =	ssyncadd.s32 $0xFFFFE700  }
0x7f: {  	_ =	swait.ge [sflag:s22], $0x1900  }
0x80: {  	[sflag:s22] =	ssyncset.done $0x0  }
0x81: {  	s8 =	simm.s32 $0x9A80;
	[sflag:s22] =	ssyncadd.s32 $0xFFFFE700  }
0x82: {  	v0 =	vld [tilespmem:s8+$0x70]  }
0x83: {  	v1 =	vld [tilespmem:s8+$0xFFFFFF90]  }
0x84: {  	v2 =	vld [tilespmem:s8+$0xFFFFFFA0]  }
0x85: {  	v3 =	vld [tilespmem:s8+$0xFFFFFFB0]  }
0x86: {  	v4 =	vld [tilespmem:s8+$0xFFFFFFC0]  }
0x87: {  	v5 =	vld [tilespmem:s8+$0xFFFFFFD0];
	v0 =	vmul.f32 $8.000000000e+00, v0  }
0x88: {  	v6 =	vld [tilespmem:s8+$0xFFFFFFE0];
	v1 =	vmul.f32 $8.000000000e+00, v1  }
0x89: {  	v7 =	vld [tilespmem:s8+$0xFFFFFFF0];
	v2 =	vmul.f32 $8.000000000e+00, v2;
	[tilespmem:s8+$0x70] =	vst v0  }
0x8a: {  	[tilespmem:s8+$0xFFFFFF90] =	vst v1;
	v0 =	vmul.f32 $8.000000000e+00, v3;
	v3 =	vld [tilespmem:s8+$0x0]  }
0x8b: {  	[tilespmem:s8+$0xFFFFFFA0] =	vst v2;
	v1 =	vmul.f32 $8.000000000e+00, v4;
	v4 =	vld [tilespmem:s8+$0x10]  }
0x8c: {  	v8 =	vld [tilespmem:s8+$0x20];
	v2 =	vmul.f32 $8.000000000e+00, v5;
	[tilespmem:s8+$0xFFFFFFB0] =	vst v0  }
0x8d: {  	v5 =	vmul.f32 $8.000000000e+00, v6;
	[tilespmem:s8+$0xFFFFFFC0] =	vst v1;
	v0 =	vld [tilespmem:s8+$0x30]  }
0x8e: {  	v6 =	vmul.f32 $8.000000000e+00, v7;
	[tilespmem:s8+$0xFFFFFFD0] =	vst v2;
	v1 =	vld [tilespmem:s8+$0x40]  }
0x8f: {  	[tilespmem:s8+$0xFFFFFFE0] =	vst v5;
	v2 =	vld [tilespmem:s8+$0x50];
	v7 =	vmul.f32 $8.000000000e+00, v3  }
0x90: {  	[tilespmem:s8+$0xFFFFFFF0] =	vst v6;
	v3 =	vld [tilespmem:s8+$0x60];
	v5 =	vmul.f32 $8.000000000e+00, v4  }
0x91: {  	s9 =	simm.s32 $0x0;
	s10 =	simm.s32 $0x9B80;
	v6 =	vmul.f32 $8.000000000e+00, v8;
	v4 =	vld [tilespmem:s8+$0xFFFFFF80];
	[tilespmem:s8+$0x0] =	vst v7  }
.LBB2_6:
0x92: {  	v7 =	vld [tilespmem:s10+$0x70];
	s9 =	sadd.s32 $0x4, s9;
	[tilespmem:s8+$0x10] =	vst v5;
	v0 =	vmul.f32 $8.000000000e+00, v0  }
0x93: {  	v5 =	vld [tilespmem:s10+$0xFFFFFF90];
	p0 =	slt.u32 s9, $0x60;
	[tilespmem:s8+$0x20] =	vst v6;
	v1 =	vmul.f32 $8.000000000e+00, v1  }
0x94: {  	v6 =	vld [tilespmem:s10+$0xFFFFFFA0];
	[tilespmem:s8+$0x30] =	vst v0;
	v0 =	vmul.f32 $8.000000000e+00, v2  }
0x95: {  	v2 =	vld [tilespmem:s10+$0xFFFFFFB0];
	[tilespmem:s8+$0x40] =	vst v1;
	v1 =	vmul.f32 $8.000000000e+00, v3  }
0x96: {  	v3 =	vld [tilespmem:s10+$0xFFFFFFC0];
	v4 =	vmul.f32 $8.000000000e+00, v4;
	[tilespmem:s8+$0x50] =	vst v0  }
0x97: {  	v0 =	vld [tilespmem:s10+$0xFFFFFFD0];
	v7 =	vmul.f32 $8.000000000e+00, v7;
	[tilespmem:s8+$0x60] =	vst v1  }
0x98: {  	v1 =	vmul.f32 $8.000000000e+00, v5;
	v5 =	vld [tilespmem:s10+$0xFFFFFFE0];
	[tilespmem:s8+$0xFFFFFF80] =	vst v4;
	s8 =	smov.u32 s10  }
0x99: {  	v4 =	vmul.f32 $8.000000000e+00, v6;
	v6 =	vld [tilespmem:s10+$0xFFFFFFF0];
	[tilespmem:s10+$0x70] =	vst v7  }
0x9a: {  	[tilespmem:s10+$0xFFFFFF90] =	vst v1;
	v1 =	vmul.f32 $8.000000000e+00, v2;
	v2 =	vld [tilespmem:s10+$0x0]  }
0x9b: {  	[tilespmem:s10+$0xFFFFFFA0] =	vst v4;
	v3 =	vmul.f32 $8.000000000e+00, v3;
	v4 =	vld [tilespmem:s10+$0x10]  }
0x9c: {  	[tilespmem:s10+$0xFFFFFFB0] =	vst v1;
	v1 =	vmul.f32 $8.000000000e+00, v0;
	v7 =	vld [tilespmem:s10+$0x20]  }
.Ltmp2:
0x9d: {  	[tilespmem:s10+$0xFFFFFFC0] =	vst v3;
	v3 =	vmul.f32 $8.000000000e+00, v5;
	v0 =	vld [tilespmem:s10+$0x30];
	(pc) =	sbr.rel @p0 .LBB2_6-.Ltmp2, $4  }
0x9e: {  	[tilespmem:s10+$0xFFFFFFD0] =	vst v1;
	v5 =	vmul.f32 $8.000000000e+00, v6;
	v1 =	vld [tilespmem:s10+$0x40]  }
0x9f: {  	[tilespmem:s10+$0xFFFFFFE0] =	vst v3;
	v6 =	vmul.f32 $8.000000000e+00, v2;
	v2 =	vld [tilespmem:s10+$0x50]  }
0xa0: {  	[tilespmem:s10+$0xFFFFFFF0] =	vst v5;
	v5 =	vmul.f32 $8.000000000e+00, v4;
	v3 =	vld [tilespmem:s10+$0x60]  }
0xa1: {  	s10 =	sadd.s32 $0x100, s10;
	v4 =	vld [tilespmem:s8+$0xFFFFFF80];
	[tilespmem:s8+$0x0] =	vst v6;
	v6 =	vmul.f32 $8.000000000e+00, v7  }
0xa2: {  	[tilespmem:s8+$0x10] =	vst v5;
	v0 =	vmul.f32 $8.000000000e+00, v0  }
0xa3: {  	[tilespmem:s8+$0x20] =	vst v6;
	v1 =	vmul.f32 $8.000000000e+00, v1  }
0xa4: {  	[tilespmem:s8+$0x30] =	vst v0;
	v0 =	vmul.f32 $8.000000000e+00, v2  }
0xa5: {  	[tilespmem:s8+$0x40] =	vst v1;
	v1 =	vmul.f32 $8.000000000e+00, v3  }
0xa6: {  	v2 =	vmul.f32 $8.000000000e+00, v4;
	[tilespmem:s8+$0x50] =	vst v0  }
0xa7: {  	[tilespmem:s8+$0x60] =	vst v1  }
0xa8: {  	[tilespmem:s8+$0xFFFFFF80] =	vst v2  }
0xa9: {  	s8 =	rddreg [dreg:$0x5]  }
0xaa: {  	[hbm4b:s8+s4] =	stream.linear.scatter [tilespmem:s25], [sflag:$0x5], $0x1900, $0x38;
	[tilespmem:$0xFE00] =	vst v63  }
0xab: {  	s8 =	simm.s32 $0xB3F0  }
0xac: {  	v0 =	vld [tilespmem:s8+$0x0]  }
0xad: {  	v1 =	vld [tilespmem:s8+$0xFFFFFF20]  }
0xae: {  	v2 =	vld [tilespmem:s8+$0xFFFFFF30]  }
0xaf: {  	v3 =	vld [tilespmem:s8+$0xFFFFFF40]  }
0xb0: {  	v4 =	vld [tilespmem:s8+$0xFFFFFF50]  }
0xb1: {  	v5 =	vld [tilespmem:s8+$0xFFFFFF60];
	v0 =	vmul.f32 $8.000000000e+00, v0  }
0xb2: {  	v6 =	vld [tilespmem:s8+$0xFFFFFF70];
	v1 =	vmul.f32 $8.000000000e+00, v1  }
0xb3: {  	v7 =	vld [tilespmem:s8+$0xFFFFFF80];
	v2 =	vmul.f32 $8.000000000e+00, v2;
	[tilespmem:s8+$0x0] =	vst v0  }
0xb4: {  	[tilespmem:s8+$0xFFFFFF20] =	vst v1;
	v0 =	vmul.f32 $8.000000000e+00, v3;
	v3 =	vld [tilespmem:s8+$0xFFFFFF90]  }
0xb5: {  	[tilespmem:s8+$0xFFFFFF30] =	vst v2;
	v1 =	vmul.f32 $8.000000000e+00, v4;
	v4 =	vld [tilespmem:s8+$0xFFFFFFA0]  }
0xb6: {  	v8 =	vld [tilespmem:s8+$0xFFFFFFB0];
	v2 =	vmul.f32 $8.000000000e+00, v5;
	[tilespmem:s8+$0xFFFFFF40] =	vst v0  }
0xb7: {  	v5 =	vmul.f32 $8.000000000e+00, v6;
	[tilespmem:s8+$0xFFFFFF50] =	vst v1;
	v0 =	vld [tilespmem:s8+$0xFFFFFFC0]  }
0xb8: {  	v6 =	vmul.f32 $8.000000000e+00, v7;
	[tilespmem:s8+$0xFFFFFF60] =	vst v2;
	v1 =	vld [tilespmem:s8+$0xFFFFFFD0]  }
0xb9: {  	[tilespmem:s8+$0xFFFFFF70] =	vst v5;
	v2 =	vld [tilespmem:s8+$0xFFFFFFE0];
	v7 =	vmul.f32 $8.000000000e+00, v3  }
0xba: {  	[tilespmem:s8+$0xFFFFFF80] =	vst v6;
	v3 =	vld [tilespmem:s8+$0xFFFFFFF0];
	v5 =	vmul.f32 $8.000000000e+00, v4  }
0xbb: {  	s9 =	simm.s32 $0x0;
	s10 =	simm.s32 $0xB4F0;
	v6 =	vmul.f32 $8.000000000e+00, v8;
	v4 =	vld [tilespmem:s8+$0xFFFFFF10];
	[tilespmem:s8+$0xFFFFFF90] =	vst v7  }
.LBB2_8:
0xbc: {  	v7 =	vld [tilespmem:s10+$0x0];
	s9 =	sadd.s32 $0x4, s9;
	[tilespmem:s8+$0xFFFFFFA0] =	vst v5;
	v0 =	vmul.f32 $8.000000000e+00, v0  }
0xbd: {  	v5 =	vld [tilespmem:s10+$0xFFFFFF20];
	p0 =	slt.u32 s9, $0x60;
	[tilespmem:s8+$0xFFFFFFB0] =	vst v6;
	v1 =	vmul.f32 $8.000000000e+00, v1  }
0xbe: {  	v6 =	vld [tilespmem:s10+$0xFFFFFF30];
	[tilespmem:s8+$0xFFFFFFC0] =	vst v0;
	v0 =	vmul.f32 $8.000000000e+00, v2  }
0xbf: {  	v2 =	vld [tilespmem:s10+$0xFFFFFF40];
	[tilespmem:s8+$0xFFFFFFD0] =	vst v1;
	v1 =	vmul.f32 $8.000000000e+00, v3  }
0xc0: {  	v3 =	vld [tilespmem:s10+$0xFFFFFF50];
	v4 =	vmul.f32 $8.000000000e+00, v4;
	[tilespmem:s8+$0xFFFFFFE0] =	vst v0  }
0xc1: {  	v0 =	vld [tilespmem:s10+$0xFFFFFF60];
	v7 =	vmul.f32 $8.000000000e+00, v7;
	[tilespmem:s8+$0xFFFFFFF0] =	vst v1  }
0xc2: {  	v1 =	vmul.f32 $8.000000000e+00, v5;
	v5 =	vld [tilespmem:s10+$0xFFFFFF70];
	[tilespmem:s8+$0xFFFFFF10] =	vst v4;
	s8 =	smov.u32 s10  }
0xc3: {  	v4 =	vmul.f32 $8.000000000e+00, v6;
	v6 =	vld [tilespmem:s10+$0xFFFFFF80];
	[tilespmem:s10+$0x0] =	vst v7  }
0xc4: {  	[tilespmem:s10+$0xFFFFFF20] =	vst v1;
	v1 =	vmul.f32 $8.000000000e+00, v2;
	v2 =	vld [tilespmem:s10+$0xFFFFFF90]  }
0xc5: {  	[tilespmem:s10+$0xFFFFFF30] =	vst v4;
	v3 =	vmul.f32 $8.000000000e+00, v3;
	v4 =	vld [tilespmem:s10+$0xFFFFFFA0]  }
0xc6: {  	[tilespmem:s10+$0xFFFFFF40] =	vst v1;
	v1 =	vmul.f32 $8.000000000e+00, v0;
	v7 =	vld [tilespmem:s10+$0xFFFFFFB0]  }
.Ltmp3:
0xc7: {  	[tilespmem:s10+$0xFFFFFF50] =	vst v3;
	v3 =	vmul.f32 $8.000000000e+00, v5;
	v0 =	vld [tilespmem:s10+$0xFFFFFFC0];
	(pc) =	sbr.rel @p0 .LBB2_8-.Ltmp3, $4  }
0xc8: {  	[tilespmem:s10+$0xFFFFFF60] =	vst v1;
	v5 =	vmul.f32 $8.000000000e+00, v6;
	v1 =	vld [tilespmem:s10+$0xFFFFFFD0]  }
0xc9: {  	[tilespmem:s10+$0xFFFFFF70] =	vst v3;
	v6 =	vmul.f32 $8.000000000e+00, v2;
	v2 =	vld [tilespmem:s10+$0xFFFFFFE0]  }
0xca: {  	[tilespmem:s10+$0xFFFFFF80] =	vst v5;
	v5 =	vmul.f32 $8.000000000e+00, v4;
	v3 =	vld [tilespmem:s10+$0xFFFFFFF0]  }
0xcb: {  	s10 =	sadd.s32 $0x100, s10;
	v4 =	vld [tilespmem:s8+$0xFFFFFF10];
	[tilespmem:s8+$0xFFFFFF90] =	vst v6;
	v6 =	vmul.f32 $8.000000000e+00, v7  }
0xcc: {  	[tilespmem:s8+$0xFFFFFFA0] =	vst v5;
	v0 =	vmul.f32 $8.000000000e+00, v0  }
0xcd: {  	[tilespmem:s8+$0xFFFFFFB0] =	vst v6;
	v1 =	vmul.f32 $8.000000000e+00, v1  }
0xce: {  	[tilespmem:s8+$0xFFFFFFC0] =	vst v0;
	v61 =	vmul.f32 $8.000000000e+00, v2  }
0xcf: {  	[tilespmem:s8+$0xFFFFFFD0] =	vst v1;
	v62 =	vmul.f32 $8.000000000e+00, v3  }
0xd0: {  	v63 =	vmul.f32 $8.000000000e+00, v4;
	[tilespmem:s8+$0xFFFFFFE0] =	vst v61  }
0xd1: {  	[tilespmem:s8+$0xFFFFFFF0] =	vst v62  }
0xd2: {  	[tilespmem:s8+$0xFFFFFF10] =	vst v63  }
0xd3: {  	s8 =	simm.s32 $0x0;
	s9 =	rddreg [dreg:$0x6]  }
0xd4: {  	[hbm4b:s9+s8] =	stream.linear.scatter [tilespmem:s28], [sflag:$0x5], $0x1900, $0x38;
	[tilespmem:$0xFE00] =	vst v63  }
.LBB2_10:
0xd5: {  	_ =	swait.ge [sflag:s24], $0x1900;
	s12 =	smul.u32 $0x6, s8  }
0xd6: {  	[sflag:s24] =	ssyncset.done $0x0  }
0xd7: {  	[sflag:s24] =	ssyncadd.s32 $0xFFFFE700;
	s10 =	sadd.s32 $0x6, s12  }
0xd8: {  	_ =	swait.ge [sflag:s24], $0x1900;
	s9 =	smul.u32 $0x1A0, s10  }
0xd9: {  	[sflag:s24] =	ssyncset.done $0x0  }
0xda: {  	s13 =	smul.u32 $0x9C0, s8;
	[sflag:s24] =	ssyncadd.s32 $0xFFFFE700;
	s9 =	sshra.s32 s9, $0x2  }
0xdb: {  	[tilespmem:s21], [sflag:$0x1] =	stream.indirect.gather [hbm4b:s5+s20], $0x40, s9, s20, $0xb8;
	[tilespmem:$0xFE00] =	vst v63  }
0xdc: {  	s9 =	sshra.s32 s13, $0x2  }
0xdd: {  	s13 =	sadd.s32 $0x2D8, s9  }
0xde: {  	[tilespmem:s23], [sflag:$0x1] =	stream.indirect.gather [hbm4b:s5+s20], $0x40, s13, s20, $0xb8;
	[tilespmem:$0xFE00] =	vst v63  }
0xdf: {  	_ =	swait.ge [sflag:s26], $0x1900  }
0xe0: {  	[sflag:s26] =	ssyncset.done $0x0  }
0xe1: {  	[sflag:s26] =	ssyncadd.s32 $0xFFFFE700  }
0xe2: {  	_ =	swait.ge [sflag:s26], $0x1900  }
0xe3: {  	[sflag:s26] =	ssyncset.done $0x0  }
0xe4: {  	s14 =	simm.s32 $0xCC80;
	[sflag:s26] =	ssyncadd.s32 $0xFFFFE700  }
0xe5: {  	v0 =	vld [tilespmem:s14+$0x70]  }
0xe6: {  	v1 =	vld [tilespmem:s14+$0xFFFFFF90]  }
0xe7: {  	v2 =	vld [tilespmem:s14+$0xFFFFFFA0]  }
0xe8: {  	v3 =	vld [tilespmem:s14+$0xFFFFFFB0]  }
0xe9: {  	v4 =	vld [tilespmem:s14+$0xFFFFFFC0]  }
0xea: {  	v5 =	vld [tilespmem:s14+$0xFFFFFFD0];
	v0 =	vmul.f32 $8.000000000e+00, v0  }
0xeb: {  	v6 =	vld [tilespmem:s14+$0xFFFFFFE0];
	v1 =	vmul.f32 $8.000000000e+00, v1  }
0xec: {  	v7 =	vld [tilespmem:s14+$0xFFFFFFF0];
	v2 =	vmul.f32 $8.000000000e+00, v2;
	[tilespmem:s14+$0x70] =	vst v0  }
0xed: {  	[tilespmem:s14+$0xFFFFFF90] =	vst v1;
	v0 =	vmul.f32 $8.000000000e+00, v3;
	v3 =	vld [tilespmem:s14+$0x0]  }
0xee: {  	v8 =	vld [tilespmem:s14+$0x10];
	[tilespmem:s14+$0xFFFFFFA0] =	vst v2;
	v1 =	vmul.f32 $8.000000000e+00, v4  }
0xef: {  	v9 =	vld [tilespmem:s14+$0x20];
	v2 =	vmul.f32 $8.000000000e+00, v5;
	[tilespmem:s14+$0xFFFFFFB0] =	vst v0  }
0xf0: {  	v4 =	vmul.f32 $8.000000000e+00, v6;
	[tilespmem:s14+$0xFFFFFFC0] =	vst v1;
	v0 =	vld [tilespmem:s14+$0x30]  }
0xf1: {  	[tilespmem:s14+$0xFFFFFFD0] =	vst v2;
	v2 =	vmul.f32 $8.000000000e+00, v7;
	v1 =	vld [tilespmem:s14+$0x40]  }
0xf2: {  	[tilespmem:s14+$0xFFFFFFE0] =	vst v4;
	v4 =	vld [tilespmem:s14+$0x50];
	v6 =	vmul.f32 $8.000000000e+00, v3  }
0xf3: {  	v5 =	vmul.f32 $8.000000000e+00, v8;
	[tilespmem:s14+$0xFFFFFFF0] =	vst v2;
	v2 =	vld [tilespmem:s14+$0x60]  }
0xf4: {  	s15 =	simm.s32 $0xCD80;
	s13 =	simm.s32 $0x0;
	v3 =	vld [tilespmem:s14+$0xFFFFFF80];
	[tilespmem:s14+$0x0] =	vst v6;
	v6 =	vmul.f32 $8.000000000e+00, v9  }
.LBB2_11:
0xf5: {  	v7 =	vld [tilespmem:s15+$0x70];
	s13 =	sadd.s32 $0x4, s13;
	[tilespmem:s14+$0x10] =	vst v5;
	v0 =	vmul.f32 $8.000000000e+00, v0  }
0xf6: {  	v5 =	vld [tilespmem:s15+$0xFFFFFF90];
	p0 =	slt.u32 s13, $0x60;
	[tilespmem:s14+$0x20] =	vst v6;
	v1 =	vmul.f32 $8.000000000e+00, v1  }
0xf7: {  	v6 =	vld [tilespmem:s15+$0xFFFFFFA0];
	[tilespmem:s14+$0x30] =	vst v0;
	v0 =	vmul.f32 $8.000000000e+00, v4  }
0xf8: {  	v4 =	vld [tilespmem:s15+$0xFFFFFFB0];
	[tilespmem:s14+$0x40] =	vst v1;
	v1 =	vmul.f32 $8.000000000e+00, v2  }
0xf9: {  	v2 =	vld [tilespmem:s15+$0xFFFFFFC0];
	v3 =	vmul.f32 $8.000000000e+00, v3;
	[tilespmem:s14+$0x50] =	vst v0  }
0xfa: {  	v0 =	vld [tilespmem:s15+$0xFFFFFFD0];
	v7 =	vmul.f32 $8.000000000e+00, v7;
	[tilespmem:s14+$0x60] =	vst v1  }
0xfb: {  	v1 =	vmul.f32 $8.000000000e+00, v5;
	v5 =	vld [tilespmem:s15+$0xFFFFFFE0];
	[tilespmem:s14+$0xFFFFFF80] =	vst v3;
	s14 =	smov.u32 s15  }
0xfc: {  	v3 =	vmul.f32 $8.000000000e+00, v6;
	v6 =	vld [tilespmem:s15+$0xFFFFFFF0];
	[tilespmem:s15+$0x70] =	vst v7  }
0xfd: {  	[tilespmem:s15+$0xFFFFFF90] =	vst v1;
	v1 =	vmul.f32 $8.000000000e+00, v4;
	v4 =	vld [tilespmem:s15+$0x0]  }
0xfe: {  	[tilespmem:s15+$0xFFFFFFA0] =	vst v3;
	v2 =	vmul.f32 $8.000000000e+00, v2;
	v3 =	vld [tilespmem:s15+$0x10]  }
0xff: {  	[tilespmem:s15+$0xFFFFFFB0] =	vst v1;
	v1 =	vmul.f32 $8.000000000e+00, v0;
	v7 =	vld [tilespmem:s15+$0x20]  }
.Ltmp4:
0x100: {  	[tilespmem:s15+$0xFFFFFFC0] =	vst v2;
	v2 =	vmul.f32 $8.000000000e+00, v5;
	v0 =	vld [tilespmem:s15+$0x30];
	(pc) =	sbr.rel @p0 .LBB2_11-.Ltmp4, $4  }
0x101: {  	[tilespmem:s15+$0xFFFFFFD0] =	vst v1;
	v5 =	vmul.f32 $8.000000000e+00, v6;
	v1 =	vld [tilespmem:s15+$0x40]  }
0x102: {  	[tilespmem:s15+$0xFFFFFFE0] =	vst v2;
	v6 =	vmul.f32 $8.000000000e+00, v4;
	v4 =	vld [tilespmem:s15+$0x50]  }
0x103: {  	[tilespmem:s15+$0xFFFFFFF0] =	vst v5;
	v5 =	vmul.f32 $8.000000000e+00, v3;
	v2 =	vld [tilespmem:s15+$0x60]  }
0x104: {  	s15 =	sadd.s32 $0x100, s15;
	v3 =	vld [tilespmem:s14+$0xFFFFFF80];
	[tilespmem:s14+$0x0] =	vst v6;
	v6 =	vmul.f32 $8.000000000e+00, v7  }
0x105: {  	[tilespmem:s14+$0x10] =	vst v5;
	v0 =	vmul.f32 $8.000000000e+00, v0  }
0x106: {  	[tilespmem:s14+$0x20] =	vst v6;
	v1 =	vmul.f32 $8.000000000e+00, v1  }
0x107: {  	s13 =	sadd.s32 s12, s11;
	[tilespmem:s14+$0x30] =	vst v0;
	v0 =	vmul.f32 $8.000000000e+00, v4  }
0x108: {  	s13 =	sshrl.u32 s13, $0x1;
	[tilespmem:s14+$0x40] =	vst v1;
	v1 =	vmul.f32 $8.000000000e+00, v2  }
0x109: {  	s15 =	smul.u32 $0x640, s13;
	v2 =	vmul.f32 $8.000000000e+00, v3;
	[tilespmem:s14+$0x50] =	vst v0  }
0x10a: {  	[tilespmem:s14+$0x60] =	vst v1  }
0x10b: {  	s16 =	sadd.s32 s2, s15;
	[tilespmem:s14+$0xFFFFFF80] =	vst v2;
	s14 =	simm.s32 $0xE5F0  }
0x10c: {  	[hbm4b:s16+s4] =	stream.linear.scatter [tilespmem:s31], [sflag:$0x6], $0x1900, $0x38;
	[tilespmem:$0xFE00] =	vst v63  }
0x10d: {  	v0 =	vld [tilespmem:s14+$0x0]  }
0x10e: {  	v1 =	vld [tilespmem:s14+$0xFFFFFF20]  }
0x10f: {  	v2 =	vld [tilespmem:s14+$0xFFFFFF30]  }
0x110: {  	v3 =	vld [tilespmem:s14+$0xFFFFFF40]  }
0x111: {  	v4 =	vld [tilespmem:s14+$0xFFFFFF50]  }
0x112: {  	v5 =	vld [tilespmem:s14+$0xFFFFFF60];
	v0 =	vmul.f32 $8.000000000e+00, v0  }
0x113: {  	v6 =	vld [tilespmem:s14+$0xFFFFFF70];
	v1 =	vmul.f32 $8.000000000e+00, v1  }
0x114: {  	v7 =	vld [tilespmem:s14+$0xFFFFFF80];
	v2 =	vmul.f32 $8.000000000e+00, v2;
	[tilespmem:s14+$0x0] =	vst v0  }
0x115: {  	[tilespmem:s14+$0xFFFFFF20] =	vst v1;
	v0 =	vmul.f32 $8.000000000e+00, v3;
	v3 =	vld [tilespmem:s14+$0xFFFFFF90]  }
0x116: {  	[tilespmem:s14+$0xFFFFFF30] =	vst v2;
	v1 =	vmul.f32 $8.000000000e+00, v4;
	v4 =	vld [tilespmem:s14+$0xFFFFFFA0]  }
0x117: {  	v8 =	vld [tilespmem:s14+$0xFFFFFFB0];
	v2 =	vmul.f32 $8.000000000e+00, v5;
	[tilespmem:s14+$0xFFFFFF40] =	vst v0  }
0x118: {  	v5 =	vmul.f32 $8.000000000e+00, v6;
	[tilespmem:s14+$0xFFFFFF50] =	vst v1;
	v0 =	vld [tilespmem:s14+$0xFFFFFFC0]  }
0x119: {  	[tilespmem:s14+$0xFFFFFF60] =	vst v2;
	v2 =	vmul.f32 $8.000000000e+00, v7;
	v1 =	vld [tilespmem:s14+$0xFFFFFFD0]  }
0x11a: {  	[tilespmem:s14+$0xFFFFFF70] =	vst v5;
	v6 =	vmul.f32 $8.000000000e+00, v3;
	v3 =	vld [tilespmem:s14+$0xFFFFFFE0]  }
0x11b: {  	[tilespmem:s14+$0xFFFFFF80] =	vst v2;
	v2 =	vld [tilespmem:s14+$0xFFFFFFF0];
	v5 =	vmul.f32 $8.000000000e+00, v4  }
0x11c: {  	s15 =	simm.s32 $0x0;
	s16 =	simm.s32 $0xE6F0;
	v4 =	vld [tilespmem:s14+$0xFFFFFF10];
	[tilespmem:s14+$0xFFFFFF90] =	vst v6;
	v6 =	vmul.f32 $8.000000000e+00, v8  }
.LBB2_13:
0x11d: {  	v7 =	vld [tilespmem:s16+$0x0];
	s15 =	sadd.s32 $0x4, s15;
	[tilespmem:s14+$0xFFFFFFA0] =	vst v5;
	v0 =	vmul.f32 $8.000000000e+00, v0  }
0x11e: {  	v5 =	vld [tilespmem:s16+$0xFFFFFF20];
	p0 =	slt.u32 s15, $0x60;
	[tilespmem:s14+$0xFFFFFFB0] =	vst v6;
	v1 =	vmul.f32 $8.000000000e+00, v1  }
0x11f: {  	v6 =	vld [tilespmem:s16+$0xFFFFFF30];
	[tilespmem:s14+$0xFFFFFFC0] =	vst v0;
	v0 =	vmul.f32 $8.000000000e+00, v3  }
0x120: {  	v3 =	vld [tilespmem:s16+$0xFFFFFF40];
	[tilespmem:s14+$0xFFFFFFD0] =	vst v1;
	v1 =	vmul.f32 $8.000000000e+00, v2  }
0x121: {  	v2 =	vld [tilespmem:s16+$0xFFFFFF50];
	v4 =	vmul.f32 $8.000000000e+00, v4;
	[tilespmem:s14+$0xFFFFFFE0] =	vst v0  }
0x122: {  	v0 =	vld [tilespmem:s16+$0xFFFFFF60];
	v7 =	vmul.f32 $8.000000000e+00, v7;
	[tilespmem:s14+$0xFFFFFFF0] =	vst v1  }
0x123: {  	v1 =	vmul.f32 $8.000000000e+00, v5;
	v5 =	vld [tilespmem:s16+$0xFFFFFF70];
	[tilespmem:s14+$0xFFFFFF10] =	vst v4;
	s14 =	smov.u32 s16  }
0x124: {  	v4 =	vmul.f32 $8.000000000e+00, v6;
	v6 =	vld [tilespmem:s16+$0xFFFFFF80];
	[tilespmem:s16+$0x0] =	vst v7  }
0x125: {  	[tilespmem:s16+$0xFFFFFF20] =	vst v1;
	v1 =	vmul.f32 $8.000000000e+00, v3;
	v3 =	vld [tilespmem:s16+$0xFFFFFF90]  }
0x126: {  	[tilespmem:s16+$0xFFFFFF30] =	vst v4;
	v2 =	vmul.f32 $8.000000000e+00, v2;
	v4 =	vld [tilespmem:s16+$0xFFFFFFA0]  }
0x127: {  	[tilespmem:s16+$0xFFFFFF40] =	vst v1;
	v1 =	vmul.f32 $8.000000000e+00, v0;
	v7 =	vld [tilespmem:s16+$0xFFFFFFB0]  }
.Ltmp5:
0x128: {  	[tilespmem:s16+$0xFFFFFF50] =	vst v2;
	v2 =	vmul.f32 $8.000000000e+00, v5;
	v0 =	vld [tilespmem:s16+$0xFFFFFFC0];
	(pc) =	sbr.rel @p0 .LBB2_13-.Ltmp5, $4  }
0x129: {  	[tilespmem:s16+$0xFFFFFF60] =	vst v1;
	v5 =	vmul.f32 $8.000000000e+00, v6;
	v1 =	vld [tilespmem:s16+$0xFFFFFFD0]  }
0x12a: {  	[tilespmem:s16+$0xFFFFFF70] =	vst v2;
	v6 =	vmul.f32 $8.000000000e+00, v3;
	v3 =	vld [tilespmem:s16+$0xFFFFFFE0]  }
0x12b: {  	[tilespmem:s16+$0xFFFFFF80] =	vst v5;
	v5 =	vmul.f32 $8.000000000e+00, v4;
	v2 =	vld [tilespmem:s16+$0xFFFFFFF0]  }
0x12c: {  	s16 =	sadd.s32 $0x100, s16;
	v4 =	vld [tilespmem:s14+$0xFFFFFF10];
	[tilespmem:s14+$0xFFFFFF90] =	vst v6;
	v6 =	vmul.f32 $8.000000000e+00, v7  }
0x12d: {  	[tilespmem:s14+$0xFFFFFFA0] =	vst v5;
	v0 =	vmul.f32 $8.000000000e+00, v0  }
0x12e: {  	[tilespmem:s14+$0xFFFFFFB0] =	vst v6;
	v1 =	vmul.f32 $8.000000000e+00, v1  }
0x12f: {  	s13 =	smul.u32 $0x3200, s13;
	[tilespmem:s14+$0xFFFFFFC0] =	vst v0;
	v0 =	vmul.f32 $8.000000000e+00, v3  }
0x130: {  	[tilespmem:s14+$0xFFFFFFD0] =	vst v1;
	v1 =	vmul.f32 $8.000000000e+00, v2  }
0x131: {  	s13 =	sshrl.u32 s13, $0x3;
	v2 =	vmul.f32 $8.000000000e+00, v4;
	[tilespmem:s14+$0xFFFFFFE0] =	vst v0  }
0x132: {  	s13 =	sadd.s32 s2, s13;
	[tilespmem:s14+$0xFFFFFFF0] =	vst v1  }
0x133: {  	s13 =	sadd.s32 $0x320, s13;
	[tilespmem:s14+$0xFFFFFF10] =	vst v2  }
0x134: {  	[hbm4b:s13+s4] =	stream.linear.scatter [tilespmem:s0], [sflag:$0x6], $0x1900, $0x38;
	[tilespmem:$0xFE00] =	vst v63  }
0x135: {  	_ =	swait.ge [sflag:s30], $0x1900  }
0x136: {  	[sflag:s30] =	ssyncset.done $0x0  }
0x137: {  	s12 =	sadd.s32 $0x8, s12;
	[sflag:s30] =	ssyncadd.s32 $0xFFFFE700  }
0x138: {  	s15 =	smul.u32 $0x1A0, s12;
	_ =	swait.ge [sflag:s30], $0x1900  }
0x139: {  	[sflag:s30] =	ssyncset.done $0x0  }
0x13a: {  	s13 =	sshra.s32 s15, $0x2;
	[sflag:s30] =	ssyncadd.s32 $0xFFFFE700  }
0x13b: {  	[tilespmem:s25], [sflag:$0x2] =	stream.indirect.gather [hbm4b:s5+s20], $0x40, s13, s20, $0xb8;
	[tilespmem:$0xFE00] =	vst v63  }
0x13c: {  	s16 =	sadd.s32 $0x3A8, s9  }
0x13d: {  	[tilespmem:s28], [sflag:$0x2] =	stream.indirect.gather [hbm4b:s5+s20], $0x40, s16, s20, $0xb8;
	[tilespmem:$0xFE00] =	vst v63  }
0x13e: {  	_ =	swait.ge [sflag:s29], $0x1900  }
0x13f: {  	[sflag:s29] =	ssyncset.done $0x0  }
0x140: {  	[sflag:s29] =	ssyncadd.s32 $0xFFFFE700  }
0x141: {  	_ =	swait.ge [sflag:s29], $0x1900  }
0x142: {  	[sflag:s29] =	ssyncset.done $0x0  }
0x143: {  	s13 =	simm.s32 $0x6880;
	[sflag:s29] =	ssyncadd.s32 $0xFFFFE700  }
0x144: {  	v0 =	vld [tilespmem:s13+$0x70]  }
0x145: {  	v1 =	vld [tilespmem:s13+$0xFFFFFF90]  }
0x146: {  	v2 =	vld [tilespmem:s13+$0xFFFFFFA0]  }
0x147: {  	v3 =	vld [tilespmem:s13+$0xFFFFFFB0]  }
0x148: {  	v4 =	vld [tilespmem:s13+$0xFFFFFFC0]  }
0x149: {  	v5 =	vld [tilespmem:s13+$0xFFFFFFD0];
	v0 =	vmul.f32 $8.000000000e+00, v0  }
0x14a: {  	v6 =	vld [tilespmem:s13+$0xFFFFFFE0];
	v1 =	vmul.f32 $8.000000000e+00, v1  }
0x14b: {  	v7 =	vld [tilespmem:s13+$0xFFFFFFF0];
	v2 =	vmul.f32 $8.000000000e+00, v2;
	[tilespmem:s13+$0x70] =	vst v0  }
0x14c: {  	[tilespmem:s13+$0xFFFFFF90] =	vst v1;
	v0 =	vmul.f32 $8.000000000e+00, v3;
	v3 =	vld [tilespmem:s13+$0x0]  }
0x14d: {  	v8 =	vld [tilespmem:s13+$0x10];
	[tilespmem:s13+$0xFFFFFFA0] =	vst v2;
	v1 =	vmul.f32 $8.000000000e+00, v4  }
0x14e: {  	v9 =	vld [tilespmem:s13+$0x20];
	v2 =	vmul.f32 $8.000000000e+00, v5;
	[tilespmem:s13+$0xFFFFFFB0] =	vst v0  }
0x14f: {  	v4 =	vmul.f32 $8.000000000e+00, v6;
	[tilespmem:s13+$0xFFFFFFC0] =	vst v1;
	v0 =	vld [tilespmem:s13+$0x30]  }
0x150: {  	[tilespmem:s13+$0xFFFFFFD0] =	vst v2;
	v2 =	vmul.f32 $8.000000000e+00, v7;
	v1 =	vld [tilespmem:s13+$0x40]  }
0x151: {  	[tilespmem:s13+$0xFFFFFFE0] =	vst v4;
	v4 =	vld [tilespmem:s13+$0x50];
	v6 =	vmul.f32 $8.000000000e+00, v3  }
0x152: {  	v5 =	vmul.f32 $8.000000000e+00, v8;
	[tilespmem:s13+$0xFFFFFFF0] =	vst v2;
	v2 =	vld [tilespmem:s13+$0x60]  }
0x153: {  	s14 =	simm.s32 $0x0;
	s15 =	simm.s32 $0x6980;
	v3 =	vld [tilespmem:s13+$0xFFFFFF80];
	[tilespmem:s13+$0x0] =	vst v6;
	v6 =	vmul.f32 $8.000000000e+00, v9  }
.LBB2_15:
0x154: {  	v7 =	vld [tilespmem:s15+$0x70];
	s14 =	sadd.s32 $0x4, s14;
	[tilespmem:s13+$0x10] =	vst v5;
	v0 =	vmul.f32 $8.000000000e+00, v0  }
0x155: {  	v5 =	vld [tilespmem:s15+$0xFFFFFF90];
	p0 =	slt.u32 s14, $0x60;
	[tilespmem:s13+$0x20] =	vst v6;
	v1 =	vmul.f32 $8.000000000e+00, v1  }
0x156: {  	v6 =	vld [tilespmem:s15+$0xFFFFFFA0];
	[tilespmem:s13+$0x30] =	vst v0;
	v0 =	vmul.f32 $8.000000000e+00, v4  }
0x157: {  	v4 =	vld [tilespmem:s15+$0xFFFFFFB0];
	[tilespmem:s13+$0x40] =	vst v1;
	v1 =	vmul.f32 $8.000000000e+00, v2  }
0x158: {  	v2 =	vld [tilespmem:s15+$0xFFFFFFC0];
	v3 =	vmul.f32 $8.000000000e+00, v3;
	[tilespmem:s13+$0x50] =	vst v0  }
0x159: {  	v0 =	vld [tilespmem:s15+$0xFFFFFFD0];
	v7 =	vmul.f32 $8.000000000e+00, v7;
	[tilespmem:s13+$0x60] =	vst v1  }
0x15a: {  	v1 =	vmul.f32 $8.000000000e+00, v5;
	v5 =	vld [tilespmem:s15+$0xFFFFFFE0];
	[tilespmem:s13+$0xFFFFFF80] =	vst v3;
	s13 =	smov.u32 s15  }
0x15b: {  	v3 =	vmul.f32 $8.000000000e+00, v6;
	v6 =	vld [tilespmem:s15+$0xFFFFFFF0];
	[tilespmem:s15+$0x70] =	vst v7  }
0x15c: {  	[tilespmem:s15+$0xFFFFFF90] =	vst v1;
	v1 =	vmul.f32 $8.000000000e+00, v4;
	v4 =	vld [tilespmem:s15+$0x0]  }
0x15d: {  	[tilespmem:s15+$0xFFFFFFA0] =	vst v3;
	v2 =	vmul.f32 $8.000000000e+00, v2;
	v3 =	vld [tilespmem:s15+$0x10]  }
0x15e: {  	[tilespmem:s15+$0xFFFFFFB0] =	vst v1;
	v1 =	vmul.f32 $8.000000000e+00, v0;
	v7 =	vld [tilespmem:s15+$0x20]  }
.Ltmp6:
0x15f: {  	[tilespmem:s15+$0xFFFFFFC0] =	vst v2;
	v2 =	vmul.f32 $8.000000000e+00, v5;
	v0 =	vld [tilespmem:s15+$0x30];
	(pc) =	sbr.rel @p0 .LBB2_15-.Ltmp6, $4  }
0x160: {  	[tilespmem:s15+$0xFFFFFFD0] =	vst v1;
	v5 =	vmul.f32 $8.000000000e+00, v6;
	v1 =	vld [tilespmem:s15+$0x40]  }
0x161: {  	[tilespmem:s15+$0xFFFFFFE0] =	vst v2;
	v6 =	vmul.f32 $8.000000000e+00, v4;
	v4 =	vld [tilespmem:s15+$0x50]  }
0x162: {  	[tilespmem:s15+$0xFFFFFFF0] =	vst v5;
	v5 =	vmul.f32 $8.000000000e+00, v3;
	v2 =	vld [tilespmem:s15+$0x60]  }
0x163: {  	s15 =	sadd.s32 $0x100, s15;
	v3 =	vld [tilespmem:s13+$0xFFFFFF80];
	[tilespmem:s13+$0x0] =	vst v6;
	v6 =	vmul.f32 $8.000000000e+00, v7  }
0x164: {  	[tilespmem:s13+$0x10] =	vst v5;
	v0 =	vmul.f32 $8.000000000e+00, v0  }
0x165: {  	[tilespmem:s13+$0x20] =	vst v6;
	v1 =	vmul.f32 $8.000000000e+00, v1  }
0x166: {  	s10 =	sadd.s32 s3, s10;
	[tilespmem:s13+$0x30] =	vst v0;
	v0 =	vmul.f32 $8.000000000e+00, v4  }
0x167: {  	s10 =	sshrl.u32 s10, $0x1;
	[tilespmem:s13+$0x40] =	vst v1;
	v1 =	vmul.f32 $8.000000000e+00, v2  }
0x168: {  	s14 =	smul.u32 $0x640, s10;
	v2 =	vmul.f32 $8.000000000e+00, v3;
	[tilespmem:s13+$0x50] =	vst v0  }
0x169: {  	[tilespmem:s13+$0x60] =	vst v1  }
0x16a: {  	s16 =	sadd.s32 s2, s14;
	[tilespmem:s13+$0xFFFFFF80] =	vst v2;
	s13 =	simm.s32 $0x81F0  }
0x16b: {  	[hbm4b:s16+s4] =	stream.linear.scatter [tilespmem:s21], [sflag:$0x4], $0x1900, $0x38;
	[tilespmem:$0xFE00] =	vst v63  }
0x16c: {  	v0 =	vld [tilespmem:s13+$0x0]  }
0x16d: {  	v1 =	vld [tilespmem:s13+$0xFFFFFF20]  }
0x16e: {  	v2 =	vld [tilespmem:s13+$0xFFFFFF30]  }
0x16f: {  	v3 =	vld [tilespmem:s13+$0xFFFFFF40]  }
0x170: {  	v4 =	vld [tilespmem:s13+$0xFFFFFF50]  }
0x171: {  	v5 =	vld [tilespmem:s13+$0xFFFFFF60];
	v0 =	vmul.f32 $8.000000000e+00, v0  }
0x172: {  	v6 =	vld [tilespmem:s13+$0xFFFFFF70];
	v1 =	vmul.f32 $8.000000000e+00, v1  }
0x173: {  	v7 =	vld [tilespmem:s13+$0xFFFFFF80];
	v2 =	vmul.f32 $8.000000000e+00, v2;
	[tilespmem:s13+$0x0] =	vst v0  }
0x174: {  	[tilespmem:s13+$0xFFFFFF20] =	vst v1;
	v0 =	vmul.f32 $8.000000000e+00, v3;
	v3 =	vld [tilespmem:s13+$0xFFFFFF90]  }
0x175: {  	[tilespmem:s13+$0xFFFFFF30] =	vst v2;
	v1 =	vmul.f32 $8.000000000e+00, v4;
	v4 =	vld [tilespmem:s13+$0xFFFFFFA0]  }
0x176: {  	v8 =	vld [tilespmem:s13+$0xFFFFFFB0];
	v2 =	vmul.f32 $8.000000000e+00, v5;
	[tilespmem:s13+$0xFFFFFF40] =	vst v0  }
0x177: {  	v5 =	vmul.f32 $8.000000000e+00, v6;
	[tilespmem:s13+$0xFFFFFF50] =	vst v1;
	v0 =	vld [tilespmem:s13+$0xFFFFFFC0]  }
0x178: {  	[tilespmem:s13+$0xFFFFFF60] =	vst v2;
	v2 =	vmul.f32 $8.000000000e+00, v7;
	v1 =	vld [tilespmem:s13+$0xFFFFFFD0]  }
0x179: {  	[tilespmem:s13+$0xFFFFFF70] =	vst v5;
	v6 =	vmul.f32 $8.000000000e+00, v3;
	v3 =	vld [tilespmem:s13+$0xFFFFFFE0]  }
0x17a: {  	[tilespmem:s13+$0xFFFFFF80] =	vst v2;
	v2 =	vld [tilespmem:s13+$0xFFFFFFF0];
	v5 =	vmul.f32 $8.000000000e+00, v4  }
0x17b: {  	s15 =	simm.s32 $0x82F0;
	s14 =	simm.s32 $0x0;
	v4 =	vld [tilespmem:s13+$0xFFFFFF10];
	[tilespmem:s13+$0xFFFFFF90] =	vst v6;
	v6 =	vmul.f32 $8.000000000e+00, v8  }
.LBB2_17:
0x17c: {  	v7 =	vld [tilespmem:s15+$0x0];
	s14 =	sadd.s32 $0x4, s14;
	[tilespmem:s13+$0xFFFFFFA0] =	vst v5;
	v0 =	vmul.f32 $8.000000000e+00, v0  }
0x17d: {  	v5 =	vld [tilespmem:s15+$0xFFFFFF20];
	p0 =	slt.u32 s14, $0x60;
	[tilespmem:s13+$0xFFFFFFB0] =	vst v6;
	v1 =	vmul.f32 $8.000000000e+00, v1  }
0x17e: {  	v6 =	vld [tilespmem:s15+$0xFFFFFF30];
	[tilespmem:s13+$0xFFFFFFC0] =	vst v0;
	v0 =	vmul.f32 $8.000000000e+00, v3  }
0x17f: {  	v3 =	vld [tilespmem:s15+$0xFFFFFF40];
	[tilespmem:s13+$0xFFFFFFD0] =	vst v1;
	v1 =	vmul.f32 $8.000000000e+00, v2  }
0x180: {  	v2 =	vld [tilespmem:s15+$0xFFFFFF50];
	v4 =	vmul.f32 $8.000000000e+00, v4;
	[tilespmem:s13+$0xFFFFFFE0] =	vst v0  }
0x181: {  	v0 =	vld [tilespmem:s15+$0xFFFFFF60];
	v7 =	vmul.f32 $8.000000000e+00, v7;
	[tilespmem:s13+$0xFFFFFFF0] =	vst v1  }
0x182: {  	v1 =	vmul.f32 $8.000000000e+00, v5;
	v5 =	vld [tilespmem:s15+$0xFFFFFF70];
	[tilespmem:s13+$0xFFFFFF10] =	vst v4;
	s13 =	smov.u32 s15  }
0x183: {  	v4 =	vmul.f32 $8.000000000e+00, v6;
	v6 =	vld [tilespmem:s15+$0xFFFFFF80];
	[tilespmem:s15+$0x0] =	vst v7  }
0x184: {  	[tilespmem:s15+$0xFFFFFF20] =	vst v1;
	v1 =	vmul.f32 $8.000000000e+00, v3;
	v3 =	vld [tilespmem:s15+$0xFFFFFF90]  }
0x185: {  	[tilespmem:s15+$0xFFFFFF30] =	vst v4;
	v2 =	vmul.f32 $8.000000000e+00, v2;
	v4 =	vld [tilespmem:s15+$0xFFFFFFA0]  }
0x186: {  	[tilespmem:s15+$0xFFFFFF40] =	vst v1;
	v1 =	vmul.f32 $8.000000000e+00, v0;
	v7 =	vld [tilespmem:s15+$0xFFFFFFB0]  }
.Ltmp7:
0x187: {  	[tilespmem:s15+$0xFFFFFF50] =	vst v2;
	v2 =	vmul.f32 $8.000000000e+00, v5;
	v0 =	vld [tilespmem:s15+$0xFFFFFFC0];
	(pc) =	sbr.rel @p0 .LBB2_17-.Ltmp7, $4  }
0x188: {  	[tilespmem:s15+$0xFFFFFF60] =	vst v1;
	v5 =	vmul.f32 $8.000000000e+00, v6;
	v1 =	vld [tilespmem:s15+$0xFFFFFFD0]  }
0x189: {  	[tilespmem:s15+$0xFFFFFF70] =	vst v2;
	v6 =	vmul.f32 $8.000000000e+00, v3;
	v3 =	vld [tilespmem:s15+$0xFFFFFFE0]  }
0x18a: {  	[tilespmem:s15+$0xFFFFFF80] =	vst v5;
	v5 =	vmul.f32 $8.000000000e+00, v4;
	v2 =	vld [tilespmem:s15+$0xFFFFFFF0]  }
0x18b: {  	s15 =	sadd.s32 $0x100, s15;
	v4 =	vld [tilespmem:s13+$0xFFFFFF10];
	[tilespmem:s13+$0xFFFFFF90] =	vst v6;
	v6 =	vmul.f32 $8.000000000e+00, v7  }
0x18c: {  	[tilespmem:s13+$0xFFFFFFA0] =	vst v5;
	v0 =	vmul.f32 $8.000000000e+00, v0  }
0x18d: {  	[tilespmem:s13+$0xFFFFFFB0] =	vst v6;
	v1 =	vmul.f32 $8.000000000e+00, v1  }
0x18e: {  	s10 =	smul.u32 $0x3200, s10;
	[tilespmem:s13+$0xFFFFFFC0] =	vst v0;
	v0 =	vmul.f32 $8.000000000e+00, v3  }
0x18f: {  	[tilespmem:s13+$0xFFFFFFD0] =	vst v1;
	v1 =	vmul.f32 $8.000000000e+00, v2  }
0x190: {  	s10 =	sshrl.u32 s10, $0x3;
	v2 =	vmul.f32 $8.000000000e+00, v4;
	[tilespmem:s13+$0xFFFFFFE0] =	vst v0  }
0x191: {  	s10 =	sadd.s32 s2, s10;
	[tilespmem:s13+$0xFFFFFFF0] =	vst v1  }
0x192: {  	s10 =	sadd.s32 $0x320, s10;
	[tilespmem:s13+$0xFFFFFF10] =	vst v2  }
0x193: {  	[hbm4b:s10+s4] =	stream.linear.scatter [tilespmem:s23], [sflag:$0x4], $0x1900, $0x38;
	[tilespmem:$0xFE00] =	vst v63  }
0x194: {  	_ =	swait.ge [sflag:s1], $0x1900  }
0x195: {  	[sflag:s1] =	ssyncset.done $0x0  }
0x196: {  	[sflag:s1] =	ssyncadd.s32 $0xFFFFE700  }
0x197: {  	_ =	swait.ge [sflag:s1], $0x1900  }
0x198: {  	[sflag:s1] =	ssyncset.done $0x0  }
0x199: {  	s15 =	sadd.s32 $0x410, s9;
	[sflag:s1] =	ssyncadd.s32 $0xFFFFE700  }
0x19a: {  	[tilespmem:s31], [sflag:$0x3] =	stream.indirect.gather [hbm4b:s5+s20], $0x40, s15, s20, $0xb8;
	[tilespmem:$0xFE00] =	vst v63  }
0x19b: {  	s16 =	sadd.s32 $0x478, s9  }
0x19c: {  	[tilespmem:s0], [sflag:$0x3] =	stream.indirect.gather [hbm4b:s5+s20], $0x40, s16, s20, $0xb8;
	[tilespmem:$0xFE00] =	vst v63  }
0x19d: {  	_ =	swait.ge [sflag:s22], $0x1900  }
0x19e: {  	[sflag:s22] =	ssyncset.done $0x0  }
0x19f: {  	[sflag:s22] =	ssyncadd.s32 $0xFFFFE700  }
0x1a0: {  	_ =	swait.ge [sflag:s22], $0x1900  }
0x1a1: {  	[sflag:s22] =	ssyncset.done $0x0  }
0x1a2: {  	s10 =	simm.s32 $0x9A80;
	[sflag:s22] =	ssyncadd.s32 $0xFFFFE700  }
0x1a3: {  	v0 =	vld [tilespmem:s10+$0x70]  }
0x1a4: {  	v1 =	vld [tilespmem:s10+$0xFFFFFF90]  }
0x1a5: {  	v2 =	vld [tilespmem:s10+$0xFFFFFFA0]  }
0x1a6: {  	v3 =	vld [tilespmem:s10+$0xFFFFFFB0]  }
0x1a7: {  	v4 =	vld [tilespmem:s10+$0xFFFFFFC0]  }
0x1a8: {  	v5 =	vld [tilespmem:s10+$0xFFFFFFD0];
	v0 =	vmul.f32 $8.000000000e+00, v0  }
0x1a9: {  	v6 =	vld [tilespmem:s10+$0xFFFFFFE0];
	v1 =	vmul.f32 $8.000000000e+00, v1  }
0x1aa: {  	v7 =	vld [tilespmem:s10+$0xFFFFFFF0];
	v2 =	vmul.f32 $8.000000000e+00, v2;
	[tilespmem:s10+$0x70] =	vst v0  }
0x1ab: {  	[tilespmem:s10+$0xFFFFFF90] =	vst v1;
	v0 =	vmul.f32 $8.000000000e+00, v3;
	v3 =	vld [tilespmem:s10+$0x0]  }
0x1ac: {  	v8 =	vld [tilespmem:s10+$0x10];
	[tilespmem:s10+$0xFFFFFFA0] =	vst v2;
	v1 =	vmul.f32 $8.000000000e+00, v4  }
0x1ad: {  	v9 =	vld [tilespmem:s10+$0x20];
	v2 =	vmul.f32 $8.000000000e+00, v5;
	[tilespmem:s10+$0xFFFFFFB0] =	vst v0  }
0x1ae: {  	v4 =	vmul.f32 $8.000000000e+00, v6;
	[tilespmem:s10+$0xFFFFFFC0] =	vst v1;
	v0 =	vld [tilespmem:s10+$0x30]  }
0x1af: {  	[tilespmem:s10+$0xFFFFFFD0] =	vst v2;
	v2 =	vmul.f32 $8.000000000e+00, v7;
	v1 =	vld [tilespmem:s10+$0x40]  }
0x1b0: {  	[tilespmem:s10+$0xFFFFFFE0] =	vst v4;
	v4 =	vld [tilespmem:s10+$0x50];
	v6 =	vmul.f32 $8.000000000e+00, v3  }
0x1b1: {  	v5 =	vmul.f32 $8.000000000e+00, v8;
	[tilespmem:s10+$0xFFFFFFF0] =	vst v2;
	v2 =	vld [tilespmem:s10+$0x60]  }
0x1b2: {  	s9 =	simm.s32 $0x0;
	s13 =	simm.s32 $0x9B80;
	v3 =	vld [tilespmem:s10+$0xFFFFFF80];
	[tilespmem:s10+$0x0] =	vst v6;
	v6 =	vmul.f32 $8.000000000e+00, v9  }
.LBB2_19:
0x1b3: {  	v7 =	vld [tilespmem:s13+$0x70];
	s9 =	sadd.s32 $0x4, s9;
	[tilespmem:s10+$0x10] =	vst v5;
	v0 =	vmul.f32 $8.000000000e+00, v0  }
0x1b4: {  	v5 =	vld [tilespmem:s13+$0xFFFFFF90];
	p0 =	slt.u32 s9, $0x60;
	[tilespmem:s10+$0x20] =	vst v6;
	v1 =	vmul.f32 $8.000000000e+00, v1  }
0x1b5: {  	v6 =	vld [tilespmem:s13+$0xFFFFFFA0];
	[tilespmem:s10+$0x30] =	vst v0;
	v0 =	vmul.f32 $8.000000000e+00, v4  }
0x1b6: {  	v4 =	vld [tilespmem:s13+$0xFFFFFFB0];
	[tilespmem:s10+$0x40] =	vst v1;
	v1 =	vmul.f32 $8.000000000e+00, v2  }
0x1b7: {  	v2 =	vld [tilespmem:s13+$0xFFFFFFC0];
	v3 =	vmul.f32 $8.000000000e+00, v3;
	[tilespmem:s10+$0x50] =	vst v0  }
0x1b8: {  	v0 =	vld [tilespmem:s13+$0xFFFFFFD0];
	v7 =	vmul.f32 $8.000000000e+00, v7;
	[tilespmem:s10+$0x60] =	vst v1  }
0x1b9: {  	v1 =	vmul.f32 $8.000000000e+00, v5;
	v5 =	vld [tilespmem:s13+$0xFFFFFFE0];
	[tilespmem:s10+$0xFFFFFF80] =	vst v3;
	s10 =	smov.u32 s13  }
0x1ba: {  	v3 =	vmul.f32 $8.000000000e+00, v6;
	v6 =	vld [tilespmem:s13+$0xFFFFFFF0];
	[tilespmem:s13+$0x70] =	vst v7  }
0x1bb: {  	[tilespmem:s13+$0xFFFFFF90] =	vst v1;
	v1 =	vmul.f32 $8.000000000e+00, v4;
	v4 =	vld [tilespmem:s13+$0x0]  }
0x1bc: {  	[tilespmem:s13+$0xFFFFFFA0] =	vst v3;
	v2 =	vmul.f32 $8.000000000e+00, v2;
	v3 =	vld [tilespmem:s13+$0x10]  }
0x1bd: {  	[tilespmem:s13+$0xFFFFFFB0] =	vst v1;
	v1 =	vmul.f32 $8.000000000e+00, v0;
	v7 =	vld [tilespmem:s13+$0x20]  }
.Ltmp8:
0x1be: {  	[tilespmem:s13+$0xFFFFFFC0] =	vst v2;
	v2 =	vmul.f32 $8.000000000e+00, v5;
	v0 =	vld [tilespmem:s13+$0x30];
	(pc) =	sbr.rel @p0 .LBB2_19-.Ltmp8, $4  }
0x1bf: {  	[tilespmem:s13+$0xFFFFFFD0] =	vst v1;
	v5 =	vmul.f32 $8.000000000e+00, v6;
	v1 =	vld [tilespmem:s13+$0x40]  }
0x1c0: {  	[tilespmem:s13+$0xFFFFFFE0] =	vst v2;
	v6 =	vmul.f32 $8.000000000e+00, v4;
	v4 =	vld [tilespmem:s13+$0x50]  }
0x1c1: {  	[tilespmem:s13+$0xFFFFFFF0] =	vst v5;
	v5 =	vmul.f32 $8.000000000e+00, v3;
	v2 =	vld [tilespmem:s13+$0x60]  }
0x1c2: {  	s13 =	sadd.s32 $0x100, s13;
	v3 =	vld [tilespmem:s10+$0xFFFFFF80];
	[tilespmem:s10+$0x0] =	vst v6;
	v6 =	vmul.f32 $8.000000000e+00, v7  }
0x1c3: {  	[tilespmem:s10+$0x10] =	vst v5;
	v0 =	vmul.f32 $8.000000000e+00, v0  }
0x1c4: {  	[tilespmem:s10+$0x20] =	vst v6;
	v1 =	vmul.f32 $8.000000000e+00, v1  }
0x1c5: {  	s9 =	sadd.s32 s3, s12;
	[tilespmem:s10+$0x30] =	vst v0;
	v0 =	vmul.f32 $8.000000000e+00, v4  }
0x1c6: {  	s9 =	sshrl.u32 s9, $0x1;
	[tilespmem:s10+$0x40] =	vst v1;
	v1 =	vmul.f32 $8.000000000e+00, v2  }
0x1c7: {  	s15 =	smul.u32 $0x640, s9;
	v2 =	vmul.f32 $8.000000000e+00, v3;
	[tilespmem:s10+$0x50] =	vst v0  }
0x1c8: {  	[tilespmem:s10+$0x60] =	vst v1  }
0x1c9: {  	s16 =	sadd.s32 s2, s15;
	[tilespmem:s10+$0xFFFFFF80] =	vst v2;
	s10 =	simm.s32 $0xB3F0  }
0x1ca: {  	[hbm4b:s16+s4] =	stream.linear.scatter [tilespmem:s25], [sflag:$0x5], $0x1900, $0x38;
	[tilespmem:$0xFE00] =	vst v63  }
0x1cb: {  	v0 =	vld [tilespmem:s10+$0x0]  }
0x1cc: {  	v1 =	vld [tilespmem:s10+$0xFFFFFF20]  }
0x1cd: {  	v2 =	vld [tilespmem:s10+$0xFFFFFF30]  }
0x1ce: {  	v3 =	vld [tilespmem:s10+$0xFFFFFF40]  }
0x1cf: {  	v4 =	vld [tilespmem:s10+$0xFFFFFF50]  }
0x1d0: {  	v5 =	vld [tilespmem:s10+$0xFFFFFF60];
	v0 =	vmul.f32 $8.000000000e+00, v0  }
0x1d1: {  	v6 =	vld [tilespmem:s10+$0xFFFFFF70];
	v1 =	vmul.f32 $8.000000000e+00, v1  }
0x1d2: {  	v7 =	vld [tilespmem:s10+$0xFFFFFF80];
	v2 =	vmul.f32 $8.000000000e+00, v2;
	[tilespmem:s10+$0x0] =	vst v0  }
0x1d3: {  	[tilespmem:s10+$0xFFFFFF20] =	vst v1;
	v0 =	vmul.f32 $8.000000000e+00, v3;
	v3 =	vld [tilespmem:s10+$0xFFFFFF90]  }
0x1d4: {  	[tilespmem:s10+$0xFFFFFF30] =	vst v2;
	v1 =	vmul.f32 $8.000000000e+00, v4;
	v4 =	vld [tilespmem:s10+$0xFFFFFFA0]  }
0x1d5: {  	v8 =	vld [tilespmem:s10+$0xFFFFFFB0];
	v2 =	vmul.f32 $8.000000000e+00, v5;
	[tilespmem:s10+$0xFFFFFF40] =	vst v0  }
0x1d6: {  	v5 =	vmul.f32 $8.000000000e+00, v6;
	[tilespmem:s10+$0xFFFFFF50] =	vst v1;
	v0 =	vld [tilespmem:s10+$0xFFFFFFC0]  }
0x1d7: {  	[tilespmem:s10+$0xFFFFFF60] =	vst v2;
	v2 =	vmul.f32 $8.000000000e+00, v7;
	v1 =	vld [tilespmem:s10+$0xFFFFFFD0]  }
0x1d8: {  	[tilespmem:s10+$0xFFFFFF70] =	vst v5;
	v6 =	vmul.f32 $8.000000000e+00, v3;
	v3 =	vld [tilespmem:s10+$0xFFFFFFE0]  }
0x1d9: {  	[tilespmem:s10+$0xFFFFFF80] =	vst v2;
	v2 =	vld [tilespmem:s10+$0xFFFFFFF0];
	v5 =	vmul.f32 $8.000000000e+00, v4  }
0x1da: {  	s12 =	simm.s32 $0x0;
	s13 =	simm.s32 $0xB4F0;
	v4 =	vld [tilespmem:s10+$0xFFFFFF10];
	[tilespmem:s10+$0xFFFFFF90] =	vst v6;
	v6 =	vmul.f32 $8.000000000e+00, v8  }
.LBB2_21:
0x1db: {  	v7 =	vld [tilespmem:s13+$0x0];
	s12 =	sadd.s32 $0x4, s12;
	[tilespmem:s10+$0xFFFFFFA0] =	vst v5;
	v0 =	vmul.f32 $8.000000000e+00, v0  }
0x1dc: {  	v5 =	vld [tilespmem:s13+$0xFFFFFF20];
	p0 =	slt.u32 s12, $0x60;
	[tilespmem:s10+$0xFFFFFFB0] =	vst v6;
	v1 =	vmul.f32 $8.000000000e+00, v1  }
0x1dd: {  	v6 =	vld [tilespmem:s13+$0xFFFFFF30];
	[tilespmem:s10+$0xFFFFFFC0] =	vst v0;
	v0 =	vmul.f32 $8.000000000e+00, v3  }
0x1de: {  	v3 =	vld [tilespmem:s13+$0xFFFFFF40];
	[tilespmem:s10+$0xFFFFFFD0] =	vst v1;
	v1 =	vmul.f32 $8.000000000e+00, v2  }
0x1df: {  	v2 =	vld [tilespmem:s13+$0xFFFFFF50];
	v4 =	vmul.f32 $8.000000000e+00, v4;
	[tilespmem:s10+$0xFFFFFFE0] =	vst v0  }
0x1e0: {  	v0 =	vld [tilespmem:s13+$0xFFFFFF60];
	v7 =	vmul.f32 $8.000000000e+00, v7;
	[tilespmem:s10+$0xFFFFFFF0] =	vst v1  }
0x1e1: {  	v1 =	vmul.f32 $8.000000000e+00, v5;
	v5 =	vld [tilespmem:s13+$0xFFFFFF70];
	[tilespmem:s10+$0xFFFFFF10] =	vst v4;
	s10 =	smov.u32 s13  }
0x1e2: {  	v4 =	vmul.f32 $8.000000000e+00, v6;
	v6 =	vld [tilespmem:s13+$0xFFFFFF80];
	[tilespmem:s13+$0x0] =	vst v7  }
0x1e3: {  	[tilespmem:s13+$0xFFFFFF20] =	vst v1;
	v1 =	vmul.f32 $8.000000000e+00, v3;
	v3 =	vld [tilespmem:s13+$0xFFFFFF90]  }
0x1e4: {  	[tilespmem:s13+$0xFFFFFF30] =	vst v4;
	v2 =	vmul.f32 $8.000000000e+00, v2;
	v4 =	vld [tilespmem:s13+$0xFFFFFFA0]  }
0x1e5: {  	[tilespmem:s13+$0xFFFFFF40] =	vst v1;
	v1 =	vmul.f32 $8.000000000e+00, v0;
	v7 =	vld [tilespmem:s13+$0xFFFFFFB0]  }
.Ltmp9:
0x1e6: {  	[tilespmem:s13+$0xFFFFFF50] =	vst v2;
	v2 =	vmul.f32 $8.000000000e+00, v5;
	v0 =	vld [tilespmem:s13+$0xFFFFFFC0];
	(pc) =	sbr.rel @p0 .LBB2_21-.Ltmp9, $4  }
0x1e7: {  	[tilespmem:s13+$0xFFFFFF60] =	vst v1;
	v5 =	vmul.f32 $8.000000000e+00, v6;
	v1 =	vld [tilespmem:s13+$0xFFFFFFD0]  }
0x1e8: {  	[tilespmem:s13+$0xFFFFFF70] =	vst v2;
	v6 =	vmul.f32 $8.000000000e+00, v3;
	v3 =	vld [tilespmem:s13+$0xFFFFFFE0]  }
0x1e9: {  	[tilespmem:s13+$0xFFFFFF80] =	vst v5;
	v5 =	vmul.f32 $8.000000000e+00, v4;
	v2 =	vld [tilespmem:s13+$0xFFFFFFF0]  }
0x1ea: {  	s13 =	sadd.s32 $0x100, s13;
	v4 =	vld [tilespmem:s10+$0xFFFFFF10];
	[tilespmem:s10+$0xFFFFFF90] =	vst v6;
	v6 =	vmul.f32 $8.000000000e+00, v7  }
0x1eb: {  	[tilespmem:s10+$0xFFFFFFA0] =	vst v5;
	v0 =	vmul.f32 $8.000000000e+00, v0  }
0x1ec: {  	s8 =	sadd.s32 $0x1, s8;
	[tilespmem:s10+$0xFFFFFFB0] =	vst v6;
	v1 =	vmul.f32 $8.000000000e+00, v1  }
0x1ed: {  	s9 =	smul.u32 $0x3200, s9;
	p0 =	sne.s32 s8, $0x29;
	[tilespmem:s10+$0xFFFFFFC0] =	vst v0;
	v61 =	vmul.f32 $8.000000000e+00, v3  }
.Ltmp10:
0x1ee: {  	[tilespmem:s10+$0xFFFFFFD0] =	vst v1;
	v62 =	vmul.f32 $8.000000000e+00, v2;
	(pc) =	sbr.rel @p0 .LBB2_10-.Ltmp10, $4  }
0x1ef: {  	s9 =	sshrl.u32 s9, $0x3;
	v63 =	vmul.f32 $8.000000000e+00, v4;
	[tilespmem:s10+$0xFFFFFFE0] =	vst v61  }
0x1f0: {  	s9 =	sadd.s32 s2, s9;
	[tilespmem:s10+$0xFFFFFFF0] =	vst v62  }
0x1f1: {  	s9 =	sadd.s32 $0x320, s9;
	[tilespmem:s10+$0xFFFFFF10] =	vst v63  }
0x1f2: {  	[hbm4b:s9+s4] =	stream.linear.scatter [tilespmem:s28], [sflag:$0x5], $0x1900, $0x38;
	[tilespmem:$0xFE00] =	vst v63  }
0x1f3: {  	_ =	swait.ge [sflag:s24], $0x1900  }
0x1f4: {  	[sflag:s24] =	ssyncset.done $0x0  }
0x1f5: {  	[sflag:s24] =	ssyncadd.s32 $0xFFFFE700  }
0x1f6: {  	_ =	swait.ge [sflag:s24], $0x1900  }
0x1f7: {  	[sflag:s24] =	ssyncset.done $0x0  }
0x1f8: {  	s8 =	simm.s32 $0x6660;
	[sflag:s24] =	ssyncadd.s32 $0xFFFFE700  }
0x1f9: {  	[tilespmem:s21], [sflag:$0x1] =	stream.indirect.gather [hbm4b:s5+s20], $0x40, s8, s20, $0xb8;
	[tilespmem:$0xFE00] =	vst v63  }
0x1fa: {  	s16 =	simm.s32 $0x66C8  }
0x1fb: {  	[tilespmem:s23], [sflag:$0x1] =	stream.indirect.gather [hbm4b:s5+s20], $0x40, s16, s20, $0xb8;
	[tilespmem:$0xFE00] =	vst v63  }
0x1fc: {  	_ =	swait.ge [sflag:s26], $0x1900  }
0x1fd: {  	[sflag:s26] =	ssyncset.done $0x0  }
0x1fe: {  	[sflag:s26] =	ssyncadd.s32 $0xFFFFE700  }
0x1ff: {  	_ =	swait.ge [sflag:s26], $0x1900  }
0x200: {  	[sflag:s26] =	ssyncset.done $0x0  }
0x201: {  	s8 =	simm.s32 $0xCC80;
	[sflag:s26] =	ssyncadd.s32 $0xFFFFE700  }
0x202: {  	v0 =	vld [tilespmem:s8+$0x70]  }
0x203: {  	v1 =	vld [tilespmem:s8+$0xFFFFFF90]  }
0x204: {  	v2 =	vld [tilespmem:s8+$0xFFFFFFA0]  }
0x205: {  	v3 =	vld [tilespmem:s8+$0xFFFFFFB0]  }
0x206: {  	v4 =	vld [tilespmem:s8+$0xFFFFFFC0]  }
0x207: {  	v5 =	vld [tilespmem:s8+$0xFFFFFFD0];
	v0 =	vmul.f32 $8.000000000e+00, v0  }
0x208: {  	v6 =	vld [tilespmem:s8+$0xFFFFFFE0];
	v1 =	vmul.f32 $8.000000000e+00, v1  }
0x209: {  	v7 =	vld [tilespmem:s8+$0xFFFFFFF0];
	v2 =	vmul.f32 $8.000000000e+00, v2;
	[tilespmem:s8+$0x70] =	vst v0  }
0x20a: {  	[tilespmem:s8+$0xFFFFFF90] =	vst v1;
	v0 =	vmul.f32 $8.000000000e+00, v3;
	v3 =	vld [tilespmem:s8+$0x0]  }
0x20b: {  	[tilespmem:s8+$0xFFFFFFA0] =	vst v2;
	v1 =	vmul.f32 $8.000000000e+00, v4;
	v4 =	vld [tilespmem:s8+$0x10]  }
0x20c: {  	v8 =	vld [tilespmem:s8+$0x20];
	v2 =	vmul.f32 $8.000000000e+00, v5;
	[tilespmem:s8+$0xFFFFFFB0] =	vst v0  }
0x20d: {  	v5 =	vmul.f32 $8.000000000e+00, v6;
	[tilespmem:s8+$0xFFFFFFC0] =	vst v1;
	v0 =	vld [tilespmem:s8+$0x30]  }
0x20e: {  	v6 =	vmul.f32 $8.000000000e+00, v7;
	[tilespmem:s8+$0xFFFFFFD0] =	vst v2;
	v1 =	vld [tilespmem:s8+$0x40]  }
0x20f: {  	[tilespmem:s8+$0xFFFFFFE0] =	vst v5;
	v2 =	vld [tilespmem:s8+$0x50];
	v7 =	vmul.f32 $8.000000000e+00, v3  }
0x210: {  	[tilespmem:s8+$0xFFFFFFF0] =	vst v6;
	v3 =	vld [tilespmem:s8+$0x60];
	v5 =	vmul.f32 $8.000000000e+00, v4  }
0x211: {  	s9 =	simm.s32 $0x0;
	s10 =	simm.s32 $0xCD80;
	v6 =	vmul.f32 $8.000000000e+00, v8;
	v4 =	vld [tilespmem:s8+$0xFFFFFF80];
	[tilespmem:s8+$0x0] =	vst v7  }
.LBB2_24:
0x212: {  	v7 =	vld [tilespmem:s10+$0x70];
	s9 =	sadd.s32 $0x4, s9;
	[tilespmem:s8+$0x10] =	vst v5;
	v0 =	vmul.f32 $8.000000000e+00, v0  }
0x213: {  	v5 =	vld [tilespmem:s10+$0xFFFFFF90];
	p0 =	slt.u32 s9, $0x60;
	[tilespmem:s8+$0x20] =	vst v6;
	v1 =	vmul.f32 $8.000000000e+00, v1  }
0x214: {  	v6 =	vld [tilespmem:s10+$0xFFFFFFA0];
	[tilespmem:s8+$0x30] =	vst v0;
	v0 =	vmul.f32 $8.000000000e+00, v2  }
0x215: {  	v2 =	vld [tilespmem:s10+$0xFFFFFFB0];
	[tilespmem:s8+$0x40] =	vst v1;
	v1 =	vmul.f32 $8.000000000e+00, v3  }
0x216: {  	v3 =	vld [tilespmem:s10+$0xFFFFFFC0];
	v4 =	vmul.f32 $8.000000000e+00, v4;
	[tilespmem:s8+$0x50] =	vst v0  }
0x217: {  	v0 =	vld [tilespmem:s10+$0xFFFFFFD0];
	v7 =	vmul.f32 $8.000000000e+00, v7;
	[tilespmem:s8+$0x60] =	vst v1  }
0x218: {  	v1 =	vmul.f32 $8.000000000e+00, v5;
	v5 =	vld [tilespmem:s10+$0xFFFFFFE0];
	[tilespmem:s8+$0xFFFFFF80] =	vst v4;
	s8 =	smov.u32 s10  }
0x219: {  	v4 =	vmul.f32 $8.000000000e+00, v6;
	v6 =	vld [tilespmem:s10+$0xFFFFFFF0];
	[tilespmem:s10+$0x70] =	vst v7  }
0x21a: {  	[tilespmem:s10+$0xFFFFFF90] =	vst v1;
	v1 =	vmul.f32 $8.000000000e+00, v2;
	v2 =	vld [tilespmem:s10+$0x0]  }
0x21b: {  	[tilespmem:s10+$0xFFFFFFA0] =	vst v4;
	v3 =	vmul.f32 $8.000000000e+00, v3;
	v4 =	vld [tilespmem:s10+$0x10]  }
0x21c: {  	[tilespmem:s10+$0xFFFFFFB0] =	vst v1;
	v1 =	vmul.f32 $8.000000000e+00, v0;
	v7 =	vld [tilespmem:s10+$0x20]  }
.Ltmp11:
0x21d: {  	[tilespmem:s10+$0xFFFFFFC0] =	vst v3;
	v3 =	vmul.f32 $8.000000000e+00, v5;
	v0 =	vld [tilespmem:s10+$0x30];
	(pc) =	sbr.rel @p0 .LBB2_24-.Ltmp11, $4  }
0x21e: {  	[tilespmem:s10+$0xFFFFFFD0] =	vst v1;
	v5 =	vmul.f32 $8.000000000e+00, v6;
	v1 =	vld [tilespmem:s10+$0x40]  }
0x21f: {  	[tilespmem:s10+$0xFFFFFFE0] =	vst v3;
	v6 =	vmul.f32 $8.000000000e+00, v2;
	v2 =	vld [tilespmem:s10+$0x50]  }
0x220: {  	[tilespmem:s10+$0xFFFFFFF0] =	vst v5;
	v5 =	vmul.f32 $8.000000000e+00, v4;
	v3 =	vld [tilespmem:s10+$0x60]  }
0x221: {  	s10 =	sadd.s32 $0x100, s10;
	v4 =	vld [tilespmem:s8+$0xFFFFFF80];
	[tilespmem:s8+$0x0] =	vst v6;
	v6 =	vmul.f32 $8.000000000e+00, v7  }
0x222: {  	[tilespmem:s8+$0x10] =	vst v5;
	v0 =	vmul.f32 $8.000000000e+00, v0  }
0x223: {  	[tilespmem:s8+$0x20] =	vst v6;
	v1 =	vmul.f32 $8.000000000e+00, v1  }
0x224: {  	[tilespmem:s8+$0x30] =	vst v0;
	v0 =	vmul.f32 $8.000000000e+00, v2  }
0x225: {  	[tilespmem:s8+$0x40] =	vst v1;
	v1 =	vmul.f32 $8.000000000e+00, v3  }
0x226: {  	v2 =	vmul.f32 $8.000000000e+00, v4;
	[tilespmem:s8+$0x50] =	vst v0  }
0x227: {  	[tilespmem:s8+$0x60] =	vst v1  }
0x228: {  	[tilespmem:s8+$0xFFFFFF80] =	vst v2  }
0x229: {  	s8 =	rddreg [dreg:$0x7]  }
0x22a: {  	[hbm4b:s8+s4] =	stream.linear.scatter [tilespmem:s31], [sflag:$0x6], $0x1900, $0x38;
	[tilespmem:$0xFE00] =	vst v63  }
0x22b: {  	s8 =	simm.s32 $0xE5F0  }
0x22c: {  	v0 =	vld [tilespmem:s8+$0x0]  }
0x22d: {  	v1 =	vld [tilespmem:s8+$0xFFFFFF20]  }
0x22e: {  	v2 =	vld [tilespmem:s8+$0xFFFFFF30]  }
0x22f: {  	v3 =	vld [tilespmem:s8+$0xFFFFFF40]  }
0x230: {  	v4 =	vld [tilespmem:s8+$0xFFFFFF50]  }
0x231: {  	v5 =	vld [tilespmem:s8+$0xFFFFFF60];
	v0 =	vmul.f32 $8.000000000e+00, v0  }
0x232: {  	v6 =	vld [tilespmem:s8+$0xFFFFFF70];
	v1 =	vmul.f32 $8.000000000e+00, v1  }
0x233: {  	v7 =	vld [tilespmem:s8+$0xFFFFFF80];
	v2 =	vmul.f32 $8.000000000e+00, v2;
	[tilespmem:s8+$0x0] =	vst v0  }
0x234: {  	[tilespmem:s8+$0xFFFFFF20] =	vst v1;
	v0 =	vmul.f32 $8.000000000e+00, v3;
	v3 =	vld [tilespmem:s8+$0xFFFFFF90]  }
0x235: {  	[tilespmem:s8+$0xFFFFFF30] =	vst v2;
	v1 =	vmul.f32 $8.000000000e+00, v4;
	v4 =	vld [tilespmem:s8+$0xFFFFFFA0]  }
0x236: {  	v8 =	vld [tilespmem:s8+$0xFFFFFFB0];
	v2 =	vmul.f32 $8.000000000e+00, v5;
	[tilespmem:s8+$0xFFFFFF40] =	vst v0  }
0x237: {  	v5 =	vmul.f32 $8.000000000e+00, v6;
	[tilespmem:s8+$0xFFFFFF50] =	vst v1;
	v0 =	vld [tilespmem:s8+$0xFFFFFFC0]  }
0x238: {  	v6 =	vmul.f32 $8.000000000e+00, v7;
	[tilespmem:s8+$0xFFFFFF60] =	vst v2;
	v1 =	vld [tilespmem:s8+$0xFFFFFFD0]  }
0x239: {  	[tilespmem:s8+$0xFFFFFF70] =	vst v5;
	v2 =	vld [tilespmem:s8+$0xFFFFFFE0];
	v7 =	vmul.f32 $8.000000000e+00, v3  }
0x23a: {  	[tilespmem:s8+$0xFFFFFF80] =	vst v6;
	v3 =	vld [tilespmem:s8+$0xFFFFFFF0];
	v5 =	vmul.f32 $8.000000000e+00, v4  }
0x23b: {  	s9 =	simm.s32 $0x0;
	s10 =	simm.s32 $0xE6F0;
	v6 =	vmul.f32 $8.000000000e+00, v8;
	v4 =	vld [tilespmem:s8+$0xFFFFFF10];
	[tilespmem:s8+$0xFFFFFF90] =	vst v7  }
.LBB2_26:
0x23c: {  	v7 =	vld [tilespmem:s10+$0x0];
	s9 =	sadd.s32 $0x4, s9;
	[tilespmem:s8+$0xFFFFFFA0] =	vst v5;
	v0 =	vmul.f32 $8.000000000e+00, v0  }
0x23d: {  	v5 =	vld [tilespmem:s10+$0xFFFFFF20];
	p0 =	slt.u32 s9, $0x60;
	[tilespmem:s8+$0xFFFFFFB0] =	vst v6;
	v1 =	vmul.f32 $8.000000000e+00, v1  }
0x23e: {  	v6 =	vld [tilespmem:s10+$0xFFFFFF30];
	[tilespmem:s8+$0xFFFFFFC0] =	vst v0;
	v0 =	vmul.f32 $8.000000000e+00, v2  }
0x23f: {  	v2 =	vld [tilespmem:s10+$0xFFFFFF40];
	[tilespmem:s8+$0xFFFFFFD0] =	vst v1;
	v1 =	vmul.f32 $8.000000000e+00, v3  }
0x240: {  	v3 =	vld [tilespmem:s10+$0xFFFFFF50];
	v4 =	vmul.f32 $8.000000000e+00, v4;
	[tilespmem:s8+$0xFFFFFFE0] =	vst v0  }
0x241: {  	v0 =	vld [tilespmem:s10+$0xFFFFFF60];
	v7 =	vmul.f32 $8.000000000e+00, v7;
	[tilespmem:s8+$0xFFFFFFF0] =	vst v1  }
0x242: {  	v1 =	vmul.f32 $8.000000000e+00, v5;
	v5 =	vld [tilespmem:s10+$0xFFFFFF70];
	[tilespmem:s8+$0xFFFFFF10] =	vst v4;
	s8 =	smov.u32 s10  }
0x243: {  	v4 =	vmul.f32 $8.000000000e+00, v6;
	v6 =	vld [tilespmem:s10+$0xFFFFFF80];
	[tilespmem:s10+$0x0] =	vst v7  }
0x244: {  	[tilespmem:s10+$0xFFFFFF20] =	vst v1;
	v1 =	vmul.f32 $8.000000000e+00, v2;
	v2 =	vld [tilespmem:s10+$0xFFFFFF90]  }
0x245: {  	[tilespmem:s10+$0xFFFFFF30] =	vst v4;
	v3 =	vmul.f32 $8.000000000e+00, v3;
	v4 =	vld [tilespmem:s10+$0xFFFFFFA0]  }
0x246: {  	[tilespmem:s10+$0xFFFFFF40] =	vst v1;
	v1 =	vmul.f32 $8.000000000e+00, v0;
	v7 =	vld [tilespmem:s10+$0xFFFFFFB0]  }
.Ltmp12:
0x247: {  	[tilespmem:s10+$0xFFFFFF50] =	vst v3;
	v3 =	vmul.f32 $8.000000000e+00, v5;
	v0 =	vld [tilespmem:s10+$0xFFFFFFC0];
	(pc) =	sbr.rel @p0 .LBB2_26-.Ltmp12, $4  }
0x248: {  	[tilespmem:s10+$0xFFFFFF60] =	vst v1;
	v5 =	vmul.f32 $8.000000000e+00, v6;
	v1 =	vld [tilespmem:s10+$0xFFFFFFD0]  }
0x249: {  	[tilespmem:s10+$0xFFFFFF70] =	vst v3;
	v6 =	vmul.f32 $8.000000000e+00, v2;
	v2 =	vld [tilespmem:s10+$0xFFFFFFE0]  }
0x24a: {  	[tilespmem:s10+$0xFFFFFF80] =	vst v5;
	v5 =	vmul.f32 $8.000000000e+00, v4;
	v3 =	vld [tilespmem:s10+$0xFFFFFFF0]  }
0x24b: {  	s10 =	sadd.s32 $0x100, s10;
	v4 =	vld [tilespmem:s8+$0xFFFFFF10];
	[tilespmem:s8+$0xFFFFFF90] =	vst v6;
	v6 =	vmul.f32 $8.000000000e+00, v7  }
0x24c: {  	[tilespmem:s8+$0xFFFFFFA0] =	vst v5;
	v0 =	vmul.f32 $8.000000000e+00, v0  }
0x24d: {  	[tilespmem:s8+$0xFFFFFFB0] =	vst v6;
	v1 =	vmul.f32 $8.000000000e+00, v1  }
0x24e: {  	[tilespmem:s8+$0xFFFFFFC0] =	vst v0;
	v0 =	vmul.f32 $8.000000000e+00, v2  }
0x24f: {  	[tilespmem:s8+$0xFFFFFFD0] =	vst v1;
	v1 =	vmul.f32 $8.000000000e+00, v3  }
0x250: {  	v2 =	vmul.f32 $8.000000000e+00, v4;
	[tilespmem:s8+$0xFFFFFFE0] =	vst v0  }
0x251: {  	[tilespmem:s8+$0xFFFFFFF0] =	vst v1  }
0x252: {  	[tilespmem:s8+$0xFFFFFF10] =	vst v2  }
0x253: {  	s8 =	rddreg [dreg:$0x8]  }
0x254: {  	[hbm4b:s8+s4] =	stream.linear.scatter [tilespmem:s0], [sflag:$0x6], $0x1900, $0x38;
	[tilespmem:$0xFE00] =	vst v63  }
0x255: {  	_ =	swait.ge [sflag:s30], $0x1900  }
0x256: {  	[sflag:s30] =	ssyncset.done $0x0  }
0x257: {  	[sflag:s30] =	ssyncadd.s32 $0xFFFFE700  }
0x258: {  	_ =	swait.ge [sflag:s30], $0x1900  }
0x259: {  	[sflag:s30] =	ssyncset.done $0x0  }
0x25a: {  	s15 =	simm.s32 $0x6730;
	[sflag:s30] =	ssyncadd.s32 $0xFFFFE700  }
0x25b: {  	[tilespmem:s25], [sflag:$0x2] =	stream.indirect.gather [hbm4b:s5+s20], $0x40, s15, s20, $0xb8;
	[tilespmem:$0xFE00] =	vst v63  }
0x25c: {  	s16 =	simm.s32 $0x6798  }
0x25d: {  	[tilespmem:s28], [sflag:$0x2] =	stream.indirect.gather [hbm4b:s5+s20], $0x40, s16, s20, $0xb8;
	[tilespmem:$0xFE00] =	vst v63  }
0x25e: {  	_ =	swait.ge [sflag:s29], $0x1900  }
0x25f: {  	[sflag:s29] =	ssyncset.done $0x0  }
0x260: {  	[sflag:s29] =	ssyncadd.s32 $0xFFFFE700  }
0x261: {  	_ =	swait.ge [sflag:s29], $0x1900  }
0x262: {  	[sflag:s29] =	ssyncset.done $0x0  }
0x263: {  	s8 =	simm.s32 $0x6880;
	[sflag:s29] =	ssyncadd.s32 $0xFFFFE700  }
0x264: {  	v0 =	vld [tilespmem:s8+$0x70]  }
0x265: {  	v1 =	vld [tilespmem:s8+$0xFFFFFF90]  }
0x266: {  	v2 =	vld [tilespmem:s8+$0xFFFFFFA0]  }
0x267: {  	v3 =	vld [tilespmem:s8+$0xFFFFFFB0]  }
0x268: {  	v4 =	vld [tilespmem:s8+$0xFFFFFFC0]  }
0x269: {  	v5 =	vld [tilespmem:s8+$0xFFFFFFD0];
	v0 =	vmul.f32 $8.000000000e+00, v0  }
0x26a: {  	v6 =	vld [tilespmem:s8+$0xFFFFFFE0];
	v1 =	vmul.f32 $8.000000000e+00, v1  }
0x26b: {  	v7 =	vld [tilespmem:s8+$0xFFFFFFF0];
	v2 =	vmul.f32 $8.000000000e+00, v2;
	[tilespmem:s8+$0x70] =	vst v0  }
0x26c: {  	[tilespmem:s8+$0xFFFFFF90] =	vst v1;
	v0 =	vmul.f32 $8.000000000e+00, v3;
	v3 =	vld [tilespmem:s8+$0x0]  }
0x26d: {  	[tilespmem:s8+$0xFFFFFFA0] =	vst v2;
	v1 =	vmul.f32 $8.000000000e+00, v4;
	v4 =	vld [tilespmem:s8+$0x10]  }
0x26e: {  	v8 =	vld [tilespmem:s8+$0x20];
	v2 =	vmul.f32 $8.000000000e+00, v5;
	[tilespmem:s8+$0xFFFFFFB0] =	vst v0  }
0x26f: {  	v5 =	vmul.f32 $8.000000000e+00, v6;
	[tilespmem:s8+$0xFFFFFFC0] =	vst v1;
	v0 =	vld [tilespmem:s8+$0x30]  }
0x270: {  	v6 =	vmul.f32 $8.000000000e+00, v7;
	[tilespmem:s8+$0xFFFFFFD0] =	vst v2;
	v1 =	vld [tilespmem:s8+$0x40]  }
0x271: {  	[tilespmem:s8+$0xFFFFFFE0] =	vst v5;
	v2 =	vld [tilespmem:s8+$0x50];
	v7 =	vmul.f32 $8.000000000e+00, v3  }
0x272: {  	[tilespmem:s8+$0xFFFFFFF0] =	vst v6;
	v3 =	vld [tilespmem:s8+$0x60];
	v5 =	vmul.f32 $8.000000000e+00, v4  }
0x273: {  	s9 =	simm.s32 $0x0;
	s10 =	simm.s32 $0x6980;
	v6 =	vmul.f32 $8.000000000e+00, v8;
	v4 =	vld [tilespmem:s8+$0xFFFFFF80];
	[tilespmem:s8+$0x0] =	vst v7  }
.LBB2_28:
0x274: {  	v7 =	vld [tilespmem:s10+$0x70];
	s9 =	sadd.s32 $0x4, s9;
	[tilespmem:s8+$0x10] =	vst v5;
	v0 =	vmul.f32 $8.000000000e+00, v0  }
0x275: {  	v5 =	vld [tilespmem:s10+$0xFFFFFF90];
	p0 =	slt.u32 s9, $0x60;
	[tilespmem:s8+$0x20] =	vst v6;
	v1 =	vmul.f32 $8.000000000e+00, v1  }
0x276: {  	v6 =	vld [tilespmem:s10+$0xFFFFFFA0];
	[tilespmem:s8+$0x30] =	vst v0;
	v0 =	vmul.f32 $8.000000000e+00, v2  }
0x277: {  	v2 =	vld [tilespmem:s10+$0xFFFFFFB0];
	[tilespmem:s8+$0x40] =	vst v1;
	v1 =	vmul.f32 $8.000000000e+00, v3  }
0x278: {  	v3 =	vld [tilespmem:s10+$0xFFFFFFC0];
	v4 =	vmul.f32 $8.000000000e+00, v4;
	[tilespmem:s8+$0x50] =	vst v0  }
0x279: {  	v0 =	vld [tilespmem:s10+$0xFFFFFFD0];
	v7 =	vmul.f32 $8.000000000e+00, v7;
	[tilespmem:s8+$0x60] =	vst v1  }
0x27a: {  	v1 =	vmul.f32 $8.000000000e+00, v5;
	v5 =	vld [tilespmem:s10+$0xFFFFFFE0];
	[tilespmem:s8+$0xFFFFFF80] =	vst v4;
	s8 =	smov.u32 s10  }
0x27b: {  	v4 =	vmul.f32 $8.000000000e+00, v6;
	v6 =	vld [tilespmem:s10+$0xFFFFFFF0];
	[tilespmem:s10+$0x70] =	vst v7  }
0x27c: {  	[tilespmem:s10+$0xFFFFFF90] =	vst v1;
	v1 =	vmul.f32 $8.000000000e+00, v2;
	v2 =	vld [tilespmem:s10+$0x0]  }
0x27d: {  	[tilespmem:s10+$0xFFFFFFA0] =	vst v4;
	v3 =	vmul.f32 $8.000000000e+00, v3;
	v4 =	vld [tilespmem:s10+$0x10]  }
0x27e: {  	[tilespmem:s10+$0xFFFFFFB0] =	vst v1;
	v1 =	vmul.f32 $8.000000000e+00, v0;
	v7 =	vld [tilespmem:s10+$0x20]  }
.Ltmp13:
0x27f: {  	[tilespmem:s10+$0xFFFFFFC0] =	vst v3;
	v3 =	vmul.f32 $8.000000000e+00, v5;
	v0 =	vld [tilespmem:s10+$0x30];
	(pc) =	sbr.rel @p0 .LBB2_28-.Ltmp13, $4  }
0x280: {  	[tilespmem:s10+$0xFFFFFFD0] =	vst v1;
	v5 =	vmul.f32 $8.000000000e+00, v6;
	v1 =	vld [tilespmem:s10+$0x40]  }
0x281: {  	[tilespmem:s10+$0xFFFFFFE0] =	vst v3;
	v6 =	vmul.f32 $8.000000000e+00, v2;
	v2 =	vld [tilespmem:s10+$0x50]  }
0x282: {  	[tilespmem:s10+$0xFFFFFFF0] =	vst v5;
	v5 =	vmul.f32 $8.000000000e+00, v4;
	v3 =	vld [tilespmem:s10+$0x60]  }
0x283: {  	s10 =	sadd.s32 $0x100, s10;
	v4 =	vld [tilespmem:s8+$0xFFFFFF80];
	[tilespmem:s8+$0x0] =	vst v6;
	v6 =	vmul.f32 $8.000000000e+00, v7  }
0x284: {  	[tilespmem:s8+$0x10] =	vst v5;
	v0 =	vmul.f32 $8.000000000e+00, v0  }
0x285: {  	[tilespmem:s8+$0x20] =	vst v6;
	v1 =	vmul.f32 $8.000000000e+00, v1  }
0x286: {  	[tilespmem:s8+$0x30] =	vst v0;
	v0 =	vmul.f32 $8.000000000e+00, v2  }
0x287: {  	[tilespmem:s8+$0x40] =	vst v1;
	v1 =	vmul.f32 $8.000000000e+00, v3  }
0x288: {  	v2 =	vmul.f32 $8.000000000e+00, v4;
	[tilespmem:s8+$0x50] =	vst v0  }
0x289: {  	[tilespmem:s8+$0x60] =	vst v1  }
0x28a: {  	[tilespmem:s8+$0xFFFFFF80] =	vst v2  }
0x28b: {  	s8 =	rddreg [dreg:$0x9]  }
0x28c: {  	[hbm4b:s8+s4] =	stream.linear.scatter [tilespmem:s21], [sflag:$0x4], $0x1900, $0x38;
	[tilespmem:$0xFE00] =	vst v63  }
0x28d: {  	s8 =	simm.s32 $0x81F0  }
0x28e: {  	v0 =	vld [tilespmem:s8+$0x0]  }
0x28f: {  	v1 =	vld [tilespmem:s8+$0xFFFFFF20]  }
0x290: {  	v2 =	vld [tilespmem:s8+$0xFFFFFF30]  }
0x291: {  	v3 =	vld [tilespmem:s8+$0xFFFFFF40]  }
0x292: {  	v4 =	vld [tilespmem:s8+$0xFFFFFF50]  }
0x293: {  	v5 =	vld [tilespmem:s8+$0xFFFFFF60];
	v0 =	vmul.f32 $8.000000000e+00, v0  }
0x294: {  	v6 =	vld [tilespmem:s8+$0xFFFFFF70];
	v1 =	vmul.f32 $8.000000000e+00, v1  }
0x295: {  	v7 =	vld [tilespmem:s8+$0xFFFFFF80];
	v2 =	vmul.f32 $8.000000000e+00, v2;
	[tilespmem:s8+$0x0] =	vst v0  }
0x296: {  	[tilespmem:s8+$0xFFFFFF20] =	vst v1;
	v0 =	vmul.f32 $8.000000000e+00, v3;
	v3 =	vld [tilespmem:s8+$0xFFFFFF90]  }
0x297: {  	[tilespmem:s8+$0xFFFFFF30] =	vst v2;
	v1 =	vmul.f32 $8.000000000e+00, v4;
	v4 =	vld [tilespmem:s8+$0xFFFFFFA0]  }
0x298: {  	v8 =	vld [tilespmem:s8+$0xFFFFFFB0];
	v2 =	vmul.f32 $8.000000000e+00, v5;
	[tilespmem:s8+$0xFFFFFF40] =	vst v0  }
0x299: {  	v5 =	vmul.f32 $8.000000000e+00, v6;
	[tilespmem:s8+$0xFFFFFF50] =	vst v1;
	v0 =	vld [tilespmem:s8+$0xFFFFFFC0]  }
0x29a: {  	v6 =	vmul.f32 $8.000000000e+00, v7;
	[tilespmem:s8+$0xFFFFFF60] =	vst v2;
	v1 =	vld [tilespmem:s8+$0xFFFFFFD0]  }
0x29b: {  	[tilespmem:s8+$0xFFFFFF70] =	vst v5;
	v2 =	vld [tilespmem:s8+$0xFFFFFFE0];
	v7 =	vmul.f32 $8.000000000e+00, v3  }
0x29c: {  	[tilespmem:s8+$0xFFFFFF80] =	vst v6;
	v3 =	vld [tilespmem:s8+$0xFFFFFFF0];
	v5 =	vmul.f32 $8.000000000e+00, v4  }
0x29d: {  	s9 =	simm.s32 $0x0;
	s10 =	simm.s32 $0x82F0;
	v6 =	vmul.f32 $8.000000000e+00, v8;
	v4 =	vld [tilespmem:s8+$0xFFFFFF10];
	[tilespmem:s8+$0xFFFFFF90] =	vst v7  }
.LBB2_30:
0x29e: {  	v7 =	vld [tilespmem:s10+$0x0];
	s9 =	sadd.s32 $0x4, s9;
	[tilespmem:s8+$0xFFFFFFA0] =	vst v5;
	v0 =	vmul.f32 $8.000000000e+00, v0  }
0x29f: {  	v5 =	vld [tilespmem:s10+$0xFFFFFF20];
	p0 =	slt.u32 s9, $0x60;
	[tilespmem:s8+$0xFFFFFFB0] =	vst v6;
	v1 =	vmul.f32 $8.000000000e+00, v1  }
0x2a0: {  	v6 =	vld [tilespmem:s10+$0xFFFFFF30];
	[tilespmem:s8+$0xFFFFFFC0] =	vst v0;
	v0 =	vmul.f32 $8.000000000e+00, v2  }
0x2a1: {  	v2 =	vld [tilespmem:s10+$0xFFFFFF40];
	[tilespmem:s8+$0xFFFFFFD0] =	vst v1;
	v1 =	vmul.f32 $8.000000000e+00, v3  }
0x2a2: {  	v3 =	vld [tilespmem:s10+$0xFFFFFF50];
	v4 =	vmul.f32 $8.000000000e+00, v4;
	[tilespmem:s8+$0xFFFFFFE0] =	vst v0  }
0x2a3: {  	v0 =	vld [tilespmem:s10+$0xFFFFFF60];
	v7 =	vmul.f32 $8.000000000e+00, v7;
	[tilespmem:s8+$0xFFFFFFF0] =	vst v1  }
0x2a4: {  	v1 =	vmul.f32 $8.000000000e+00, v5;
	v5 =	vld [tilespmem:s10+$0xFFFFFF70];
	[tilespmem:s8+$0xFFFFFF10] =	vst v4;
	s8 =	smov.u32 s10  }
0x2a5: {  	v4 =	vmul.f32 $8.000000000e+00, v6;
	v6 =	vld [tilespmem:s10+$0xFFFFFF80];
	[tilespmem:s10+$0x0] =	vst v7  }
0x2a6: {  	[tilespmem:s10+$0xFFFFFF20] =	vst v1;
	v1 =	vmul.f32 $8.000000000e+00, v2;
	v2 =	vld [tilespmem:s10+$0xFFFFFF90]  }
0x2a7: {  	[tilespmem:s10+$0xFFFFFF30] =	vst v4;
	v3 =	vmul.f32 $8.000000000e+00, v3;
	v4 =	vld [tilespmem:s10+$0xFFFFFFA0]  }
0x2a8: {  	[tilespmem:s10+$0xFFFFFF40] =	vst v1;
	v1 =	vmul.f32 $8.000000000e+00, v0;
	v7 =	vld [tilespmem:s10+$0xFFFFFFB0]  }
.Ltmp14:
0x2a9: {  	[tilespmem:s10+$0xFFFFFF50] =	vst v3;
	v3 =	vmul.f32 $8.000000000e+00, v5;
	v0 =	vld [tilespmem:s10+$0xFFFFFFC0];
	(pc) =	sbr.rel @p0 .LBB2_30-.Ltmp14, $4  }
0x2aa: {  	[tilespmem:s10+$0xFFFFFF60] =	vst v1;
	v5 =	vmul.f32 $8.000000000e+00, v6;
	v1 =	vld [tilespmem:s10+$0xFFFFFFD0]  }
0x2ab: {  	[tilespmem:s10+$0xFFFFFF70] =	vst v3;
	v6 =	vmul.f32 $8.000000000e+00, v2;
	v2 =	vld [tilespmem:s10+$0xFFFFFFE0]  }
0x2ac: {  	[tilespmem:s10+$0xFFFFFF80] =	vst v5;
	v5 =	vmul.f32 $8.000000000e+00, v4;
	v3 =	vld [tilespmem:s10+$0xFFFFFFF0]  }
0x2ad: {  	s10 =	sadd.s32 $0x100, s10;
	v4 =	vld [tilespmem:s8+$0xFFFFFF10];
	[tilespmem:s8+$0xFFFFFF90] =	vst v6;
	v6 =	vmul.f32 $8.000000000e+00, v7  }
0x2ae: {  	[tilespmem:s8+$0xFFFFFFA0] =	vst v5;
	v0 =	vmul.f32 $8.000000000e+00, v0  }
0x2af: {  	[tilespmem:s8+$0xFFFFFFB0] =	vst v6;
	v1 =	vmul.f32 $8.000000000e+00, v1  }
0x2b0: {  	[tilespmem:s8+$0xFFFFFFC0] =	vst v0;
	v0 =	vmul.f32 $8.000000000e+00, v2  }
0x2b1: {  	[tilespmem:s8+$0xFFFFFFD0] =	vst v1;
	v1 =	vmul.f32 $8.000000000e+00, v3  }
0x2b2: {  	v2 =	vmul.f32 $8.000000000e+00, v4;
	[tilespmem:s8+$0xFFFFFFE0] =	vst v0  }
0x2b3: {  	[tilespmem:s8+$0xFFFFFFF0] =	vst v1  }
0x2b4: {  	[tilespmem:s8+$0xFFFFFF10] =	vst v2  }
0x2b5: {  	s8 =	rddreg [dreg:$0xa]  }
0x2b6: {  	[hbm4b:s8+s4] =	stream.linear.scatter [tilespmem:s23], [sflag:$0x4], $0x1900, $0x38;
	[tilespmem:$0xFE00] =	vst v63  }
0x2b7: {  	_ =	swait.ge [sflag:s1], $0x1900  }
0x2b8: {  	[sflag:s1] =	ssyncset.done $0x0  }
0x2b9: {  	[sflag:s1] =	ssyncadd.s32 $0xFFFFE700  }
0x2ba: {  	_ =	swait.ge [sflag:s1], $0x1900  }
0x2bb: {  	[sflag:s1] =	ssyncset.done $0x0  }
0x2bc: {  	[sflag:s1] =	ssyncadd.s32 $0xFFFFE700  }
0x2bd: {  	_ =	swait.ge [sflag:s22], $0x1900  }
0x2be: {  	[sflag:s22] =	ssyncset.done $0x0  }
0x2bf: {  	[sflag:s22] =	ssyncadd.s32 $0xFFFFE700  }
0x2c0: {  	_ =	swait.ge [sflag:s22], $0x1900  }
0x2c1: {  	[sflag:s22] =	ssyncset.done $0x0  }
0x2c2: {  	s8 =	simm.s32 $0x9A80;
	[sflag:s22] =	ssyncadd.s32 $0xFFFFE700  }
0x2c3: {  	v0 =	vld [tilespmem:s8+$0x70]  }
0x2c4: {  	v1 =	vld [tilespmem:s8+$0xFFFFFF90]  }
0x2c5: {  	v2 =	vld [tilespmem:s8+$0xFFFFFFA0]  }
0x2c6: {  	v3 =	vld [tilespmem:s8+$0xFFFFFFB0]  }
0x2c7: {  	v4 =	vld [tilespmem:s8+$0xFFFFFFC0]  }
0x2c8: {  	v5 =	vld [tilespmem:s8+$0xFFFFFFD0];
	v0 =	vmul.f32 $8.000000000e+00, v0  }
0x2c9: {  	v6 =	vld [tilespmem:s8+$0xFFFFFFE0];
	v1 =	vmul.f32 $8.000000000e+00, v1  }
0x2ca: {  	v7 =	vld [tilespmem:s8+$0xFFFFFFF0];
	v2 =	vmul.f32 $8.000000000e+00, v2;
	[tilespmem:s8+$0x70] =	vst v0  }
0x2cb: {  	[tilespmem:s8+$0xFFFFFF90] =	vst v1;
	v0 =	vmul.f32 $8.000000000e+00, v3;
	v3 =	vld [tilespmem:s8+$0x0]  }
0x2cc: {  	[tilespmem:s8+$0xFFFFFFA0] =	vst v2;
	v1 =	vmul.f32 $8.000000000e+00, v4;
	v4 =	vld [tilespmem:s8+$0x10]  }
0x2cd: {  	v8 =	vld [tilespmem:s8+$0x20];
	v2 =	vmul.f32 $8.000000000e+00, v5;
	[tilespmem:s8+$0xFFFFFFB0] =	vst v0  }
0x2ce: {  	v5 =	vmul.f32 $8.000000000e+00, v6;
	[tilespmem:s8+$0xFFFFFFC0] =	vst v1;
	v0 =	vld [tilespmem:s8+$0x30]  }
0x2cf: {  	v6 =	vmul.f32 $8.000000000e+00, v7;
	[tilespmem:s8+$0xFFFFFFD0] =	vst v2;
	v1 =	vld [tilespmem:s8+$0x40]  }
0x2d0: {  	[tilespmem:s8+$0xFFFFFFE0] =	vst v5;
	v2 =	vld [tilespmem:s8+$0x50];
	v7 =	vmul.f32 $8.000000000e+00, v3  }
0x2d1: {  	[tilespmem:s8+$0xFFFFFFF0] =	vst v6;
	v3 =	vld [tilespmem:s8+$0x60];
	v5 =	vmul.f32 $8.000000000e+00, v4  }
0x2d2: {  	s9 =	simm.s32 $0x0;
	s10 =	simm.s32 $0x9B80;
	v6 =	vmul.f32 $8.000000000e+00, v8;
	v4 =	vld [tilespmem:s8+$0xFFFFFF80];
	[tilespmem:s8+$0x0] =	vst v7  }
.LBB2_32:
0x2d3: {  	v7 =	vld [tilespmem:s10+$0x70];
	s9 =	sadd.s32 $0x4, s9;
	[tilespmem:s8+$0x10] =	vst v5;
	v0 =	vmul.f32 $8.000000000e+00, v0  }
0x2d4: {  	v5 =	vld [tilespmem:s10+$0xFFFFFF90];
	p0 =	slt.u32 s9, $0x60;
	[tilespmem:s8+$0x20] =	vst v6;
	v1 =	vmul.f32 $8.000000000e+00, v1  }
0x2d5: {  	v6 =	vld [tilespmem:s10+$0xFFFFFFA0];
	[tilespmem:s8+$0x30] =	vst v0;
	v0 =	vmul.f32 $8.000000000e+00, v2  }
0x2d6: {  	v2 =	vld [tilespmem:s10+$0xFFFFFFB0];
	[tilespmem:s8+$0x40] =	vst v1;
	v1 =	vmul.f32 $8.000000000e+00, v3  }
0x2d7: {  	v3 =	vld [tilespmem:s10+$0xFFFFFFC0];
	v4 =	vmul.f32 $8.000000000e+00, v4;
	[tilespmem:s8+$0x50] =	vst v0  }
0x2d8: {  	v0 =	vld [tilespmem:s10+$0xFFFFFFD0];
	v7 =	vmul.f32 $8.000000000e+00, v7;
	[tilespmem:s8+$0x60] =	vst v1  }
0x2d9: {  	v1 =	vmul.f32 $8.000000000e+00, v5;
	v5 =	vld [tilespmem:s10+$0xFFFFFFE0];
	[tilespmem:s8+$0xFFFFFF80] =	vst v4;
	s8 =	smov.u32 s10  }
0x2da: {  	v4 =	vmul.f32 $8.000000000e+00, v6;
	v6 =	vld [tilespmem:s10+$0xFFFFFFF0];
	[tilespmem:s10+$0x70] =	vst v7  }
0x2db: {  	[tilespmem:s10+$0xFFFFFF90] =	vst v1;
	v1 =	vmul.f32 $8.000000000e+00, v2;
	v2 =	vld [tilespmem:s10+$0x0]  }
0x2dc: {  	[tilespmem:s10+$0xFFFFFFA0] =	vst v4;
	v3 =	vmul.f32 $8.000000000e+00, v3;
	v4 =	vld [tilespmem:s10+$0x10]  }
0x2dd: {  	[tilespmem:s10+$0xFFFFFFB0] =	vst v1;
	v1 =	vmul.f32 $8.000000000e+00, v0;
	v7 =	vld [tilespmem:s10+$0x20]  }
.Ltmp15:
0x2de: {  	[tilespmem:s10+$0xFFFFFFC0] =	vst v3;
	v3 =	vmul.f32 $8.000000000e+00, v5;
	v0 =	vld [tilespmem:s10+$0x30];
	(pc) =	sbr.rel @p0 .LBB2_32-.Ltmp15, $4  }
0x2df: {  	[tilespmem:s10+$0xFFFFFFD0] =	vst v1;
	v5 =	vmul.f32 $8.000000000e+00, v6;
	v1 =	vld [tilespmem:s10+$0x40]  }
0x2e0: {  	[tilespmem:s10+$0xFFFFFFE0] =	vst v3;
	v6 =	vmul.f32 $8.000000000e+00, v2;
	v2 =	vld [tilespmem:s10+$0x50]  }
0x2e1: {  	[tilespmem:s10+$0xFFFFFFF0] =	vst v5;
	v5 =	vmul.f32 $8.000000000e+00, v4;
	v3 =	vld [tilespmem:s10+$0x60]  }
0x2e2: {  	s10 =	sadd.s32 $0x100, s10;
	v4 =	vld [tilespmem:s8+$0xFFFFFF80];
	[tilespmem:s8+$0x0] =	vst v6;
	v6 =	vmul.f32 $8.000000000e+00, v7  }
0x2e3: {  	[tilespmem:s8+$0x10] =	vst v5;
	v0 =	vmul.f32 $8.000000000e+00, v0  }
0x2e4: {  	[tilespmem:s8+$0x20] =	vst v6;
	v1 =	vmul.f32 $8.000000000e+00, v1  }
0x2e5: {  	[tilespmem:s8+$0x30] =	vst v0;
	v0 =	vmul.f32 $8.000000000e+00, v2  }
0x2e6: {  	[tilespmem:s8+$0x40] =	vst v1;
	v1 =	vmul.f32 $8.000000000e+00, v3  }
0x2e7: {  	v2 =	vmul.f32 $8.000000000e+00, v4;
	[tilespmem:s8+$0x50] =	vst v0  }
0x2e8: {  	[tilespmem:s8+$0x60] =	vst v1  }
0x2e9: {  	[tilespmem:s8+$0xFFFFFF80] =	vst v2  }
0x2ea: {  	s8 =	rddreg [dreg:$0xb]  }
0x2eb: {  	[hbm4b:s8+s4] =	stream.linear.scatter [tilespmem:s25], [sflag:$0x5], $0x1900, $0x38;
	[tilespmem:$0xFE00] =	vst v63  }
0x2ec: {  	s8 =	simm.s32 $0xB3F0  }
0x2ed: {  	v0 =	vld [tilespmem:s8+$0x0]  }
0x2ee: {  	v1 =	vld [tilespmem:s8+$0xFFFFFF20]  }
0x2ef: {  	v2 =	vld [tilespmem:s8+$0xFFFFFF30]  }
0x2f0: {  	v3 =	vld [tilespmem:s8+$0xFFFFFF40]  }
0x2f1: {  	v4 =	vld [tilespmem:s8+$0xFFFFFF50]  }
0x2f2: {  	v5 =	vld [tilespmem:s8+$0xFFFFFF60];
	v0 =	vmul.f32 $8.000000000e+00, v0  }
0x2f3: {  	v6 =	vld [tilespmem:s8+$0xFFFFFF70];
	v1 =	vmul.f32 $8.000000000e+00, v1  }
0x2f4: {  	v7 =	vld [tilespmem:s8+$0xFFFFFF80];
	v2 =	vmul.f32 $8.000000000e+00, v2;
	[tilespmem:s8+$0x0] =	vst v0  }
0x2f5: {  	[tilespmem:s8+$0xFFFFFF20] =	vst v1;
	v0 =	vmul.f32 $8.000000000e+00, v3;
	v3 =	vld [tilespmem:s8+$0xFFFFFF90]  }
0x2f6: {  	[tilespmem:s8+$0xFFFFFF30] =	vst v2;
	v1 =	vmul.f32 $8.000000000e+00, v4;
	v4 =	vld [tilespmem:s8+$0xFFFFFFA0]  }
0x2f7: {  	v8 =	vld [tilespmem:s8+$0xFFFFFFB0];
	v2 =	vmul.f32 $8.000000000e+00, v5;
	[tilespmem:s8+$0xFFFFFF40] =	vst v0  }
0x2f8: {  	v5 =	vmul.f32 $8.000000000e+00, v6;
	[tilespmem:s8+$0xFFFFFF50] =	vst v1;
	v0 =	vld [tilespmem:s8+$0xFFFFFFC0]  }
0x2f9: {  	v6 =	vmul.f32 $8.000000000e+00, v7;
	[tilespmem:s8+$0xFFFFFF60] =	vst v2;
	v1 =	vld [tilespmem:s8+$0xFFFFFFD0]  }
0x2fa: {  	[tilespmem:s8+$0xFFFFFF70] =	vst v5;
	v2 =	vld [tilespmem:s8+$0xFFFFFFE0];
	v7 =	vmul.f32 $8.000000000e+00, v3  }
0x2fb: {  	[tilespmem:s8+$0xFFFFFF80] =	vst v6;
	v3 =	vld [tilespmem:s8+$0xFFFFFFF0];
	v5 =	vmul.f32 $8.000000000e+00, v4  }
0x2fc: {  	s9 =	simm.s32 $0x0;
	s10 =	simm.s32 $0xB4F0;
	v6 =	vmul.f32 $8.000000000e+00, v8;
	v4 =	vld [tilespmem:s8+$0xFFFFFF10];
	[tilespmem:s8+$0xFFFFFF90] =	vst v7  }
.LBB2_34:
0x2fd: {  	v7 =	vld [tilespmem:s10+$0x0];
	s9 =	sadd.s32 $0x4, s9;
	[tilespmem:s8+$0xFFFFFFA0] =	vst v5;
	v0 =	vmul.f32 $8.000000000e+00, v0  }
0x2fe: {  	v5 =	vld [tilespmem:s10+$0xFFFFFF20];
	p0 =	slt.u32 s9, $0x60;
	[tilespmem:s8+$0xFFFFFFB0] =	vst v6;
	v1 =	vmul.f32 $8.000000000e+00, v1  }
0x2ff: {  	v6 =	vld [tilespmem:s10+$0xFFFFFF30];
	[tilespmem:s8+$0xFFFFFFC0] =	vst v0;
	v0 =	vmul.f32 $8.000000000e+00, v2  }
0x300: {  	v2 =	vld [tilespmem:s10+$0xFFFFFF40];
	[tilespmem:s8+$0xFFFFFFD0] =	vst v1;
	v1 =	vmul.f32 $8.000000000e+00, v3  }
0x301: {  	v3 =	vld [tilespmem:s10+$0xFFFFFF50];
	v4 =	vmul.f32 $8.000000000e+00, v4;
	[tilespmem:s8+$0xFFFFFFE0] =	vst v0  }
0x302: {  	v0 =	vld [tilespmem:s10+$0xFFFFFF60];
	v7 =	vmul.f32 $8.000000000e+00, v7;
	[tilespmem:s8+$0xFFFFFFF0] =	vst v1  }
0x303: {  	v1 =	vmul.f32 $8.000000000e+00, v5;
	v5 =	vld [tilespmem:s10+$0xFFFFFF70];
	[tilespmem:s8+$0xFFFFFF10] =	vst v4;
	s8 =	smov.u32 s10  }
0x304: {  	v4 =	vmul.f32 $8.000000000e+00, v6;
	v6 =	vld [tilespmem:s10+$0xFFFFFF80];
	[tilespmem:s10+$0x0] =	vst v7  }
0x305: {  	[tilespmem:s10+$0xFFFFFF20] =	vst v1;
	v1 =	vmul.f32 $8.000000000e+00, v2;
	v2 =	vld [tilespmem:s10+$0xFFFFFF90]  }
0x306: {  	[tilespmem:s10+$0xFFFFFF30] =	vst v4;
	v3 =	vmul.f32 $8.000000000e+00, v3;
	v4 =	vld [tilespmem:s10+$0xFFFFFFA0]  }
0x307: {  	[tilespmem:s10+$0xFFFFFF40] =	vst v1;
	v1 =	vmul.f32 $8.000000000e+00, v0;
	v7 =	vld [tilespmem:s10+$0xFFFFFFB0]  }
.Ltmp16:
0x308: {  	[tilespmem:s10+$0xFFFFFF50] =	vst v3;
	v3 =	vmul.f32 $8.000000000e+00, v5;
	v0 =	vld [tilespmem:s10+$0xFFFFFFC0];
	(pc) =	sbr.rel @p0 .LBB2_34-.Ltmp16, $4  }
0x309: {  	[tilespmem:s10+$0xFFFFFF60] =	vst v1;
	v5 =	vmul.f32 $8.000000000e+00, v6;
	v1 =	vld [tilespmem:s10+$0xFFFFFFD0]  }
0x30a: {  	[tilespmem:s10+$0xFFFFFF70] =	vst v3;
	v6 =	vmul.f32 $8.000000000e+00, v2;
	v2 =	vld [tilespmem:s10+$0xFFFFFFE0]  }
0x30b: {  	[tilespmem:s10+$0xFFFFFF80] =	vst v5;
	v5 =	vmul.f32 $8.000000000e+00, v4;
	v3 =	vld [tilespmem:s10+$0xFFFFFFF0]  }
0x30c: {  	s10 =	sadd.s32 $0x100, s10;
	v4 =	vld [tilespmem:s8+$0xFFFFFF10];
	[tilespmem:s8+$0xFFFFFF90] =	vst v6;
	v6 =	vmul.f32 $8.000000000e+00, v7  }
0x30d: {  	[tilespmem:s8+$0xFFFFFFA0] =	vst v5;
	v0 =	vmul.f32 $8.000000000e+00, v0  }
0x30e: {  	[tilespmem:s8+$0xFFFFFFB0] =	vst v6;
	v1 =	vmul.f32 $8.000000000e+00, v1  }
0x30f: {  	[tilespmem:s8+$0xFFFFFFC0] =	vst v0;
	v61 =	vmul.f32 $8.000000000e+00, v2  }
0x310: {  	[tilespmem:s8+$0xFFFFFFD0] =	vst v1;
	v62 =	vmul.f32 $8.000000000e+00, v3  }
0x311: {  	v63 =	vmul.f32 $8.000000000e+00, v4;
	[tilespmem:s8+$0xFFFFFFE0] =	vst v61  }
0x312: {  	[tilespmem:s8+$0xFFFFFFF0] =	vst v62  }
0x313: {  	[tilespmem:s8+$0xFFFFFF10] =	vst v63  }
0x314: {  	[hbm4b:s17+s4] =	stream.linear.scatter [tilespmem:s28], [sflag:$0x5], $0x1900, $0x38;
	[tilespmem:$0xFE00] =	vst v63  }
0x315: {  	_ =	swait.ge [sflag:s24], $0x1900  }
0x316: {  	[sflag:s24] =	ssyncset.done $0x0  }
0x317: {  	[sflag:s24] =	ssyncadd.s32 $0xFFFFE700  }
0x318: {  	_ =	swait.ge [sflag:s24], $0x1900  }
0x319: {  	[sflag:s24] =	ssyncset.done $0x0  }
0x31a: {  	s6 =	sadd.s32 $0x1, s6;
	[sflag:s24] =	ssyncadd.s32 $0xFFFFE700  }
0x31b: {  	p0 =	sne.s32 s6, s18;
	_ =	swait.ge [sflag:s30], $0x1900  }
.Ltmp17:
0x31c: {  	[sflag:s30] =	ssyncset.done $0x0;
	(pc) =	sbr.rel @p0 .LBB2_1-.Ltmp17, $4  }
0x31d: {  	[sflag:s30] =	ssyncadd.s32 $0xFFFFE700  }
0x31e: {  	_ =	swait.ge [sflag:s30], $0x1900  }
0x31f: {  	[sflag:s30] =	ssyncset.done $0x0  }
0x320: {  	[sflag:s30] =	ssyncadd.s32 $0xFFFFE700  }
0x321: {  	_ =	sfence.sel $0x180000  }
0x322: {  	[bflag:$0x0] =	sbarrier.arrive $0xFFFF  }
0x323: {  	_ =	strace $0x90000047  }
0x324: {  	s0 =	stileid.u32;
	[bflag:$0x2] =	sbarrier.arrive $0xFFFF  }
0x325: {  	p0 =	sne.s32 s0, $0x0;
	s0 =	rddreg [dreg:$0x2]  }
0x326: {  	s0 =	sadd.s32 @!p0 $0x100000, s0  }
0x327: {  	[sflag:s0] =	ssyncadd.tile.s32 @!p0 $0x1;
	_ =	shalt  }
.Lfunc_end2:
_tile_overlayer_lowered:
.L_overlay_start_2:
0x328: {  	(tag) =	ssettag $0x2  }
0x329: {  	s0 =	rddreg [dreg:$0x0];
	s2 =	stileid.u32  }
0x32a: {  	s1 =	rddreg [dreg:$0x1];
	p0 =	sne.s32 s2, $0x0  }
0x32b: {  	s3 =	rddreg [dreg:$0x2];
	[bflag:$0x3] =	sbarrier.arrive $0xFFFF;
	s2 =	simm.s32 @!p0 $0x1C07  }
0x32c: {  	[timem:s3], [sflag:s2] =	dma.local @!p0 [hbm:s0], s1  }
0x32d: {  	s0 =	simm.s32 @!p0 $0x7  }
0x32e: {  	_ =	swait.ge @!p0 [sflag:s0], s1  }
0x32f: {  	s1 =	ssub.s32 @!p0 $0x0, s1;
	[sflag:s0] =	ssyncset.done @!p0 $0x0  }
0x330: {  	[sflag:s0] =	ssyncadd.s32 @!p0 s1  }
0x331: {  	[bflag:$0x3] =	sbarrier.arrive $0xFFFF  }
0x332: {  	_ =	shalt  }

// kernel: sparse-core-data-format-call.cloned.1.call-start
scs
called_computation_lowered:
.L_overlay_start_0:
0x0: {  	s2 =	sld [smem:$0x3FD9]  }
0x1: {  	s3 =	sld [smem:$0x3FFE];
	_ =	sdelay $0x1  }
0x2: {  	s1 =	srdreg.scid  }
0x3: {  	s0 =	sand.u32 $0x1, s1  }
0x4: {  	s18 =	sshll.u32 s0, $0xA;
	s2 =	sadd.s32 s3, s2  }
0x5: {  	s2 =	sadd.s32 s2, s18  }
0x6: {  	[smem:$0x3FC6] =	sst s2  }
0x7: {  	_ = 	snop  }
0x8: {  	s2 =	sld [smem:$0x3FD0];
	(tm) =	ssettm $0x1  }
0x9: {  	s19 =	sld [smem:$0x3FFB];
	_ =	sdelay $0x3  }
0xa: {  	_ =	strace s19  }
0xb: {  	s3 =	sld [smem:$0x3FFC];
	_ =	sdelay $0x3  }
0xc: {  	_ =	strace s3  }
0xd: {  	s3 =	sld [smem:$0x3FFD];
	_ =	sdelay $0x3  }
0xe: {  	_ =	strace s3  }
0xf: {  	_ =	strace $0x8FFFFFFF  }
0x10: {  	s20 =	sld [smem:$0x3FDB];
	_ =	sdelay $0x1  }
0x11: {  	s4 =	simm.s32 $_scs_section_size  }
0x12: {  	s5 =	simm.s32 $_size__tile_overlayer_lowered;
	s6 =	simm.s32 $_tile_overlayer_lowered  }
0x13: {  	s23 =	simm.s32 $0x1BFF;
	s22 =	sshll.u32 s6, $0x1;
	s3 =	sadd.s32 s4, s20  }
0x14: {  	s7 =	simm.s32 $0x0;
	s21 =	sshll.u32 s5, $0x1;
	s5 =	sadd.s32 s22, s3  }
0x15: {  	[timem:s7], [sflag:s23] =	dma.local [hbm:s5], s21  }
0x16: {  	_ =	swait.ge [sflag:s23], s21  }
0x17: {  	s4 =	ssub.s32 $0x0, s21;
	[sflag:s23] =	ssyncset.done $0x0  }
0x18: {  	[sflag:s23] =	ssyncadd.s32 s4;
	_ =	sdelay $0x1  }
0x19: {  	s24 =	simm.s32 $0x1B8B  }
0x1a: {  	_ =	swait.ge [sflag:s24], $0x1  }
0x1b: {  	[sflag:s24] =	ssyncset.done $0x0  }
0x1c: {  	s26 =	simm.s32 $0x1B8E;
	s25 =	sld [smem:$0x3FFE];
	[sflag:s24] =	ssyncadd.s32 $0xFFFFFFFF  }
0x1d: {  	s27 =	simm.s32 $execute0_lowered;
	[smem:$0x3FD2] =	sst s26  }
0x1e: {  	s5 =	sshll.u32 s27, $0x1;
	_ =	strace $0x80000049;
	[dreg:$0x1] =	wrdreg $0xFFFFFFFF  }
0x1f: {  	s28 =	simm.s32 $_size_execute0_lowered;
	s3 =	sadd.s32 s3, s5;
	[dreg:$0x0] =	wrdreg $0x0  }
0x20: {  	s5 =	sshll.u32 s28, $0x1;
	[dreg:$0x2] =	wrdreg s3  }
0x21: {  	[dreg:$0x3] =	wrdreg s5  }
0x22: {  	[dreg:$0x4] =	wrdreg $0xC0  }
0x23: {  	_ =	task [dreg:s7], $0x5FFFF  }
0x24: {  	[dreg:$0x1] =	wrdreg $0xFFFFFFFF  }
0x25: {  	[dreg:$0x0] =	wrdreg $0x60  }
0x26: {  	[dreg:$0x2] =	wrdreg s25  }
0x27: {  	[dreg:$0x3] =	wrdreg s2  }
0x28: {  	[dreg:$0x4] =	wrdreg $0x9  }
0x29: {  	_ =	task.clear_ibuf [dreg:s7], $0x5FFFF;
	_ =	strace $0x90000049  }
0x2a: {  	s29 =	simm.s32 $0x9;
	_ =	strace $0x8000004B  }
0x2b: {  	_ =	swait.ge [sflag:s29], $0x1  }
0x2c: {  	[sflag:s29] =	ssyncadd.s32 $0xFFFFFFFF  }
0x2d: {  	_ =	strace $0x9000004B  }
0x2e: {  	_ =	sfence  }
0x2f: {  	s30 =	sld [smem:$0x0];
	_ =	sdelay $0x2  }
0x30: {  	s31 =	sshll.u32 s1, $0xD;
	s1 =	sshrl.u32 s1, $0x2  }
0x31: {  	s3 =	sand.u32 $0x4000, s31;
	s1 =	sadd.s32 s1, s30  }
0x32: {  	s0 =	sor.u32 s3, s0;
	s1 =	sshll.u32 s1, $0x11  }
0x33: {  	s0 =	sor.u32 s1, s0  }
0x34: {  	s0 =	sadd.s32 $0x8F2B, s0  }
0x35: {  	[sflag:s0] =	ssyncadd.remote.s32 $0x1  }
0x36: {  	_ =	sfence.sel $0xFFFF  }
0x37: {  	[dreg:$0x0] =	wrdreg $0xFFFFFFFF;
	(pc) =	sbr.abs _section_cstart, $3  }
0x38: {  	[dreg:$0x1] =	wrdreg $0xFFFFFFFF  }
0x39: {  	_ =	task.clear_ibuf [dreg:s7], $0x2FFFF;
	_ =	strace $0x9FFFFFFF  }
0x3a: {  	(tm) =	ssettm $0x7FFFFFFF  }
0x3b: {  	_ =	shalt  }
tec
execute0_lowered:
.L_overlay_start_1:
0x0: {  	(tag) =	ssettag $0x1  }
0x1: {  	s0 =	srdreg.scid  }
0x2: {  	s1 =	sshll.u32 s0, $0x4  }
0x3: {  	s0 =	stileid.u32;
	s1 =	sand.u32 $0x10, s1  }
0x4: {  	s1 =	sor.u32 s0, s1  }
0x5: {  	s6 =	rddreg [dreg:$0x0];
	s4 =	simm.s32 $0x1;
	s2 =	sshll.u32 s1, $0x7  }
0x6: {  	s7 =	simm.s32 $0x2;
	s12 =	simm.s32 $0x0;
	s1 =	ssub.s32 $0x1000, s2  }
0x7: {  	s8 =	simm.s32 $0x8000;
	s13 =	simm.s32 $0x0;
	s3 =	sand.u32 $0xF80, s1  }
0x8: {  	s9 =	simm.s32 $0x0;
	s5 =	sshrl.u32 s1, $0xC;
	p0 =	sne.s32 s3, $0x0  }
.Ltmp0:
0x9: {  	s1 =	rddreg [dreg:$0x2];
	s4 =	simm.s32 @!p0 $0x0;
	(pc) =	sbr.rel .LBB1_1-.Ltmp0, $4  }
0xa: {  	s11 =	simm.s32 $0x0;
	s3 =	rddreg [dreg:$0x1];
	s5 =	sadd.s32 s4, s5  }
0xb: {  	_ =	strace $0x8000004A;
	s4 =	simm.s32 $0x1;
	s5 =	smul.u32 $0xC8, s5  }
0xc: {  	s6 =	sadd.s32 $0xA00, s6;
	s10 =	smov.u32 s2;
	[sflag:s4] =	ssyncpa.u1 $0x0  }
0xd: {  	p0 =	por $0x0, $0x0;
	[sflag:s7] =	ssyncpa.u1 $0x0;
	s7 =	sor.u32 $0x1, s5  }
.LBB1_4:
0xe: {  	s16 =	sshll.u32 s13, $0x3;
	s17 =	sand.u32 $0x78, s13  }
0xf: {  	s30 =	sand.u32 $0x7E00, s13;
	s12 =	sshll.u32 s12, $0xF;
	s16 =	sand.u32 $0xC00, s16  }
0x10: {  	[tilespmem:s15+$0x810 ss:$0x81] =	vst.msk $0xffff, v2;
	s31 =	sand.u32 $0x7, s13;
	s16 =	sor.u32 s17, s16;
	s17 =	sadd.s32 s3, s30  }
0x11: {  	[tilespmem:s15+$0x1020 ss:$0x81] =	vst.msk $0xffff, v0;
	s13 =	sshll.u32 s31, $0x12;
	s12 =	sadd.s32 s12, s17;
	s16 =	sshrl.u32 s16, $0x3  }
0x12: {  	[tilespmem:s15+$0x0 ss:$0x81] =	vst.msk $0xffff, v1;
	s13 =	sor.u32 $0x400, s13;
	s12 =	sadd.s32 s16, s12  }
0x13: {  	[hbm4b:s12+s13] =	stream.strided.scatter [tilespmem:s14], [sflag:$0x2], $0x2000, s8, s13, $0x20;
	[tilespmem:$0x8080] =	vst v63  }
.LBB1_5:
0x14: {  	s14 =	sadd.s32 $0x1, s9  }
0x15: {  	s12 =	sadd.s32 $0x1000, s10;
	s16 =	smov.u32 s10;
	p2 =	sgt.s32 s14, $0xC7  }
0x16: {  	s16 =	smov.u32 @p2 s12  }
0x17: {  	s14 =	simm.s32 @p2 $0x0;
	p2 =	sgt.s32 s16, $0xFFF  }
0x18: {  	s16 =	smov.u32 @p2 s2;
	p2 =	sne.s32 s11, s7  }
.Ltmp1:
0x19: {  	p1 =	slt.u32 s11, $0x2;
	(pc) =	sbr.rel @!p2 .LBB1_6-.Ltmp1, $4  }
0x1a: {  	s15 =	simm.s32 @!p1 $0x2  }
0x1b: {  	s13 =	smov.u32 s10;
	p0 =	por !p0, !p0;
	_ =	swait.ge @!p1 [sflag:s15], $0x2000  }
0x1c: {  	s12 =	smov.u32 s9;
	[sflag:s15] =	ssyncset.done @!p1 $0x0;
	s9 =	smov.u32 s14  }
0x1d: {  	s11 =	sadd.s32 $0x1, s11;
	[sflag:s15] =	ssyncadd.s32 @!p1 $0xFFFFE000;
	s10 =	smov.u32 s16  }
.LBB1_1:
0x1e: {  	p1 =	sge.u32 s11, s5  }
0x1f: {  	s14 =	sand.u32 @!p1 $0x1FFFFFF, s9  }
0x20: {  	s15 =	smulhi.u32 @!p1 $0x147AE15, s14;
	_ =	sdelay $0x1  }
0x21: {  	s15 =	smul.u32 @!p1 $0xC8, s15  }
0x22: {  	s16 =	sxor.u32 @!p1 $0xFFFFFFFF, s11;
	s17 =	smul.u32 @!p1 $0xC80, s10  }
0x23: {  	s31 =	sadd.s32 $0xFFFFFFFF, s11;
	s16 =	sshll.u32 @!p1 s16, $0xD;
	s14 =	ssub.s32 @!p1 s14, s15  }
0x24: {  	s15 =	sand.u32 @!p1 $0x2000, s16;
	s16 =	sadd.s32 @!p1 s6, s17;
	s14 =	sshll.u32 @!p1 s14, $0x4  }
0x25: {  	s17 =	simm.s32 @!p1 $0x6400;
	s14 =	sadd.s32 @!p1 s14, s16;
	s16 =	simm.s32 @!p1 $0x40  }
0x26: {  	[tilespmem:s15], [sflag:$0x1] =	stream.strided.gather @!p1 [hbm4b:s14+s16], $0x2000, s17, s16, $0x38;
	[tilespmem:$0x8080] =	vst v63  }
0x27: {  	p1 =	sge.u32 s31, s5  }
.Ltmp2:
0x28: {  	_ = 	snop;
	(pc) =	sbr.rel @p1 .LBB1_5-.Ltmp2, $1  }
0x29: {  	_ =	sdelay $0x3  }
0x2a: {  	s14 =	simm.s32 $0x1  }
0x2b: {  	_ =	swait.ge [sflag:s4], $0x2000;
	s14 =	simm.s32 @!p0 $0x0  }
0x2c: {  	[sflag:s4] =	ssyncset.done $0x0;
	s15 =	sshll.u32 s14, $0xD  }
0x2d: {  	[sflag:s4] =	ssyncadd.s32 $0xFFFFE000;
	s18 =	sor.u32 $0x20, s15  }
0x2e: {  	s14 =	smul.u32 $0x8100, s14;
	v3 =	vld [tilespmem:s18+$0x10]  }
0x2f: {  	s30 =	sand.u32 $0x1, s11;
	v2 =	vld [tilespmem:s18+$0xFFFFFFF0]  }
0x30: {  	s15 =	smul.u32 $0x8100, s30;
	s14 =	sshrl.u32 s14, $0x2;
	v0 =	vld [tilespmem:s18+$0x0]  }
0x31: {  	v1 =	vld [tilespmem:s18+$0xFFFFFFE0];
	s16 =	sor.u32 $0x4000, s14  }
0x32: {  	s31 =	sshrl.u32 s15, $0x2;
	s15 =	sadd.s32 $0x0, s16  }
0x33: {  	s17 =	simm.s32 $0x4;
	s18 =	sadd.s32 $0x40, s18;
	s14 =	sor.u32 $0x4000, s31;
	[tilespmem:s15+$0x1830 ss:$0x81] =	vst.msk $0xffff, v3  }
.LBB1_3:
0x34: {  	v3 =	vld [tilespmem:s18+$0x10];
	p1 =	sne.s32 s17, $0x1FC;
	[tilespmem:s15+$0x810 ss:$0x81] =	vst.msk $0xffff, v2;
	s19 =	smov.u32 s17;
	s17 =	sadd.s32 $0x4, s17  }
.Ltmp3:
0x35: {  	v2 =	vld [tilespmem:s18+$0xFFFFFFF0];
	[tilespmem:s15+$0x1020 ss:$0x81] =	vst.msk $0xffff, v0;
	(pc) =	sbr.rel @p1 .LBB1_3-.Ltmp3, $4  }
0x36: {  	v0 =	vld [tilespmem:s18+$0x0];
	[tilespmem:s15+$0x0 ss:$0x81] =	vst.msk $0xffff, v1  }
0x37: {  	s15 =	sshra.s32 s19, $0x2;
	v1 =	vld [tilespmem:s18+$0xFFFFFFE0]  }
0x38: {  	s15 =	sadd.s32 s15, s16  }
0x39: {  	s18 =	sadd.s32 $0x40, s18;
	[tilespmem:s15+$0x1830 ss:$0x81] =	vst.msk $0xffff, v3  }
.Ltmp4:
0x3a: {  	_ = 	snop;
	(pc) =	sbr.rel .LBB1_4-.Ltmp4, $1  }
0x3b: {  	_ =	sdelay $0x3  }
.LBB1_6:
0x3c: {  	_ =	sfence.sel $0x180000  }
0x3d: {  	s2 =	simm.s32 $0x1;
	[bflag:$0x0] =	sbarrier.arrive $0xFFFF  }
0x3e: {  	s31 =	simm.s32 $0x2;
	[sflag:s2] =	ssyncpa.u1 $0x1  }
0x3f: {  	[sflag:s31] =	ssyncpa.u1 $0x1  }
0x40: {  	p0 =	sne.s32 s0, $0x0;
	_ =	strace $0x9000004A  }
0x41: {  	s0 =	sadd.s32 @!p0 $0x100000, s1;
	[bflag:$0x2] =	sbarrier.arrive $0xFFFF  }
0x42: {  	[sflag:s0] =	ssyncadd.tile.s32 @!p0 $0x1;
	_ =	shalt  }
.Lfunc_end1:
_tile_overlayer_lowered:
.L_overlay_start_2:
0x43: {  	(tag) =	ssettag $0x2  }
0x44: {  	s0 =	rddreg [dreg:$0x0];
	s2 =	stileid.u32  }
0x45: {  	s1 =	rddreg [dreg:$0x1];
	p0 =	sne.s32 s2, $0x0  }
0x46: {  	s3 =	rddreg [dreg:$0x2];
	[bflag:$0x3] =	sbarrier.arrive $0xFFFF;
	s2 =	simm.s32 @!p0 $0x1C01  }
0x47: {  	[timem:s3], [sflag:s2] =	dma.local @!p0 [hbm:s0], s1  }
0x48: {  	s0 =	simm.s32 @!p0 $0x1  }
0x49: {  	_ =	swait.ge @!p0 [sflag:s0], s1  }
0x4a: {  	s1 =	ssub.s32 @!p0 $0x0, s1;
	[sflag:s0] =	ssyncset.done @!p0 $0x0  }
0x4b: {  	[sflag:s0] =	ssyncadd.s32 @!p0 s1  }
0x4c: {  	[bflag:$0x3] =	sbarrier.arrive $0xFFFF  }
0x4d: {  	_ =	shalt  }

</sc_bundles>
